<compile_context>
chip_gen: v7x
topology: tpu7x:2x2x1
jax: 0.10.2.dev20260603
libtpu: 0.0.44.dev20260713+nightly
codegen_flags: <defaults>
</compile_context>

<pallas_src>
import jax
import jax.numpy as jnp
import numpy as np
from jax import lax
from jax.experimental import pallas as pl
from jax.experimental.pallas import tpu as pltpu
from jax.experimental.pallas import tpu_sc as plsc

N = 10000
E = 320000
D = 128
ED = 16

NC = 2
NS = 16
NW = NC * NS
EPT = 5120
C = 80
CH = EPT // C
RQ = 624



def _edge_proj_body(eat_ref, we_ref, be_ref, out_ref):
    out_ref[...] = (
        lax.dot_general(eat_ref[...], we_ref[...],
                        dimension_numbers=(((0,), (0,)), ((), ())),
                        preferred_element_type=jnp.float32)
        + be_ref[...]
    )


def _edge_proj(eaT, We, be, phase):
    BM = 1280
    HB = (E // 2) // BM
    return pl.pallas_call(
        _edge_proj_body,
        grid=(HB,),
        in_specs=[
            pl.BlockSpec((ED, BM), lambda i: (0, i + phase * HB)),
            pl.BlockSpec((ED, D), lambda i: (0, 0)),
            pl.BlockSpec((1, D), lambda i: (0, 0)),
        ],
        out_specs=pl.BlockSpec((BM, D), lambda i: (i, 0)),
        out_shape=jax.ShapeDtypeStruct((E // 2, D), jnp.float32),
    )(eaT, We, be.reshape(1, D))



def _sc_body(phase, x_hbm, src_hbm, dst_hbm, e_hbm, out_hbm,
             src_vmem, d0, d1, x0, e0, x1, e1, accum,
             gs0, es0, ds0, ss0, gs1, es1, ds1, ss1):
    cid = lax.axis_index("c")
    sid = lax.axis_index("s")
    wid = sid * NC + cid
    base_r = phase * (E // 2) + wid * EPT
    sbase = pl.multiple_of(jnp.minimum(base_r, E - EPT), 128)
    delta = base_r - sbase

    def zrow(r, _):
        for k in range(D // 16):
            x0[r, pl.ds(k * 16, 16)] = jnp.zeros((16,), jnp.float32)
        return 0
    lax.fori_loop(0, C, zrow, 0)
    for j in range(RQ // C):
        pltpu.sync_copy(x0, accum.at[pl.ds(sid * RQ + j * C, C)])
    pltpu.sync_copy(x0.at[pl.ds(0, RQ - (RQ // C) * C)],
                    accum.at[pl.ds(sid * RQ + (RQ // C) * C,
                                   RQ - (RQ // C) * C)])
    for t in range(2):
        @pl.when(sid == t)
        def _():
            pltpu.sync_copy(x0.at[pl.ds(0, 8)],
                            accum.at[pl.ds(NS * RQ + t * 8, 8)])

    pltpu.sync_copy(src_hbm.at[pl.ds(sbase, EPT)], src_vmem)

    plsc.subcore_barrier()

    slots = ((x0, e0, d0, gs0, es0, ds0, ss0),
             (x1, e1, d1, gs1, es1, ds1, ss1))

    def start_data(c, s):
        xb, eb, db, gs, es, dsm, ss = s
        off = pl.multiple_of(delta + c * C, 8)
        pltpu.async_copy(x_hbm.at[src_vmem.at[pl.ds(off, C)]], xb, gs)
        pltpu.async_copy(e_hbm.at[pl.ds(wid * EPT + c * C, C)], eb, es)

    def start_dst(c, s):
        xb, eb, db, gs, es, dsm, ss = s
        pltpu.async_copy(dst_hbm.at[pl.ds(base_r + c * C, C)], db, dsm)

    def wait_data(c, s):
        xb, eb, db, gs, es, dsm, ss = s
        off = pl.multiple_of(delta + c * C, 8)
        pltpu.make_async_copy(
            x_hbm.at[src_vmem.at[pl.ds(off, C)]], xb, gs).wait()
        pltpu.make_async_copy(
            e_hbm.at[pl.ds(wid * EPT + c * C, C)], eb, es).wait()
        pltpu.make_async_copy(
            dst_hbm.at[pl.ds(base_r + c * C, C)], db, dsm).wait()

    def start_scatter(s):
        xb, eb, db, gs, es, dsm, ss = s
        pltpu.async_copy(xb, accum.at[db], ss, add=True)

    def wait_scatter(s):
        xb, eb, db, gs, es, dsm, ss = s
        pltpu.make_async_copy(xb, accum.at[db], ss).wait()

    def compute(s):
        xb, eb, db, gs, es, dsm, ss = s

        @plsc.parallel_loop(0, C, unroll=2)
        def rbody(r):
            zero16 = jnp.zeros((16,), jnp.float32)
            for k in range(D // 16):
                sl = pl.ds(k * 16, 16)
                xb[r, sl] = jnp.maximum(xb[r, sl] + eb[r, sl], zero16)

    def process(c, cur, nxt, nch):
        @pl.when(c < nch)
        def _():
            @pl.when(c >= 1)
            def _():
                wait_scatter(nxt)

            @pl.when(c + 1 < nch)
            def _():
                start_dst(c + 1, nxt)
                start_data(c + 1, nxt)

            wait_data(c, cur)
            compute(cur)
            start_scatter(cur)

    rch = ((E // 2) - (NW - 1) * EPT + C - 1) // C
    nch = jnp.where(wid == NW - 1, rch, CH)

    start_dst(0, slots[0])
    start_data(0, slots[0])

    def cbody(c, _):
        par = lax.rem(c, 2)

        @pl.when(par == 0)
        def _():
            process(c, slots[0], slots[1], nch)

        @pl.when(par == 1)
        def _():
            process(c, slots[1], slots[0], nch)

        return 0

    lax.fori_loop(0, CH, cbody, 0)
    wait_scatter(slots[(CH - 1) % 2])

    plsc.subcore_barrier()

    pltpu.sync_copy(accum.at[pl.ds(sid * RQ, RQ)],
                    out_hbm.at[cid, pl.ds(sid * RQ, RQ)])
    for t in range(2):
        @pl.when(sid == t)
        def _():
            r0 = NS * RQ + t * 8
            pltpu.sync_copy(accum.at[pl.ds(r0, 8)],
                            out_hbm.at[cid, pl.ds(r0, 8)])


def _sc_aggregate(x, srcg, dstg, e, phase):
    import functools
    mesh = plsc.VectorSubcoreMesh(core_axis_name="c", subcore_axis_name="s")
    kern = pl.kernel(
        functools.partial(_sc_body, phase),
        out_type=jax.ShapeDtypeStruct((NC, N, D), jnp.float32),
        mesh=mesh,
        scratch_types=[
            pltpu.VMEM((EPT,), jnp.int32),
            pltpu.VMEM((C,), jnp.int32),
            pltpu.VMEM((C,), jnp.int32),
            pltpu.VMEM((C, D), jnp.float32),
            pltpu.VMEM((C, D), jnp.float32),
            pltpu.VMEM((C, D), jnp.float32),
            pltpu.VMEM((C, D), jnp.float32),
            pltpu.VMEM_SHARED((N, D), jnp.float32),
            pltpu.SemaphoreType.DMA,
            pltpu.SemaphoreType.DMA,
            pltpu.SemaphoreType.DMA,
            pltpu.SemaphoreType.DMA,
            pltpu.SemaphoreType.DMA,
            pltpu.SemaphoreType.DMA,
            pltpu.SemaphoreType.DMA,
            pltpu.SemaphoreType.DMA,
        ],
    )
    return kern(x, srcg, dstg, e)



def _tail_body(x_ref, a0_ref, a1_ref, b0_ref, b1_ref, imp_ref, wn_ref, bn_ref,
               wgc_ref, wgi_ref, bg_ref, wp_ref, bp_ref,
               out_ref, prop_ref):
    x = x_ref[...]
    h = x + (a0_ref[0] + a1_ref[0]) + (b0_ref[0] + b1_ref[0])
    conv = jnp.dot(h, wn_ref[...], preferred_element_type=jnp.float32) + bn_ref[...]
    z = (jnp.dot(conv, wgc_ref[...], preferred_element_type=jnp.float32)
         + imp_ref[...] * wgi_ref[...] + bg_ref[...])
    gate = jax.nn.sigmoid(z)
    o = gate * conv + (1.0 - gate) * x
    out_ref[...] = o
    prop_ref[...] = jnp.sum(o * wp_ref[...], axis=1, keepdims=True) + bp_ref[...]


def _tail(x, pa, pb, importance, Wn, bn, Wg, bg, Wp, bp):
    BM = 2000
    grid = (N // BM,)
    return pl.pallas_call(
        _tail_body,
        grid=grid,
        in_specs=[
            pl.BlockSpec((BM, D), lambda i: (i, 0)),
            pl.BlockSpec((1, BM, D), lambda i: (0, i, 0)),
            pl.BlockSpec((1, BM, D), lambda i: (1, i, 0)),
            pl.BlockSpec((1, BM, D), lambda i: (0, i, 0)),
            pl.BlockSpec((1, BM, D), lambda i: (1, i, 0)),
            pl.BlockSpec((BM, 1), lambda i: (i, 0)),
            pl.BlockSpec((D, D), lambda i: (0, 0)),
            pl.BlockSpec((1, D), lambda i: (0, 0)),
            pl.BlockSpec((D, D), lambda i: (0, 0)),
            pl.BlockSpec((1, D), lambda i: (0, 0)),
            pl.BlockSpec((1, D), lambda i: (0, 0)),
            pl.BlockSpec((1, D), lambda i: (0, 0)),
            pl.BlockSpec((1, 1), lambda i: (0, 0)),
        ],
        out_specs=[
            pl.BlockSpec((BM, D), lambda i: (i, 0)),
            pl.BlockSpec((BM, 1), lambda i: (i, 0)),
        ],
        out_shape=[
            jax.ShapeDtypeStruct((N, D), jnp.float32),
            jax.ShapeDtypeStruct((N, 1), jnp.float32),
        ],
    )(x, pa, pa, pb, pb, importance, Wn, bn.reshape(1, D),
      Wg[:D], Wg[D:D + 1], bg.reshape(1, D), Wp.reshape(1, D),
      bp.reshape(1, 1))



_PERM = np.empty((D,), dtype=np.int32)
for _g in range(D // 32):
    for _i in range(16):
        _PERM[32 * _g + 2 * _i] = 32 * _g + _i
        _PERM[32 * _g + 2 * _i + 1] = 32 * _g + 16 + _i


def kernel(x, edge_index, edge_attr, importance, We, be, Wn, bn, Wg, bg, Wp, bp):
    eaT = edge_attr.T
    src, dst = edge_index[0], edge_index[1]
    e_a = _edge_proj(eaT, We, be, 0)
    p_a = _sc_aggregate(x, src, dst, e_a, 0)
    e_b = _edge_proj(eaT, We, be, 1)
    p_b = _sc_aggregate(x, src, dst, e_b, 1)
    out, prop = _tail(x, p_a, p_b, importance, Wn, bn, Wg, bg, Wp, bp)
    return (out, prop)

# --- scband reference (transcript-rebuilt; emitter-appended) ---
"""Pipeline reference for scband-importance-propagation-layer-3478923510357 (READ-ONLY COPY).

The authoritative reference and input builder live on the scoring server;
editing this copy changes nothing except your own understanding.
"""

import jax, jax.numpy as jnp
import numpy as np


def setup_inputs(seed: int = 0) -> dict:
    key = jax.random.key(seed)
    ks = jax.random.split(key, 8)
    N, E, D, ED = 10000, 320000, 128, 16
    x = jax.random.normal(ks[0], (N, D), dtype=jnp.float32)
    edge_index = jax.random.randint(ks[1], (2, E), 0, N, dtype=jnp.int32)
    edge_attr = jax.random.normal(ks[2], (E, ED), dtype=jnp.float32)
    importance = jax.random.uniform(ks[3], (N, 1), dtype=jnp.float32)
    We = jax.random.normal(ks[4], (ED, D), dtype=jnp.float32) / np.sqrt(ED)
    be = jnp.zeros((D,), dtype=jnp.float32)
    Wn = jax.random.normal(ks[5], (D, D), dtype=jnp.float32) / np.sqrt(D)
    bn = jnp.zeros((D,), dtype=jnp.float32)
    Wg = jax.random.normal(ks[6], (D + 1, D), dtype=jnp.float32) / np.sqrt(D + 1)
    bg = jnp.zeros((D,), dtype=jnp.float32)
    Wp = jax.random.normal(ks[7], (D, 1), dtype=jnp.float32) / np.sqrt(D)
    bp = jnp.zeros((1,), dtype=jnp.float32)
    return {"x": x, "edge_index": edge_index, "edge_attr": edge_attr,
            "importance": importance, "We": We, "be": be, "Wn": Wn, "bn": bn,
            "Wg": Wg, "bg": bg, "Wp": Wp, "bp": bp}


def reference(x, edge_index, edge_attr, importance, We, be, Wn, bn, Wg, bg, Wp, bp):
    # GINEConv: aggr_i = sum_{j->i} ReLU(x_j + Linear(edge_attr_ji));
    # conv_out = nn((1+eps)*x + aggr), eps=0, nn = Linear(D, D)
    src = edge_index[0]
    dst = edge_index[1]
    e = edge_attr @ We + be                      # edge feature projection [E, D]
    msg = jax.nn.relu(x[src] + e)                # gather + message [E, D]
    aggr = jnp.zeros_like(x).at[dst].add(msg)    # scatter-add [N, D]
    eps = 0.0
    conv_out = ((1.0 + eps) * x + aggr) @ Wn + bn
    # importance gating
    gate_in = jnp.concatenate([conv_out, importance], axis=-1)
    gate = jax.nn.sigmoid(gate_in @ Wg + bg)
    out = gate * conv_out + (1.0 - gate) * x
    propagated_importance = out @ Wp + bp
    return (out, propagated_importance)

if __name__ == "__main__":
    import jax
    _d = setup_inputs()
    print(jax.jit(kernel)(*tuple(_d.values())))

</pallas_src>

<mosaic_0001>
#map = affine_map<(d0, d1) -> (0, 0)>
#map1 = affine_map<(d0, d1) -> (0)>
#map2 = affine_map<(d0, d1) -> (0, 0, 0)>
module attributes {stable_mosaic.version = 14 : i64} {
  func.func @_sc_body(%arg0: i32, %arg1: i32, %arg2: memref<10000x128xf32, #tpu.memory_space<hbm>>, %arg3: memref<320000xi32, #tpu.memory_space<hbm>>, %arg4: memref<320000xi32, #tpu.memory_space<hbm>>, %arg5: memref<160000x128xf32, #tpu.memory_space<hbm>>, %arg6: memref<2x10000x128xf32, #tpu.memory_space<hbm>>, %arg7: memref<5120xi32, #tpu.memory_space<vmem>>, %arg8: memref<80xi32, #tpu.memory_space<vmem>>, %arg9: memref<80xi32, #tpu.memory_space<vmem>>, %arg10: memref<80x128xf32, #tpu.memory_space<vmem>>, %arg11: memref<80x128xf32, #tpu.memory_space<vmem>>, %arg12: memref<80x128xf32, #tpu.memory_space<vmem>>, %arg13: memref<80x128xf32, #tpu.memory_space<vmem>>, %arg14: memref<10000x128xf32, #tpu.memory_space<vmem_shared>>, %arg15: memref<!tpu.dma_semaphore, #tpu.memory_space<semaphore_mem>>, %arg16: memref<!tpu.dma_semaphore, #tpu.memory_space<semaphore_mem>>, %arg17: memref<!tpu.dma_semaphore, #tpu.memory_space<semaphore_mem>>, %arg18: memref<!tpu.dma_semaphore, #tpu.memory_space<semaphore_mem>>, %arg19: memref<!tpu.dma_semaphore, #tpu.memory_space<semaphore_mem>>, %arg20: memref<!tpu.dma_semaphore, #tpu.memory_space<semaphore_mem>>, %arg21: memref<!tpu.dma_semaphore, #tpu.memory_space<semaphore_mem>>, %arg22: memref<!tpu.dma_semaphore, #tpu.memory_space<semaphore_mem>>) attributes {dimension_semantics = [#tpu.dimension_semantics<core_parallel>, #tpu.dimension_semantics<subcore_parallel>], iteration_bounds = array<i64: 2, 16>, scalar_prefetch = 0 : i64, scratch_operands = 16 : i64, tpu.core_type = #tpu.core_type<sc_vector_subcore>, window_params = [{transform_indices = #map}, {transform_indices = #map1}, {transform_indices = #map1}, {transform_indices = #map}, {transform_indices = #map2}]} {
    %mul3A = arith.constant 2 : i32
    %mul3A_0 = arith.muli %arg1, %mul3A : i32
    %add3A = arith.addi %mul3A_0, %arg0 : i32
    %mul3A_1 = arith.constant 5120 : i32
    %mul3A_2 = arith.muli %add3A, %mul3A_1 : i32
    %add3A_3 = arith.constant 0 : i32
    %add3A_4 = arith.addi %add3A_3, %mul3A_2 : i32
    %min3A = arith.constant 314880 : i32
    %min3A_5 = arith.minsi %add3A_4, %min3A : i32
    %multiple_of3A = tpu.assume_multiple %min3A_5, 128 : i32
    %sub3A = arith.subi %add3A_4, %multiple_of3A : i32
    %scan3A = arith.constant 0 : i32
    %scan3A_6 = arith.constant 0 : i32
    %scan3A_7 = arith.constant 80 : i32
    %scan3A_8 = arith.addi %scan3A_6, %scan3A_7 : i32
    %scan3A_9 = arith.constant 1 : i32
    %scan3A_10 = scf.for %scan3A_96 = %scan3A_6 to %scan3A_8 step %scan3A_9 iter_args(%scan3A_97 = %scan3A) -> (i32)  : i32 {
      %broadcast_in_dim3A = arith.constant 0.000000e+00 : f32
      %broadcast_in_dim3A_98 = vector.broadcast %broadcast_in_dim3A : f32 to vector<16xf32>
      %swap3A = arith.index_cast %scan3A_96 : i32 to index
      %swap3A_99 = arith.constant 0 : index
      %swap3A_100 = tpu.vector_load %arg10[%swap3A, %swap3A_99] {strides = array<i32>} : memref<80x128xf32, #tpu.memory_space<vmem>>, vector<1x16xf32>,
      %swap3A_101 = vector.shape_cast %swap3A_100 : vector<1x16xf32> to vector<16xf32>
      %swap3A_102 = vector.shape_cast %broadcast_in_dim3A_98 : vector<16xf32> to vector<1x16xf32>
      tpu.vector_store %arg10[%swap3A, %swap3A_99], %swap3A_102 {strides = array<i32>} : memref<80x128xf32, #tpu.memory_space<vmem>>, vector<1x16xf32>,
      %broadcast_in_dim3A_103 = arith.constant 0.000000e+00 : f32
      %broadcast_in_dim3A_104 = vector.broadcast %broadcast_in_dim3A_103 : f32 to vector<16xf32>
      %swap3A_105 = arith.index_cast %scan3A_96 : i32 to index
      %swap3A_106 = arith.constant 16 : index
      %swap3A_107 = tpu.vector_load %arg10[%swap3A_105, %swap3A_106] {strides = array<i32>} : memref<80x128xf32, #tpu.memory_space<vmem>>, vector<1x16xf32>,
      %swap3A_108 = vector.shape_cast %swap3A_107 : vector<1x16xf32> to vector<16xf32>
      %swap3A_109 = vector.shape_cast %broadcast_in_dim3A_104 : vector<16xf32> to vector<1x16xf32>
      tpu.vector_store %arg10[%swap3A_105, %swap3A_106], %swap3A_109 {strides = array<i32>} : memref<80x128xf32, #tpu.memory_space<vmem>>, vector<1x16xf32>,
      %broadcast_in_dim3A_110 = arith.constant 0.000000e+00 : f32
      %broadcast_in_dim3A_111 = vector.broadcast %broadcast_in_dim3A_110 : f32 to vector<16xf32>
      %swap3A_112 = arith.index_cast %scan3A_96 : i32 to index
      %swap3A_113 = arith.constant 32 : index
      %swap3A_114 = tpu.vector_load %arg10[%swap3A_112, %swap3A_113] {strides = array<i32>} : memref<80x128xf32, #tpu.memory_space<vmem>>, vector<1x16xf32>,
      %swap3A_115 = vector.shape_cast %swap3A_114 : vector<1x16xf32> to vector<16xf32>
      %swap3A_116 = vector.shape_cast %broadcast_in_dim3A_111 : vector<16xf32> to vector<1x16xf32>
      tpu.vector_store %arg10[%swap3A_112, %swap3A_113], %swap3A_116 {strides = array<i32>} : memref<80x128xf32, #tpu.memory_space<vmem>>, vector<1x16xf32>,
      %broadcast_in_dim3A_117 = arith.constant 0.000000e+00 : f32
      %broadcast_in_dim3A_118 = vector.broadcast %broadcast_in_dim3A_117 : f32 to vector<16xf32>
      %swap3A_119 = arith.index_cast %scan3A_96 : i32 to index
      %swap3A_120 = arith.constant 48 : index
      %swap3A_121 = tpu.vector_load %arg10[%swap3A_119, %swap3A_120] {strides = array<i32>} : memref<80x128xf32, #tpu.memory_space<vmem>>, vector<1x16xf32>,
      %swap3A_122 = vector.shape_cast %swap3A_121 : vector<1x16xf32> to vector<16xf32>
      %swap3A_123 = vector.shape_cast %broadcast_in_dim3A_118 : vector<16xf32> to vector<1x16xf32>
      tpu.vector_store %arg10[%swap3A_119, %swap3A_120], %swap3A_123 {strides = array<i32>} : memref<80x128xf32, #tpu.memory_space<vmem>>, vector<1x16xf32>,
      %broadcast_in_dim3A_124 = arith.constant 0.000000e+00 : f32
      %broadcast_in_dim3A_125 = vector.broadcast %broadcast_in_dim3A_124 : f32 to vector<16xf32>
      %swap3A_126 = arith.index_cast %scan3A_96 : i32 to index
      %swap3A_127 = arith.constant 64 : index
      %swap3A_128 = tpu.vector_load %arg10[%swap3A_126, %swap3A_127] {strides = array<i32>} : memref<80x128xf32, #tpu.memory_space<vmem>>, vector<1x16xf32>,
      %swap3A_129 = vector.shape_cast %swap3A_128 : vector<1x16xf32> to vector<16xf32>
      %swap3A_130 = vector.shape_cast %broadcast_in_dim3A_125 : vector<16xf32> to vector<1x16xf32>
      tpu.vector_store %arg10[%swap3A_126, %swap3A_127], %swap3A_130 {strides = array<i32>} : memref<80x128xf32, #tpu.memory_space<vmem>>, vector<1x16xf32>,
      %broadcast_in_dim3A_131 = arith.constant 0.000000e+00 : f32
      %broadcast_in_dim3A_132 = vector.broadcast %broadcast_in_dim3A_131 : f32 to vector<16xf32>
      %swap3A_133 = arith.index_cast %scan3A_96 : i32 to index
      %swap3A_134 = arith.constant 80 : index
      %swap3A_135 = tpu.vector_load %arg10[%swap3A_133, %swap3A_134] {strides = array<i32>} : memref<80x128xf32, #tpu.memory_space<vmem>>, vector<1x16xf32>,
      %swap3A_136 = vector.shape_cast %swap3A_135 : vector<1x16xf32> to vector<16xf32>
      %swap3A_137 = vector.shape_cast %broadcast_in_dim3A_132 : vector<16xf32> to vector<1x16xf32>
      tpu.vector_store %arg10[%swap3A_133, %swap3A_134], %swap3A_137 {strides = array<i32>} : memref<80x128xf32, #tpu.memory_space<vmem>>, vector<1x16xf32>,
      %broadcast_in_dim3A_138 = arith.constant 0.000000e+00 : f32
      %broadcast_in_dim3A_139 = vector.broadcast %broadcast_in_dim3A_138 : f32 to vector<16xf32>
      %swap3A_140 = arith.index_cast %scan3A_96 : i32 to index
      %swap3A_141 = arith.constant 96 : index
      %swap3A_142 = tpu.vector_load %arg10[%swap3A_140, %swap3A_141] {strides = array<i32>} : memref<80x128xf32, #tpu.memory_space<vmem>>, vector<1x16xf32>,
      %swap3A_143 = vector.shape_cast %swap3A_142 : vector<1x16xf32> to vector<16xf32>
      %swap3A_144 = vector.shape_cast %broadcast_in_dim3A_139 : vector<16xf32> to vector<1x16xf32>
      tpu.vector_store %arg10[%swap3A_140, %swap3A_141], %swap3A_144 {strides = array<i32>} : memref<80x128xf32, #tpu.memory_space<vmem>>, vector<1x16xf32>,
      %broadcast_in_dim3A_145 = arith.constant 0.000000e+00 : f32
      %broadcast_in_dim3A_146 = vector.broadcast %broadcast_in_dim3A_145 : f32 to vector<16xf32>
      %swap3A_147 = arith.index_cast %scan3A_96 : i32 to index
      %swap3A_148 = arith.constant 112 : index
      %swap3A_149 = tpu.vector_load %arg10[%swap3A_147, %swap3A_148] {strides = array<i32>} : memref<80x128xf32, #tpu.memory_space<vmem>>, vector<1x16xf32>,
      %swap3A_150 = vector.shape_cast %swap3A_149 : vector<1x16xf32> to vector<16xf32>
      %swap3A_151 = vector.shape_cast %broadcast_in_dim3A_146 : vector<16xf32> to vector<1x16xf32>
      tpu.vector_store %arg10[%swap3A_147, %swap3A_148], %swap3A_151 {strides = array<i32>} : memref<80x128xf32, #tpu.memory_space<vmem>>, vector<1x16xf32>,
      %scan3A_152 = arith.constant 0 : i32
      scf.yield %scan3A_152 : i32
    }
    %scan3A_11 = arith.constant 80 : i32
    %mul3A_12 = arith.constant 624 : i32
    %mul3A_13 = arith.muli %arg1, %mul3A_12 : i32
    %add3A_14 = arith.constant 0 : i32
    %add3A_15 = arith.addi %mul3A_13, %add3A_14 : i32
    "tpu.region"() ({
      %run_scoped3A = tpu.sem_alloc : memref<!tpu.dma_semaphore, #tpu.memory_space<semaphore_mem>>
      %dma_start3A_96 = arith.constant 0 : i32
      %dma_start3A_97 = tpu.memref_slice %arg14[%add3A_15, %dma_start3A_96] : memref<10000x128xf32, #tpu.memory_space<vmem_shared>> -> memref<80x128xf32, #tpu.memory_space<vmem_shared>>
      %dma_start3A_98 = arith.constant 0 : i32
      %dma_start3A_99 = tpu.memref_slice %arg14[%add3A_15, %dma_start3A_98] : memref<10000x128xf32, #tpu.memory_space<vmem_shared>> -> memref<80x128xf32, #tpu.memory_space<vmem_shared>>
      tpu.enqueue_dma source(%arg10 : memref<80x128xf32, #tpu.memory_space<vmem>>) target(%dma_start3A_99 : memref<80x128xf32, #tpu.memory_space<vmem_shared>>) target_semaphore(%run_scoped3A : memref<!tpu.dma_semaphore, #tpu.memory_space<semaphore_mem>>)
      %dma_wait3A_100 = arith.constant 0 : i32
      %dma_wait3A_101 = tpu.memref_slice %arg14[%add3A_15, %dma_wait3A_100] : memref<10000x128xf32, #tpu.memory_space<vmem_shared>> -> memref<80x128xf32, #tpu.memory_space<vmem_shared>>
      %dma_wait3A_102 = arith.constant 0 : i32
      %dma_wait3A_103 = tpu.memref_slice %arg14[%add3A_15, %dma_wait3A_102] : memref<10000x128xf32, #tpu.memory_space<vmem_shared>> -> memref<80x128xf32, #tpu.memory_space<vmem_shared>>
      tpu.wait_dma2 semaphore(%run_scoped3A : memref<!tpu.dma_semaphore, #tpu.memory_space<semaphore_mem>>) src(%arg10 : memref<80x128xf32, #tpu.memory_space<vmem>>) dst(%dma_wait3A_103 : memref<80x128xf32, #tpu.memory_space<vmem_shared>>)
      tpu.yield
    }) : () -> ()
    %mul3A_16 = arith.constant 624 : i32
    %mul3A_17 = arith.muli %arg1, %mul3A_16 : i32
    %add3A_18 = arith.constant 80 : i32
    %add3A_19 = arith.addi %mul3A_17, %add3A_18 : i32
    "tpu.region"() ({
      %run_scoped3A = tpu.sem_alloc : memref<!tpu.dma_semaphore, #tpu.memory_space<semaphore_mem>>
      %dma_start3A_96 = arith.constant 0 : i32
      %dma_start3A_97 = tpu.memref_slice %arg14[%add3A_19, %dma_start3A_96] : memref<10000x128xf32, #tpu.memory_space<vmem_shared>> -> memref<80x128xf32, #tpu.memory_space<vmem_shared>>
      %dma_start3A_98 = arith.constant 0 : i32
      %dma_start3A_99 = tpu.memref_slice %arg14[%add3A_19, %dma_start3A_98] : memref<10000x128xf32, #tpu.memory_space<vmem_shared>> -> memref<80x128xf32, #tpu.memory_space<vmem_shared>>
      tpu.enqueue_dma source(%arg10 : memref<80x128xf32, #tpu.memory_space<vmem>>) target(%dma_start3A_99 : memref<80x128xf32, #tpu.memory_space<vmem_shared>>) target_semaphore(%run_scoped3A : memref<!tpu.dma_semaphore, #tpu.memory_space<semaphore_mem>>)
      %dma_wait3A_100 = arith.constant 0 : i32
      %dma_wait3A_101 = tpu.memref_slice %arg14[%add3A_19, %dma_wait3A_100] : memref<10000x128xf32, #tpu.memory_space<vmem_shared>> -> memref<80x128xf32, #tpu.memory_space<vmem_shared>>
      %dma_wait3A_102 = arith.constant 0 : i32
      %dma_wait3A_103 = tpu.memref_slice %arg14[%add3A_19, %dma_wait3A_102] : memref<10000x128xf32, #tpu.memory_space<vmem_shared>> -> memref<80x128xf32, #tpu.memory_space<vmem_shared>>
      tpu.wait_dma2 semaphore(%run_scoped3A : memref<!tpu.dma_semaphore, #tpu.memory_space<semaphore_mem>>) src(%arg10 : memref<80x128xf32, #tpu.memory_space<vmem>>) dst(%dma_wait3A_103 : memref<80x128xf32, #tpu.memory_space<vmem_shared>>)
      tpu.yield
    }) : () -> ()
    %mul3A_20 = arith.constant 624 : i32
    %mul3A_21 = arith.muli %arg1, %mul3A_20 : i32
    %add3A_22 = arith.constant 160 : i32
    %add3A_23 = arith.addi %mul3A_21, %add3A_22 : i32
    "tpu.region"() ({
      %run_scoped3A = tpu.sem_alloc : memref<!tpu.dma_semaphore, #tpu.memory_space<semaphore_mem>>
      %dma_start3A_96 = arith.constant 0 : i32
      %dma_start3A_97 = tpu.memref_slice %arg14[%add3A_23, %dma_start3A_96] : memref<10000x128xf32, #tpu.memory_space<vmem_shared>> -> memref<80x128xf32, #tpu.memory_space<vmem_shared>>
      %dma_start3A_98 = arith.constant 0 : i32
      %dma_start3A_99 = tpu.memref_slice %arg14[%add3A_23, %dma_start3A_98] : memref<10000x128xf32, #tpu.memory_space<vmem_shared>> -> memref<80x128xf32, #tpu.memory_space<vmem_shared>>
      tpu.enqueue_dma source(%arg10 : memref<80x128xf32, #tpu.memory_space<vmem>>) target(%dma_start3A_99 : memref<80x128xf32, #tpu.memory_space<vmem_shared>>) target_semaphore(%run_scoped3A : memref<!tpu.dma_semaphore, #tpu.memory_space<semaphore_mem>>)
      %dma_wait3A_100 = arith.constant 0 : i32
      %dma_wait3A_101 = tpu.memref_slice %arg14[%add3A_23, %dma_wait3A_100] : memref<10000x128xf32, #tpu.memory_space<vmem_shared>> -> memref<80x128xf32, #tpu.memory_space<vmem_shared>>
      %dma_wait3A_102 = arith.constant 0 : i32
      %dma_wait3A_103 = tpu.memref_slice %arg14[%add3A_23, %dma_wait3A_102] : memref<10000x128xf32, #tpu.memory_space<vmem_shared>> -> memref<80x128xf32, #tpu.memory_space<vmem_shared>>
      tpu.wait_dma2 semaphore(%run_scoped3A : memref<!tpu.dma_semaphore, #tpu.memory_space<semaphore_mem>>) src(%arg10 : memref<80x128xf32, #tpu.memory_space<vmem>>) dst(%dma_wait3A_103 : memref<80x128xf32, #tpu.memory_space<vmem_shared>>)
      tpu.yield
    }) : () -> ()
    %mul3A_24 = arith.constant 624 : i32
    %mul3A_25 = arith.muli %arg1, %mul3A_24 : i32
    %add3A_26 = arith.constant 240 : i32
    %add3A_27 = arith.addi %mul3A_25, %add3A_26 : i32
    "tpu.region"() ({
      %run_scoped3A = tpu.sem_alloc : memref<!tpu.dma_semaphore, #tpu.memory_space<semaphore_mem>>
      %dma_start3A_96 = arith.constant 0 : i32
      %dma_start3A_97 = tpu.memref_slice %arg14[%add3A_27, %dma_start3A_96] : memref<10000x128xf32, #tpu.memory_space<vmem_shared>> -> memref<80x128xf32, #tpu.memory_space<vmem_shared>>
      %dma_start3A_98 = arith.constant 0 : i32
      %dma_start3A_99 = tpu.memref_slice %arg14[%add3A_27, %dma_start3A_98] : memref<10000x128xf32, #tpu.memory_space<vmem_shared>> -> memref<80x128xf32, #tpu.memory_space<vmem_shared>>
      tpu.enqueue_dma source(%arg10 : memref<80x128xf32, #tpu.memory_space<vmem>>) target(%dma_start3A_99 : memref<80x128xf32, #tpu.memory_space<vmem_shared>>) target_semaphore(%run_scoped3A : memref<!tpu.dma_semaphore, #tpu.memory_space<semaphore_mem>>)
      %dma_wait3A_100 = arith.constant 0 : i32
      %dma_wait3A_101 = tpu.memref_slice %arg14[%add3A_27, %dma_wait3A_100] : memref<10000x128xf32, #tpu.memory_space<vmem_shared>> -> memref<80x128xf32, #tpu.memory_space<vmem_shared>>
      %dma_wait3A_102 = arith.constant 0 : i32
      %dma_wait3A_103 = tpu.memref_slice %arg14[%add3A_27, %dma_wait3A_102] : memref<10000x128xf32, #tpu.memory_space<vmem_shared>> -> memref<80x128xf32, #tpu.memory_space<vmem_shared>>
      tpu.wait_dma2 semaphore(%run_scoped3A : memref<!tpu.dma_semaphore, #tpu.memory_space<semaphore_mem>>) src(%arg10 : memref<80x128xf32, #tpu.memory_space<vmem>>) dst(%dma_wait3A_103 : memref<80x128xf32, #tpu.memory_space<vmem_shared>>)
      tpu.yield
    }) : () -> ()
    %mul3A_28 = arith.constant 624 : i32
    %mul3A_29 = arith.muli %arg1, %mul3A_28 : i32
    %add3A_30 = arith.constant 320 : i32
    %add3A_31 = arith.addi %mul3A_29, %add3A_30 : i32
    "tpu.region"() ({
      %run_scoped3A = tpu.sem_alloc : memref<!tpu.dma_semaphore, #tpu.memory_space<semaphore_mem>>
      %dma_start3A_96 = arith.constant 0 : i32
      %dma_start3A_97 = tpu.memref_slice %arg14[%add3A_31, %dma_start3A_96] : memref<10000x128xf32, #tpu.memory_space<vmem_shared>> -> memref<80x128xf32, #tpu.memory_space<vmem_shared>>
      %dma_start3A_98 = arith.constant 0 : i32
      %dma_start3A_99 = tpu.memref_slice %arg14[%add3A_31, %dma_start3A_98] : memref<10000x128xf32, #tpu.memory_space<vmem_shared>> -> memref<80x128xf32, #tpu.memory_space<vmem_shared>>
      tpu.enqueue_dma source(%arg10 : memref<80x128xf32, #tpu.memory_space<vmem>>) target(%dma_start3A_99 : memref<80x128xf32, #tpu.memory_space<vmem_shared>>) target_semaphore(%run_scoped3A : memref<!tpu.dma_semaphore, #tpu.memory_space<semaphore_mem>>)
      %dma_wait3A_100 = arith.constant 0 : i32
      %dma_wait3A_101 = tpu.memref_slice %arg14[%add3A_31, %dma_wait3A_100] : memref<10000x128xf32, #tpu.memory_space<vmem_shared>> -> memref<80x128xf32, #tpu.memory_space<vmem_shared>>
      %dma_wait3A_102 = arith.constant 0 : i32
      %dma_wait3A_103 = tpu.memref_slice %arg14[%add3A_31, %dma_wait3A_102] : memref<10000x128xf32, #tpu.memory_space<vmem_shared>> -> memref<80x128xf32, #tpu.memory_space<vmem_shared>>
      tpu.wait_dma2 semaphore(%run_scoped3A : memref<!tpu.dma_semaphore, #tpu.memory_space<semaphore_mem>>) src(%arg10 : memref<80x128xf32, #tpu.memory_space<vmem>>) dst(%dma_wait3A_103 : memref<80x128xf32, #tpu.memory_space<vmem_shared>>)
      tpu.yield
    }) : () -> ()
    %mul3A_32 = arith.constant 624 : i32
    %mul3A_33 = arith.muli %arg1, %mul3A_32 : i32
    %add3A_34 = arith.constant 400 : i32
    %add3A_35 = arith.addi %mul3A_33, %add3A_34 : i32
    "tpu.region"() ({
      %run_scoped3A = tpu.sem_alloc : memref<!tpu.dma_semaphore, #tpu.memory_space<semaphore_mem>>
      %dma_start3A_96 = arith.constant 0 : i32
      %dma_start3A_97 = tpu.memref_slice %arg14[%add3A_35, %dma_start3A_96] : memref<10000x128xf32, #tpu.memory_space<vmem_shared>> -> memref<80x128xf32, #tpu.memory_space<vmem_shared>>
      %dma_start3A_98 = arith.constant 0 : i32
      %dma_start3A_99 = tpu.memref_slice %arg14[%add3A_35, %dma_start3A_98] : memref<10000x128xf32, #tpu.memory_space<vmem_shared>> -> memref<80x128xf32, #tpu.memory_space<vmem_shared>>
      tpu.enqueue_dma source(%arg10 : memref<80x128xf32, #tpu.memory_space<vmem>>) target(%dma_start3A_99 : memref<80x128xf32, #tpu.memory_space<vmem_shared>>) target_semaphore(%run_scoped3A : memref<!tpu.dma_semaphore, #tpu.memory_space<semaphore_mem>>)
      %dma_wait3A_100 = arith.constant 0 : i32
      %dma_wait3A_101 = tpu.memref_slice %arg14[%add3A_35, %dma_wait3A_100] : memref<10000x128xf32, #tpu.memory_space<vmem_shared>> -> memref<80x128xf32, #tpu.memory_space<vmem_shared>>
      %dma_wait3A_102 = arith.constant 0 : i32
      %dma_wait3A_103 = tpu.memref_slice %arg14[%add3A_35, %dma_wait3A_102] : memref<10000x128xf32, #tpu.memory_space<vmem_shared>> -> memref<80x128xf32, #tpu.memory_space<vmem_shared>>
      tpu.wait_dma2 semaphore(%run_scoped3A : memref<!tpu.dma_semaphore, #tpu.memory_space<semaphore_mem>>) src(%arg10 : memref<80x128xf32, #tpu.memory_space<vmem>>) dst(%dma_wait3A_103 : memref<80x128xf32, #tpu.memory_space<vmem_shared>>)
      tpu.yield
    }) : () -> ()
    %mul3A_36 = arith.constant 624 : i32
    %mul3A_37 = arith.muli %arg1, %mul3A_36 : i32
    %add3A_38 = arith.constant 480 : i32
    %add3A_39 = arith.addi %mul3A_37, %add3A_38 : i32
    "tpu.region"() ({
      %run_scoped3A = tpu.sem_alloc : memref<!tpu.dma_semaphore, #tpu.memory_space<semaphore_mem>>
      %dma_start3A_96 = arith.constant 0 : i32
      %dma_start3A_97 = tpu.memref_slice %arg14[%add3A_39, %dma_start3A_96] : memref<10000x128xf32, #tpu.memory_space<vmem_shared>> -> memref<80x128xf32, #tpu.memory_space<vmem_shared>>
      %dma_start3A_98 = arith.constant 0 : i32
      %dma_start3A_99 = tpu.memref_slice %arg14[%add3A_39, %dma_start3A_98] : memref<10000x128xf32, #tpu.memory_space<vmem_shared>> -> memref<80x128xf32, #tpu.memory_space<vmem_shared>>
      tpu.enqueue_dma source(%arg10 : memref<80x128xf32, #tpu.memory_space<vmem>>) target(%dma_start3A_99 : memref<80x128xf32, #tpu.memory_space<vmem_shared>>) target_semaphore(%run_scoped3A : memref<!tpu.dma_semaphore, #tpu.memory_space<semaphore_mem>>)
      %dma_wait3A_100 = arith.constant 0 : i32
      %dma_wait3A_101 = tpu.memref_slice %arg14[%add3A_39, %dma_wait3A_100] : memref<10000x128xf32, #tpu.memory_space<vmem_shared>> -> memref<80x128xf32, #tpu.memory_space<vmem_shared>>
      %dma_wait3A_102 = arith.constant 0 : i32
      %dma_wait3A_103 = tpu.memref_slice %arg14[%add3A_39, %dma_wait3A_102] : memref<10000x128xf32, #tpu.memory_space<vmem_shared>> -> memref<80x128xf32, #tpu.memory_space<vmem_shared>>
      tpu.wait_dma2 semaphore(%run_scoped3A : memref<!tpu.dma_semaphore, #tpu.memory_space<semaphore_mem>>) src(%arg10 : memref<80x128xf32, #tpu.memory_space<vmem>>) dst(%dma_wait3A_103 : memref<80x128xf32, #tpu.memory_space<vmem_shared>>)
      tpu.yield
    }) : () -> ()
    %mul3A_40 = arith.constant 624 : i32
    %mul3A_41 = arith.muli %arg1, %mul3A_40 : i32
    %add3A_42 = arith.constant 560 : i32
    %add3A_43 = arith.addi %mul3A_41, %add3A_42 : i32
    "tpu.region"() ({
      %run_scoped3A = tpu.sem_alloc : memref<!tpu.dma_semaphore, #tpu.memory_space<semaphore_mem>>
      %dma_start3A_96 = arith.constant 0 : i32
      %dma_start3A_97 = arith.constant 0 : i32
      %dma_start3A_98 = tpu.memref_slice %arg10[%dma_start3A_96, %dma_start3A_97] : memref<80x128xf32, #tpu.memory_space<vmem>> -> memref<64x128xf32, #tpu.memory_space<vmem>>
      %dma_start3A_99 = arith.constant 0 : i32
      %dma_start3A_100 = tpu.memref_slice %arg14[%add3A_43, %dma_start3A_99] : memref<10000x128xf32, #tpu.memory_space<vmem_shared>> -> memref<64x128xf32, #tpu.memory_space<vmem_shared>>
      %dma_start3A_101 = arith.constant 0 : i32
      %dma_start3A_102 = tpu.memref_slice %arg14[%add3A_43, %dma_start3A_101] : memref<10000x128xf32, #tpu.memory_space<vmem_shared>> -> memref<64x128xf32, #tpu.memory_space<vmem_shared>>
      %dma_start3A_103 = arith.constant 0 : i32
      %dma_start3A_104 = arith.constant 0 : i32
      %dma_start3A_105 = tpu.memref_slice %arg10[%dma_start3A_103, %dma_start3A_104] : memref<80x128xf32, #tpu.memory_space<vmem>> -> memref<64x128xf32, #tpu.memory_space<vmem>>
      tpu.enqueue_dma source(%dma_start3A_105 : memref<64x128xf32, #tpu.memory_space<vmem>>) target(%dma_start3A_102 : memref<64x128xf32, #tpu.memory_space<vmem_shared>>) target_semaphore(%run_scoped3A : memref<!tpu.dma_semaphore, #tpu.memory_space<semaphore_mem>>)
      %dma_wait3A_106 = arith.constant 0 : i32
      %dma_wait3A_107 = arith.constant 0 : i32
      %dma_wait3A_108 = tpu.memref_slice %arg10[%dma_wait3A_106, %dma_wait3A_107] : memref<80x128xf32, #tpu.memory_space<vmem>> -> memref<64x128xf32, #tpu.memory_space<vmem>>
      %dma_wait3A_109 = arith.constant 0 : i32
      %dma_wait3A_110 = tpu.memref_slice %arg14[%add3A_43, %dma_wait3A_109] : memref<10000x128xf32, #tpu.memory_space<vmem_shared>> -> memref<64x128xf32, #tpu.memory_space<vmem_shared>>
      %dma_wait3A_111 = arith.constant 0 : i32
      %dma_wait3A_112 = tpu.memref_slice %arg14[%add3A_43, %dma_wait3A_111] : memref<10000x128xf32, #tpu.memory_space<vmem_shared>> -> memref<64x128xf32, #tpu.memory_space<vmem_shared>>
      %dma_wait3A_113 = arith.constant 0 : i32
      %dma_wait3A_114 = arith.constant 0 : i32
      %dma_wait3A_115 = tpu.memref_slice %arg10[%dma_wait3A_113, %dma_wait3A_114] : memref<80x128xf32, #tpu.memory_space<vmem>> -> memref<64x128xf32, #tpu.memory_space<vmem>>
      tpu.wait_dma2 semaphore(%run_scoped3A : memref<!tpu.dma_semaphore, #tpu.memory_space<semaphore_mem>>) src(%dma_wait3A_115 : memref<64x128xf32, #tpu.memory_space<vmem>>) dst(%dma_wait3A_112 : memref<64x128xf32, #tpu.memory_space<vmem_shared>>)
      tpu.yield
    }) : () -> ()
    %eq3A = arith.constant 0 : i32
    %eq3A_44 = arith.cmpi eq, %arg1, %eq3A : i32
    %convert_element_type3A = arith.extui %eq3A_44 : i1 to i32
    %cond3A = arith.constant 0 : i32
    %cond3A_45 = arith.cmpi ne, %convert_element_type3A, %cond3A : i32
    scf.if %cond3A_45 {
      "tpu.region"() ({
        %run_scoped3A = tpu.sem_alloc : memref<!tpu.dma_semaphore, #tpu.memory_space<semaphore_mem>>
        %dma_start3A_96 = arith.constant 0 : i32
        %dma_start3A_97 = arith.constant 0 : i32
        %dma_start3A_98 = tpu.memref_slice %arg10[%dma_start3A_96, %dma_start3A_97] : memref<80x128xf32, #tpu.memory_space<vmem>> -> memref<8x128xf32, #tpu.memory_space<vmem>>
        %dma_start3A_99 = arith.constant 9984 : i32
        %dma_start3A_100 = arith.constant 0 : i32
        %dma_start3A_101 = tpu.memref_slice %arg14[%dma_start3A_99, %dma_start3A_100] : memref<10000x128xf32, #tpu.memory_space<vmem_shared>> -> memref<8x128xf32, #tpu.memory_space<vmem_shared>>
        %dma_start3A_102 = arith.constant 9984 : i32
        %dma_start3A_103 = arith.constant 0 : i32
        %dma_start3A_104 = tpu.memref_slice %arg14[%dma_start3A_102, %dma_start3A_103] : memref<10000x128xf32, #tpu.memory_space<vmem_shared>> -> memref<8x128xf32, #tpu.memory_space<vmem_shared>>
        %dma_start3A_105 = arith.constant 0 : i32
        %dma_start3A_106 = arith.constant 0 : i32
        %dma_start3A_107 = tpu.memref_slice %arg10[%dma_start3A_105, %dma_start3A_106] : memref<80x128xf32, #tpu.memory_space<vmem>> -> memref<8x128xf32, #tpu.memory_space<vmem>>
        tpu.enqueue_dma source(%dma_start3A_107 : memref<8x128xf32, #tpu.memory_space<vmem>>) target(%dma_start3A_104 : memref<8x128xf32, #tpu.memory_space<vmem_shared>>) target_semaphore(%run_scoped3A : memref<!tpu.dma_semaphore, #tpu.memory_space<semaphore_mem>>)
        %dma_wait3A_108 = arith.constant 0 : i32
        %dma_wait3A_109 = arith.constant 0 : i32
        %dma_wait3A_110 = tpu.memref_slice %arg10[%dma_wait3A_108, %dma_wait3A_109] : memref<80x128xf32, #tpu.memory_space<vmem>> -> memref<8x128xf32, #tpu.memory_space<vmem>>
        %dma_wait3A_111 = arith.constant 9984 : i32
        %dma_wait3A_112 = arith.constant 0 : i32
        %dma_wait3A_113 = tpu.memref_slice %arg14[%dma_wait3A_111, %dma_wait3A_112] : memref<10000x128xf32, #tpu.memory_space<vmem_shared>> -> memref<8x128xf32, #tpu.memory_space<vmem_shared>>
        %dma_wait3A_114 = arith.constant 9984 : i32
        %dma_wait3A_115 = arith.constant 0 : i32
        %dma_wait3A_116 = tpu.memref_slice %arg14[%dma_wait3A_114, %dma_wait3A_115] : memref<10000x128xf32, #tpu.memory_space<vmem_shared>> -> memref<8x128xf32, #tpu.memory_space<vmem_shared>>
        %dma_wait3A_117 = arith.constant 0 : i32
        %dma_wait3A_118 = arith.constant 0 : i32
        %dma_wait3A_119 = tpu.memref_slice %arg10[%dma_wait3A_117, %dma_wait3A_118] : memref<80x128xf32, #tpu.memory_space<vmem>> -> memref<8x128xf32, #tpu.memory_space<vmem>>
        tpu.wait_dma2 semaphore(%run_scoped3A : memref<!tpu.dma_semaphore, #tpu.memory_space<semaphore_mem>>) src(%dma_wait3A_119 : memref<8x128xf32, #tpu.memory_space<vmem>>) dst(%dma_wait3A_116 : memref<8x128xf32, #tpu.memory_space<vmem_shared>>)
        tpu.yield
      }) : () -> ()
    } else {
    }
    %eq3A_46 = arith.constant 1 : i32
    %eq3A_47 = arith.cmpi eq, %arg1, %eq3A_46 : i32
    %convert_element_type3A_48 = arith.extui %eq3A_47 : i1 to i32
    %cond3A_49 = arith.constant 0 : i32
    %cond3A_50 = arith.cmpi ne, %convert_element_type3A_48, %cond3A_49 : i32
    scf.if %cond3A_50 {
      "tpu.region"() ({
        %run_scoped3A = tpu.sem_alloc : memref<!tpu.dma_semaphore, #tpu.memory_space<semaphore_mem>>
        %dma_start3A_96 = arith.constant 0 : i32
        %dma_start3A_97 = arith.constant 0 : i32
        %dma_start3A_98 = tpu.memref_slice %arg10[%dma_start3A_96, %dma_start3A_97] : memref<80x128xf32, #tpu.memory_space<vmem>> -> memref<8x128xf32, #tpu.memory_space<vmem>>
        %dma_start3A_99 = arith.constant 9992 : i32
        %dma_start3A_100 = arith.constant 0 : i32
        %dma_start3A_101 = tpu.memref_slice %arg14[%dma_start3A_99, %dma_start3A_100] : memref<10000x128xf32, #tpu.memory_space<vmem_shared>> -> memref<8x128xf32, #tpu.memory_space<vmem_shared>>
        %dma_start3A_102 = arith.constant 9992 : i32
        %dma_start3A_103 = arith.constant 0 : i32
        %dma_start3A_104 = tpu.memref_slice %arg14[%dma_start3A_102, %dma_start3A_103] : memref<10000x128xf32, #tpu.memory_space<vmem_shared>> -> memref<8x128xf32, #tpu.memory_space<vmem_shared>>
        %dma_start3A_105 = arith.constant 0 : i32
        %dma_start3A_106 = arith.constant 0 : i32
        %dma_start3A_107 = tpu.memref_slice %arg10[%dma_start3A_105, %dma_start3A_106] : memref<80x128xf32, #tpu.memory_space<vmem>> -> memref<8x128xf32, #tpu.memory_space<vmem>>
        tpu.enqueue_dma source(%dma_start3A_107 : memref<8x128xf32, #tpu.memory_space<vmem>>) target(%dma_start3A_104 : memref<8x128xf32, #tpu.memory_space<vmem_shared>>) target_semaphore(%run_scoped3A : memref<!tpu.dma_semaphore, #tpu.memory_space<semaphore_mem>>)
        %dma_wait3A_108 = arith.constant 0 : i32
        %dma_wait3A_109 = arith.constant 0 : i32
        %dma_wait3A_110 = tpu.memref_slice %arg10[%dma_wait3A_108, %dma_wait3A_109] : memref<80x128xf32, #tpu.memory_space<vmem>> -> memref<8x128xf32, #tpu.memory_space<vmem>>
        %dma_wait3A_111 = arith.constant 9992 : i32
        %dma_wait3A_112 = arith.constant 0 : i32
        %dma_wait3A_113 = tpu.memref_slice %arg14[%dma_wait3A_111, %dma_wait3A_112] : memref<10000x128xf32, #tpu.memory_space<vmem_shared>> -> memref<8x128xf32, #tpu.memory_space<vmem_shared>>
        %dma_wait3A_114 = arith.constant 9992 : i32
        %dma_wait3A_115 = arith.constant 0 : i32
        %dma_wait3A_116 = tpu.memref_slice %arg14[%dma_wait3A_114, %dma_wait3A_115] : memref<10000x128xf32, #tpu.memory_space<vmem_shared>> -> memref<8x128xf32, #tpu.memory_space<vmem_shared>>
        %dma_wait3A_117 = arith.constant 0 : i32
        %dma_wait3A_118 = arith.constant 0 : i32
        %dma_wait3A_119 = tpu.memref_slice %arg10[%dma_wait3A_117, %dma_wait3A_118] : memref<80x128xf32, #tpu.memory_space<vmem>> -> memref<8x128xf32, #tpu.memory_space<vmem>>
        tpu.wait_dma2 semaphore(%run_scoped3A : memref<!tpu.dma_semaphore, #tpu.memory_space<semaphore_mem>>) src(%dma_wait3A_119 : memref<8x128xf32, #tpu.memory_space<vmem>>) dst(%dma_wait3A_116 : memref<8x128xf32, #tpu.memory_space<vmem_shared>>)
        tpu.yield
      }) : () -> ()
    } else {
    }
    "tpu.region"() ({
      %run_scoped3A = tpu.sem_alloc : memref<!tpu.dma_semaphore, #tpu.memory_space<semaphore_mem>>
      %dma_start3A_96 = tpu.memref_slice %arg3[%multiple_of3A] : memref<320000xi32, #tpu.memory_space<hbm>> -> memref<5120xi32, #tpu.memory_space<hbm>>
      %dma_start3A_97 = tpu.memref_slice %arg3[%multiple_of3A] : memref<320000xi32, #tpu.memory_space<hbm>> -> memref<5120xi32, #tpu.memory_space<hbm>>
      tpu.enqueue_dma source(%dma_start3A_97 : memref<5120xi32, #tpu.memory_space<hbm>>) target(%arg7 : memref<5120xi32, #tpu.memory_space<vmem>>) target_semaphore(%run_scoped3A : memref<!tpu.dma_semaphore, #tpu.memory_space<semaphore_mem>>)
      %dma_wait3A_98 = tpu.memref_slice %arg3[%multiple_of3A] : memref<320000xi32, #tpu.memory_space<hbm>> -> memref<5120xi32, #tpu.memory_space<hbm>>
      %dma_wait3A_99 = tpu.memref_slice %arg3[%multiple_of3A] : memref<320000xi32, #tpu.memory_space<hbm>> -> memref<5120xi32, #tpu.memory_space<hbm>>
      tpu.wait_dma2 semaphore(%run_scoped3A : memref<!tpu.dma_semaphore, #tpu.memory_space<semaphore_mem>>) src(%dma_wait3A_99 : memref<5120xi32, #tpu.memory_space<hbm>>) dst(%arg7 : memref<5120xi32, #tpu.memory_space<vmem>>)
      tpu.yield
    }) : () -> ()
    %barrier3A = arith.constant 0 : index
    tpu.barrier barrier_id(%barrier3A)
    %eq3A_51 = arith.constant 31 : i32
    %eq3A_52 = arith.cmpi eq, %add3A, %eq3A_51 : i32
    %jit3A = arith.constant 16 : i32
    %jit3A_53 = arith.constant 64 : i32
    %select_n3A = arith.select %eq3A_52, %jit3A, %jit3A_53 : i32
    %add3A_54 = arith.constant 0 : i32
    %add3A_55 = arith.addi %add3A_4, %add3A_54 : i32
    %dma_start3A = tpu.memref_slice %arg4[%add3A_55] : memref<320000xi32, #tpu.memory_space<hbm>> -> memref<80xi32, #tpu.memory_space<hbm>>
    %dma_start3A_56 = tpu.memref_slice %arg4[%add3A_55] : memref<320000xi32, #tpu.memory_space<hbm>> -> memref<80xi32, #tpu.memory_space<hbm>>
    tpu.enqueue_dma source(%dma_start3A_56 : memref<80xi32, #tpu.memory_space<hbm>>) target(%arg8 : memref<80xi32, #tpu.memory_space<vmem>>) target_semaphore(%arg17 : memref<!tpu.dma_semaphore, #tpu.memory_space<semaphore_mem>>)
    %add3A_57 = arith.constant 0 : i32
    %add3A_58 = arith.addi %sub3A, %add3A_57 : i32
    %multiple_of3A_59 = tpu.assume_multiple %add3A_58, 8 : i32
    %dma_start3A_60 = tpu.memref_slice %arg7[%multiple_of3A_59] : memref<5120xi32, #tpu.memory_space<vmem>> -> memref<80xi32, #tpu.memory_space<vmem>>
    %dma_start3A_61 = arith.constant 0 : i32
    %dma_start3A_62 = arith.constant 0 : i32
    %dma_start3A_63 = tpu.memref_slice %arg2[%dma_start3A_61, %dma_start3A_62] : memref<10000x128xf32, #tpu.memory_space<hbm>> -> memref<10000x128xf32, #tpu.memory_space<hbm>>
    tpu.enqueue_indirect_dma source(%dma_start3A_63 : memref<10000x128xf32, #tpu.memory_space<hbm>>) target(%arg10 : memref<80x128xf32, #tpu.memory_space<vmem>>) offsets(%dma_start3A_60 : memref<80xi32, #tpu.memory_space<vmem>>) semaphore(%arg15 : memref<!tpu.dma_semaphore, #tpu.memory_space<semaphore_mem>>)
    %mul3A_64 = arith.constant 5120 : i32
    %mul3A_65 = arith.muli %add3A, %mul3A_64 : i32
    %add3A_66 = arith.constant 0 : i32
    %add3A_67 = arith.addi %mul3A_65, %add3A_66 : i32
    %dma_start3A_68 = arith.constant 0 : i32
    %dma_start3A_69 = tpu.memref_slice %arg5[%add3A_67, %dma_start3A_68] : memref<160000x128xf32, #tpu.memory_space<hbm>> -> memref<80x128xf32, #tpu.memory_space<hbm>>
    %dma_start3A_70 = arith.constant 0 : i32
    %dma_start3A_71 = tpu.memref_slice %arg5[%add3A_67, %dma_start3A_70] : memref<160000x128xf32, #tpu.memory_space<hbm>> -> memref<80x128xf32, #tpu.memory_space<hbm>>
    tpu.enqueue_dma source(%dma_start3A_71 : memref<80x128xf32, #tpu.memory_space<hbm>>) target(%arg11 : memref<80x128xf32, #tpu.memory_space<vmem>>) target_semaphore(%arg16 : memref<!tpu.dma_semaphore, #tpu.memory_space<semaphore_mem>>)
    %scan3A_72 = arith.constant 0 : i32
    %scan3A_73 = arith.constant 0 : i32
    %scan3A_74 = arith.constant 64 : i32
    %scan3A_75 = arith.addi %scan3A_73, %scan3A_74 : i32
    %scan3A_76 = arith.constant 1 : i32
    %scan3A_77 = scf.for %scan3A_96 = %scan3A_73 to %scan3A_75 step %scan3A_76 iter_args(%scan3A_97 = %scan3A_72) -> (i32)  : i32 {
      %rem3A = arith.constant 2 : i32
      %rem3A_98 = arith.remsi %scan3A_96, %rem3A : i32
      %eq3A_99 = arith.constant 0 : i32
      %eq3A_100 = arith.cmpi eq, %rem3A_98, %eq3A_99 : i32
      %convert_element_type3A_101 = arith.extui %eq3A_100 : i1 to i32
      %cond3A_102 = arith.constant 0 : i32
      %cond3A_103 = arith.cmpi ne, %convert_element_type3A_101, %cond3A_102 : i32
      scf.if %cond3A_103 {
        %lt3A = arith.cmpi slt, %scan3A_96, %select_n3A : i32
        %convert_element_type3A_110 = arith.extui %lt3A : i1 to i32
        %cond3A_111 = arith.constant 0 : i32
        %cond3A_112 = arith.cmpi ne, %convert_element_type3A_110, %cond3A_111 : i32
        scf.if %cond3A_112 {
          %ge3A = arith.constant 1 : i32
          %ge3A_113 = arith.cmpi sge, %scan3A_96, %ge3A : i32
          %convert_element_type3A_114 = arith.extui %ge3A_113 : i1 to i32
          %cond3A_115 = arith.constant 0 : i32
          %cond3A_116 = arith.cmpi ne, %convert_element_type3A_114, %cond3A_115 : i32
          scf.if %cond3A_116 {
            %dma_wait3A_150 = arith.constant 0 : i32
            %dma_wait3A_151 = arith.constant 0 : i32
            %dma_wait3A_152 = tpu.memref_slice %arg14[%dma_wait3A_150, %dma_wait3A_151] : memref<10000x128xf32, #tpu.memory_space<vmem_shared>> -> memref<10000x128xf32, #tpu.memory_space<vmem_shared>>
            tpu.wait_indirect_dma semaphore(%arg22 : memref<!tpu.dma_semaphore, #tpu.memory_space<semaphore_mem>>) src(%arg12 : memref<80x128xf32, #tpu.memory_space<vmem>>) dst(%dma_wait3A_152 : memref<10000x128xf32, #tpu.memory_space<vmem_shared>>)
          } else {
          }
          %add3A_117 = arith.constant 1 : i32
          %add3A_118 = arith.addi %scan3A_96, %add3A_117 : i32
          %lt3A_119 = arith.cmpi slt, %add3A_118, %select_n3A : i32
          %convert_element_type3A_120 = arith.extui %lt3A_119 : i1 to i32
          %cond3A_121 = arith.constant 0 : i32
          %cond3A_122 = arith.cmpi ne, %convert_element_type3A_120, %cond3A_121 : i32
          scf.if %cond3A_122 {
            %add3A_150 = arith.constant 1 : i32
            %add3A_151 = arith.addi %scan3A_96, %add3A_150 : i32
            %mul3A_152 = arith.constant 80 : i32
            %mul3A_153 = arith.muli %add3A_151, %mul3A_152 : i32
            %add3A_154 = arith.addi %add3A_4, %mul3A_153 : i32
            %dma_start3A_155 = tpu.memref_slice %arg4[%add3A_154] : memref<320000xi32, #tpu.memory_space<hbm>> -> memref<80xi32, #tpu.memory_space<hbm>>
            %dma_start3A_156 = tpu.memref_slice %arg4[%add3A_154] : memref<320000xi32, #tpu.memory_space<hbm>> -> memref<80xi32, #tpu.memory_space<hbm>>
            tpu.enqueue_dma source(%dma_start3A_156 : memref<80xi32, #tpu.memory_space<hbm>>) target(%arg9 : memref<80xi32, #tpu.memory_space<vmem>>) target_semaphore(%arg21 : memref<!tpu.dma_semaphore, #tpu.memory_space<semaphore_mem>>)
            %add3A_157 = arith.constant 1 : i32
            %add3A_158 = arith.addi %scan3A_96, %add3A_157 : i32
            %mul3A_159 = arith.constant 80 : i32
            %mul3A_160 = arith.muli %add3A_158, %mul3A_159 : i32
            %add3A_161 = arith.addi %sub3A, %mul3A_160 : i32
            %multiple_of3A_162 = tpu.assume_multiple %add3A_161, 8 : i32
            %dma_start3A_163 = tpu.memref_slice %arg7[%multiple_of3A_162] : memref<5120xi32, #tpu.memory_space<vmem>> -> memref<80xi32, #tpu.memory_space<vmem>>
            %dma_start3A_164 = arith.constant 0 : i32
            %dma_start3A_165 = arith.constant 0 : i32
            %dma_start3A_166 = tpu.memref_slice %arg2[%dma_start3A_164, %dma_start3A_165] : memref<10000x128xf32, #tpu.memory_space<hbm>> -> memref<10000x128xf32, #tpu.memory_space<hbm>>
            tpu.enqueue_indirect_dma source(%dma_start3A_166 : memref<10000x128xf32, #tpu.memory_space<hbm>>) target(%arg12 : memref<80x128xf32, #tpu.memory_space<vmem>>) offsets(%dma_start3A_163 : memref<80xi32, #tpu.memory_space<vmem>>) semaphore(%arg19 : memref<!tpu.dma_semaphore, #tpu.memory_space<semaphore_mem>>)
            %mul3A_167 = arith.constant 5120 : i32
            %mul3A_168 = arith.muli %add3A, %mul3A_167 : i32
            %mul3A_169 = arith.constant 80 : i32
            %mul3A_170 = arith.muli %add3A_158, %mul3A_169 : i32
            %add3A_171 = arith.addi %mul3A_168, %mul3A_170 : i32
            %dma_start3A_172 = arith.constant 0 : i32
            %dma_start3A_173 = tpu.memref_slice %arg5[%add3A_171, %dma_start3A_172] : memref<160000x128xf32, #tpu.memory_space<hbm>> -> memref<80x128xf32, #tpu.memory_space<hbm>>
            %dma_start3A_174 = arith.constant 0 : i32
            %dma_start3A_175 = tpu.memref_slice %arg5[%add3A_171, %dma_start3A_174] : memref<160000x128xf32, #tpu.memory_space<hbm>> -> memref<80x128xf32, #tpu.memory_space<hbm>>
            tpu.enqueue_dma source(%dma_start3A_175 : memref<80x128xf32, #tpu.memory_space<hbm>>) target(%arg13 : memref<80x128xf32, #tpu.memory_space<vmem>>) target_semaphore(%arg20 : memref<!tpu.dma_semaphore, #tpu.memory_space<semaphore_mem>>)
          } else {
          }
          %mul3A_123 = arith.constant 80 : i32
          %mul3A_124 = arith.muli %scan3A_96, %mul3A_123 : i32
          %add3A_125 = arith.addi %sub3A, %mul3A_124 : i32
          %multiple_of3A_126 = tpu.assume_multiple %add3A_125, 8 : i32
          %dma_wait3A_127 = tpu.memref_slice %arg7[%multiple_of3A_126] : memref<5120xi32, #tpu.memory_space<vmem>> -> memref<80xi32, #tpu.memory_space<vmem>>
          %dma_wait3A_128 = arith.constant 0 : i32
          %dma_wait3A_129 = arith.constant 0 : i32
          %dma_wait3A_130 = tpu.memref_slice %arg2[%dma_wait3A_128, %dma_wait3A_129] : memref<10000x128xf32, #tpu.memory_space<hbm>> -> memref<10000x128xf32, #tpu.memory_space<hbm>>
          tpu.wait_indirect_dma semaphore(%arg15 : memref<!tpu.dma_semaphore, #tpu.memory_space<semaphore_mem>>) src(%dma_wait3A_130 : memref<10000x128xf32, #tpu.memory_space<hbm>>) dst(%arg10 : memref<80x128xf32, #tpu.memory_space<vmem>>)
          %mul3A_131 = arith.constant 5120 : i32
          %mul3A_132 = arith.muli %add3A, %mul3A_131 : i32
          %mul3A_133 = arith.constant 80 : i32
          %mul3A_134 = arith.muli %scan3A_96, %mul3A_133 : i32
          %add3A_135 = arith.addi %mul3A_132, %mul3A_134 : i32
          %dma_wait3A_136 = arith.constant 0 : i32
          %dma_wait3A_137 = tpu.memref_slice %arg5[%add3A_135, %dma_wait3A_136] : memref<160000x128xf32, #tpu.memory_space<hbm>> -> memref<80x128xf32, #tpu.memory_space<hbm>>
          %dma_wait3A_138 = arith.constant 0 : i32
          %dma_wait3A_139 = tpu.memref_slice %arg5[%add3A_135, %dma_wait3A_138] : memref<160000x128xf32, #tpu.memory_space<hbm>> -> memref<80x128xf32, #tpu.memory_space<hbm>>
          tpu.wait_dma2 semaphore(%arg16 : memref<!tpu.dma_semaphore, #tpu.memory_space<semaphore_mem>>) src(%dma_wait3A_139 : memref<80x128xf32, #tpu.memory_space<hbm>>) dst(%arg11 : memref<80x128xf32, #tpu.memory_space<vmem>>)
          %mul3A_140 = arith.constant 80 : i32
          %mul3A_141 = arith.muli %scan3A_96, %mul3A_140 : i32
          %add3A_142 = arith.addi %add3A_4, %mul3A_141 : i32
          %dma_wait3A_143 = tpu.memref_slice %arg4[%add3A_142] : memref<320000xi32, #tpu.memory_space<hbm>> -> memref<80xi32, #tpu.memory_space<hbm>>
          %dma_wait3A_144 = tpu.memref_slice %arg4[%add3A_142] : memref<320000xi32, #tpu.memory_space<hbm>> -> memref<80xi32, #tpu.memory_space<hbm>>
          tpu.wait_dma2 semaphore(%arg17 : memref<!tpu.dma_semaphore, #tpu.memory_space<semaphore_mem>>) src(%dma_wait3A_144 : memref<80xi32, #tpu.memory_space<hbm>>) dst(%arg8 : memref<80xi32, #tpu.memory_space<vmem>>)
          %parallel_loop3A = arith.constant 0 : i32
          %parallel_loop3A_145 = arith.constant 80 : i32
          %parallel_loop3A_146 = arith.constant 1 : i32
          scf.for %parallel_loop3A_150 = %parallel_loop3A to %parallel_loop3A_145 step %parallel_loop3A_146  : i32 {
            %parallel_loop3A_151 = arith.constant 0.000000e+00 : f32
            %parallel_loop3A_152 = vector.broadcast %parallel_loop3A_151 : f32 to vector<16xf32>
            %parallel_loop3A_153 = arith.index_cast %parallel_loop3A_150 : i32 to index
            %parallel_loop3A_154 = arith.constant 0 : index
            %parallel_loop3A_155 = tpu.vector_load %arg10[%parallel_loop3A_153, %parallel_loop3A_154] {strides = array<i32>} : memref<80x128xf32, #tpu.memory_space<vmem>>, vector<1x16xf32>,
            %parallel_loop3A_156 = vector.shape_cast %parallel_loop3A_155 : vector<1x16xf32> to vector<16xf32>
            %parallel_loop3A_157 = arith.index_cast %parallel_loop3A_150 : i32 to index
            %parallel_loop3A_158 = arith.constant 0 : index
            %parallel_loop3A_159 = tpu.vector_load %arg11[%parallel_loop3A_157, %parallel_loop3A_158] {strides = array<i32>} : memref<80x128xf32, #tpu.memory_space<vmem>>, vector<1x16xf32>,
            %parallel_loop3A_160 = vector.shape_cast %parallel_loop3A_159 : vector<1x16xf32> to vector<16xf32>
            %parallel_loop3A_161 = arith.addf %parallel_loop3A_156, %parallel_loop3A_160 : vector<16xf32>
            %parallel_loop3A_162 = arith.maximumf %parallel_loop3A_161, %parallel_loop3A_152 : vector<16xf32>
            %parallel_loop3A_163 = arith.index_cast %parallel_loop3A_150 : i32 to index
            %parallel_loop3A_164 = arith.constant 0 : index
            %parallel_loop3A_165 = tpu.vector_load %arg10[%parallel_loop3A_163, %parallel_loop3A_164] {strides = array<i32>} : memref<80x128xf32, #tpu.memory_space<vmem>>, vector<1x16xf32>,
            %parallel_loop3A_166 = vector.shape_cast %parallel_loop3A_165 : vector<1x16xf32> to vector<16xf32>
            %parallel_loop3A_167 = vector.shape_cast %parallel_loop3A_162 : vector<16xf32> to vector<1x16xf32>
            tpu.vector_store %arg10[%parallel_loop3A_163, %parallel_loop3A_164], %parallel_loop3A_167 {strides = array<i32>} : memref<80x128xf32, #tpu.memory_space<vmem>>, vector<1x16xf32>,
            %parallel_loop3A_168 = arith.index_cast %parallel_loop3A_150 : i32 to index
            %parallel_loop3A_169 = arith.constant 16 : index
            %parallel_loop3A_170 = tpu.vector_load %arg10[%parallel_loop3A_168, %parallel_loop3A_169] {strides = array<i32>} : memref<80x128xf32, #tpu.memory_space<vmem>>, vector<1x16xf32>,
            %parallel_loop3A_171 = vector.shape_cast %parallel_loop3A_170 : vector<1x16xf32> to vector<16xf32>
            %parallel_loop3A_172 = arith.index_cast %parallel_loop3A_150 : i32 to index
            %parallel_loop3A_173 = arith.constant 16 : index
            %parallel_loop3A_174 = tpu.vector_load %arg11[%parallel_loop3A_172, %parallel_loop3A_173] {strides = array<i32>} : memref<80x128xf32, #tpu.memory_space<vmem>>, vector<1x16xf32>,
            %parallel_loop3A_175 = vector.shape_cast %parallel_loop3A_174 : vector<1x16xf32> to vector<16xf32>
            %parallel_loop3A_176 = arith.addf %parallel_loop3A_171, %parallel_loop3A_175 : vector<16xf32>
            %parallel_loop3A_177 = arith.maximumf %parallel_loop3A_176, %parallel_loop3A_152 : vector<16xf32>
            %parallel_loop3A_178 = arith.index_cast %parallel_loop3A_150 : i32 to index
            %parallel_loop3A_179 = arith.constant 16 : index
            %parallel_loop3A_180 = tpu.vector_load %arg10[%parallel_loop3A_178, %parallel_loop3A_179] {strides = array<i32>} : memref<80x128xf32, #tpu.memory_space<vmem>>, vector<1x16xf32>,
            %parallel_loop3A_181 = vector.shape_cast %parallel_loop3A_180 : vector<1x16xf32> to vector<16xf32>
            %parallel_loop3A_182 = vector.shape_cast %parallel_loop3A_177 : vector<16xf32> to vector<1x16xf32>
            tpu.vector_store %arg10[%parallel_loop3A_178, %parallel_loop3A_179], %parallel_loop3A_182 {strides = array<i32>} : memref<80x128xf32, #tpu.memory_space<vmem>>, vector<1x16xf32>,
            %parallel_loop3A_183 = arith.index_cast %parallel_loop3A_150 : i32 to index
            %parallel_loop3A_184 = arith.constant 32 : index
            %parallel_loop3A_185 = tpu.vector_load %arg10[%parallel_loop3A_183, %parallel_loop3A_184] {strides = array<i32>} : memref<80x128xf32, #tpu.memory_space<vmem>>, vector<1x16xf32>,
            %parallel_loop3A_186 = vector.shape_cast %parallel_loop3A_185 : vector<1x16xf32> to vector<16xf32>
            %parallel_loop3A_187 = arith.index_cast %parallel_loop3A_150 : i32 to index
            %parallel_loop3A_188 = arith.constant 32 : index
            %parallel_loop3A_189 = tpu.vector_load %arg11[%parallel_loop3A_187, %parallel_loop3A_188] {strides = array<i32>} : memref<80x128xf32, #tpu.memory_space<vmem>>, vector<1x16xf32>,
            %parallel_loop3A_190 = vector.shape_cast %parallel_loop3A_189 : vector<1x16xf32> to vector<16xf32>
            %parallel_loop3A_191 = arith.addf %parallel_loop3A_186, %parallel_loop3A_190 : vector<16xf32>
            %parallel_loop3A_192 = arith.maximumf %parallel_loop3A_191, %parallel_loop3A_152 : vector<16xf32>
            %parallel_loop3A_193 = arith.index_cast %parallel_loop3A_150 : i32 to index
            %parallel_loop3A_194 = arith.constant 32 : index
            %parallel_loop3A_195 = tpu.vector_load %arg10[%parallel_loop3A_193, %parallel_loop3A_194] {strides = array<i32>} : memref<80x128xf32, #tpu.memory_space<vmem>>, vector<1x16xf32>,
            %parallel_loop3A_196 = vector.shape_cast %parallel_loop3A_195 : vector<1x16xf32> to vector<16xf32>
            %parallel_loop3A_197 = vector.shape_cast %parallel_loop3A_192 : vector<16xf32> to vector<1x16xf32>
            tpu.vector_store %arg10[%parallel_loop3A_193, %parallel_loop3A_194], %parallel_loop3A_197 {strides = array<i32>} : memref<80x128xf32, #tpu.memory_space<vmem>>, vector<1x16xf32>,
            %parallel_loop3A_198 = arith.index_cast %parallel_loop3A_150 : i32 to index
            %parallel_loop3A_199 = arith.constant 48 : index
            %parallel_loop3A_200 = tpu.vector_load %arg10[%parallel_loop3A_198, %parallel_loop3A_199] {strides = array<i32>} : memref<80x128xf32, #tpu.memory_space<vmem>>, vector<1x16xf32>,
            %parallel_loop3A_201 = vector.shape_cast %parallel_loop3A_200 : vector<1x16xf32> to vector<16xf32>
            %parallel_loop3A_202 = arith.index_cast %parallel_loop3A_150 : i32 to index
            %parallel_loop3A_203 = arith.constant 48 : index
            %parallel_loop3A_204 = tpu.vector_load %arg11[%parallel_loop3A_202, %parallel_loop3A_203] {strides = array<i32>} : memref<80x128xf32, #tpu.memory_space<vmem>>, vector<1x16xf32>,
            %parallel_loop3A_205 = vector.shape_cast %parallel_loop3A_204 : vector<1x16xf32> to vector<16xf32>
            %parallel_loop3A_206 = arith.addf %parallel_loop3A_201, %parallel_loop3A_205 : vector<16xf32>
            %parallel_loop3A_207 = arith.maximumf %parallel_loop3A_206, %parallel_loop3A_152 : vector<16xf32>
            %parallel_loop3A_208 = arith.index_cast %parallel_loop3A_150 : i32 to index
            %parallel_loop3A_209 = arith.constant 48 : index
            %parallel_loop3A_210 = tpu.vector_load %arg10[%parallel_loop3A_208, %parallel_loop3A_209] {strides = array<i32>} : memref<80x128xf32, #tpu.memory_space<vmem>>, vector<1x16xf32>,
            %parallel_loop3A_211 = vector.shape_cast %parallel_loop3A_210 : vector<1x16xf32> to vector<16xf32>
            %parallel_loop3A_212 = vector.shape_cast %parallel_loop3A_207 : vector<16xf32> to vector<1x16xf32>
            tpu.vector_store %arg10[%parallel_loop3A_208, %parallel_loop3A_209], %parallel_loop3A_212 {strides = array<i32>} : memref<80x128xf32, #tpu.memory_space<vmem>>, vector<1x16xf32>,
            %parallel_loop3A_213 = arith.index_cast %parallel_loop3A_150 : i32 to index
            %parallel_loop3A_214 = arith.constant 64 : index
            %parallel_loop3A_215 = tpu.vector_load %arg10[%parallel_loop3A_213, %parallel_loop3A_214] {strides = array<i32>} : memref<80x128xf32, #tpu.memory_space<vmem>>, vector<1x16xf32>,
            %parallel_loop3A_216 = vector.shape_cast %parallel_loop3A_215 : vector<1x16xf32> to vector<16xf32>
            %parallel_loop3A_217 = arith.index_cast %parallel_loop3A_150 : i32 to index
            %parallel_loop3A_218 = arith.constant 64 : index
            %parallel_loop3A_219 = tpu.vector_load %arg11[%parallel_loop3A_217, %parallel_loop3A_218] {strides = array<i32>} : memref<80x128xf32, #tpu.memory_space<vmem>>, vector<1x16xf32>,
            %parallel_loop3A_220 = vector.shape_cast %parallel_loop3A_219 : vector<1x16xf32> to vector<16xf32>
            %parallel_loop3A_221 = arith.addf %parallel_loop3A_216, %parallel_loop3A_220 : vector<16xf32>
            %parallel_loop3A_222 = arith.maximumf %parallel_loop3A_221, %parallel_loop3A_152 : vector<16xf32>
            %parallel_loop3A_223 = arith.index_cast %parallel_loop3A_150 : i32 to index
            %parallel_loop3A_224 = arith.constant 64 : index
            %parallel_loop3A_225 = tpu.vector_load %arg10[%parallel_loop3A_223, %parallel_loop3A_224] {strides = array<i32>} : memref<80x128xf32, #tpu.memory_space<vmem>>, vector<1x16xf32>,
            %parallel_loop3A_226 = vector.shape_cast %parallel_loop3A_225 : vector<1x16xf32> to vector<16xf32>
            %parallel_loop3A_227 = vector.shape_cast %parallel_loop3A_222 : vector<16xf32> to vector<1x16xf32>
            tpu.vector_store %arg10[%parallel_loop3A_223, %parallel_loop3A_224], %parallel_loop3A_227 {strides = array<i32>} : memref<80x128xf32, #tpu.memory_space<vmem>>, vector<1x16xf32>,
            %parallel_loop3A_228 = arith.index_cast %parallel_loop3A_150 : i32 to index
            %parallel_loop3A_229 = arith.constant 80 : index
            %parallel_loop3A_230 = tpu.vector_load %arg10[%parallel_loop3A_228, %parallel_loop3A_229] {strides = array<i32>} : memref<80x128xf32, #tpu.memory_space<vmem>>, vector<1x16xf32>,
            %parallel_loop3A_231 = vector.shape_cast %parallel_loop3A_230 : vector<1x16xf32> to vector<16xf32>
            %parallel_loop3A_232 = arith.index_cast %parallel_loop3A_150 : i32 to index
            %parallel_loop3A_233 = arith.constant 80 : index
            %parallel_loop3A_234 = tpu.vector_load %arg11[%parallel_loop3A_232, %parallel_loop3A_233] {strides = array<i32>} : memref<80x128xf32, #tpu.memory_space<vmem>>, vector<1x16xf32>,
            %parallel_loop3A_235 = vector.shape_cast %parallel_loop3A_234 : vector<1x16xf32> to vector<16xf32>
            %parallel_loop3A_236 = arith.addf %parallel_loop3A_231, %parallel_loop3A_235 : vector<16xf32>
            %parallel_loop3A_237 = arith.maximumf %parallel_loop3A_236, %parallel_loop3A_152 : vector<16xf32>
            %parallel_loop3A_238 = arith.index_cast %parallel_loop3A_150 : i32 to index
            %parallel_loop3A_239 = arith.constant 80 : index
            %parallel_loop3A_240 = tpu.vector_load %arg10[%parallel_loop3A_238, %parallel_loop3A_239] {strides = array<i32>} : memref<80x128xf32, #tpu.memory_space<vmem>>, vector<1x16xf32>,
            %parallel_loop3A_241 = vector.shape_cast %parallel_loop3A_240 : vector<1x16xf32> to vector<16xf32>
            %parallel_loop3A_242 = vector.shape_cast %parallel_loop3A_237 : vector<16xf32> to vector<1x16xf32>
            tpu.vector_store %arg10[%parallel_loop3A_238, %parallel_loop3A_239], %parallel_loop3A_242 {strides = array<i32>} : memref<80x128xf32, #tpu.memory_space<vmem>>, vector<1x16xf32>,
            %parallel_loop3A_243 = arith.index_cast %parallel_loop3A_150 : i32 to index
            %parallel_loop3A_244 = arith.constant 96 : index
            %parallel_loop3A_245 = tpu.vector_load %arg10[%parallel_loop3A_243, %parallel_loop3A_244] {strides = array<i32>} : memref<80x128xf32, #tpu.memory_space<vmem>>, vector<1x16xf32>,
            %parallel_loop3A_246 = vector.shape_cast %parallel_loop3A_245 : vector<1x16xf32> to vector<16xf32>
            %parallel_loop3A_247 = arith.index_cast %parallel_loop3A_150 : i32 to index
            %parallel_loop3A_248 = arith.constant 96 : index
            %parallel_loop3A_249 = tpu.vector_load %arg11[%parallel_loop3A_247, %parallel_loop3A_248] {strides = array<i32>} : memref<80x128xf32, #tpu.memory_space<vmem>>, vector<1x16xf32>,
            %parallel_loop3A_250 = vector.shape_cast %parallel_loop3A_249 : vector<1x16xf32> to vector<16xf32>
            %parallel_loop3A_251 = arith.addf %parallel_loop3A_246, %parallel_loop3A_250 : vector<16xf32>
            %parallel_loop3A_252 = arith.maximumf %parallel_loop3A_251, %parallel_loop3A_152 : vector<16xf32>
            %parallel_loop3A_253 = arith.index_cast %parallel_loop3A_150 : i32 to index
            %parallel_loop3A_254 = arith.constant 96 : index
            %parallel_loop3A_255 = tpu.vector_load %arg10[%parallel_loop3A_253, %parallel_loop3A_254] {strides = array<i32>} : memref<80x128xf32, #tpu.memory_space<vmem>>, vector<1x16xf32>,
            %parallel_loop3A_256 = vector.shape_cast %parallel_loop3A_255 : vector<1x16xf32> to vector<16xf32>
            %parallel_loop3A_257 = vector.shape_cast %parallel_loop3A_252 : vector<16xf32> to vector<1x16xf32>
            tpu.vector_store %arg10[%parallel_loop3A_253, %parallel_loop3A_254], %parallel_loop3A_257 {strides = array<i32>} : memref<80x128xf32, #tpu.memory_space<vmem>>, vector<1x16xf32>,
            %parallel_loop3A_258 = arith.index_cast %parallel_loop3A_150 : i32 to index
            %parallel_loop3A_259 = arith.constant 112 : index
            %parallel_loop3A_260 = tpu.vector_load %arg10[%parallel_loop3A_258, %parallel_loop3A_259] {strides = array<i32>} : memref<80x128xf32, #tpu.memory_space<vmem>>, vector<1x16xf32>,
            %parallel_loop3A_261 = vector.shape_cast %parallel_loop3A_260 : vector<1x16xf32> to vector<16xf32>
            %parallel_loop3A_262 = arith.index_cast %parallel_loop3A_150 : i32 to index
            %parallel_loop3A_263 = arith.constant 112 : index
            %parallel_loop3A_264 = tpu.vector_load %arg11[%parallel_loop3A_262, %parallel_loop3A_263] {strides = array<i32>} : memref<80x128xf32, #tpu.memory_space<vmem>>, vector<1x16xf32>,
            %parallel_loop3A_265 = vector.shape_cast %parallel_loop3A_264 : vector<1x16xf32> to vector<16xf32>
            %parallel_loop3A_266 = arith.addf %parallel_loop3A_261, %parallel_loop3A_265 : vector<16xf32>
            %parallel_loop3A_267 = arith.maximumf %parallel_loop3A_266, %parallel_loop3A_152 : vector<16xf32>
            %parallel_loop3A_268 = arith.index_cast %parallel_loop3A_150 : i32 to index
            %parallel_loop3A_269 = arith.constant 112 : index
            %parallel_loop3A_270 = tpu.vector_load %arg10[%parallel_loop3A_268, %parallel_loop3A_269] {strides = array<i32>} : memref<80x128xf32, #tpu.memory_space<vmem>>, vector<1x16xf32>,
            %parallel_loop3A_271 = vector.shape_cast %parallel_loop3A_270 : vector<1x16xf32> to vector<16xf32>
            %parallel_loop3A_272 = vector.shape_cast %parallel_loop3A_267 : vector<16xf32> to vector<1x16xf32>
            tpu.vector_store %arg10[%parallel_loop3A_268, %parallel_loop3A_269], %parallel_loop3A_272 {strides = array<i32>} : memref<80x128xf32, #tpu.memory_space<vmem>>, vector<1x16xf32>,
          } {sc.loop_unroll_factor = 2 : i64, sc.parallel_access}
          %dma_start3A_147 = arith.constant 0 : i32
          %dma_start3A_148 = arith.constant 0 : i32
          %dma_start3A_149 = tpu.memref_slice %arg14[%dma_start3A_147, %dma_start3A_148] : memref<10000x128xf32, #tpu.memory_space<vmem_shared>> -> memref<10000x128xf32, #tpu.memory_space<vmem_shared>>
          tpu.enqueue_indirect_dma source(%arg10 : memref<80x128xf32, #tpu.memory_space<vmem>>) target(%dma_start3A_149 : memref<10000x128xf32, #tpu.memory_space<vmem_shared>>) offsets(%arg8 : memref<80xi32, #tpu.memory_space<vmem>>) semaphore(%arg18 : memref<!tpu.dma_semaphore, #tpu.memory_space<semaphore_mem>>) {add = true}
        } else {
        }
      } else {
      }
      %eq3A_104 = arith.constant 1 : i32
      %eq3A_105 = arith.cmpi eq, %rem3A_98, %eq3A_104 : i32
      %convert_element_type3A_106 = arith.extui %eq3A_105 : i1 to i32
      %cond3A_107 = arith.constant 0 : i32
      %cond3A_108 = arith.cmpi ne, %convert_element_type3A_106, %cond3A_107 : i32
      scf.if %cond3A_108 {
        %lt3A = arith.cmpi slt, %scan3A_96, %select_n3A : i32
        %convert_element_type3A_110 = arith.extui %lt3A : i1 to i32
        %cond3A_111 = arith.constant 0 : i32
        %cond3A_112 = arith.cmpi ne, %convert_element_type3A_110, %cond3A_111 : i32
        scf.if %cond3A_112 {
          %ge3A = arith.constant 1 : i32
          %ge3A_113 = arith.cmpi sge, %scan3A_96, %ge3A : i32
          %convert_element_type3A_114 = arith.extui %ge3A_113 : i1 to i32
          %cond3A_115 = arith.constant 0 : i32
          %cond3A_116 = arith.cmpi ne, %convert_element_type3A_114, %cond3A_115 : i32
          scf.if %cond3A_116 {
            %dma_wait3A_150 = arith.constant 0 : i32
            %dma_wait3A_151 = arith.constant 0 : i32
            %dma_wait3A_152 = tpu.memref_slice %arg14[%dma_wait3A_150, %dma_wait3A_151] : memref<10000x128xf32, #tpu.memory_space<vmem_shared>> -> memref<10000x128xf32, #tpu.memory_space<vmem_shared>>
            tpu.wait_indirect_dma semaphore(%arg18 : memref<!tpu.dma_semaphore, #tpu.memory_space<semaphore_mem>>) src(%arg10 : memref<80x128xf32, #tpu.memory_space<vmem>>) dst(%dma_wait3A_152 : memref<10000x128xf32, #tpu.memory_space<vmem_shared>>)
          } else {
          }
          %add3A_117 = arith.constant 1 : i32
          %add3A_118 = arith.addi %scan3A_96, %add3A_117 : i32
          %lt3A_119 = arith.cmpi slt, %add3A_118, %select_n3A : i32
          %convert_element_type3A_120 = arith.extui %lt3A_119 : i1 to i32
          %cond3A_121 = arith.constant 0 : i32
          %cond3A_122 = arith.cmpi ne, %convert_element_type3A_120, %cond3A_121 : i32
          scf.if %cond3A_122 {
            %add3A_150 = arith.constant 1 : i32
            %add3A_151 = arith.addi %scan3A_96, %add3A_150 : i32
            %mul3A_152 = arith.constant 80 : i32
            %mul3A_153 = arith.muli %add3A_151, %mul3A_152 : i32
            %add3A_154 = arith.addi %add3A_4, %mul3A_153 : i32
            %dma_start3A_155 = tpu.memref_slice %arg4[%add3A_154] : memref<320000xi32, #tpu.memory_space<hbm>> -> memref<80xi32, #tpu.memory_space<hbm>>
            %dma_start3A_156 = tpu.memref_slice %arg4[%add3A_154] : memref<320000xi32, #tpu.memory_space<hbm>> -> memref<80xi32, #tpu.memory_space<hbm>>
            tpu.enqueue_dma source(%dma_start3A_156 : memref<80xi32, #tpu.memory_space<hbm>>) target(%arg8 : memref<80xi32, #tpu.memory_space<vmem>>) target_semaphore(%arg17 : memref<!tpu.dma_semaphore, #tpu.memory_space<semaphore_mem>>)
            %add3A_157 = arith.constant 1 : i32
            %add3A_158 = arith.addi %scan3A_96, %add3A_157 : i32
            %mul3A_159 = arith.constant 80 : i32
            %mul3A_160 = arith.muli %add3A_158, %mul3A_159 : i32
            %add3A_161 = arith.addi %sub3A, %mul3A_160 : i32
            %multiple_of3A_162 = tpu.assume_multiple %add3A_161, 8 : i32
            %dma_start3A_163 = tpu.memref_slice %arg7[%multiple_of3A_162] : memref<5120xi32, #tpu.memory_space<vmem>> -> memref<80xi32, #tpu.memory_space<vmem>>
            %dma_start3A_164 = arith.constant 0 : i32
            %dma_start3A_165 = arith.constant 0 : i32
            %dma_start3A_166 = tpu.memref_slice %arg2[%dma_start3A_164, %dma_start3A_165] : memref<10000x128xf32, #tpu.memory_space<hbm>> -> memref<10000x128xf32, #tpu.memory_space<hbm>>
            tpu.enqueue_indirect_dma source(%dma_start3A_166 : memref<10000x128xf32, #tpu.memory_space<hbm>>) target(%arg10 : memref<80x128xf32, #tpu.memory_space<vmem>>) offsets(%dma_start3A_163 : memref<80xi32, #tpu.memory_space<vmem>>) semaphore(%arg15 : memref<!tpu.dma_semaphore, #tpu.memory_space<semaphore_mem>>)
            %mul3A_167 = arith.constant 5120 : i32
            %mul3A_168 = arith.muli %add3A, %mul3A_167 : i32
            %mul3A_169 = arith.constant 80 : i32
            %mul3A_170 = arith.muli %add3A_158, %mul3A_169 : i32
            %add3A_171 = arith.addi %mul3A_168, %mul3A_170 : i32
            %dma_start3A_172 = arith.constant 0 : i32
            %dma_start3A_173 = tpu.memref_slice %arg5[%add3A_171, %dma_start3A_172] : memref<160000x128xf32, #tpu.memory_space<hbm>> -> memref<80x128xf32, #tpu.memory_space<hbm>>
            %dma_start3A_174 = arith.constant 0 : i32
            %dma_start3A_175 = tpu.memref_slice %arg5[%add3A_171, %dma_start3A_174] : memref<160000x128xf32, #tpu.memory_space<hbm>> -> memref<80x128xf32, #tpu.memory_space<hbm>>
            tpu.enqueue_dma source(%dma_start3A_175 : memref<80x128xf32, #tpu.memory_space<hbm>>) target(%arg11 : memref<80x128xf32, #tpu.memory_space<vmem>>) target_semaphore(%arg16 : memref<!tpu.dma_semaphore, #tpu.memory_space<semaphore_mem>>)
          } else {
          }
          %mul3A_123 = arith.constant 80 : i32
          %mul3A_124 = arith.muli %scan3A_96, %mul3A_123 : i32
          %add3A_125 = arith.addi %sub3A, %mul3A_124 : i32
          %multiple_of3A_126 = tpu.assume_multiple %add3A_125, 8 : i32
          %dma_wait3A_127 = tpu.memref_slice %arg7[%multiple_of3A_126] : memref<5120xi32, #tpu.memory_space<vmem>> -> memref<80xi32, #tpu.memory_space<vmem>>
          %dma_wait3A_128 = arith.constant 0 : i32
          %dma_wait3A_129 = arith.constant 0 : i32
          %dma_wait3A_130 = tpu.memref_slice %arg2[%dma_wait3A_128, %dma_wait3A_129] : memref<10000x128xf32, #tpu.memory_space<hbm>> -> memref<10000x128xf32, #tpu.memory_space<hbm>>
          tpu.wait_indirect_dma semaphore(%arg19 : memref<!tpu.dma_semaphore, #tpu.memory_space<semaphore_mem>>) src(%dma_wait3A_130 : memref<10000x128xf32, #tpu.memory_space<hbm>>) dst(%arg12 : memref<80x128xf32, #tpu.memory_space<vmem>>)
          %mul3A_131 = arith.constant 5120 : i32
          %mul3A_132 = arith.muli %add3A, %mul3A_131 : i32
          %mul3A_133 = arith.constant 80 : i32
          %mul3A_134 = arith.muli %scan3A_96, %mul3A_133 : i32
          %add3A_135 = arith.addi %mul3A_132, %mul3A_134 : i32
          %dma_wait3A_136 = arith.constant 0 : i32
          %dma_wait3A_137 = tpu.memref_slice %arg5[%add3A_135, %dma_wait3A_136] : memref<160000x128xf32, #tpu.memory_space<hbm>> -> memref<80x128xf32, #tpu.memory_space<hbm>>
          %dma_wait3A_138 = arith.constant 0 : i32
          %dma_wait3A_139 = tpu.memref_slice %arg5[%add3A_135, %dma_wait3A_138] : memref<160000x128xf32, #tpu.memory_space<hbm>> -> memref<80x128xf32, #tpu.memory_space<hbm>>
          tpu.wait_dma2 semaphore(%arg20 : memref<!tpu.dma_semaphore, #tpu.memory_space<semaphore_mem>>) src(%dma_wait3A_139 : memref<80x128xf32, #tpu.memory_space<hbm>>) dst(%arg13 : memref<80x128xf32, #tpu.memory_space<vmem>>)
          %mul3A_140 = arith.constant 80 : i32
          %mul3A_141 = arith.muli %scan3A_96, %mul3A_140 : i32
          %add3A_142 = arith.addi %add3A_4, %mul3A_141 : i32
          %dma_wait3A_143 = tpu.memref_slice %arg4[%add3A_142] : memref<320000xi32, #tpu.memory_space<hbm>> -> memref<80xi32, #tpu.memory_space<hbm>>
          %dma_wait3A_144 = tpu.memref_slice %arg4[%add3A_142] : memref<320000xi32, #tpu.memory_space<hbm>> -> memref<80xi32, #tpu.memory_space<hbm>>
          tpu.wait_dma2 semaphore(%arg21 : memref<!tpu.dma_semaphore, #tpu.memory_space<semaphore_mem>>) src(%dma_wait3A_144 : memref<80xi32, #tpu.memory_space<hbm>>) dst(%arg9 : memref<80xi32, #tpu.memory_space<vmem>>)
          %parallel_loop3A = arith.constant 0 : i32
          %parallel_loop3A_145 = arith.constant 80 : i32
          %parallel_loop3A_146 = arith.constant 1 : i32
          scf.for %parallel_loop3A_150 = %parallel_loop3A to %parallel_loop3A_145 step %parallel_loop3A_146  : i32 {
            %parallel_loop3A_151 = arith.constant 0.000000e+00 : f32
            %parallel_loop3A_152 = vector.broadcast %parallel_loop3A_151 : f32 to vector<16xf32>
            %parallel_loop3A_153 = arith.index_cast %parallel_loop3A_150 : i32 to index
            %parallel_loop3A_154 = arith.constant 0 : index
            %parallel_loop3A_155 = tpu.vector_load %arg12[%parallel_loop3A_153, %parallel_loop3A_154] {strides = array<i32>} : memref<80x128xf32, #tpu.memory_space<vmem>>, vector<1x16xf32>,
            %parallel_loop3A_156 = vector.shape_cast %parallel_loop3A_155 : vector<1x16xf32> to vector<16xf32>
            %parallel_loop3A_157 = arith.index_cast %parallel_loop3A_150 : i32 to index
            %parallel_loop3A_158 = arith.constant 0 : index
            %parallel_loop3A_159 = tpu.vector_load %arg13[%parallel_loop3A_157, %parallel_loop3A_158] {strides = array<i32>} : memref<80x128xf32, #tpu.memory_space<vmem>>, vector<1x16xf32>,
            %parallel_loop3A_160 = vector.shape_cast %parallel_loop3A_159 : vector<1x16xf32> to vector<16xf32>
            %parallel_loop3A_161 = arith.addf %parallel_loop3A_156, %parallel_loop3A_160 : vector<16xf32>
            %parallel_loop3A_162 = arith.maximumf %parallel_loop3A_161, %parallel_loop3A_152 : vector<16xf32>
            %parallel_loop3A_163 = arith.index_cast %parallel_loop3A_150 : i32 to index
            %parallel_loop3A_164 = arith.constant 0 : index
            %parallel_loop3A_165 = tpu.vector_load %arg12[%parallel_loop3A_163, %parallel_loop3A_164] {strides = array<i32>} : memref<80x128xf32, #tpu.memory_space<vmem>>, vector<1x16xf32>,
            %parallel_loop3A_166 = vector.shape_cast %parallel_loop3A_165 : vector<1x16xf32> to vector<16xf32>
            %parallel_loop3A_167 = vector.shape_cast %parallel_loop3A_162 : vector<16xf32> to vector<1x16xf32>
            tpu.vector_store %arg12[%parallel_loop3A_163, %parallel_loop3A_164], %parallel_loop3A_167 {strides = array<i32>} : memref<80x128xf32, #tpu.memory_space<vmem>>, vector<1x16xf32>,
            %parallel_loop3A_168 = arith.index_cast %parallel_loop3A_150 : i32 to index
            %parallel_loop3A_169 = arith.constant 16 : index
            %parallel_loop3A_170 = tpu.vector_load %arg12[%parallel_loop3A_168, %parallel_loop3A_169] {strides = array<i32>} : memref<80x128xf32, #tpu.memory_space<vmem>>, vector<1x16xf32>,
            %parallel_loop3A_171 = vector.shape_cast %parallel_loop3A_170 : vector<1x16xf32> to vector<16xf32>
            %parallel_loop3A_172 = arith.index_cast %parallel_loop3A_150 : i32 to index
            %parallel_loop3A_173 = arith.constant 16 : index
            %parallel_loop3A_174 = tpu.vector_load %arg13[%parallel_loop3A_172, %parallel_loop3A_173] {strides = array<i32>} : memref<80x128xf32, #tpu.memory_space<vmem>>, vector<1x16xf32>,
            %parallel_loop3A_175 = vector.shape_cast %parallel_loop3A_174 : vector<1x16xf32> to vector<16xf32>
            %parallel_loop3A_176 = arith.addf %parallel_loop3A_171, %parallel_loop3A_175 : vector<16xf32>
            %parallel_loop3A_177 = arith.maximumf %parallel_loop3A_176, %parallel_loop3A_152 : vector<16xf32>
            %parallel_loop3A_178 = arith.index_cast %parallel_loop3A_150 : i32 to index
            %parallel_loop3A_179 = arith.constant 16 : index
            %parallel_loop3A_180 = tpu.vector_load %arg12[%parallel_loop3A_178, %parallel_loop3A_179] {strides = array<i32>} : memref<80x128xf32, #tpu.memory_space<vmem>>, vector<1x16xf32>,
            %parallel_loop3A_181 = vector.shape_cast %parallel_loop3A_180 : vector<1x16xf32> to vector<16xf32>
            %parallel_loop3A_182 = vector.shape_cast %parallel_loop3A_177 : vector<16xf32> to vector<1x16xf32>
            tpu.vector_store %arg12[%parallel_loop3A_178, %parallel_loop3A_179], %parallel_loop3A_182 {strides = array<i32>} : memref<80x128xf32, #tpu.memory_space<vmem>>, vector<1x16xf32>,
            %parallel_loop3A_183 = arith.index_cast %parallel_loop3A_150 : i32 to index
            %parallel_loop3A_184 = arith.constant 32 : index
            %parallel_loop3A_185 = tpu.vector_load %arg12[%parallel_loop3A_183, %parallel_loop3A_184] {strides = array<i32>} : memref<80x128xf32, #tpu.memory_space<vmem>>, vector<1x16xf32>,
            %parallel_loop3A_186 = vector.shape_cast %parallel_loop3A_185 : vector<1x16xf32> to vector<16xf32>
            %parallel_loop3A_187 = arith.index_cast %parallel_loop3A_150 : i32 to index
            %parallel_loop3A_188 = arith.constant 32 : index
            %parallel_loop3A_189 = tpu.vector_load %arg13[%parallel_loop3A_187, %parallel_loop3A_188] {strides = array<i32>} : memref<80x128xf32, #tpu.memory_space<vmem>>, vector<1x16xf32>,
            %parallel_loop3A_190 = vector.shape_cast %parallel_loop3A_189 : vector<1x16xf32> to vector<16xf32>
            %parallel_loop3A_191 = arith.addf %parallel_loop3A_186, %parallel_loop3A_190 : vector<16xf32>
            %parallel_loop3A_192 = arith.maximumf %parallel_loop3A_191, %parallel_loop3A_152 : vector<16xf32>
            %parallel_loop3A_193 = arith.index_cast %parallel_loop3A_150 : i32 to index
            %parallel_loop3A_194 = arith.constant 32 : index
            %parallel_loop3A_195 = tpu.vector_load %arg12[%parallel_loop3A_193, %parallel_loop3A_194] {strides = array<i32>} : memref<80x128xf32, #tpu.memory_space<vmem>>, vector<1x16xf32>,
            %parallel_loop3A_196 = vector.shape_cast %parallel_loop3A_195 : vector<1x16xf32> to vector<16xf32>
            %parallel_loop3A_197 = vector.shape_cast %parallel_loop3A_192 : vector<16xf32> to vector<1x16xf32>
            tpu.vector_store %arg12[%parallel_loop3A_193, %parallel_loop3A_194], %parallel_loop3A_197 {strides = array<i32>} : memref<80x128xf32, #tpu.memory_space<vmem>>, vector<1x16xf32>,
            %parallel_loop3A_198 = arith.index_cast %parallel_loop3A_150 : i32 to index
            %parallel_loop3A_199 = arith.constant 48 : index
            %parallel_loop3A_200 = tpu.vector_load %arg12[%parallel_loop3A_198, %parallel_loop3A_199] {strides = array<i32>} : memref<80x128xf32, #tpu.memory_space<vmem>>, vector<1x16xf32>,
            %parallel_loop3A_201 = vector.shape_cast %parallel_loop3A_200 : vector<1x16xf32> to vector<16xf32>
            %parallel_loop3A_202 = arith.index_cast %parallel_loop3A_150 : i32 to index
            %parallel_loop3A_203 = arith.constant 48 : index
            %parallel_loop3A_204 = tpu.vector_load %arg13[%parallel_loop3A_202, %parallel_loop3A_203] {strides = array<i32>} : memref<80x128xf32, #tpu.memory_space<vmem>>, vector<1x16xf32>,
            %parallel_loop3A_205 = vector.shape_cast %parallel_loop3A_204 : vector<1x16xf32> to vector<16xf32>
            %parallel_loop3A_206 = arith.addf %parallel_loop3A_201, %parallel_loop3A_205 : vector<16xf32>
            %parallel_loop3A_207 = arith.maximumf %parallel_loop3A_206, %parallel_loop3A_152 : vector<16xf32>
            %parallel_loop3A_208 = arith.index_cast %parallel_loop3A_150 : i32 to index
            %parallel_loop3A_209 = arith.constant 48 : index
            %parallel_loop3A_210 = tpu.vector_load %arg12[%parallel_loop3A_208, %parallel_loop3A_209] {strides = array<i32>} : memref<80x128xf32, #tpu.memory_space<vmem>>, vector<1x16xf32>,
            %parallel_loop3A_211 = vector.shape_cast %parallel_loop3A_210 : vector<1x16xf32> to vector<16xf32>
            %parallel_loop3A_212 = vector.shape_cast %parallel_loop3A_207 : vector<16xf32> to vector<1x16xf32>
            tpu.vector_store %arg12[%parallel_loop3A_208, %parallel_loop3A_209], %parallel_loop3A_212 {strides = array<i32>} : memref<80x128xf32, #tpu.memory_space<vmem>>, vector<1x16xf32>,
            %parallel_loop3A_213 = arith.index_cast %parallel_loop3A_150 : i32 to index
            %parallel_loop3A_214 = arith.constant 64 : index
            %parallel_loop3A_215 = tpu.vector_load %arg12[%parallel_loop3A_213, %parallel_loop3A_214] {strides = array<i32>} : memref<80x128xf32, #tpu.memory_space<vmem>>, vector<1x16xf32>,
            %parallel_loop3A_216 = vector.shape_cast %parallel_loop3A_215 : vector<1x16xf32> to vector<16xf32>
            %parallel_loop3A_217 = arith.index_cast %parallel_loop3A_150 : i32 to index
            %parallel_loop3A_218 = arith.constant 64 : index
            %parallel_loop3A_219 = tpu.vector_load %arg13[%parallel_loop3A_217, %parallel_loop3A_218] {strides = array<i32>} : memref<80x128xf32, #tpu.memory_space<vmem>>, vector<1x16xf32>,
            %parallel_loop3A_220 = vector.shape_cast %parallel_loop3A_219 : vector<1x16xf32> to vector<16xf32>
            %parallel_loop3A_221 = arith.addf %parallel_loop3A_216, %parallel_loop3A_220 : vector<16xf32>
            %parallel_loop3A_222 = arith.maximumf %parallel_loop3A_221, %parallel_loop3A_152 : vector<16xf32>
            %parallel_loop3A_223 = arith.index_cast %parallel_loop3A_150 : i32 to index
            %parallel_loop3A_224 = arith.constant 64 : index
            %parallel_loop3A_225 = tpu.vector_load %arg12[%parallel_loop3A_223, %parallel_loop3A_224] {strides = array<i32>} : memref<80x128xf32, #tpu.memory_space<vmem>>, vector<1x16xf32>,
            %parallel_loop3A_226 = vector.shape_cast %parallel_loop3A_225 : vector<1x16xf32> to vector<16xf32>
            %parallel_loop3A_227 = vector.shape_cast %parallel_loop3A_222 : vector<16xf32> to vector<1x16xf32>
            tpu.vector_store %arg12[%parallel_loop3A_223, %parallel_loop3A_224], %parallel_loop3A_227 {strides = array<i32>} : memref<80x128xf32, #tpu.memory_space<vmem>>, vector<1x16xf32>,
            %parallel_loop3A_228 = arith.index_cast %parallel_loop3A_150 : i32 to index
            %parallel_loop3A_229 = arith.constant 80 : index
            %parallel_loop3A_230 = tpu.vector_load %arg12[%parallel_loop3A_228, %parallel_loop3A_229] {strides = array<i32>} : memref<80x128xf32, #tpu.memory_space<vmem>>, vector<1x16xf32>,
            %parallel_loop3A_231 = vector.shape_cast %parallel_loop3A_230 : vector<1x16xf32> to vector<16xf32>
            %parallel_loop3A_232 = arith.index_cast %parallel_loop3A_150 : i32 to index
            %parallel_loop3A_233 = arith.constant 80 : index
            %parallel_loop3A_234 = tpu.vector_load %arg13[%parallel_loop3A_232, %parallel_loop3A_233] {strides = array<i32>} : memref<80x128xf32, #tpu.memory_space<vmem>>, vector<1x16xf32>,
            %parallel_loop3A_235 = vector.shape_cast %parallel_loop3A_234 : vector<1x16xf32> to vector<16xf32>
            %parallel_loop3A_236 = arith.addf %parallel_loop3A_231, %parallel_loop3A_235 : vector<16xf32>
            %parallel_loop3A_237 = arith.maximumf %parallel_loop3A_236, %parallel_loop3A_152 : vector<16xf32>
            %parallel_loop3A_238 = arith.index_cast %parallel_loop3A_150 : i32 to index
            %parallel_loop3A_239 = arith.constant 80 : index
            %parallel_loop3A_240 = tpu.vector_load %arg12[%parallel_loop3A_238, %parallel_loop3A_239] {strides = array<i32>} : memref<80x128xf32, #tpu.memory_space<vmem>>, vector<1x16xf32>,
            %parallel_loop3A_241 = vector.shape_cast %parallel_loop3A_240 : vector<1x16xf32> to vector<16xf32>
            %parallel_loop3A_242 = vector.shape_cast %parallel_loop3A_237 : vector<16xf32> to vector<1x16xf32>
            tpu.vector_store %arg12[%parallel_loop3A_238, %parallel_loop3A_239], %parallel_loop3A_242 {strides = array<i32>} : memref<80x128xf32, #tpu.memory_space<vmem>>, vector<1x16xf32>,
            %parallel_loop3A_243 = arith.index_cast %parallel_loop3A_150 : i32 to index
            %parallel_loop3A_244 = arith.constant 96 : index
            %parallel_loop3A_245 = tpu.vector_load %arg12[%parallel_loop3A_243, %parallel_loop3A_244] {strides = array<i32>} : memref<80x128xf32, #tpu.memory_space<vmem>>, vector<1x16xf32>,
            %parallel_loop3A_246 = vector.shape_cast %parallel_loop3A_245 : vector<1x16xf32> to vector<16xf32>
            %parallel_loop3A_247 = arith.index_cast %parallel_loop3A_150 : i32 to index
            %parallel_loop3A_248 = arith.constant 96 : index
            %parallel_loop3A_249 = tpu.vector_load %arg13[%parallel_loop3A_247, %parallel_loop3A_248] {strides = array<i32>} : memref<80x128xf32, #tpu.memory_space<vmem>>, vector<1x16xf32>,
            %parallel_loop3A_250 = vector.shape_cast %parallel_loop3A_249 : vector<1x16xf32> to vector<16xf32>
            %parallel_loop3A_251 = arith.addf %parallel_loop3A_246, %parallel_loop3A_250 : vector<16xf32>
            %parallel_loop3A_252 = arith.maximumf %parallel_loop3A_251, %parallel_loop3A_152 : vector<16xf32>
            %parallel_loop3A_253 = arith.index_cast %parallel_loop3A_150 : i32 to index
            %parallel_loop3A_254 = arith.constant 96 : index
            %parallel_loop3A_255 = tpu.vector_load %arg12[%parallel_loop3A_253, %parallel_loop3A_254] {strides = array<i32>} : memref<80x128xf32, #tpu.memory_space<vmem>>, vector<1x16xf32>,
            %parallel_loop3A_256 = vector.shape_cast %parallel_loop3A_255 : vector<1x16xf32> to vector<16xf32>
            %parallel_loop3A_257 = vector.shape_cast %parallel_loop3A_252 : vector<16xf32> to vector<1x16xf32>
            tpu.vector_store %arg12[%parallel_loop3A_253, %parallel_loop3A_254], %parallel_loop3A_257 {strides = array<i32>} : memref<80x128xf32, #tpu.memory_space<vmem>>, vector<1x16xf32>,
            %parallel_loop3A_258 = arith.index_cast %parallel_loop3A_150 : i32 to index
            %parallel_loop3A_259 = arith.constant 112 : index
            %parallel_loop3A_260 = tpu.vector_load %arg12[%parallel_loop3A_258, %parallel_loop3A_259] {strides = array<i32>} : memref<80x128xf32, #tpu.memory_space<vmem>>, vector<1x16xf32>,
            %parallel_loop3A_261 = vector.shape_cast %parallel_loop3A_260 : vector<1x16xf32> to vector<16xf32>
            %parallel_loop3A_262 = arith.index_cast %parallel_loop3A_150 : i32 to index
            %parallel_loop3A_263 = arith.constant 112 : index
            %parallel_loop3A_264 = tpu.vector_load %arg13[%parallel_loop3A_262, %parallel_loop3A_263] {strides = array<i32>} : memref<80x128xf32, #tpu.memory_space<vmem>>, vector<1x16xf32>,
            %parallel_loop3A_265 = vector.shape_cast %parallel_loop3A_264 : vector<1x16xf32> to vector<16xf32>
            %parallel_loop3A_266 = arith.addf %parallel_loop3A_261, %parallel_loop3A_265 : vector<16xf32>
            %parallel_loop3A_267 = arith.maximumf %parallel_loop3A_266, %parallel_loop3A_152 : vector<16xf32>
            %parallel_loop3A_268 = arith.index_cast %parallel_loop3A_150 : i32 to index
            %parallel_loop3A_269 = arith.constant 112 : index
            %parallel_loop3A_270 = tpu.vector_load %arg12[%parallel_loop3A_268, %parallel_loop3A_269] {strides = array<i32>} : memref<80x128xf32, #tpu.memory_space<vmem>>, vector<1x16xf32>,
            %parallel_loop3A_271 = vector.shape_cast %parallel_loop3A_270 : vector<1x16xf32> to vector<16xf32>
            %parallel_loop3A_272 = vector.shape_cast %parallel_loop3A_267 : vector<16xf32> to vector<1x16xf32>
            tpu.vector_store %arg12[%parallel_loop3A_268, %parallel_loop3A_269], %parallel_loop3A_272 {strides = array<i32>} : memref<80x128xf32, #tpu.memory_space<vmem>>, vector<1x16xf32>,
          } {sc.loop_unroll_factor = 2 : i64, sc.parallel_access}
          %dma_start3A_147 = arith.constant 0 : i32
          %dma_start3A_148 = arith.constant 0 : i32
          %dma_start3A_149 = tpu.memref_slice %arg14[%dma_start3A_147, %dma_start3A_148] : memref<10000x128xf32, #tpu.memory_space<vmem_shared>> -> memref<10000x128xf32, #tpu.memory_space<vmem_shared>>
          tpu.enqueue_indirect_dma source(%arg12 : memref<80x128xf32, #tpu.memory_space<vmem>>) target(%dma_start3A_149 : memref<10000x128xf32, #tpu.memory_space<vmem_shared>>) offsets(%arg9 : memref<80xi32, #tpu.memory_space<vmem>>) semaphore(%arg22 : memref<!tpu.dma_semaphore, #tpu.memory_space<semaphore_mem>>) {add = true}
        } else {
        }
      } else {
      }
      %scan3A_109 = arith.constant 0 : i32
      scf.yield %scan3A_109 : i32
    }
    %scan3A_78 = arith.constant 64 : i32
    %dma_wait3A = arith.constant 0 : i32
    %dma_wait3A_79 = arith.constant 0 : i32
    %dma_wait3A_80 = tpu.memref_slice %arg14[%dma_wait3A, %dma_wait3A_79] : memref<10000x128xf32, #tpu.memory_space<vmem_shared>> -> memref<10000x128xf32, #tpu.memory_space<vmem_shared>>
    tpu.wait_indirect_dma semaphore(%arg22 : memref<!tpu.dma_semaphore, #tpu.memory_space<semaphore_mem>>) src(%arg12 : memref<80x128xf32, #tpu.memory_space<vmem>>) dst(%dma_wait3A_80 : memref<10000x128xf32, #tpu.memory_space<vmem_shared>>)
    %barrier3A_81 = arith.constant 0 : index
    tpu.barrier barrier_id(%barrier3A_81)
    %mul3A_82 = arith.constant 624 : i32
    %mul3A_83 = arith.muli %arg1, %mul3A_82 : i32
    %mul3A_84 = arith.constant 624 : i32
    %mul3A_85 = arith.muli %arg1, %mul3A_84 : i32
    "tpu.region"() ({
      %run_scoped3A = tpu.sem_alloc : memref<!tpu.dma_semaphore, #tpu.memory_space<semaphore_mem>>
      %dma_start3A_96 = arith.constant 0 : i32
      %dma_start3A_97 = tpu.memref_slice %arg6[%arg0, %mul3A_85, %dma_start3A_96] : memref<2x10000x128xf32, #tpu.memory_space<hbm>> -> memref<1x624x128xf32, #tpu.memory_space<hbm>>
      %dma_start3A_98 = tpu.memref_squeeze %dma_start3A_97 : memref<1x624x128xf32, #tpu.memory_space<hbm>> -> memref<624x128xf32, #tpu.memory_space<hbm>>
      %dma_start3A_99 = arith.constant 0 : i32
      %dma_start3A_100 = tpu.memref_slice %arg14[%mul3A_83, %dma_start3A_99] : memref<10000x128xf32, #tpu.memory_space<vmem_shared>> -> memref<624x128xf32, #tpu.memory_space<vmem_shared>>
      tpu.enqueue_dma source(%dma_start3A_100 : memref<624x128xf32, #tpu.memory_space<vmem_shared>>) target(%dma_start3A_98 : memref<624x128xf32, #tpu.memory_space<hbm>>) target_semaphore(%run_scoped3A : memref<!tpu.dma_semaphore, #tpu.memory_space<semaphore_mem>>)
      %dma_wait3A_101 = arith.constant 0 : i32
      %dma_wait3A_102 = tpu.memref_slice %arg6[%arg0, %mul3A_85, %dma_wait3A_101] : memref<2x10000x128xf32, #tpu.memory_space<hbm>> -> memref<1x624x128xf32, #tpu.memory_space<hbm>>
      %dma_wait3A_103 = tpu.memref_squeeze %dma_wait3A_102 : memref<1x624x128xf32, #tpu.memory_space<hbm>> -> memref<624x128xf32, #tpu.memory_space<hbm>>
      %dma_wait3A_104 = arith.constant 0 : i32
      %dma_wait3A_105 = tpu.memref_slice %arg14[%mul3A_83, %dma_wait3A_104] : memref<10000x128xf32, #tpu.memory_space<vmem_shared>> -> memref<624x128xf32, #tpu.memory_space<vmem_shared>>
      tpu.wait_dma2 semaphore(%run_scoped3A : memref<!tpu.dma_semaphore, #tpu.memory_space<semaphore_mem>>) src(%dma_wait3A_105 : memref<624x128xf32, #tpu.memory_space<vmem_shared>>) dst(%dma_wait3A_103 : memref<624x128xf32, #tpu.memory_space<hbm>>)
      tpu.yield
    }) : () -> ()
    %eq3A_86 = arith.constant 0 : i32
    %eq3A_87 = arith.cmpi eq, %arg1, %eq3A_86 : i32
    %convert_element_type3A_88 = arith.extui %eq3A_87 : i1 to i32
    %cond3A_89 = arith.constant 0 : i32
    %cond3A_90 = arith.cmpi ne, %convert_element_type3A_88, %cond3A_89 : i32
    scf.if %cond3A_90 {
      "tpu.region"() ({
        %run_scoped3A = tpu.sem_alloc : memref<!tpu.dma_semaphore, #tpu.memory_space<semaphore_mem>>
        %dma_start3A_96 = arith.constant 9984 : i32
        %dma_start3A_97 = arith.constant 0 : i32
        %dma_start3A_98 = tpu.memref_slice %arg6[%arg0, %dma_start3A_96, %dma_start3A_97] : memref<2x10000x128xf32, #tpu.memory_space<hbm>> -> memref<1x8x128xf32, #tpu.memory_space<hbm>>
        %dma_start3A_99 = tpu.memref_squeeze %dma_start3A_98 : memref<1x8x128xf32, #tpu.memory_space<hbm>> -> memref<8x128xf32, #tpu.memory_space<hbm>>
        %dma_start3A_100 = arith.constant 9984 : i32
        %dma_start3A_101 = arith.constant 0 : i32
        %dma_start3A_102 = tpu.memref_slice %arg14[%dma_start3A_100, %dma_start3A_101] : memref<10000x128xf32, #tpu.memory_space<vmem_shared>> -> memref<8x128xf32, #tpu.memory_space<vmem_shared>>
        tpu.enqueue_dma source(%dma_start3A_102 : memref<8x128xf32, #tpu.memory_space<vmem_shared>>) target(%dma_start3A_99 : memref<8x128xf32, #tpu.memory_space<hbm>>) target_semaphore(%run_scoped3A : memref<!tpu.dma_semaphore, #tpu.memory_space<semaphore_mem>>)
        %dma_wait3A_103 = arith.constant 9984 : i32
        %dma_wait3A_104 = arith.constant 0 : i32
        %dma_wait3A_105 = tpu.memref_slice %arg6[%arg0, %dma_wait3A_103, %dma_wait3A_104] : memref<2x10000x128xf32, #tpu.memory_space<hbm>> -> memref<1x8x128xf32, #tpu.memory_space<hbm>>
        %dma_wait3A_106 = tpu.memref_squeeze %dma_wait3A_105 : memref<1x8x128xf32, #tpu.memory_space<hbm>> -> memref<8x128xf32, #tpu.memory_space<hbm>>
        %dma_wait3A_107 = arith.constant 9984 : i32
        %dma_wait3A_108 = arith.constant 0 : i32
        %dma_wait3A_109 = tpu.memref_slice %arg14[%dma_wait3A_107, %dma_wait3A_108] : memref<10000x128xf32, #tpu.memory_space<vmem_shared>> -> memref<8x128xf32, #tpu.memory_space<vmem_shared>>
        tpu.wait_dma2 semaphore(%run_scoped3A : memref<!tpu.dma_semaphore, #tpu.memory_space<semaphore_mem>>) src(%dma_wait3A_109 : memref<8x128xf32, #tpu.memory_space<vmem_shared>>) dst(%dma_wait3A_106 : memref<8x128xf32, #tpu.memory_space<hbm>>)
        tpu.yield
      }) : () -> ()
    } else {
    }
    %eq3A_91 = arith.constant 1 : i32
    %eq3A_92 = arith.cmpi eq, %arg1, %eq3A_91 : i32
    %convert_element_type3A_93 = arith.extui %eq3A_92 : i1 to i32
    %cond3A_94 = arith.constant 0 : i32
    %cond3A_95 = arith.cmpi ne, %convert_element_type3A_93, %cond3A_94 : i32
    scf.if %cond3A_95 {
      "tpu.region"() ({
        %run_scoped3A = tpu.sem_alloc : memref<!tpu.dma_semaphore, #tpu.memory_space<semaphore_mem>>
        %dma_start3A_96 = arith.constant 9992 : i32
        %dma_start3A_97 = arith.constant 0 : i32
        %dma_start3A_98 = tpu.memref_slice %arg6[%arg0, %dma_start3A_96, %dma_start3A_97] : memref<2x10000x128xf32, #tpu.memory_space<hbm>> -> memref<1x8x128xf32, #tpu.memory_space<hbm>>
        %dma_start3A_99 = tpu.memref_squeeze %dma_start3A_98 : memref<1x8x128xf32, #tpu.memory_space<hbm>> -> memref<8x128xf32, #tpu.memory_space<hbm>>
        %dma_start3A_100 = arith.constant 9992 : i32
        %dma_start3A_101 = arith.constant 0 : i32
        %dma_start3A_102 = tpu.memref_slice %arg14[%dma_start3A_100, %dma_start3A_101] : memref<10000x128xf32, #tpu.memory_space<vmem_shared>> -> memref<8x128xf32, #tpu.memory_space<vmem_shared>>
        tpu.enqueue_dma source(%dma_start3A_102 : memref<8x128xf32, #tpu.memory_space<vmem_shared>>) target(%dma_start3A_99 : memref<8x128xf32, #tpu.memory_space<hbm>>) target_semaphore(%run_scoped3A : memref<!tpu.dma_semaphore, #tpu.memory_space<semaphore_mem>>)
        %dma_wait3A_103 = arith.constant 9992 : i32
        %dma_wait3A_104 = arith.constant 0 : i32
        %dma_wait3A_105 = tpu.memref_slice %arg6[%arg0, %dma_wait3A_103, %dma_wait3A_104] : memref<2x10000x128xf32, #tpu.memory_space<hbm>> -> memref<1x8x128xf32, #tpu.memory_space<hbm>>
        %dma_wait3A_106 = tpu.memref_squeeze %dma_wait3A_105 : memref<1x8x128xf32, #tpu.memory_space<hbm>> -> memref<8x128xf32, #tpu.memory_space<hbm>>
        %dma_wait3A_107 = arith.constant 9992 : i32
        %dma_wait3A_108 = arith.constant 0 : i32
        %dma_wait3A_109 = tpu.memref_slice %arg14[%dma_wait3A_107, %dma_wait3A_108] : memref<10000x128xf32, #tpu.memory_space<vmem_shared>> -> memref<8x128xf32, #tpu.memory_space<vmem_shared>>
        tpu.wait_dma2 semaphore(%run_scoped3A : memref<!tpu.dma_semaphore, #tpu.memory_space<semaphore_mem>>) src(%dma_wait3A_109 : memref<8x128xf32, #tpu.memory_space<vmem_shared>>) dst(%dma_wait3A_106 : memref<8x128xf32, #tpu.memory_space<hbm>>)
        tpu.yield
      }) : () -> ()
    } else {
    }
    return
  }
}

#map = affine_map<(d0, d1) -> (0, 0)>
#map1 = affine_map<(d0, d1) -> (0)>
#map2 = affine_map<(d0, d1) -> (0, 0, 0)>
module attributes {stable_mosaic.version = 14 : i64} {
  func.func @_sc_body(%arg0: i32, %arg1: i32, %arg2: memref<10000x128xf32, #tpu.memory_space<hbm>>, %arg3: memref<320000xi32, #tpu.memory_space<hbm>>, %arg4: memref<320000xi32, #tpu.memory_space<hbm>>, %arg5: memref<160000x128xf32, #tpu.memory_space<hbm>>, %arg6: memref<2x10000x128xf32, #tpu.memory_space<hbm>>, %arg7: memref<5120xi32, #tpu.memory_space<vmem>>, %arg8: memref<80xi32, #tpu.memory_space<vmem>>, %arg9: memref<80xi32, #tpu.memory_space<vmem>>, %arg10: memref<80x128xf32, #tpu.memory_space<vmem>>, %arg11: memref<80x128xf32, #tpu.memory_space<vmem>>, %arg12: memref<80x128xf32, #tpu.memory_space<vmem>>, %arg13: memref<80x128xf32, #tpu.memory_space<vmem>>, %arg14: memref<10000x128xf32, #tpu.memory_space<vmem_shared>>, %arg15: memref<!tpu.dma_semaphore, #tpu.memory_space<semaphore_mem>>, %arg16: memref<!tpu.dma_semaphore, #tpu.memory_space<semaphore_mem>>, %arg17: memref<!tpu.dma_semaphore, #tpu.memory_space<semaphore_mem>>, %arg18: memref<!tpu.dma_semaphore, #tpu.memory_space<semaphore_mem>>, %arg19: memref<!tpu.dma_semaphore, #tpu.memory_space<semaphore_mem>>, %arg20: memref<!tpu.dma_semaphore, #tpu.memory_space<semaphore_mem>>, %arg21: memref<!tpu.dma_semaphore, #tpu.memory_space<semaphore_mem>>, %arg22: memref<!tpu.dma_semaphore, #tpu.memory_space<semaphore_mem>>) attributes {dimension_semantics = [#tpu.dimension_semantics<core_parallel>, #tpu.dimension_semantics<subcore_parallel>], iteration_bounds = array<i64: 2, 16>, scalar_prefetch = 0 : i64, scratch_operands = 16 : i64, tpu.core_type = #tpu.core_type<sc_vector_subcore>, window_params = [{transform_indices = #map}, {transform_indices = #map1}, {transform_indices = #map1}, {transform_indices = #map}, {transform_indices = #map2}]} {
    %mul3A = arith.constant 2 : i32
    %mul3A_0 = arith.muli %arg1, %mul3A : i32
    %add3A = arith.addi %mul3A_0, %arg0 : i32
    %mul3A_1 = arith.constant 5120 : i32
    %mul3A_2 = arith.muli %add3A, %mul3A_1 : i32
    %add3A_3 = arith.constant 160000 : i32
    %add3A_4 = arith.addi %add3A_3, %mul3A_2 : i32
    %min3A = arith.constant 314880 : i32
    %min3A_5 = arith.minsi %add3A_4, %min3A : i32
    %multiple_of3A = tpu.assume_multiple %min3A_5, 128 : i32
    %sub3A = arith.subi %add3A_4, %multiple_of3A : i32
    %scan3A = arith.constant 0 : i32
    %scan3A_6 = arith.constant 0 : i32
    %scan3A_7 = arith.constant 80 : i32
    %scan3A_8 = arith.addi %scan3A_6, %scan3A_7 : i32
    %scan3A_9 = arith.constant 1 : i32
    %scan3A_10 = scf.for %scan3A_96 = %scan3A_6 to %scan3A_8 step %scan3A_9 iter_args(%scan3A_97 = %scan3A) -> (i32)  : i32 {
      %broadcast_in_dim3A = arith.constant 0.000000e+00 : f32
      %broadcast_in_dim3A_98 = vector.broadcast %broadcast_in_dim3A : f32 to vector<16xf32>
      %swap3A = arith.index_cast %scan3A_96 : i32 to index
      %swap3A_99 = arith.constant 0 : index
      %swap3A_100 = tpu.vector_load %arg10[%swap3A, %swap3A_99] {strides = array<i32>} : memref<80x128xf32, #tpu.memory_space<vmem>>, vector<1x16xf32>,
      %swap3A_101 = vector.shape_cast %swap3A_100 : vector<1x16xf32> to vector<16xf32>
      %swap3A_102 = vector.shape_cast %broadcast_in_dim3A_98 : vector<16xf32> to vector<1x16xf32>
      tpu.vector_store %arg10[%swap3A, %swap3A_99], %swap3A_102 {strides = array<i32>} : memref<80x128xf32, #tpu.memory_space<vmem>>, vector<1x16xf32>,
      %broadcast_in_dim3A_103 = arith.constant 0.000000e+00 : f32
      %broadcast_in_dim3A_104 = vector.broadcast %broadcast_in_dim3A_103 : f32 to vector<16xf32>
      %swap3A_105 = arith.index_cast %scan3A_96 : i32 to index
      %swap3A_106 = arith.constant 16 : index
      %swap3A_107 = tpu.vector_load %arg10[%swap3A_105, %swap3A_106] {strides = array<i32>} : memref<80x128xf32, #tpu.memory_space<vmem>>, vector<1x16xf32>,
      %swap3A_108 = vector.shape_cast %swap3A_107 : vector<1x16xf32> to vector<16xf32>
      %swap3A_109 = vector.shape_cast %broadcast_in_dim3A_104 : vector<16xf32> to vector<1x16xf32>
      tpu.vector_store %arg10[%swap3A_105, %swap3A_106], %swap3A_109 {strides = array<i32>} : memref<80x128xf32, #tpu.memory_space<vmem>>, vector<1x16xf32>,
      %broadcast_in_dim3A_110 = arith.constant 0.000000e+00 : f32
      %broadcast_in_dim3A_111 = vector.broadcast %broadcast_in_dim3A_110 : f32 to vector<16xf32>
      %swap3A_112 = arith.index_cast %scan3A_96 : i32 to index
      %swap3A_113 = arith.constant 32 : index
      %swap3A_114 = tpu.vector_load %arg10[%swap3A_112, %swap3A_113] {strides = array<i32>} : memref<80x128xf32, #tpu.memory_space<vmem>>, vector<1x16xf32>,
      %swap3A_115 = vector.shape_cast %swap3A_114 : vector<1x16xf32> to vector<16xf32>
      %swap3A_116 = vector.shape_cast %broadcast_in_dim3A_111 : vector<16xf32> to vector<1x16xf32>
      tpu.vector_store %arg10[%swap3A_112, %swap3A_113], %swap3A_116 {strides = array<i32>} : memref<80x128xf32, #tpu.memory_space<vmem>>, vector<1x16xf32>,
      %broadcast_in_dim3A_117 = arith.constant 0.000000e+00 : f32
      %broadcast_in_dim3A_118 = vector.broadcast %broadcast_in_dim3A_117 : f32 to vector<16xf32>
      %swap3A_119 = arith.index_cast %scan3A_96 : i32 to index
      %swap3A_120 = arith.constant 48 : index
      %swap3A_121 = tpu.vector_load %arg10[%swap3A_119, %swap3A_120] {strides = array<i32>} : memref<80x128xf32, #tpu.memory_space<vmem>>, vector<1x16xf32>,
      %swap3A_122 = vector.shape_cast %swap3A_121 : vector<1x16xf32> to vector<16xf32>
      %swap3A_123 = vector.shape_cast %broadcast_in_dim3A_118 : vector<16xf32> to vector<1x16xf32>
      tpu.vector_store %arg10[%swap3A_119, %swap3A_120], %swap3A_123 {strides = array<i32>} : memref<80x128xf32, #tpu.memory_space<vmem>>, vector<1x16xf32>,
      %broadcast_in_dim3A_124 = arith.constant 0.000000e+00 : f32
      %broadcast_in_dim3A_125 = vector.broadcast %broadcast_in_dim3A_124 : f32 to vector<16xf32>
      %swap3A_126 = arith.index_cast %scan3A_96 : i32 to index
      %swap3A_127 = arith.constant 64 : index
      %swap3A_128 = tpu.vector_load %arg10[%swap3A_126, %swap3A_127] {strides = array<i32>} : memref<80x128xf32, #tpu.memory_space<vmem>>, vector<1x16xf32>,
      %swap3A_129 = vector.shape_cast %swap3A_128 : vector<1x16xf32> to vector<16xf32>
      %swap3A_130 = vector.shape_cast %broadcast_in_dim3A_125 : vector<16xf32> to vector<1x16xf32>
      tpu.vector_store %arg10[%swap3A_126, %swap3A_127], %swap3A_130 {strides = array<i32>} : memref<80x128xf32, #tpu.memory_space<vmem>>, vector<1x16xf32>,
      %broadcast_in_dim3A_131 = arith.constant 0.000000e+00 : f32
      %broadcast_in_dim3A_132 = vector.broadcast %broadcast_in_dim3A_131 : f32 to vector<16xf32>
      %swap3A_133 = arith.index_cast %scan3A_96 : i32 to index
      %swap3A_134 = arith.constant 80 : index
      %swap3A_135 = tpu.vector_load %arg10[%swap3A_133, %swap3A_134] {strides = array<i32>} : memref<80x128xf32, #tpu.memory_space<vmem>>, vector<1x16xf32>,
      %swap3A_136 = vector.shape_cast %swap3A_135 : vector<1x16xf32> to vector<16xf32>
      %swap3A_137 = vector.shape_cast %broadcast_in_dim3A_132 : vector<16xf32> to vector<1x16xf32>
      tpu.vector_store %arg10[%swap3A_133, %swap3A_134], %swap3A_137 {strides = array<i32>} : memref<80x128xf32, #tpu.memory_space<vmem>>, vector<1x16xf32>,
      %broadcast_in_dim3A_138 = arith.constant 0.000000e+00 : f32
      %broadcast_in_dim3A_139 = vector.broadcast %broadcast_in_dim3A_138 : f32 to vector<16xf32>
      %swap3A_140 = arith.index_cast %scan3A_96 : i32 to index
      %swap3A_141 = arith.constant 96 : index
      %swap3A_142 = tpu.vector_load %arg10[%swap3A_140, %swap3A_141] {strides = array<i32>} : memref<80x128xf32, #tpu.memory_space<vmem>>, vector<1x16xf32>,
      %swap3A_143 = vector.shape_cast %swap3A_142 : vector<1x16xf32> to vector<16xf32>
      %swap3A_144 = vector.shape_cast %broadcast_in_dim3A_139 : vector<16xf32> to vector<1x16xf32>
      tpu.vector_store %arg10[%swap3A_140, %swap3A_141], %swap3A_144 {strides = array<i32>} : memref<80x128xf32, #tpu.memory_space<vmem>>, vector<1x16xf32>,
      %broadcast_in_dim3A_145 = arith.constant 0.000000e+00 : f32
      %broadcast_in_dim3A_146 = vector.broadcast %broadcast_in_dim3A_145 : f32 to vector<16xf32>
      %swap3A_147 = arith.index_cast %scan3A_96 : i32 to index
      %swap3A_148 = arith.constant 112 : index
      %swap3A_149 = tpu.vector_load %arg10[%swap3A_147, %swap3A_148] {strides = array<i32>} : memref<80x128xf32, #tpu.memory_space<vmem>>, vector<1x16xf32>,
      %swap3A_150 = vector.shape_cast %swap3A_149 : vector<1x16xf32> to vector<16xf32>
      %swap3A_151 = vector.shape_cast %broadcast_in_dim3A_146 : vector<16xf32> to vector<1x16xf32>
      tpu.vector_store %arg10[%swap3A_147, %swap3A_148], %swap3A_151 {strides = array<i32>} : memref<80x128xf32, #tpu.memory_space<vmem>>, vector<1x16xf32>,
      %scan3A_152 = arith.constant 0 : i32
      scf.yield %scan3A_152 : i32
    }
    %scan3A_11 = arith.constant 80 : i32
    %mul3A_12 = arith.constant 624 : i32
    %mul3A_13 = arith.muli %arg1, %mul3A_12 : i32
    %add3A_14 = arith.constant 0 : i32
    %add3A_15 = arith.addi %mul3A_13, %add3A_14 : i32
    "tpu.region"() ({
      %run_scoped3A = tpu.sem_alloc : memref<!tpu.dma_semaphore, #tpu.memory_space<semaphore_mem>>
      %dma_start3A_96 = arith.constant 0 : i32
      %dma_start3A_97 = tpu.memref_slice %arg14[%add3A_15, %dma_start3A_96] : memref<10000x128xf32, #tpu.memory_space<vmem_shared>> -> memref<80x128xf32, #tpu.memory_space<vmem_shared>>
      %dma_start3A_98 = arith.constant 0 : i32
      %dma_start3A_99 = tpu.memref_slice %arg14[%add3A_15, %dma_start3A_98] : memref<10000x128xf32, #tpu.memory_space<vmem_shared>> -> memref<80x128xf32, #tpu.memory_space<vmem_shared>>
      tpu.enqueue_dma source(%arg10 : memref<80x128xf32, #tpu.memory_space<vmem>>) target(%dma_start3A_99 : memref<80x128xf32, #tpu.memory_space<vmem_shared>>) target_semaphore(%run_scoped3A : memref<!tpu.dma_semaphore, #tpu.memory_space<semaphore_mem>>)
      %dma_wait3A_100 = arith.constant 0 : i32
      %dma_wait3A_101 = tpu.memref_slice %arg14[%add3A_15, %dma_wait3A_100] : memref<10000x128xf32, #tpu.memory_space<vmem_shared>> -> memref<80x128xf32, #tpu.memory_space<vmem_shared>>
      %dma_wait3A_102 = arith.constant 0 : i32
      %dma_wait3A_103 = tpu.memref_slice %arg14[%add3A_15, %dma_wait3A_102] : memref<10000x128xf32, #tpu.memory_space<vmem_shared>> -> memref<80x128xf32, #tpu.memory_space<vmem_shared>>
      tpu.wait_dma2 semaphore(%run_scoped3A : memref<!tpu.dma_semaphore, #tpu.memory_space<semaphore_mem>>) src(%arg10 : memref<80x128xf32, #tpu.memory_space<vmem>>) dst(%dma_wait3A_103 : memref<80x128xf32, #tpu.memory_space<vmem_shared>>)
      tpu.yield
    }) : () -> ()
    %mul3A_16 = arith.constant 624 : i32
    %mul3A_17 = arith.muli %arg1, %mul3A_16 : i32
    %add3A_18 = arith.constant 80 : i32
    %add3A_19 = arith.addi %mul3A_17, %add3A_18 : i32
    "tpu.region"() ({
      %run_scoped3A = tpu.sem_alloc : memref<!tpu.dma_semaphore, #tpu.memory_space<semaphore_mem>>
      %dma_start3A_96 = arith.constant 0 : i32
      %dma_start3A_97 = tpu.memref_slice %arg14[%add3A_19, %dma_start3A_96] : memref<10000x128xf32, #tpu.memory_space<vmem_shared>> -> memref<80x128xf32, #tpu.memory_space<vmem_shared>>
      %dma_start3A_98 = arith.constant 0 : i32
      %dma_start3A_99 = tpu.memref_slice %arg14[%add3A_19, %dma_start3A_98] : memref<10000x128xf32, #tpu.memory_space<vmem_shared>> -> memref<80x128xf32, #tpu.memory_space<vmem_shared>>
      tpu.enqueue_dma source(%arg10 : memref<80x128xf32, #tpu.memory_space<vmem>>) target(%dma_start3A_99 : memref<80x128xf32, #tpu.memory_space<vmem_shared>>) target_semaphore(%run_scoped3A : memref<!tpu.dma_semaphore, #tpu.memory_space<semaphore_mem>>)
      %dma_wait3A_100 = arith.constant 0 : i32
      %dma_wait3A_101 = tpu.memref_slice %arg14[%add3A_19, %dma_wait3A_100] : memref<10000x128xf32, #tpu.memory_space<vmem_shared>> -> memref<80x128xf32, #tpu.memory_space<vmem_shared>>
      %dma_wait3A_102 = arith.constant 0 : i32
      %dma_wait3A_103 = tpu.memref_slice %arg14[%add3A_19, %dma_wait3A_102] : memref<10000x128xf32, #tpu.memory_space<vmem_shared>> -> memref<80x128xf32, #tpu.memory_space<vmem_shared>>
      tpu.wait_dma2 semaphore(%run_scoped3A : memref<!tpu.dma_semaphore, #tpu.memory_space<semaphore_mem>>) src(%arg10 : memref<80x128xf32, #tpu.memory_space<vmem>>) dst(%dma_wait3A_103 : memref<80x128xf32, #tpu.memory_space<vmem_shared>>)
      tpu.yield
    }) : () -> ()
    %mul3A_20 = arith.constant 624 : i32
    %mul3A_21 = arith.muli %arg1, %mul3A_20 : i32
    %add3A_22 = arith.constant 160 : i32
    %add3A_23 = arith.addi %mul3A_21, %add3A_22 : i32
    "tpu.region"() ({
      %run_scoped3A = tpu.sem_alloc : memref<!tpu.dma_semaphore, #tpu.memory_space<semaphore_mem>>
      %dma_start3A_96 = arith.constant 0 : i32
      %dma_start3A_97 = tpu.memref_slice %arg14[%add3A_23, %dma_start3A_96] : memref<10000x128xf32, #tpu.memory_space<vmem_shared>> -> memref<80x128xf32, #tpu.memory_space<vmem_shared>>
      %dma_start3A_98 = arith.constant 0 : i32
      %dma_start3A_99 = tpu.memref_slice %arg14[%add3A_23, %dma_start3A_98] : memref<10000x128xf32, #tpu.memory_space<vmem_shared>> -> memref<80x128xf32, #tpu.memory_space<vmem_shared>>
      tpu.enqueue_dma source(%arg10 : memref<80x128xf32, #tpu.memory_space<vmem>>) target(%dma_start3A_99 : memref<80x128xf32, #tpu.memory_space<vmem_shared>>) target_semaphore(%run_scoped3A : memref<!tpu.dma_semaphore, #tpu.memory_space<semaphore_mem>>)
      %dma_wait3A_100 = arith.constant 0 : i32
      %dma_wait3A_101 = tpu.memref_slice %arg14[%add3A_23, %dma_wait3A_100] : memref<10000x128xf32, #tpu.memory_space<vmem_shared>> -> memref<80x128xf32, #tpu.memory_space<vmem_shared>>
      %dma_wait3A_102 = arith.constant 0 : i32
      %dma_wait3A_103 = tpu.memref_slice %arg14[%add3A_23, %dma_wait3A_102] : memref<10000x128xf32, #tpu.memory_space<vmem_shared>> -> memref<80x128xf32, #tpu.memory_space<vmem_shared>>
      tpu.wait_dma2 semaphore(%run_scoped3A : memref<!tpu.dma_semaphore, #tpu.memory_space<semaphore_mem>>) src(%arg10 : memref<80x128xf32, #tpu.memory_space<vmem>>) dst(%dma_wait3A_103 : memref<80x128xf32, #tpu.memory_space<vmem_shared>>)
      tpu.yield
    }) : () -> ()
    %mul3A_24 = arith.constant 624 : i32
    %mul3A_25 = arith.muli %arg1, %mul3A_24 : i32
    %add3A_26 = arith.constant 240 : i32
    %add3A_27 = arith.addi %mul3A_25, %add3A_26 : i32
    "tpu.region"() ({
      %run_scoped3A = tpu.sem_alloc : memref<!tpu.dma_semaphore, #tpu.memory_space<semaphore_mem>>
      %dma_start3A_96 = arith.constant 0 : i32
      %dma_start3A_97 = tpu.memref_slice %arg14[%add3A_27, %dma_start3A_96] : memref<10000x128xf32, #tpu.memory_space<vmem_shared>> -> memref<80x128xf32, #tpu.memory_space<vmem_shared>>
      %dma_start3A_98 = arith.constant 0 : i32
      %dma_start3A_99 = tpu.memref_slice %arg14[%add3A_27, %dma_start3A_98] : memref<10000x128xf32, #tpu.memory_space<vmem_shared>> -> memref<80x128xf32, #tpu.memory_space<vmem_shared>>
      tpu.enqueue_dma source(%arg10 : memref<80x128xf32, #tpu.memory_space<vmem>>) target(%dma_start3A_99 : memref<80x128xf32, #tpu.memory_space<vmem_shared>>) target_semaphore(%run_scoped3A : memref<!tpu.dma_semaphore, #tpu.memory_space<semaphore_mem>>)
      %dma_wait3A_100 = arith.constant 0 : i32
      %dma_wait3A_101 = tpu.memref_slice %arg14[%add3A_27, %dma_wait3A_100] : memref<10000x128xf32, #tpu.memory_space<vmem_shared>> -> memref<80x128xf32, #tpu.memory_space<vmem_shared>>
      %dma_wait3A_102 = arith.constant 0 : i32
      %dma_wait3A_103 = tpu.memref_slice %arg14[%add3A_27, %dma_wait3A_102] : memref<10000x128xf32, #tpu.memory_space<vmem_shared>> -> memref<80x128xf32, #tpu.memory_space<vmem_shared>>
      tpu.wait_dma2 semaphore(%run_scoped3A : memref<!tpu.dma_semaphore, #tpu.memory_space<semaphore_mem>>) src(%arg10 : memref<80x128xf32, #tpu.memory_space<vmem>>) dst(%dma_wait3A_103 : memref<80x128xf32, #tpu.memory_space<vmem_shared>>)
      tpu.yield
    }) : () -> ()
    %mul3A_28 = arith.constant 624 : i32
    %mul3A_29 = arith.muli %arg1, %mul3A_28 : i32
    %add3A_30 = arith.constant 320 : i32
    %add3A_31 = arith.addi %mul3A_29, %add3A_30 : i32
    "tpu.region"() ({
      %run_scoped3A = tpu.sem_alloc : memref<!tpu.dma_semaphore, #tpu.memory_space<semaphore_mem>>
      %dma_start3A_96 = arith.constant 0 : i32
      %dma_start3A_97 = tpu.memref_slice %arg14[%add3A_31, %dma_start3A_96] : memref<10000x128xf32, #tpu.memory_space<vmem_shared>> -> memref<80x128xf32, #tpu.memory_space<vmem_shared>>
      %dma_start3A_98 = arith.constant 0 : i32
      %dma_start3A_99 = tpu.memref_slice %arg14[%add3A_31, %dma_start3A_98] : memref<10000x128xf32, #tpu.memory_space<vmem_shared>> -> memref<80x128xf32, #tpu.memory_space<vmem_shared>>
      tpu.enqueue_dma source(%arg10 : memref<80x128xf32, #tpu.memory_space<vmem>>) target(%dma_start3A_99 : memref<80x128xf32, #tpu.memory_space<vmem_shared>>) target_semaphore(%run_scoped3A : memref<!tpu.dma_semaphore, #tpu.memory_space<semaphore_mem>>)
      %dma_wait3A_100 = arith.constant 0 : i32
      %dma_wait3A_101 = tpu.memref_slice %arg14[%add3A_31, %dma_wait3A_100] : memref<10000x128xf32, #tpu.memory_space<vmem_shared>> -> memref<80x128xf32, #tpu.memory_space<vmem_shared>>
      %dma_wait3A_102 = arith.constant 0 : i32
      %dma_wait3A_103 = tpu.memref_slice %arg14[%add3A_31, %dma_wait3A_102] : memref<10000x128xf32, #tpu.memory_space<vmem_shared>> -> memref<80x128xf32, #tpu.memory_space<vmem_shared>>
      tpu.wait_dma2 semaphore(%run_scoped3A : memref<!tpu.dma_semaphore, #tpu.memory_space<semaphore_mem>>) src(%arg10 : memref<80x128xf32, #tpu.memory_space<vmem>>) dst(%dma_wait3A_103 : memref<80x128xf32, #tpu.memory_space<vmem_shared>>)
      tpu.yield
    }) : () -> ()
    %mul3A_32 = arith.constant 624 : i32
    %mul3A_33 = arith.muli %arg1, %mul3A_32 : i32
    %add3A_34 = arith.constant 400 : i32
    %add3A_35 = arith.addi %mul3A_33, %add3A_34 : i32
    "tpu.region"() ({
      %run_scoped3A = tpu.sem_alloc : memref<!tpu.dma_semaphore, #tpu.memory_space<semaphore_mem>>
      %dma_start3A_96 = arith.constant 0 : i32
      %dma_start3A_97 = tpu.memref_slice %arg14[%add3A_35, %dma_start3A_96] : memref<10000x128xf32, #tpu.memory_space<vmem_shared>> -> memref<80x128xf32, #tpu.memory_space<vmem_shared>>
      %dma_start3A_98 = arith.constant 0 : i32
      %dma_start3A_99 = tpu.memref_slice %arg14[%add3A_35, %dma_start3A_98] : memref<10000x128xf32, #tpu.memory_space<vmem_shared>> -> memref<80x128xf32, #tpu.memory_space<vmem_shared>>
      tpu.enqueue_dma source(%arg10 : memref<80x128xf32, #tpu.memory_space<vmem>>) target(%dma_start3A_99 : memref<80x128xf32, #tpu.memory_space<vmem_shared>>) target_semaphore(%run_scoped3A : memref<!tpu.dma_semaphore, #tpu.memory_space<semaphore_mem>>)
      %dma_wait3A_100 = arith.constant 0 : i32
      %dma_wait3A_101 = tpu.memref_slice %arg14[%add3A_35, %dma_wait3A_100] : memref<10000x128xf32, #tpu.memory_space<vmem_shared>> -> memref<80x128xf32, #tpu.memory_space<vmem_shared>>
      %dma_wait3A_102 = arith.constant 0 : i32
      %dma_wait3A_103 = tpu.memref_slice %arg14[%add3A_35, %dma_wait3A_102] : memref<10000x128xf32, #tpu.memory_space<vmem_shared>> -> memref<80x128xf32, #tpu.memory_space<vmem_shared>>
      tpu.wait_dma2 semaphore(%run_scoped3A : memref<!tpu.dma_semaphore, #tpu.memory_space<semaphore_mem>>) src(%arg10 : memref<80x128xf32, #tpu.memory_space<vmem>>) dst(%dma_wait3A_103 : memref<80x128xf32, #tpu.memory_space<vmem_shared>>)
      tpu.yield
    }) : () -> ()
    %mul3A_36 = arith.constant 624 : i32
    %mul3A_37 = arith.muli %arg1, %mul3A_36 : i32
    %add3A_38 = arith.constant 480 : i32
    %add3A_39 = arith.addi %mul3A_37, %add3A_38 : i32
    "tpu.region"() ({
      %run_scoped3A = tpu.sem_alloc : memref<!tpu.dma_semaphore, #tpu.memory_space<semaphore_mem>>
      %dma_start3A_96 = arith.constant 0 : i32
      %dma_start3A_97 = tpu.memref_slice %arg14[%add3A_39, %dma_start3A_96] : memref<10000x128xf32, #tpu.memory_space<vmem_shared>> -> memref<80x128xf32, #tpu.memory_space<vmem_shared>>
      %dma_start3A_98 = arith.constant 0 : i32
      %dma_start3A_99 = tpu.memref_slice %arg14[%add3A_39, %dma_start3A_98] : memref<10000x128xf32, #tpu.memory_space<vmem_shared>> -> memref<80x128xf32, #tpu.memory_space<vmem_shared>>
      tpu.enqueue_dma source(%arg10 : memref<80x128xf32, #tpu.memory_space<vmem>>) target(%dma_start3A_99 : memref<80x128xf32, #tpu.memory_space<vmem_shared>>) target_semaphore(%run_scoped3A : memref<!tpu.dma_semaphore, #tpu.memory_space<semaphore_mem>>)
      %dma_wait3A_100 = arith.constant 0 : i32
      %dma_wait3A_101 = tpu.memref_slice %arg14[%add3A_39, %dma_wait3A_100] : memref<10000x128xf32, #tpu.memory_space<vmem_shared>> -> memref<80x128xf32, #tpu.memory_space<vmem_shared>>
      %dma_wait3A_102 = arith.constant 0 : i32
      %dma_wait3A_103 = tpu.memref_slice %arg14[%add3A_39, %dma_wait3A_102] : memref<10000x128xf32, #tpu.memory_space<vmem_shared>> -> memref<80x128xf32, #tpu.memory_space<vmem_shared>>
      tpu.wait_dma2 semaphore(%run_scoped3A : memref<!tpu.dma_semaphore, #tpu.memory_space<semaphore_mem>>) src(%arg10 : memref<80x128xf32, #tpu.memory_space<vmem>>) dst(%dma_wait3A_103 : memref<80x128xf32, #tpu.memory_space<vmem_shared>>)
      tpu.yield
    }) : () -> ()
    %mul3A_40 = arith.constant 624 : i32
    %mul3A_41 = arith.muli %arg1, %mul3A_40 : i32
    %add3A_42 = arith.constant 560 : i32
    %add3A_43 = arith.addi %mul3A_41, %add3A_42 : i32
    "tpu.region"() ({
      %run_scoped3A = tpu.sem_alloc : memref<!tpu.dma_semaphore, #tpu.memory_space<semaphore_mem>>
      %dma_start3A_96 = arith.constant 0 : i32
      %dma_start3A_97 = arith.constant 0 : i32
      %dma_start3A_98 = tpu.memref_slice %arg10[%dma_start3A_96, %dma_start3A_97] : memref<80x128xf32, #tpu.memory_space<vmem>> -> memref<64x128xf32, #tpu.memory_space<vmem>>
      %dma_start3A_99 = arith.constant 0 : i32
      %dma_start3A_100 = tpu.memref_slice %arg14[%add3A_43, %dma_start3A_99] : memref<10000x128xf32, #tpu.memory_space<vmem_shared>> -> memref<64x128xf32, #tpu.memory_space<vmem_shared>>
      %dma_start3A_101 = arith.constant 0 : i32
      %dma_start3A_102 = tpu.memref_slice %arg14[%add3A_43, %dma_start3A_101] : memref<10000x128xf32, #tpu.memory_space<vmem_shared>> -> memref<64x128xf32, #tpu.memory_space<vmem_shared>>
      %dma_start3A_103 = arith.constant 0 : i32
      %dma_start3A_104 = arith.constant 0 : i32
      %dma_start3A_105 = tpu.memref_slice %arg10[%dma_start3A_103, %dma_start3A_104] : memref<80x128xf32, #tpu.memory_space<vmem>> -> memref<64x128xf32, #tpu.memory_space<vmem>>
      tpu.enqueue_dma source(%dma_start3A_105 : memref<64x128xf32, #tpu.memory_space<vmem>>) target(%dma_start3A_102 : memref<64x128xf32, #tpu.memory_space<vmem_shared>>) target_semaphore(%run_scoped3A : memref<!tpu.dma_semaphore, #tpu.memory_space<semaphore_mem>>)
      %dma_wait3A_106 = arith.constant 0 : i32
      %dma_wait3A_107 = arith.constant 0 : i32
      %dma_wait3A_108 = tpu.memref_slice %arg10[%dma_wait3A_106, %dma_wait3A_107] : memref<80x128xf32, #tpu.memory_space<vmem>> -> memref<64x128xf32, #tpu.memory_space<vmem>>
      %dma_wait3A_109 = arith.constant 0 : i32
      %dma_wait3A_110 = tpu.memref_slice %arg14[%add3A_43, %dma_wait3A_109] : memref<10000x128xf32, #tpu.memory_space<vmem_shared>> -> memref<64x128xf32, #tpu.memory_space<vmem_shared>>
      %dma_wait3A_111 = arith.constant 0 : i32
      %dma_wait3A_112 = tpu.memref_slice %arg14[%add3A_43, %dma_wait3A_111] : memref<10000x128xf32, #tpu.memory_space<vmem_shared>> -> memref<64x128xf32, #tpu.memory_space<vmem_shared>>
      %dma_wait3A_113 = arith.constant 0 : i32
      %dma_wait3A_114 = arith.constant 0 : i32
      %dma_wait3A_115 = tpu.memref_slice %arg10[%dma_wait3A_113, %dma_wait3A_114] : memref<80x128xf32, #tpu.memory_space<vmem>> -> memref<64x128xf32, #tpu.memory_space<vmem>>
      tpu.wait_dma2 semaphore(%run_scoped3A : memref<!tpu.dma_semaphore, #tpu.memory_space<semaphore_mem>>) src(%dma_wait3A_115 : memref<64x128xf32, #tpu.memory_space<vmem>>) dst(%dma_wait3A_112 : memref<64x128xf32, #tpu.memory_space<vmem_shared>>)
      tpu.yield
    }) : () -> ()
    %eq3A = arith.constant 0 : i32
    %eq3A_44 = arith.cmpi eq, %arg1, %eq3A : i32
    %convert_element_type3A = arith.extui %eq3A_44 : i1 to i32
    %cond3A = arith.constant 0 : i32
    %cond3A_45 = arith.cmpi ne, %convert_element_type3A, %cond3A : i32
    scf.if %cond3A_45 {
      "tpu.region"() ({
        %run_scoped3A = tpu.sem_alloc : memref<!tpu.dma_semaphore, #tpu.memory_space<semaphore_mem>>
        %dma_start3A_96 = arith.constant 0 : i32
        %dma_start3A_97 = arith.constant 0 : i32
        %dma_start3A_98 = tpu.memref_slice %arg10[%dma_start3A_96, %dma_start3A_97] : memref<80x128xf32, #tpu.memory_space<vmem>> -> memref<8x128xf32, #tpu.memory_space<vmem>>
        %dma_start3A_99 = arith.constant 9984 : i32
        %dma_start3A_100 = arith.constant 0 : i32
        %dma_start3A_101 = tpu.memref_slice %arg14[%dma_start3A_99, %dma_start3A_100] : memref<10000x128xf32, #tpu.memory_space<vmem_shared>> -> memref<8x128xf32, #tpu.memory_space<vmem_shared>>
        %dma_start3A_102 = arith.constant 9984 : i32
        %dma_start3A_103 = arith.constant 0 : i32
        %dma_start3A_104 = tpu.memref_slice %arg14[%dma_start3A_102, %dma_start3A_103] : memref<10000x128xf32, #tpu.memory_space<vmem_shared>> -> memref<8x128xf32, #tpu.memory_space<vmem_shared>>
        %dma_start3A_105 = arith.constant 0 : i32
        %dma_start3A_106 = arith.constant 0 : i32
        %dma_start3A_107 = tpu.memref_slice %arg10[%dma_start3A_105, %dma_start3A_106] : memref<80x128xf32, #tpu.memory_space<vmem>> -> memref<8x128xf32, #tpu.memory_space<vmem>>
        tpu.enqueue_dma source(%dma_start3A_107 : memref<8x128xf32, #tpu.memory_space<vmem>>) target(%dma_start3A_104 : memref<8x128xf32, #tpu.memory_space<vmem_shared>>) target_semaphore(%run_scoped3A : memref<!tpu.dma_semaphore, #tpu.memory_space<semaphore_mem>>)
        %dma_wait3A_108 = arith.constant 0 : i32
        %dma_wait3A_109 = arith.constant 0 : i32
        %dma_wait3A_110 = tpu.memref_slice %arg10[%dma_wait3A_108, %dma_wait3A_109] : memref<80x128xf32, #tpu.memory_space<vmem>> -> memref<8x128xf32, #tpu.memory_space<vmem>>
        %dma_wait3A_111 = arith.constant 9984 : i32
        %dma_wait3A_112 = arith.constant 0 : i32
        %dma_wait3A_113 = tpu.memref_slice %arg14[%dma_wait3A_111, %dma_wait3A_112] : memref<10000x128xf32, #tpu.memory_space<vmem_shared>> -> memref<8x128xf32, #tpu.memory_space<vmem_shared>>
        %dma_wait3A_114 = arith.constant 9984 : i32
        %dma_wait3A_115 = arith.constant 0 : i32
        %dma_wait3A_116 = tpu.memref_slice %arg14[%dma_wait3A_114, %dma_wait3A_115] : memref<10000x128xf32, #tpu.memory_space<vmem_shared>> -> memref<8x128xf32, #tpu.memory_space<vmem_shared>>
        %dma_wait3A_117 = arith.constant 0 : i32
        %dma_wait3A_118 = arith.constant 0 : i32
        %dma_wait3A_119 = tpu.memref_slice %arg10[%dma_wait3A_117, %dma_wait3A_118] : memref<80x128xf32, #tpu.memory_space<vmem>> -> memref<8x128xf32, #tpu.memory_space<vmem>>
        tpu.wait_dma2 semaphore(%run_scoped3A : memref<!tpu.dma_semaphore, #tpu.memory_space<semaphore_mem>>) src(%dma_wait3A_119 : memref<8x128xf32, #tpu.memory_space<vmem>>) dst(%dma_wait3A_116 : memref<8x128xf32, #tpu.memory_space<vmem_shared>>)
        tpu.yield
      }) : () -> ()
    } else {
    }
    %eq3A_46 = arith.constant 1 : i32
    %eq3A_47 = arith.cmpi eq, %arg1, %eq3A_46 : i32
    %convert_element_type3A_48 = arith.extui %eq3A_47 : i1 to i32
    %cond3A_49 = arith.constant 0 : i32
    %cond3A_50 = arith.cmpi ne, %convert_element_type3A_48, %cond3A_49 : i32
    scf.if %cond3A_50 {
      "tpu.region"() ({
        %run_scoped3A = tpu.sem_alloc : memref<!tpu.dma_semaphore, #tpu.memory_space<semaphore_mem>>
        %dma_start3A_96 = arith.constant 0 : i32
        %dma_start3A_97 = arith.constant 0 : i32
        %dma_start3A_98 = tpu.memref_slice %arg10[%dma_start3A_96, %dma_start3A_97] : memref<80x128xf32, #tpu.memory_space<vmem>> -> memref<8x128xf32, #tpu.memory_space<vmem>>
        %dma_start3A_99 = arith.constant 9992 : i32
        %dma_start3A_100 = arith.constant 0 : i32
        %dma_start3A_101 = tpu.memref_slice %arg14[%dma_start3A_99, %dma_start3A_100] : memref<10000x128xf32, #tpu.memory_space<vmem_shared>> -> memref<8x128xf32, #tpu.memory_space<vmem_shared>>
        %dma_start3A_102 = arith.constant 9992 : i32
        %dma_start3A_103 = arith.constant 0 : i32
        %dma_start3A_104 = tpu.memref_slice %arg14[%dma_start3A_102, %dma_start3A_103] : memref<10000x128xf32, #tpu.memory_space<vmem_shared>> -> memref<8x128xf32, #tpu.memory_space<vmem_shared>>
        %dma_start3A_105 = arith.constant 0 : i32
        %dma_start3A_106 = arith.constant 0 : i32
        %dma_start3A_107 = tpu.memref_slice %arg10[%dma_start3A_105, %dma_start3A_106] : memref<80x128xf32, #tpu.memory_space<vmem>> -> memref<8x128xf32, #tpu.memory_space<vmem>>
        tpu.enqueue_dma source(%dma_start3A_107 : memref<8x128xf32, #tpu.memory_space<vmem>>) target(%dma_start3A_104 : memref<8x128xf32, #tpu.memory_space<vmem_shared>>) target_semaphore(%run_scoped3A : memref<!tpu.dma_semaphore, #tpu.memory_space<semaphore_mem>>)
        %dma_wait3A_108 = arith.constant 0 : i32
        %dma_wait3A_109 = arith.constant 0 : i32
        %dma_wait3A_110 = tpu.memref_slice %arg10[%dma_wait3A_108, %dma_wait3A_109] : memref<80x128xf32, #tpu.memory_space<vmem>> -> memref<8x128xf32, #tpu.memory_space<vmem>>
        %dma_wait3A_111 = arith.constant 9992 : i32
        %dma_wait3A_112 = arith.constant 0 : i32
        %dma_wait3A_113 = tpu.memref_slice %arg14[%dma_wait3A_111, %dma_wait3A_112] : memref<10000x128xf32, #tpu.memory_space<vmem_shared>> -> memref<8x128xf32, #tpu.memory_space<vmem_shared>>
        %dma_wait3A_114 = arith.constant 9992 : i32
        %dma_wait3A_115 = arith.constant 0 : i32
        %dma_wait3A_116 = tpu.memref_slice %arg14[%dma_wait3A_114, %dma_wait3A_115] : memref<10000x128xf32, #tpu.memory_space<vmem_shared>> -> memref<8x128xf32, #tpu.memory_space<vmem_shared>>
        %dma_wait3A_117 = arith.constant 0 : i32
        %dma_wait3A_118 = arith.constant 0 : i32
        %dma_wait3A_119 = tpu.memref_slice %arg10[%dma_wait3A_117, %dma_wait3A_118] : memref<80x128xf32, #tpu.memory_space<vmem>> -> memref<8x128xf32, #tpu.memory_space<vmem>>
        tpu.wait_dma2 semaphore(%run_scoped3A : memref<!tpu.dma_semaphore, #tpu.memory_space<semaphore_mem>>) src(%dma_wait3A_119 : memref<8x128xf32, #tpu.memory_space<vmem>>) dst(%dma_wait3A_116 : memref<8x128xf32, #tpu.memory_space<vmem_shared>>)
        tpu.yield
      }) : () -> ()
    } else {
    }
    "tpu.region"() ({
      %run_scoped3A = tpu.sem_alloc : memref<!tpu.dma_semaphore, #tpu.memory_space<semaphore_mem>>
      %dma_start3A_96 = tpu.memref_slice %arg3[%multiple_of3A] : memref<320000xi32, #tpu.memory_space<hbm>> -> memref<5120xi32, #tpu.memory_space<hbm>>
      %dma_start3A_97 = tpu.memref_slice %arg3[%multiple_of3A] : memref<320000xi32, #tpu.memory_space<hbm>> -> memref<5120xi32, #tpu.memory_space<hbm>>
      tpu.enqueue_dma source(%dma_start3A_97 : memref<5120xi32, #tpu.memory_space<hbm>>) target(%arg7 : memref<5120xi32, #tpu.memory_space<vmem>>) target_semaphore(%run_scoped3A : memref<!tpu.dma_semaphore, #tpu.memory_space<semaphore_mem>>)
      %dma_wait3A_98 = tpu.memref_slice %arg3[%multiple_of3A] : memref<320000xi32, #tpu.memory_space<hbm>> -> memref<5120xi32, #tpu.memory_space<hbm>>
      %dma_wait3A_99 = tpu.memref_slice %arg3[%multiple_of3A] : memref<320000xi32, #tpu.memory_space<hbm>> -> memref<5120xi32, #tpu.memory_space<hbm>>
      tpu.wait_dma2 semaphore(%run_scoped3A : memref<!tpu.dma_semaphore, #tpu.memory_space<semaphore_mem>>) src(%dma_wait3A_99 : memref<5120xi32, #tpu.memory_space<hbm>>) dst(%arg7 : memref<5120xi32, #tpu.memory_space<vmem>>)
      tpu.yield
    }) : () -> ()
    %barrier3A = arith.constant 0 : index
    tpu.barrier barrier_id(%barrier3A)
    %eq3A_51 = arith.constant 31 : i32
    %eq3A_52 = arith.cmpi eq, %add3A, %eq3A_51 : i32
    %jit3A = arith.constant 16 : i32
    %jit3A_53 = arith.constant 64 : i32
    %select_n3A = arith.select %eq3A_52, %jit3A, %jit3A_53 : i32
    %add3A_54 = arith.constant 0 : i32
    %add3A_55 = arith.addi %add3A_4, %add3A_54 : i32
    %dma_start3A = tpu.memref_slice %arg4[%add3A_55] : memref<320000xi32, #tpu.memory_space<hbm>> -> memref<80xi32, #tpu.memory_space<hbm>>
    %dma_start3A_56 = tpu.memref_slice %arg4[%add3A_55] : memref<320000xi32, #tpu.memory_space<hbm>> -> memref<80xi32, #tpu.memory_space<hbm>>
    tpu.enqueue_dma source(%dma_start3A_56 : memref<80xi32, #tpu.memory_space<hbm>>) target(%arg8 : memref<80xi32, #tpu.memory_space<vmem>>) target_semaphore(%arg17 : memref<!tpu.dma_semaphore, #tpu.memory_space<semaphore_mem>>)
    %add3A_57 = arith.constant 0 : i32
    %add3A_58 = arith.addi %sub3A, %add3A_57 : i32
    %multiple_of3A_59 = tpu.assume_multiple %add3A_58, 8 : i32
    %dma_start3A_60 = tpu.memref_slice %arg7[%multiple_of3A_59] : memref<5120xi32, #tpu.memory_space<vmem>> -> memref<80xi32, #tpu.memory_space<vmem>>
    %dma_start3A_61 = arith.constant 0 : i32
    %dma_start3A_62 = arith.constant 0 : i32
    %dma_start3A_63 = tpu.memref_slice %arg2[%dma_start3A_61, %dma_start3A_62] : memref<10000x128xf32, #tpu.memory_space<hbm>> -> memref<10000x128xf32, #tpu.memory_space<hbm>>
    tpu.enqueue_indirect_dma source(%dma_start3A_63 : memref<10000x128xf32, #tpu.memory_space<hbm>>) target(%arg10 : memref<80x128xf32, #tpu.memory_space<vmem>>) offsets(%dma_start3A_60 : memref<80xi32, #tpu.memory_space<vmem>>) semaphore(%arg15 : memref<!tpu.dma_semaphore, #tpu.memory_space<semaphore_mem>>)
    %mul3A_64 = arith.constant 5120 : i32
    %mul3A_65 = arith.muli %add3A, %mul3A_64 : i32
    %add3A_66 = arith.constant 0 : i32
    %add3A_67 = arith.addi %mul3A_65, %add3A_66 : i32
    %dma_start3A_68 = arith.constant 0 : i32
    %dma_start3A_69 = tpu.memref_slice %arg5[%add3A_67, %dma_start3A_68] : memref<160000x128xf32, #tpu.memory_space<hbm>> -> memref<80x128xf32, #tpu.memory_space<hbm>>
    %dma_start3A_70 = arith.constant 0 : i32
    %dma_start3A_71 = tpu.memref_slice %arg5[%add3A_67, %dma_start3A_70] : memref<160000x128xf32, #tpu.memory_space<hbm>> -> memref<80x128xf32, #tpu.memory_space<hbm>>
    tpu.enqueue_dma source(%dma_start3A_71 : memref<80x128xf32, #tpu.memory_space<hbm>>) target(%arg11 : memref<80x128xf32, #tpu.memory_space<vmem>>) target_semaphore(%arg16 : memref<!tpu.dma_semaphore, #tpu.memory_space<semaphore_mem>>)
    %scan3A_72 = arith.constant 0 : i32
    %scan3A_73 = arith.constant 0 : i32
    %scan3A_74 = arith.constant 64 : i32
    %scan3A_75 = arith.addi %scan3A_73, %scan3A_74 : i32
    %scan3A_76 = arith.constant 1 : i32
    %scan3A_77 = scf.for %scan3A_96 = %scan3A_73 to %scan3A_75 step %scan3A_76 iter_args(%scan3A_97 = %scan3A_72) -> (i32)  : i32 {
      %rem3A = arith.constant 2 : i32
      %rem3A_98 = arith.remsi %scan3A_96, %rem3A : i32
      %eq3A_99 = arith.constant 0 : i32
      %eq3A_100 = arith.cmpi eq, %rem3A_98, %eq3A_99 : i32
      %convert_element_type3A_101 = arith.extui %eq3A_100 : i1 to i32
      %cond3A_102 = arith.constant 0 : i32
      %cond3A_103 = arith.cmpi ne, %convert_element_type3A_101, %cond3A_102 : i32
      scf.if %cond3A_103 {
        %lt3A = arith.cmpi slt, %scan3A_96, %select_n3A : i32
        %convert_element_type3A_110 = arith.extui %lt3A : i1 to i32
        %cond3A_111 = arith.constant 0 : i32
        %cond3A_112 = arith.cmpi ne, %convert_element_type3A_110, %cond3A_111 : i32
        scf.if %cond3A_112 {
          %ge3A = arith.constant 1 : i32
          %ge3A_113 = arith.cmpi sge, %scan3A_96, %ge3A : i32
          %convert_element_type3A_114 = arith.extui %ge3A_113 : i1 to i32
          %cond3A_115 = arith.constant 0 : i32
          %cond3A_116 = arith.cmpi ne, %convert_element_type3A_114, %cond3A_115 : i32
          scf.if %cond3A_116 {
            %dma_wait3A_150 = arith.constant 0 : i32
            %dma_wait3A_151 = arith.constant 0 : i32
            %dma_wait3A_152 = tpu.memref_slice %arg14[%dma_wait3A_150, %dma_wait3A_151] : memref<10000x128xf32, #tpu.memory_space<vmem_shared>> -> memref<10000x128xf32, #tpu.memory_space<vmem_shared>>
            tpu.wait_indirect_dma semaphore(%arg22 : memref<!tpu.dma_semaphore, #tpu.memory_space<semaphore_mem>>) src(%arg12 : memref<80x128xf32, #tpu.memory_space<vmem>>) dst(%dma_wait3A_152 : memref<10000x128xf32, #tpu.memory_space<vmem_shared>>)
          } else {
          }
          %add3A_117 = arith.constant 1 : i32
          %add3A_118 = arith.addi %scan3A_96, %add3A_117 : i32
          %lt3A_119 = arith.cmpi slt, %add3A_118, %select_n3A : i32
          %convert_element_type3A_120 = arith.extui %lt3A_119 : i1 to i32
          %cond3A_121 = arith.constant 0 : i32
          %cond3A_122 = arith.cmpi ne, %convert_element_type3A_120, %cond3A_121 : i32
          scf.if %cond3A_122 {
            %add3A_150 = arith.constant 1 : i32
            %add3A_151 = arith.addi %scan3A_96, %add3A_150 : i32
            %mul3A_152 = arith.constant 80 : i32
            %mul3A_153 = arith.muli %add3A_151, %mul3A_152 : i32
            %add3A_154 = arith.addi %add3A_4, %mul3A_153 : i32
            %dma_start3A_155 = tpu.memref_slice %arg4[%add3A_154] : memref<320000xi32, #tpu.memory_space<hbm>> -> memref<80xi32, #tpu.memory_space<hbm>>
            %dma_start3A_156 = tpu.memref_slice %arg4[%add3A_154] : memref<320000xi32, #tpu.memory_space<hbm>> -> memref<80xi32, #tpu.memory_space<hbm>>
            tpu.enqueue_dma source(%dma_start3A_156 : memref<80xi32, #tpu.memory_space<hbm>>) target(%arg9 : memref<80xi32, #tpu.memory_space<vmem>>) target_semaphore(%arg21 : memref<!tpu.dma_semaphore, #tpu.memory_space<semaphore_mem>>)
            %add3A_157 = arith.constant 1 : i32
            %add3A_158 = arith.addi %scan3A_96, %add3A_157 : i32
            %mul3A_159 = arith.constant 80 : i32
            %mul3A_160 = arith.muli %add3A_158, %mul3A_159 : i32
            %add3A_161 = arith.addi %sub3A, %mul3A_160 : i32
            %multiple_of3A_162 = tpu.assume_multiple %add3A_161, 8 : i32
            %dma_start3A_163 = tpu.memref_slice %arg7[%multiple_of3A_162] : memref<5120xi32, #tpu.memory_space<vmem>> -> memref<80xi32, #tpu.memory_space<vmem>>
            %dma_start3A_164 = arith.constant 0 : i32
            %dma_start3A_165 = arith.constant 0 : i32
            %dma_start3A_166 = tpu.memref_slice %arg2[%dma_start3A_164, %dma_start3A_165] : memref<10000x128xf32, #tpu.memory_space<hbm>> -> memref<10000x128xf32, #tpu.memory_space<hbm>>
            tpu.enqueue_indirect_dma source(%dma_start3A_166 : memref<10000x128xf32, #tpu.memory_space<hbm>>) target(%arg12 : memref<80x128xf32, #tpu.memory_space<vmem>>) offsets(%dma_start3A_163 : memref<80xi32, #tpu.memory_space<vmem>>) semaphore(%arg19 : memref<!tpu.dma_semaphore, #tpu.memory_space<semaphore_mem>>)
            %mul3A_167 = arith.constant 5120 : i32
            %mul3A_168 = arith.muli %add3A, %mul3A_167 : i32
            %mul3A_169 = arith.constant 80 : i32
            %mul3A_170 = arith.muli %add3A_158, %mul3A_169 : i32
            %add3A_171 = arith.addi %mul3A_168, %mul3A_170 : i32
            %dma_start3A_172 = arith.constant 0 : i32
            %dma_start3A_173 = tpu.memref_slice %arg5[%add3A_171, %dma_start3A_172] : memref<160000x128xf32, #tpu.memory_space<hbm>> -> memref<80x128xf32, #tpu.memory_space<hbm>>
            %dma_start3A_174 = arith.constant 0 : i32
            %dma_start3A_175 = tpu.memref_slice %arg5[%add3A_171, %dma_start3A_174] : memref<160000x128xf32, #tpu.memory_space<hbm>> -> memref<80x128xf32, #tpu.memory_space<hbm>>
            tpu.enqueue_dma source(%dma_start3A_175 : memref<80x128xf32, #tpu.memory_space<hbm>>) target(%arg13 : memref<80x128xf32, #tpu.memory_space<vmem>>) target_semaphore(%arg20 : memref<!tpu.dma_semaphore, #tpu.memory_space<semaphore_mem>>)
          } else {
          }
          %mul3A_123 = arith.constant 80 : i32
          %mul3A_124 = arith.muli %scan3A_96, %mul3A_123 : i32
          %add3A_125 = arith.addi %sub3A, %mul3A_124 : i32
          %multiple_of3A_126 = tpu.assume_multiple %add3A_125, 8 : i32
          %dma_wait3A_127 = tpu.memref_slice %arg7[%multiple_of3A_126] : memref<5120xi32, #tpu.memory_space<vmem>> -> memref<80xi32, #tpu.memory_space<vmem>>
          %dma_wait3A_128 = arith.constant 0 : i32
          %dma_wait3A_129 = arith.constant 0 : i32
          %dma_wait3A_130 = tpu.memref_slice %arg2[%dma_wait3A_128, %dma_wait3A_129] : memref<10000x128xf32, #tpu.memory_space<hbm>> -> memref<10000x128xf32, #tpu.memory_space<hbm>>
          tpu.wait_indirect_dma semaphore(%arg15 : memref<!tpu.dma_semaphore, #tpu.memory_space<semaphore_mem>>) src(%dma_wait3A_130 : memref<10000x128xf32, #tpu.memory_space<hbm>>) dst(%arg10 : memref<80x128xf32, #tpu.memory_space<vmem>>)
          %mul3A_131 = arith.constant 5120 : i32
          %mul3A_132 = arith.muli %add3A, %mul3A_131 : i32
          %mul3A_133 = arith.constant 80 : i32
          %mul3A_134 = arith.muli %scan3A_96, %mul3A_133 : i32
          %add3A_135 = arith.addi %mul3A_132, %mul3A_134 : i32
          %dma_wait3A_136 = arith.constant 0 : i32
          %dma_wait3A_137 = tpu.memref_slice %arg5[%add3A_135, %dma_wait3A_136] : memref<160000x128xf32, #tpu.memory_space<hbm>> -> memref<80x128xf32, #tpu.memory_space<hbm>>
          %dma_wait3A_138 = arith.constant 0 : i32
          %dma_wait3A_139 = tpu.memref_slice %arg5[%add3A_135, %dma_wait3A_138] : memref<160000x128xf32, #tpu.memory_space<hbm>> -> memref<80x128xf32, #tpu.memory_space<hbm>>
          tpu.wait_dma2 semaphore(%arg16 : memref<!tpu.dma_semaphore, #tpu.memory_space<semaphore_mem>>) src(%dma_wait3A_139 : memref<80x128xf32, #tpu.memory_space<hbm>>) dst(%arg11 : memref<80x128xf32, #tpu.memory_space<vmem>>)
          %mul3A_140 = arith.constant 80 : i32
          %mul3A_141 = arith.muli %scan3A_96, %mul3A_140 : i32
          %add3A_142 = arith.addi %add3A_4, %mul3A_141 : i32
          %dma_wait3A_143 = tpu.memref_slice %arg4[%add3A_142] : memref<320000xi32, #tpu.memory_space<hbm>> -> memref<80xi32, #tpu.memory_space<hbm>>
          %dma_wait3A_144 = tpu.memref_slice %arg4[%add3A_142] : memref<320000xi32, #tpu.memory_space<hbm>> -> memref<80xi32, #tpu.memory_space<hbm>>
          tpu.wait_dma2 semaphore(%arg17 : memref<!tpu.dma_semaphore, #tpu.memory_space<semaphore_mem>>) src(%dma_wait3A_144 : memref<80xi32, #tpu.memory_space<hbm>>) dst(%arg8 : memref<80xi32, #tpu.memory_space<vmem>>)
          %parallel_loop3A = arith.constant 0 : i32
          %parallel_loop3A_145 = arith.constant 80 : i32
          %parallel_loop3A_146 = arith.constant 1 : i32
          scf.for %parallel_loop3A_150 = %parallel_loop3A to %parallel_loop3A_145 step %parallel_loop3A_146  : i32 {
            %parallel_loop3A_151 = arith.constant 0.000000e+00 : f32
            %parallel_loop3A_152 = vector.broadcast %parallel_loop3A_151 : f32 to vector<16xf32>
            %parallel_loop3A_153 = arith.index_cast %parallel_loop3A_150 : i32 to index
            %parallel_loop3A_154 = arith.constant 0 : index
            %parallel_loop3A_155 = tpu.vector_load %arg10[%parallel_loop3A_153, %parallel_loop3A_154] {strides = array<i32>} : memref<80x128xf32, #tpu.memory_space<vmem>>, vector<1x16xf32>,
            %parallel_loop3A_156 = vector.shape_cast %parallel_loop3A_155 : vector<1x16xf32> to vector<16xf32>
            %parallel_loop3A_157 = arith.index_cast %parallel_loop3A_150 : i32 to index
            %parallel_loop3A_158 = arith.constant 0 : index
            %parallel_loop3A_159 = tpu.vector_load %arg11[%parallel_loop3A_157, %parallel_loop3A_158] {strides = array<i32>} : memref<80x128xf32, #tpu.memory_space<vmem>>, vector<1x16xf32>,
            %parallel_loop3A_160 = vector.shape_cast %parallel_loop3A_159 : vector<1x16xf32> to vector<16xf32>
            %parallel_loop3A_161 = arith.addf %parallel_loop3A_156, %parallel_loop3A_160 : vector<16xf32>
            %parallel_loop3A_162 = arith.maximumf %parallel_loop3A_161, %parallel_loop3A_152 : vector<16xf32>
            %parallel_loop3A_163 = arith.index_cast %parallel_loop3A_150 : i32 to index
            %parallel_loop3A_164 = arith.constant 0 : index
            %parallel_loop3A_165 = tpu.vector_load %arg10[%parallel_loop3A_163, %parallel_loop3A_164] {strides = array<i32>} : memref<80x128xf32, #tpu.memory_space<vmem>>, vector<1x16xf32>,
            %parallel_loop3A_166 = vector.shape_cast %parallel_loop3A_165 : vector<1x16xf32> to vector<16xf32>
            %parallel_loop3A_167 = vector.shape_cast %parallel_loop3A_162 : vector<16xf32> to vector<1x16xf32>
            tpu.vector_store %arg10[%parallel_loop3A_163, %parallel_loop3A_164], %parallel_loop3A_167 {strides = array<i32>} : memref<80x128xf32, #tpu.memory_space<vmem>>, vector<1x16xf32>,
            %parallel_loop3A_168 = arith.index_cast %parallel_loop3A_150 : i32 to index
            %parallel_loop3A_169 = arith.constant 16 : index
            %parallel_loop3A_170 = tpu.vector_load %arg10[%parallel_loop3A_168, %parallel_loop3A_169] {strides = array<i32>} : memref<80x128xf32, #tpu.memory_space<vmem>>, vector<1x16xf32>,
            %parallel_loop3A_171 = vector.shape_cast %parallel_loop3A_170 : vector<1x16xf32> to vector<16xf32>
            %parallel_loop3A_172 = arith.index_cast %parallel_loop3A_150 : i32 to index
            %parallel_loop3A_173 = arith.constant 16 : index
            %parallel_loop3A_174 = tpu.vector_load %arg11[%parallel_loop3A_172, %parallel_loop3A_173] {strides = array<i32>} : memref<80x128xf32, #tpu.memory_space<vmem>>, vector<1x16xf32>,
            %parallel_loop3A_175 = vector.shape_cast %parallel_loop3A_174 : vector<1x16xf32> to vector<16xf32>
            %parallel_loop3A_176 = arith.addf %parallel_loop3A_171, %parallel_loop3A_175 : vector<16xf32>
            %parallel_loop3A_177 = arith.maximumf %parallel_loop3A_176, %parallel_loop3A_152 : vector<16xf32>
            %parallel_loop3A_178 = arith.index_cast %parallel_loop3A_150 : i32 to index
            %parallel_loop3A_179 = arith.constant 16 : index
            %parallel_loop3A_180 = tpu.vector_load %arg10[%parallel_loop3A_178, %parallel_loop3A_179] {strides = array<i32>} : memref<80x128xf32, #tpu.memory_space<vmem>>, vector<1x16xf32>,
            %parallel_loop3A_181 = vector.shape_cast %parallel_loop3A_180 : vector<1x16xf32> to vector<16xf32>
            %parallel_loop3A_182 = vector.shape_cast %parallel_loop3A_177 : vector<16xf32> to vector<1x16xf32>
            tpu.vector_store %arg10[%parallel_loop3A_178, %parallel_loop3A_179], %parallel_loop3A_182 {strides = array<i32>} : memref<80x128xf32, #tpu.memory_space<vmem>>, vector<1x16xf32>,
            %parallel_loop3A_183 = arith.index_cast %parallel_loop3A_150 : i32 to index
            %parallel_loop3A_184 = arith.constant 32 : index
            %parallel_loop3A_185 = tpu.vector_load %arg10[%parallel_loop3A_183, %parallel_loop3A_184] {strides = array<i32>} : memref<80x128xf32, #tpu.memory_space<vmem>>, vector<1x16xf32>,
            %parallel_loop3A_186 = vector.shape_cast %parallel_loop3A_185 : vector<1x16xf32> to vector<16xf32>
            %parallel_loop3A_187 = arith.index_cast %parallel_loop3A_150 : i32 to index
            %parallel_loop3A_188 = arith.constant 32 : index
            %parallel_loop3A_189 = tpu.vector_load %arg11[%parallel_loop3A_187, %parallel_loop3A_188] {strides = array<i32>} : memref<80x128xf32, #tpu.memory_space<vmem>>, vector<1x16xf32>,
            %parallel_loop3A_190 = vector.shape_cast %parallel_loop3A_189 : vector<1x16xf32> to vector<16xf32>
            %parallel_loop3A_191 = arith.addf %parallel_loop3A_186, %parallel_loop3A_190 : vector<16xf32>
            %parallel_loop3A_192 = arith.maximumf %parallel_loop3A_191, %parallel_loop3A_152 : vector<16xf32>
            %parallel_loop3A_193 = arith.index_cast %parallel_loop3A_150 : i32 to index
            %parallel_loop3A_194 = arith.constant 32 : index
            %parallel_loop3A_195 = tpu.vector_load %arg10[%parallel_loop3A_193, %parallel_loop3A_194] {strides = array<i32>} : memref<80x128xf32, #tpu.memory_space<vmem>>, vector<1x16xf32>,
            %parallel_loop3A_196 = vector.shape_cast %parallel_loop3A_195 : vector<1x16xf32> to vector<16xf32>
            %parallel_loop3A_197 = vector.shape_cast %parallel_loop3A_192 : vector<16xf32> to vector<1x16xf32>
            tpu.vector_store %arg10[%parallel_loop3A_193, %parallel_loop3A_194], %parallel_loop3A_197 {strides = array<i32>} : memref<80x128xf32, #tpu.memory_space<vmem>>, vector<1x16xf32>,
            %parallel_loop3A_198 = arith.index_cast %parallel_loop3A_150 : i32 to index
            %parallel_loop3A_199 = arith.constant 48 : index
            %parallel_loop3A_200 = tpu.vector_load %arg10[%parallel_loop3A_198, %parallel_loop3A_199] {strides = array<i32>} : memref<80x128xf32, #tpu.memory_space<vmem>>, vector<1x16xf32>,
            %parallel_loop3A_201 = vector.shape_cast %parallel_loop3A_200 : vector<1x16xf32> to vector<16xf32>
            %parallel_loop3A_202 = arith.index_cast %parallel_loop3A_150 : i32 to index
            %parallel_loop3A_203 = arith.constant 48 : index
            %parallel_loop3A_204 = tpu.vector_load %arg11[%parallel_loop3A_202, %parallel_loop3A_203] {strides = array<i32>} : memref<80x128xf32, #tpu.memory_space<vmem>>, vector<1x16xf32>,
            %parallel_loop3A_205 = vector.shape_cast %parallel_loop3A_204 : vector<1x16xf32> to vector<16xf32>
            %parallel_loop3A_206 = arith.addf %parallel_loop3A_201, %parallel_loop3A_205 : vector<16xf32>
            %parallel_loop3A_207 = arith.maximumf %parallel_loop3A_206, %parallel_loop3A_152 : vector<16xf32>
            %parallel_loop3A_208 = arith.index_cast %parallel_loop3A_150 : i32 to index
            %parallel_loop3A_209 = arith.constant 48 : index
            %parallel_loop3A_210 = tpu.vector_load %arg10[%parallel_loop3A_208, %parallel_loop3A_209] {strides = array<i32>} : memref<80x128xf32, #tpu.memory_space<vmem>>, vector<1x16xf32>,
            %parallel_loop3A_211 = vector.shape_cast %parallel_loop3A_210 : vector<1x16xf32> to vector<16xf32>
            %parallel_loop3A_212 = vector.shape_cast %parallel_loop3A_207 : vector<16xf32> to vector<1x16xf32>
            tpu.vector_store %arg10[%parallel_loop3A_208, %parallel_loop3A_209], %parallel_loop3A_212 {strides = array<i32>} : memref<80x128xf32, #tpu.memory_space<vmem>>, vector<1x16xf32>,
            %parallel_loop3A_213 = arith.index_cast %parallel_loop3A_150 : i32 to index
            %parallel_loop3A_214 = arith.constant 64 : index
            %parallel_loop3A_215 = tpu.vector_load %arg10[%parallel_loop3A_213, %parallel_loop3A_214] {strides = array<i32>} : memref<80x128xf32, #tpu.memory_space<vmem>>, vector<1x16xf32>,
            %parallel_loop3A_216 = vector.shape_cast %parallel_loop3A_215 : vector<1x16xf32> to vector<16xf32>
            %parallel_loop3A_217 = arith.index_cast %parallel_loop3A_150 : i32 to index
            %parallel_loop3A_218 = arith.constant 64 : index
            %parallel_loop3A_219 = tpu.vector_load %arg11[%parallel_loop3A_217, %parallel_loop3A_218] {strides = array<i32>} : memref<80x128xf32, #tpu.memory_space<vmem>>, vector<1x16xf32>,
            %parallel_loop3A_220 = vector.shape_cast %parallel_loop3A_219 : vector<1x16xf32> to vector<16xf32>
            %parallel_loop3A_221 = arith.addf %parallel_loop3A_216, %parallel_loop3A_220 : vector<16xf32>
            %parallel_loop3A_222 = arith.maximumf %parallel_loop3A_221, %parallel_loop3A_152 : vector<16xf32>
            %parallel_loop3A_223 = arith.index_cast %parallel_loop3A_150 : i32 to index
            %parallel_loop3A_224 = arith.constant 64 : index
            %parallel_loop3A_225 = tpu.vector_load %arg10[%parallel_loop3A_223, %parallel_loop3A_224] {strides = array<i32>} : memref<80x128xf32, #tpu.memory_space<vmem>>, vector<1x16xf32>,
            %parallel_loop3A_226 = vector.shape_cast %parallel_loop3A_225 : vector<1x16xf32> to vector<16xf32>
            %parallel_loop3A_227 = vector.shape_cast %parallel_loop3A_222 : vector<16xf32> to vector<1x16xf32>
            tpu.vector_store %arg10[%parallel_loop3A_223, %parallel_loop3A_224], %parallel_loop3A_227 {strides = array<i32>} : memref<80x128xf32, #tpu.memory_space<vmem>>, vector<1x16xf32>,
            %parallel_loop3A_228 = arith.index_cast %parallel_loop3A_150 : i32 to index
            %parallel_loop3A_229 = arith.constant 80 : index
            %parallel_loop3A_230 = tpu.vector_load %arg10[%parallel_loop3A_228, %parallel_loop3A_229] {strides = array<i32>} : memref<80x128xf32, #tpu.memory_space<vmem>>, vector<1x16xf32>,
            %parallel_loop3A_231 = vector.shape_cast %parallel_loop3A_230 : vector<1x16xf32> to vector<16xf32>
            %parallel_loop3A_232 = arith.index_cast %parallel_loop3A_150 : i32 to index
            %parallel_loop3A_233 = arith.constant 80 : index
            %parallel_loop3A_234 = tpu.vector_load %arg11[%parallel_loop3A_232, %parallel_loop3A_233] {strides = array<i32>} : memref<80x128xf32, #tpu.memory_space<vmem>>, vector<1x16xf32>,
            %parallel_loop3A_235 = vector.shape_cast %parallel_loop3A_234 : vector<1x16xf32> to vector<16xf32>
            %parallel_loop3A_236 = arith.addf %parallel_loop3A_231, %parallel_loop3A_235 : vector<16xf32>
            %parallel_loop3A_237 = arith.maximumf %parallel_loop3A_236, %parallel_loop3A_152 : vector<16xf32>
            %parallel_loop3A_238 = arith.index_cast %parallel_loop3A_150 : i32 to index
            %parallel_loop3A_239 = arith.constant 80 : index
            %parallel_loop3A_240 = tpu.vector_load %arg10[%parallel_loop3A_238, %parallel_loop3A_239] {strides = array<i32>} : memref<80x128xf32, #tpu.memory_space<vmem>>, vector<1x16xf32>,
            %parallel_loop3A_241 = vector.shape_cast %parallel_loop3A_240 : vector<1x16xf32> to vector<16xf32>
            %parallel_loop3A_242 = vector.shape_cast %parallel_loop3A_237 : vector<16xf32> to vector<1x16xf32>
            tpu.vector_store %arg10[%parallel_loop3A_238, %parallel_loop3A_239], %parallel_loop3A_242 {strides = array<i32>} : memref<80x128xf32, #tpu.memory_space<vmem>>, vector<1x16xf32>,
            %parallel_loop3A_243 = arith.index_cast %parallel_loop3A_150 : i32 to index
            %parallel_loop3A_244 = arith.constant 96 : index
            %parallel_loop3A_245 = tpu.vector_load %arg10[%parallel_loop3A_243, %parallel_loop3A_244] {strides = array<i32>} : memref<80x128xf32, #tpu.memory_space<vmem>>, vector<1x16xf32>,
            %parallel_loop3A_246 = vector.shape_cast %parallel_loop3A_245 : vector<1x16xf32> to vector<16xf32>
            %parallel_loop3A_247 = arith.index_cast %parallel_loop3A_150 : i32 to index
            %parallel_loop3A_248 = arith.constant 96 : index
            %parallel_loop3A_249 = tpu.vector_load %arg11[%parallel_loop3A_247, %parallel_loop3A_248] {strides = array<i32>} : memref<80x128xf32, #tpu.memory_space<vmem>>, vector<1x16xf32>,
            %parallel_loop3A_250 = vector.shape_cast %parallel_loop3A_249 : vector<1x16xf32> to vector<16xf32>
            %parallel_loop3A_251 = arith.addf %parallel_loop3A_246, %parallel_loop3A_250 : vector<16xf32>
            %parallel_loop3A_252 = arith.maximumf %parallel_loop3A_251, %parallel_loop3A_152 : vector<16xf32>
            %parallel_loop3A_253 = arith.index_cast %parallel_loop3A_150 : i32 to index
            %parallel_loop3A_254 = arith.constant 96 : index
            %parallel_loop3A_255 = tpu.vector_load %arg10[%parallel_loop3A_253, %parallel_loop3A_254] {strides = array<i32>} : memref<80x128xf32, #tpu.memory_space<vmem>>, vector<1x16xf32>,
            %parallel_loop3A_256 = vector.shape_cast %parallel_loop3A_255 : vector<1x16xf32> to vector<16xf32>
            %parallel_loop3A_257 = vector.shape_cast %parallel_loop3A_252 : vector<16xf32> to vector<1x16xf32>
            tpu.vector_store %arg10[%parallel_loop3A_253, %parallel_loop3A_254], %parallel_loop3A_257 {strides = array<i32>} : memref<80x128xf32, #tpu.memory_space<vmem>>, vector<1x16xf32>,
            %parallel_loop3A_258 = arith.index_cast %parallel_loop3A_150 : i32 to index
            %parallel_loop3A_259 = arith.constant 112 : index
            %parallel_loop3A_260 = tpu.vector_load %arg10[%parallel_loop3A_258, %parallel_loop3A_259] {strides = array<i32>} : memref<80x128xf32, #tpu.memory_space<vmem>>, vector<1x16xf32>,
            %parallel_loop3A_261 = vector.shape_cast %parallel_loop3A_260 : vector<1x16xf32> to vector<16xf32>
            %parallel_loop3A_262 = arith.index_cast %parallel_loop3A_150 : i32 to index
            %parallel_loop3A_263 = arith.constant 112 : index
            %parallel_loop3A_264 = tpu.vector_load %arg11[%parallel_loop3A_262, %parallel_loop3A_263] {strides = array<i32>} : memref<80x128xf32, #tpu.memory_space<vmem>>, vector<1x16xf32>,
            %parallel_loop3A_265 = vector.shape_cast %parallel_loop3A_264 : vector<1x16xf32> to vector<16xf32>
            %parallel_loop3A_266 = arith.addf %parallel_loop3A_261, %parallel_loop3A_265 : vector<16xf32>
            %parallel_loop3A_267 = arith.maximumf %parallel_loop3A_266, %parallel_loop3A_152 : vector<16xf32>
            %parallel_loop3A_268 = arith.index_cast %parallel_loop3A_150 : i32 to index
            %parallel_loop3A_269 = arith.constant 112 : index
            %parallel_loop3A_270 = tpu.vector_load %arg10[%parallel_loop3A_268, %parallel_loop3A_269] {strides = array<i32>} : memref<80x128xf32, #tpu.memory_space<vmem>>, vector<1x16xf32>,
            %parallel_loop3A_271 = vector.shape_cast %parallel_loop3A_270 : vector<1x16xf32> to vector<16xf32>
            %parallel_loop3A_272 = vector.shape_cast %parallel_loop3A_267 : vector<16xf32> to vector<1x16xf32>
            tpu.vector_store %arg10[%parallel_loop3A_268, %parallel_loop3A_269], %parallel_loop3A_272 {strides = array<i32>} : memref<80x128xf32, #tpu.memory_space<vmem>>, vector<1x16xf32>,
          } {sc.loop_unroll_factor = 2 : i64, sc.parallel_access}
          %dma_start3A_147 = arith.constant 0 : i32
          %dma_start3A_148 = arith.constant 0 : i32
          %dma_start3A_149 = tpu.memref_slice %arg14[%dma_start3A_147, %dma_start3A_148] : memref<10000x128xf32, #tpu.memory_space<vmem_shared>> -> memref<10000x128xf32, #tpu.memory_space<vmem_shared>>
          tpu.enqueue_indirect_dma source(%arg10 : memref<80x128xf32, #tpu.memory_space<vmem>>) target(%dma_start3A_149 : memref<10000x128xf32, #tpu.memory_space<vmem_shared>>) offsets(%arg8 : memref<80xi32, #tpu.memory_space<vmem>>) semaphore(%arg18 : memref<!tpu.dma_semaphore, #tpu.memory_space<semaphore_mem>>) {add = true}
        } else {
        }
      } else {
      }
      %eq3A_104 = arith.constant 1 : i32
      %eq3A_105 = arith.cmpi eq, %rem3A_98, %eq3A_104 : i32
      %convert_element_type3A_106 = arith.extui %eq3A_105 : i1 to i32
      %cond3A_107 = arith.constant 0 : i32
      %cond3A_108 = arith.cmpi ne, %convert_element_type3A_106, %cond3A_107 : i32
      scf.if %cond3A_108 {
        %lt3A = arith.cmpi slt, %scan3A_96, %select_n3A : i32
        %convert_element_type3A_110 = arith.extui %lt3A : i1 to i32
        %cond3A_111 = arith.constant 0 : i32
        %cond3A_112 = arith.cmpi ne, %convert_element_type3A_110, %cond3A_111 : i32
        scf.if %cond3A_112 {
          %ge3A = arith.constant 1 : i32
          %ge3A_113 = arith.cmpi sge, %scan3A_96, %ge3A : i32
          %convert_element_type3A_114 = arith.extui %ge3A_113 : i1 to i32
          %cond3A_115 = arith.constant 0 : i32
          %cond3A_116 = arith.cmpi ne, %convert_element_type3A_114, %cond3A_115 : i32
          scf.if %cond3A_116 {
            %dma_wait3A_150 = arith.constant 0 : i32
            %dma_wait3A_151 = arith.constant 0 : i32
            %dma_wait3A_152 = tpu.memref_slice %arg14[%dma_wait3A_150, %dma_wait3A_151] : memref<10000x128xf32, #tpu.memory_space<vmem_shared>> -> memref<10000x128xf32, #tpu.memory_space<vmem_shared>>
            tpu.wait_indirect_dma semaphore(%arg18 : memref<!tpu.dma_semaphore, #tpu.memory_space<semaphore_mem>>) src(%arg10 : memref<80x128xf32, #tpu.memory_space<vmem>>) dst(%dma_wait3A_152 : memref<10000x128xf32, #tpu.memory_space<vmem_shared>>)
          } else {
          }
          %add3A_117 = arith.constant 1 : i32
          %add3A_118 = arith.addi %scan3A_96, %add3A_117 : i32
          %lt3A_119 = arith.cmpi slt, %add3A_118, %select_n3A : i32
          %convert_element_type3A_120 = arith.extui %lt3A_119 : i1 to i32
          %cond3A_121 = arith.constant 0 : i32
          %cond3A_122 = arith.cmpi ne, %convert_element_type3A_120, %cond3A_121 : i32
          scf.if %cond3A_122 {
            %add3A_150 = arith.constant 1 : i32
            %add3A_151 = arith.addi %scan3A_96, %add3A_150 : i32
            %mul3A_152 = arith.constant 80 : i32
            %mul3A_153 = arith.muli %add3A_151, %mul3A_152 : i32
            %add3A_154 = arith.addi %add3A_4, %mul3A_153 : i32
            %dma_start3A_155 = tpu.memref_slice %arg4[%add3A_154] : memref<320000xi32, #tpu.memory_space<hbm>> -> memref<80xi32, #tpu.memory_space<hbm>>
            %dma_start3A_156 = tpu.memref_slice %arg4[%add3A_154] : memref<320000xi32, #tpu.memory_space<hbm>> -> memref<80xi32, #tpu.memory_space<hbm>>
            tpu.enqueue_dma source(%dma_start3A_156 : memref<80xi32, #tpu.memory_space<hbm>>) target(%arg8 : memref<80xi32, #tpu.memory_space<vmem>>) target_semaphore(%arg17 : memref<!tpu.dma_semaphore, #tpu.memory_space<semaphore_mem>>)
            %add3A_157 = arith.constant 1 : i32
            %add3A_158 = arith.addi %scan3A_96, %add3A_157 : i32
            %mul3A_159 = arith.constant 80 : i32
            %mul3A_160 = arith.muli %add3A_158, %mul3A_159 : i32
            %add3A_161 = arith.addi %sub3A, %mul3A_160 : i32
            %multiple_of3A_162 = tpu.assume_multiple %add3A_161, 8 : i32
            %dma_start3A_163 = tpu.memref_slice %arg7[%multiple_of3A_162] : memref<5120xi32, #tpu.memory_space<vmem>> -> memref<80xi32, #tpu.memory_space<vmem>>
            %dma_start3A_164 = arith.constant 0 : i32
            %dma_start3A_165 = arith.constant 0 : i32
            %dma_start3A_166 = tpu.memref_slice %arg2[%dma_start3A_164, %dma_start3A_165] : memref<10000x128xf32, #tpu.memory_space<hbm>> -> memref<10000x128xf32, #tpu.memory_space<hbm>>
            tpu.enqueue_indirect_dma source(%dma_start3A_166 : memref<10000x128xf32, #tpu.memory_space<hbm>>) target(%arg10 : memref<80x128xf32, #tpu.memory_space<vmem>>) offsets(%dma_start3A_163 : memref<80xi32, #tpu.memory_space<vmem>>) semaphore(%arg15 : memref<!tpu.dma_semaphore, #tpu.memory_space<semaphore_mem>>)
            %mul3A_167 = arith.constant 5120 : i32
            %mul3A_168 = arith.muli %add3A, %mul3A_167 : i32
            %mul3A_169 = arith.constant 80 : i32
            %mul3A_170 = arith.muli %add3A_158, %mul3A_169 : i32
            %add3A_171 = arith.addi %mul3A_168, %mul3A_170 : i32
            %dma_start3A_172 = arith.constant 0 : i32
            %dma_start3A_173 = tpu.memref_slice %arg5[%add3A_171, %dma_start3A_172] : memref<160000x128xf32, #tpu.memory_space<hbm>> -> memref<80x128xf32, #tpu.memory_space<hbm>>
            %dma_start3A_174 = arith.constant 0 : i32
            %dma_start3A_175 = tpu.memref_slice %arg5[%add3A_171, %dma_start3A_174] : memref<160000x128xf32, #tpu.memory_space<hbm>> -> memref<80x128xf32, #tpu.memory_space<hbm>>
            tpu.enqueue_dma source(%dma_start3A_175 : memref<80x128xf32, #tpu.memory_space<hbm>>) target(%arg11 : memref<80x128xf32, #tpu.memory_space<vmem>>) target_semaphore(%arg16 : memref<!tpu.dma_semaphore, #tpu.memory_space<semaphore_mem>>)
          } else {
          }
          %mul3A_123 = arith.constant 80 : i32
          %mul3A_124 = arith.muli %scan3A_96, %mul3A_123 : i32
          %add3A_125 = arith.addi %sub3A, %mul3A_124 : i32
          %multiple_of3A_126 = tpu.assume_multiple %add3A_125, 8 : i32
          %dma_wait3A_127 = tpu.memref_slice %arg7[%multiple_of3A_126] : memref<5120xi32, #tpu.memory_space<vmem>> -> memref<80xi32, #tpu.memory_space<vmem>>
          %dma_wait3A_128 = arith.constant 0 : i32
          %dma_wait3A_129 = arith.constant 0 : i32
          %dma_wait3A_130 = tpu.memref_slice %arg2[%dma_wait3A_128, %dma_wait3A_129] : memref<10000x128xf32, #tpu.memory_space<hbm>> -> memref<10000x128xf32, #tpu.memory_space<hbm>>
          tpu.wait_indirect_dma semaphore(%arg19 : memref<!tpu.dma_semaphore, #tpu.memory_space<semaphore_mem>>) src(%dma_wait3A_130 : memref<10000x128xf32, #tpu.memory_space<hbm>>) dst(%arg12 : memref<80x128xf32, #tpu.memory_space<vmem>>)
          %mul3A_131 = arith.constant 5120 : i32
          %mul3A_132 = arith.muli %add3A, %mul3A_131 : i32
          %mul3A_133 = arith.constant 80 : i32
          %mul3A_134 = arith.muli %scan3A_96, %mul3A_133 : i32
          %add3A_135 = arith.addi %mul3A_132, %mul3A_134 : i32
          %dma_wait3A_136 = arith.constant 0 : i32
          %dma_wait3A_137 = tpu.memref_slice %arg5[%add3A_135, %dma_wait3A_136] : memref<160000x128xf32, #tpu.memory_space<hbm>> -> memref<80x128xf32, #tpu.memory_space<hbm>>
          %dma_wait3A_138 = arith.constant 0 : i32
          %dma_wait3A_139 = tpu.memref_slice %arg5[%add3A_135, %dma_wait3A_138] : memref<160000x128xf32, #tpu.memory_space<hbm>> -> memref<80x128xf32, #tpu.memory_space<hbm>>
          tpu.wait_dma2 semaphore(%arg20 : memref<!tpu.dma_semaphore, #tpu.memory_space<semaphore_mem>>) src(%dma_wait3A_139 : memref<80x128xf32, #tpu.memory_space<hbm>>) dst(%arg13 : memref<80x128xf32, #tpu.memory_space<vmem>>)
          %mul3A_140 = arith.constant 80 : i32
          %mul3A_141 = arith.muli %scan3A_96, %mul3A_140 : i32
          %add3A_142 = arith.addi %add3A_4, %mul3A_141 : i32
          %dma_wait3A_143 = tpu.memref_slice %arg4[%add3A_142] : memref<320000xi32, #tpu.memory_space<hbm>> -> memref<80xi32, #tpu.memory_space<hbm>>
          %dma_wait3A_144 = tpu.memref_slice %arg4[%add3A_142] : memref<320000xi32, #tpu.memory_space<hbm>> -> memref<80xi32, #tpu.memory_space<hbm>>
          tpu.wait_dma2 semaphore(%arg21 : memref<!tpu.dma_semaphore, #tpu.memory_space<semaphore_mem>>) src(%dma_wait3A_144 : memref<80xi32, #tpu.memory_space<hbm>>) dst(%arg9 : memref<80xi32, #tpu.memory_space<vmem>>)
          %parallel_loop3A = arith.constant 0 : i32
          %parallel_loop3A_145 = arith.constant 80 : i32
          %parallel_loop3A_146 = arith.constant 1 : i32
          scf.for %parallel_loop3A_150 = %parallel_loop3A to %parallel_loop3A_145 step %parallel_loop3A_146  : i32 {
            %parallel_loop3A_151 = arith.constant 0.000000e+00 : f32
            %parallel_loop3A_152 = vector.broadcast %parallel_loop3A_151 : f32 to vector<16xf32>
            %parallel_loop3A_153 = arith.index_cast %parallel_loop3A_150 : i32 to index
            %parallel_loop3A_154 = arith.constant 0 : index
            %parallel_loop3A_155 = tpu.vector_load %arg12[%parallel_loop3A_153, %parallel_loop3A_154] {strides = array<i32>} : memref<80x128xf32, #tpu.memory_space<vmem>>, vector<1x16xf32>,
            %parallel_loop3A_156 = vector.shape_cast %parallel_loop3A_155 : vector<1x16xf32> to vector<16xf32>
            %parallel_loop3A_157 = arith.index_cast %parallel_loop3A_150 : i32 to index
            %parallel_loop3A_158 = arith.constant 0 : index
            %parallel_loop3A_159 = tpu.vector_load %arg13[%parallel_loop3A_157, %parallel_loop3A_158] {strides = array<i32>} : memref<80x128xf32, #tpu.memory_space<vmem>>, vector<1x16xf32>,
            %parallel_loop3A_160 = vector.shape_cast %parallel_loop3A_159 : vector<1x16xf32> to vector<16xf32>
            %parallel_loop3A_161 = arith.addf %parallel_loop3A_156, %parallel_loop3A_160 : vector<16xf32>
            %parallel_loop3A_162 = arith.maximumf %parallel_loop3A_161, %parallel_loop3A_152 : vector<16xf32>
            %parallel_loop3A_163 = arith.index_cast %parallel_loop3A_150 : i32 to index
            %parallel_loop3A_164 = arith.constant 0 : index
            %parallel_loop3A_165 = tpu.vector_load %arg12[%parallel_loop3A_163, %parallel_loop3A_164] {strides = array<i32>} : memref<80x128xf32, #tpu.memory_space<vmem>>, vector<1x16xf32>,
            %parallel_loop3A_166 = vector.shape_cast %parallel_loop3A_165 : vector<1x16xf32> to vector<16xf32>
            %parallel_loop3A_167 = vector.shape_cast %parallel_loop3A_162 : vector<16xf32> to vector<1x16xf32>
            tpu.vector_store %arg12[%parallel_loop3A_163, %parallel_loop3A_164], %parallel_loop3A_167 {strides = array<i32>} : memref<80x128xf32, #tpu.memory_space<vmem>>, vector<1x16xf32>,
            %parallel_loop3A_168 = arith.index_cast %parallel_loop3A_150 : i32 to index
            %parallel_loop3A_169 = arith.constant 16 : index
            %parallel_loop3A_170 = tpu.vector_load %arg12[%parallel_loop3A_168, %parallel_loop3A_169] {strides = array<i32>} : memref<80x128xf32, #tpu.memory_space<vmem>>, vector<1x16xf32>,
            %parallel_loop3A_171 = vector.shape_cast %parallel_loop3A_170 : vector<1x16xf32> to vector<16xf32>
            %parallel_loop3A_172 = arith.index_cast %parallel_loop3A_150 : i32 to index
            %parallel_loop3A_173 = arith.constant 16 : index
            %parallel_loop3A_174 = tpu.vector_load %arg13[%parallel_loop3A_172, %parallel_loop3A_173] {strides = array<i32>} : memref<80x128xf32, #tpu.memory_space<vmem>>, vector<1x16xf32>,
            %parallel_loop3A_175 = vector.shape_cast %parallel_loop3A_174 : vector<1x16xf32> to vector<16xf32>
            %parallel_loop3A_176 = arith.addf %parallel_loop3A_171, %parallel_loop3A_175 : vector<16xf32>
            %parallel_loop3A_177 = arith.maximumf %parallel_loop3A_176, %parallel_loop3A_152 : vector<16xf32>
            %parallel_loop3A_178 = arith.index_cast %parallel_loop3A_150 : i32 to index
            %parallel_loop3A_179 = arith.constant 16 : index
            %parallel_loop3A_180 = tpu.vector_load %arg12[%parallel_loop3A_178, %parallel_loop3A_179] {strides = array<i32>} : memref<80x128xf32, #tpu.memory_space<vmem>>, vector<1x16xf32>,
            %parallel_loop3A_181 = vector.shape_cast %parallel_loop3A_180 : vector<1x16xf32> to vector<16xf32>
            %parallel_loop3A_182 = vector.shape_cast %parallel_loop3A_177 : vector<16xf32> to vector<1x16xf32>
            tpu.vector_store %arg12[%parallel_loop3A_178, %parallel_loop3A_179], %parallel_loop3A_182 {strides = array<i32>} : memref<80x128xf32, #tpu.memory_space<vmem>>, vector<1x16xf32>,
            %parallel_loop3A_183 = arith.index_cast %parallel_loop3A_150 : i32 to index
            %parallel_loop3A_184 = arith.constant 32 : index
            %parallel_loop3A_185 = tpu.vector_load %arg12[%parallel_loop3A_183, %parallel_loop3A_184] {strides = array<i32>} : memref<80x128xf32, #tpu.memory_space<vmem>>, vector<1x16xf32>,
            %parallel_loop3A_186 = vector.shape_cast %parallel_loop3A_185 : vector<1x16xf32> to vector<16xf32>
            %parallel_loop3A_187 = arith.index_cast %parallel_loop3A_150 : i32 to index
            %parallel_loop3A_188 = arith.constant 32 : index
            %parallel_loop3A_189 = tpu.vector_load %arg13[%parallel_loop3A_187, %parallel_loop3A_188] {strides = array<i32>} : memref<80x128xf32, #tpu.memory_space<vmem>>, vector<1x16xf32>,
            %parallel_loop3A_190 = vector.shape_cast %parallel_loop3A_189 : vector<1x16xf32> to vector<16xf32>
            %parallel_loop3A_191 = arith.addf %parallel_loop3A_186, %parallel_loop3A_190 : vector<16xf32>
            %parallel_loop3A_192 = arith.maximumf %parallel_loop3A_191, %parallel_loop3A_152 : vector<16xf32>
            %parallel_loop3A_193 = arith.index_cast %parallel_loop3A_150 : i32 to index
            %parallel_loop3A_194 = arith.constant 32 : index
            %parallel_loop3A_195 = tpu.vector_load %arg12[%parallel_loop3A_193, %parallel_loop3A_194] {strides = array<i32>} : memref<80x128xf32, #tpu.memory_space<vmem>>, vector<1x16xf32>,
            %parallel_loop3A_196 = vector.shape_cast %parallel_loop3A_195 : vector<1x16xf32> to vector<16xf32>
            %parallel_loop3A_197 = vector.shape_cast %parallel_loop3A_192 : vector<16xf32> to vector<1x16xf32>
            tpu.vector_store %arg12[%parallel_loop3A_193, %parallel_loop3A_194], %parallel_loop3A_197 {strides = array<i32>} : memref<80x128xf32, #tpu.memory_space<vmem>>, vector<1x16xf32>,
            %parallel_loop3A_198 = arith.index_cast %parallel_loop3A_150 : i32 to index
            %parallel_loop3A_199 = arith.constant 48 : index
            %parallel_loop3A_200 = tpu.vector_load %arg12[%parallel_loop3A_198, %parallel_loop3A_199] {strides = array<i32>} : memref<80x128xf32, #tpu.memory_space<vmem>>, vector<1x16xf32>,
            %parallel_loop3A_201 = vector.shape_cast %parallel_loop3A_200 : vector<1x16xf32> to vector<16xf32>
            %parallel_loop3A_202 = arith.index_cast %parallel_loop3A_150 : i32 to index
            %parallel_loop3A_203 = arith.constant 48 : index
            %parallel_loop3A_204 = tpu.vector_load %arg13[%parallel_loop3A_202, %parallel_loop3A_203] {strides = array<i32>} : memref<80x128xf32, #tpu.memory_space<vmem>>, vector<1x16xf32>,
            %parallel_loop3A_205 = vector.shape_cast %parallel_loop3A_204 : vector<1x16xf32> to vector<16xf32>
            %parallel_loop3A_206 = arith.addf %parallel_loop3A_201, %parallel_loop3A_205 : vector<16xf32>
            %parallel_loop3A_207 = arith.maximumf %parallel_loop3A_206, %parallel_loop3A_152 : vector<16xf32>
            %parallel_loop3A_208 = arith.index_cast %parallel_loop3A_150 : i32 to index
            %parallel_loop3A_209 = arith.constant 48 : index
            %parallel_loop3A_210 = tpu.vector_load %arg12[%parallel_loop3A_208, %parallel_loop3A_209] {strides = array<i32>} : memref<80x128xf32, #tpu.memory_space<vmem>>, vector<1x16xf32>,
            %parallel_loop3A_211 = vector.shape_cast %parallel_loop3A_210 : vector<1x16xf32> to vector<16xf32>
            %parallel_loop3A_212 = vector.shape_cast %parallel_loop3A_207 : vector<16xf32> to vector<1x16xf32>
            tpu.vector_store %arg12[%parallel_loop3A_208, %parallel_loop3A_209], %parallel_loop3A_212 {strides = array<i32>} : memref<80x128xf32, #tpu.memory_space<vmem>>, vector<1x16xf32>,
            %parallel_loop3A_213 = arith.index_cast %parallel_loop3A_150 : i32 to index
            %parallel_loop3A_214 = arith.constant 64 : index
            %parallel_loop3A_215 = tpu.vector_load %arg12[%parallel_loop3A_213, %parallel_loop3A_214] {strides = array<i32>} : memref<80x128xf32, #tpu.memory_space<vmem>>, vector<1x16xf32>,
            %parallel_loop3A_216 = vector.shape_cast %parallel_loop3A_215 : vector<1x16xf32> to vector<16xf32>
            %parallel_loop3A_217 = arith.index_cast %parallel_loop3A_150 : i32 to index
            %parallel_loop3A_218 = arith.constant 64 : index
            %parallel_loop3A_219 = tpu.vector_load %arg13[%parallel_loop3A_217, %parallel_loop3A_218] {strides = array<i32>} : memref<80x128xf32, #tpu.memory_space<vmem>>, vector<1x16xf32>,
            %parallel_loop3A_220 = vector.shape_cast %parallel_loop3A_219 : vector<1x16xf32> to vector<16xf32>
            %parallel_loop3A_221 = arith.addf %parallel_loop3A_216, %parallel_loop3A_220 : vector<16xf32>
            %parallel_loop3A_222 = arith.maximumf %parallel_loop3A_221, %parallel_loop3A_152 : vector<16xf32>
            %parallel_loop3A_223 = arith.index_cast %parallel_loop3A_150 : i32 to index
            %parallel_loop3A_224 = arith.constant 64 : index
            %parallel_loop3A_225 = tpu.vector_load %arg12[%parallel_loop3A_223, %parallel_loop3A_224] {strides = array<i32>} : memref<80x128xf32, #tpu.memory_space<vmem>>, vector<1x16xf32>,
            %parallel_loop3A_226 = vector.shape_cast %parallel_loop3A_225 : vector<1x16xf32> to vector<16xf32>
            %parallel_loop3A_227 = vector.shape_cast %parallel_loop3A_222 : vector<16xf32> to vector<1x16xf32>
            tpu.vector_store %arg12[%parallel_loop3A_223, %parallel_loop3A_224], %parallel_loop3A_227 {strides = array<i32>} : memref<80x128xf32, #tpu.memory_space<vmem>>, vector<1x16xf32>,
            %parallel_loop3A_228 = arith.index_cast %parallel_loop3A_150 : i32 to index
            %parallel_loop3A_229 = arith.constant 80 : index
            %parallel_loop3A_230 = tpu.vector_load %arg12[%parallel_loop3A_228, %parallel_loop3A_229] {strides = array<i32>} : memref<80x128xf32, #tpu.memory_space<vmem>>, vector<1x16xf32>,
            %parallel_loop3A_231 = vector.shape_cast %parallel_loop3A_230 : vector<1x16xf32> to vector<16xf32>
            %parallel_loop3A_232 = arith.index_cast %parallel_loop3A_150 : i32 to index
            %parallel_loop3A_233 = arith.constant 80 : index
            %parallel_loop3A_234 = tpu.vector_load %arg13[%parallel_loop3A_232, %parallel_loop3A_233] {strides = array<i32>} : memref<80x128xf32, #tpu.memory_space<vmem>>, vector<1x16xf32>,
            %parallel_loop3A_235 = vector.shape_cast %parallel_loop3A_234 : vector<1x16xf32> to vector<16xf32>
            %parallel_loop3A_236 = arith.addf %parallel_loop3A_231, %parallel_loop3A_235 : vector<16xf32>
            %parallel_loop3A_237 = arith.maximumf %parallel_loop3A_236, %parallel_loop3A_152 : vector<16xf32>
            %parallel_loop3A_238 = arith.index_cast %parallel_loop3A_150 : i32 to index
            %parallel_loop3A_239 = arith.constant 80 : index
            %parallel_loop3A_240 = tpu.vector_load %arg12[%parallel_loop3A_238, %parallel_loop3A_239] {strides = array<i32>} : memref<80x128xf32, #tpu.memory_space<vmem>>, vector<1x16xf32>,
            %parallel_loop3A_241 = vector.shape_cast %parallel_loop3A_240 : vector<1x16xf32> to vector<16xf32>
            %parallel_loop3A_242 = vector.shape_cast %parallel_loop3A_237 : vector<16xf32> to vector<1x16xf32>
            tpu.vector_store %arg12[%parallel_loop3A_238, %parallel_loop3A_239], %parallel_loop3A_242 {strides = array<i32>} : memref<80x128xf32, #tpu.memory_space<vmem>>, vector<1x16xf32>,
            %parallel_loop3A_243 = arith.index_cast %parallel_loop3A_150 : i32 to index
            %parallel_loop3A_244 = arith.constant 96 : index
            %parallel_loop3A_245 = tpu.vector_load %arg12[%parallel_loop3A_243, %parallel_loop3A_244] {strides = array<i32>} : memref<80x128xf32, #tpu.memory_space<vmem>>, vector<1x16xf32>,
            %parallel_loop3A_246 = vector.shape_cast %parallel_loop3A_245 : vector<1x16xf32> to vector<16xf32>
            %parallel_loop3A_247 = arith.index_cast %parallel_loop3A_150 : i32 to index
            %parallel_loop3A_248 = arith.constant 96 : index
            %parallel_loop3A_249 = tpu.vector_load %arg13[%parallel_loop3A_247, %parallel_loop3A_248] {strides = array<i32>} : memref<80x128xf32, #tpu.memory_space<vmem>>, vector<1x16xf32>,
            %parallel_loop3A_250 = vector.shape_cast %parallel_loop3A_249 : vector<1x16xf32> to vector<16xf32>
            %parallel_loop3A_251 = arith.addf %parallel_loop3A_246, %parallel_loop3A_250 : vector<16xf32>
            %parallel_loop3A_252 = arith.maximumf %parallel_loop3A_251, %parallel_loop3A_152 : vector<16xf32>
            %parallel_loop3A_253 = arith.index_cast %parallel_loop3A_150 : i32 to index
            %parallel_loop3A_254 = arith.constant 96 : index
            %parallel_loop3A_255 = tpu.vector_load %arg12[%parallel_loop3A_253, %parallel_loop3A_254] {strides = array<i32>} : memref<80x128xf32, #tpu.memory_space<vmem>>, vector<1x16xf32>,
            %parallel_loop3A_256 = vector.shape_cast %parallel_loop3A_255 : vector<1x16xf32> to vector<16xf32>
            %parallel_loop3A_257 = vector.shape_cast %parallel_loop3A_252 : vector<16xf32> to vector<1x16xf32>
            tpu.vector_store %arg12[%parallel_loop3A_253, %parallel_loop3A_254], %parallel_loop3A_257 {strides = array<i32>} : memref<80x128xf32, #tpu.memory_space<vmem>>, vector<1x16xf32>,
            %parallel_loop3A_258 = arith.index_cast %parallel_loop3A_150 : i32 to index
            %parallel_loop3A_259 = arith.constant 112 : index
            %parallel_loop3A_260 = tpu.vector_load %arg12[%parallel_loop3A_258, %parallel_loop3A_259] {strides = array<i32>} : memref<80x128xf32, #tpu.memory_space<vmem>>, vector<1x16xf32>,
            %parallel_loop3A_261 = vector.shape_cast %parallel_loop3A_260 : vector<1x16xf32> to vector<16xf32>
            %parallel_loop3A_262 = arith.index_cast %parallel_loop3A_150 : i32 to index
            %parallel_loop3A_263 = arith.constant 112 : index
            %parallel_loop3A_264 = tpu.vector_load %arg13[%parallel_loop3A_262, %parallel_loop3A_263] {strides = array<i32>} : memref<80x128xf32, #tpu.memory_space<vmem>>, vector<1x16xf32>,
            %parallel_loop3A_265 = vector.shape_cast %parallel_loop3A_264 : vector<1x16xf32> to vector<16xf32>
            %parallel_loop3A_266 = arith.addf %parallel_loop3A_261, %parallel_loop3A_265 : vector<16xf32>
            %parallel_loop3A_267 = arith.maximumf %parallel_loop3A_266, %parallel_loop3A_152 : vector<16xf32>
            %parallel_loop3A_268 = arith.index_cast %parallel_loop3A_150 : i32 to index
            %parallel_loop3A_269 = arith.constant 112 : index
            %parallel_loop3A_270 = tpu.vector_load %arg12[%parallel_loop3A_268, %parallel_loop3A_269] {strides = array<i32>} : memref<80x128xf32, #tpu.memory_space<vmem>>, vector<1x16xf32>,
            %parallel_loop3A_271 = vector.shape_cast %parallel_loop3A_270 : vector<1x16xf32> to vector<16xf32>
            %parallel_loop3A_272 = vector.shape_cast %parallel_loop3A_267 : vector<16xf32> to vector<1x16xf32>
            tpu.vector_store %arg12[%parallel_loop3A_268, %parallel_loop3A_269], %parallel_loop3A_272 {strides = array<i32>} : memref<80x128xf32, #tpu.memory_space<vmem>>, vector<1x16xf32>,
          } {sc.loop_unroll_factor = 2 : i64, sc.parallel_access}
          %dma_start3A_147 = arith.constant 0 : i32
          %dma_start3A_148 = arith.constant 0 : i32
          %dma_start3A_149 = tpu.memref_slice %arg14[%dma_start3A_147, %dma_start3A_148] : memref<10000x128xf32, #tpu.memory_space<vmem_shared>> -> memref<10000x128xf32, #tpu.memory_space<vmem_shared>>
          tpu.enqueue_indirect_dma source(%arg12 : memref<80x128xf32, #tpu.memory_space<vmem>>) target(%dma_start3A_149 : memref<10000x128xf32, #tpu.memory_space<vmem_shared>>) offsets(%arg9 : memref<80xi32, #tpu.memory_space<vmem>>) semaphore(%arg22 : memref<!tpu.dma_semaphore, #tpu.memory_space<semaphore_mem>>) {add = true}
        } else {
        }
      } else {
      }
      %scan3A_109 = arith.constant 0 : i32
      scf.yield %scan3A_109 : i32
    }
    %scan3A_78 = arith.constant 64 : i32
    %dma_wait3A = arith.constant 0 : i32
    %dma_wait3A_79 = arith.constant 0 : i32
    %dma_wait3A_80 = tpu.memref_slice %arg14[%dma_wait3A, %dma_wait3A_79] : memref<10000x128xf32, #tpu.memory_space<vmem_shared>> -> memref<10000x128xf32, #tpu.memory_space<vmem_shared>>
    tpu.wait_indirect_dma semaphore(%arg22 : memref<!tpu.dma_semaphore, #tpu.memory_space<semaphore_mem>>) src(%arg12 : memref<80x128xf32, #tpu.memory_space<vmem>>) dst(%dma_wait3A_80 : memref<10000x128xf32, #tpu.memory_space<vmem_shared>>)
    %barrier3A_81 = arith.constant 0 : index
    tpu.barrier barrier_id(%barrier3A_81)
    %mul3A_82 = arith.constant 624 : i32
    %mul3A_83 = arith.muli %arg1, %mul3A_82 : i32
    %mul3A_84 = arith.constant 624 : i32
    %mul3A_85 = arith.muli %arg1, %mul3A_84 : i32
    "tpu.region"() ({
      %run_scoped3A = tpu.sem_alloc : memref<!tpu.dma_semaphore, #tpu.memory_space<semaphore_mem>>
      %dma_start3A_96 = arith.constant 0 : i32
      %dma_start3A_97 = tpu.memref_slice %arg6[%arg0, %mul3A_85, %dma_start3A_96] : memref<2x10000x128xf32, #tpu.memory_space<hbm>> -> memref<1x624x128xf32, #tpu.memory_space<hbm>>
      %dma_start3A_98 = tpu.memref_squeeze %dma_start3A_97 : memref<1x624x128xf32, #tpu.memory_space<hbm>> -> memref<624x128xf32, #tpu.memory_space<hbm>>
      %dma_start3A_99 = arith.constant 0 : i32
      %dma_start3A_100 = tpu.memref_slice %arg14[%mul3A_83, %dma_start3A_99] : memref<10000x128xf32, #tpu.memory_space<vmem_shared>> -> memref<624x128xf32, #tpu.memory_space<vmem_shared>>
      tpu.enqueue_dma source(%dma_start3A_100 : memref<624x128xf32, #tpu.memory_space<vmem_shared>>) target(%dma_start3A_98 : memref<624x128xf32, #tpu.memory_space<hbm>>) target_semaphore(%run_scoped3A : memref<!tpu.dma_semaphore, #tpu.memory_space<semaphore_mem>>)
      %dma_wait3A_101 = arith.constant 0 : i32
      %dma_wait3A_102 = tpu.memref_slice %arg6[%arg0, %mul3A_85, %dma_wait3A_101] : memref<2x10000x128xf32, #tpu.memory_space<hbm>> -> memref<1x624x128xf32, #tpu.memory_space<hbm>>
      %dma_wait3A_103 = tpu.memref_squeeze %dma_wait3A_102 : memref<1x624x128xf32, #tpu.memory_space<hbm>> -> memref<624x128xf32, #tpu.memory_space<hbm>>
      %dma_wait3A_104 = arith.constant 0 : i32
      %dma_wait3A_105 = tpu.memref_slice %arg14[%mul3A_83, %dma_wait3A_104] : memref<10000x128xf32, #tpu.memory_space<vmem_shared>> -> memref<624x128xf32, #tpu.memory_space<vmem_shared>>
      tpu.wait_dma2 semaphore(%run_scoped3A : memref<!tpu.dma_semaphore, #tpu.memory_space<semaphore_mem>>) src(%dma_wait3A_105 : memref<624x128xf32, #tpu.memory_space<vmem_shared>>) dst(%dma_wait3A_103 : memref<624x128xf32, #tpu.memory_space<hbm>>)
      tpu.yield
    }) : () -> ()
    %eq3A_86 = arith.constant 0 : i32
    %eq3A_87 = arith.cmpi eq, %arg1, %eq3A_86 : i32
    %convert_element_type3A_88 = arith.extui %eq3A_87 : i1 to i32
    %cond3A_89 = arith.constant 0 : i32
    %cond3A_90 = arith.cmpi ne, %convert_element_type3A_88, %cond3A_89 : i32
    scf.if %cond3A_90 {
      "tpu.region"() ({
        %run_scoped3A = tpu.sem_alloc : memref<!tpu.dma_semaphore, #tpu.memory_space<semaphore_mem>>
        %dma_start3A_96 = arith.constant 9984 : i32
        %dma_start3A_97 = arith.constant 0 : i32
        %dma_start3A_98 = tpu.memref_slice %arg6[%arg0, %dma_start3A_96, %dma_start3A_97] : memref<2x10000x128xf32, #tpu.memory_space<hbm>> -> memref<1x8x128xf32, #tpu.memory_space<hbm>>
        %dma_start3A_99 = tpu.memref_squeeze %dma_start3A_98 : memref<1x8x128xf32, #tpu.memory_space<hbm>> -> memref<8x128xf32, #tpu.memory_space<hbm>>
        %dma_start3A_100 = arith.constant 9984 : i32
        %dma_start3A_101 = arith.constant 0 : i32
        %dma_start3A_102 = tpu.memref_slice %arg14[%dma_start3A_100, %dma_start3A_101] : memref<10000x128xf32, #tpu.memory_space<vmem_shared>> -> memref<8x128xf32, #tpu.memory_space<vmem_shared>>
        tpu.enqueue_dma source(%dma_start3A_102 : memref<8x128xf32, #tpu.memory_space<vmem_shared>>) target(%dma_start3A_99 : memref<8x128xf32, #tpu.memory_space<hbm>>) target_semaphore(%run_scoped3A : memref<!tpu.dma_semaphore, #tpu.memory_space<semaphore_mem>>)
        %dma_wait3A_103 = arith.constant 9984 : i32
        %dma_wait3A_104 = arith.constant 0 : i32
        %dma_wait3A_105 = tpu.memref_slice %arg6[%arg0, %dma_wait3A_103, %dma_wait3A_104] : memref<2x10000x128xf32, #tpu.memory_space<hbm>> -> memref<1x8x128xf32, #tpu.memory_space<hbm>>
        %dma_wait3A_106 = tpu.memref_squeeze %dma_wait3A_105 : memref<1x8x128xf32, #tpu.memory_space<hbm>> -> memref<8x128xf32, #tpu.memory_space<hbm>>
        %dma_wait3A_107 = arith.constant 9984 : i32
        %dma_wait3A_108 = arith.constant 0 : i32
        %dma_wait3A_109 = tpu.memref_slice %arg14[%dma_wait3A_107, %dma_wait3A_108] : memref<10000x128xf32, #tpu.memory_space<vmem_shared>> -> memref<8x128xf32, #tpu.memory_space<vmem_shared>>
        tpu.wait_dma2 semaphore(%run_scoped3A : memref<!tpu.dma_semaphore, #tpu.memory_space<semaphore_mem>>) src(%dma_wait3A_109 : memref<8x128xf32, #tpu.memory_space<vmem_shared>>) dst(%dma_wait3A_106 : memref<8x128xf32, #tpu.memory_space<hbm>>)
        tpu.yield
      }) : () -> ()
    } else {
    }
    %eq3A_91 = arith.constant 1 : i32
    %eq3A_92 = arith.cmpi eq, %arg1, %eq3A_91 : i32
    %convert_element_type3A_93 = arith.extui %eq3A_92 : i1 to i32
    %cond3A_94 = arith.constant 0 : i32
    %cond3A_95 = arith.cmpi ne, %convert_element_type3A_93, %cond3A_94 : i32
    scf.if %cond3A_95 {
      "tpu.region"() ({
        %run_scoped3A = tpu.sem_alloc : memref<!tpu.dma_semaphore, #tpu.memory_space<semaphore_mem>>
        %dma_start3A_96 = arith.constant 9992 : i32
        %dma_start3A_97 = arith.constant 0 : i32
        %dma_start3A_98 = tpu.memref_slice %arg6[%arg0, %dma_start3A_96, %dma_start3A_97] : memref<2x10000x128xf32, #tpu.memory_space<hbm>> -> memref<1x8x128xf32, #tpu.memory_space<hbm>>
        %dma_start3A_99 = tpu.memref_squeeze %dma_start3A_98 : memref<1x8x128xf32, #tpu.memory_space<hbm>> -> memref<8x128xf32, #tpu.memory_space<hbm>>
        %dma_start3A_100 = arith.constant 9992 : i32
        %dma_start3A_101 = arith.constant 0 : i32
        %dma_start3A_102 = tpu.memref_slice %arg14[%dma_start3A_100, %dma_start3A_101] : memref<10000x128xf32, #tpu.memory_space<vmem_shared>> -> memref<8x128xf32, #tpu.memory_space<vmem_shared>>
        tpu.enqueue_dma source(%dma_start3A_102 : memref<8x128xf32, #tpu.memory_space<vmem_shared>>) target(%dma_start3A_99 : memref<8x128xf32, #tpu.memory_space<hbm>>) target_semaphore(%run_scoped3A : memref<!tpu.dma_semaphore, #tpu.memory_space<semaphore_mem>>)
        %dma_wait3A_103 = arith.constant 9992 : i32
        %dma_wait3A_104 = arith.constant 0 : i32
        %dma_wait3A_105 = tpu.memref_slice %arg6[%arg0, %dma_wait3A_103, %dma_wait3A_104] : memref<2x10000x128xf32, #tpu.memory_space<hbm>> -> memref<1x8x128xf32, #tpu.memory_space<hbm>>
        %dma_wait3A_106 = tpu.memref_squeeze %dma_wait3A_105 : memref<1x8x128xf32, #tpu.memory_space<hbm>> -> memref<8x128xf32, #tpu.memory_space<hbm>>
        %dma_wait3A_107 = arith.constant 9992 : i32
        %dma_wait3A_108 = arith.constant 0 : i32
        %dma_wait3A_109 = tpu.memref_slice %arg14[%dma_wait3A_107, %dma_wait3A_108] : memref<10000x128xf32, #tpu.memory_space<vmem_shared>> -> memref<8x128xf32, #tpu.memory_space<vmem_shared>>
        tpu.wait_dma2 semaphore(%run_scoped3A : memref<!tpu.dma_semaphore, #tpu.memory_space<semaphore_mem>>) src(%dma_wait3A_109 : memref<8x128xf32, #tpu.memory_space<vmem_shared>>) dst(%dma_wait3A_106 : memref<8x128xf32, #tpu.memory_space<hbm>>)
        tpu.yield
      }) : () -> ()
    } else {
    }
    return
  }
}

module attributes {stable_mosaic.version = 14 : i64} {
  func.func @_edge_proj_body(%arg0: i32, %arg1: memref<16x1280xf32, #tpu.memory_space<vmem>>, %arg2: memref<16x128xf32, #tpu.memory_space<vmem>>, %arg3: memref<1x128xf32, #tpu.memory_space<vmem>>, %arg4: memref<1280x128xf32, #tpu.memory_space<vmem>>) attributes {dimension_semantics = [#tpu.dimension_semantics<arbitrary>], iteration_bounds = array<i64: 125>, scalar_prefetch = 0 : i64, scratch_operands = 0 : i64, tpu.core_type = #tpu.core_type<tc>, window_params = [{transform_indices = @transform_0, window_bounds = array<i64: 16, 1280>}, {pipeline_mode = #tpu.pipeline_mode<synchronous>, transform_indices = @transform_1, window_bounds = array<i64: 16, 128>}, {pipeline_mode = #tpu.pipeline_mode<synchronous>, transform_indices = @transform_2, window_bounds = array<i64: 1, 128>}, {transform_indices = @transform_3, window_bounds = array<i64: 1280, 128>}]} {
    %get3A = arith.constant 0 : index
    %get3A_0 = arith.constant 0 : index
    %get3A_1 = vector.load %arg1[%get3A, %get3A_0] : memref<16x1280xf32, #tpu.memory_space<vmem>>, vector<16x1280xf32>
    %get3A_2 = arith.constant 0 : index
    %get3A_3 = arith.constant 0 : index
    %get3A_4 = vector.load %arg2[%get3A_2, %get3A_3] : memref<16x128xf32, #tpu.memory_space<vmem>>, vector<16x128xf32>
    %dot_general3A = arith.constant dense<0.000000e+00> : vector<1280x128xf32>
    %dot_general3A_5 = tpu.matmul %get3A_1, %get3A_4, %dot_general3A {dimension_numbers = #tpu.dot_dimension_numbers<[0], [0], [1], [1], [0, 1, 1, 1], [], []>, transpose_lhs_hint = false} : vector<16x1280xf32>, vector<16x128xf32>, vector<1280x128xf32> -> vector<1280x128xf32>
    %get3A_6 = arith.constant 0 : index
    %get3A_7 = arith.constant 0 : index
    %get3A_8 = vector.load %arg3[%get3A_6, %get3A_7] : memref<1x128xf32, #tpu.memory_space<vmem>>, vector<1x128xf32>
    %add3A = vector.broadcast %get3A_8 : vector<1x128xf32> to vector<1280x128xf32>
    %add3A_9 = arith.addf %dot_general3A_5, %add3A : vector<1280x128xf32>
    %swap3A = arith.constant 0 : index
    %swap3A_10 = arith.constant 0 : index
    %swap3A_11 = vector.load %arg4[%swap3A, %swap3A_10] : memref<1280x128xf32, #tpu.memory_space<vmem>>, vector<1280x128xf32>
    tpu.vector_store %arg4[%swap3A, %swap3A_10], %add3A_9 {strides = array<i32>} : memref<1280x128xf32, #tpu.memory_space<vmem>>, vector<1280x128xf32>,
    return
  }
  func.func @transform_0(%arg0: i32) -> (i32, i32) {
    %add3A = arith.constant 125 : i32
    %add3A_0 = arith.addi %arg0, %add3A : i32
    %c0_i32 = arith.constant 0 : i32
    %c0_i32_1 = arith.constant 0 : i32
    return %c0_i32, %add3A_0 : i32, i32
  }
  func.func @transform_1(%arg0: i32) -> (i32, i32) {
    %c0_i32 = arith.constant 0 : i32
    %c0_i32_0 = arith.constant 0 : i32
    %c0_i32_1 = arith.constant 0 : i32
    return %c0_i32, %c0_i32_0 : i32, i32
  }
  func.func @transform_2(%arg0: i32) -> (i32, i32) {
    %c0_i32 = arith.constant 0 : i32
    %c0_i32_0 = arith.constant 0 : i32
    %c0_i32_1 = arith.constant 0 : i32
    return %c0_i32, %c0_i32_0 : i32, i32
  }
  func.func @transform_3(%arg0: i32) -> (i32, i32) {
    %c0_i32 = arith.constant 0 : i32
    %c0_i32_0 = arith.constant 0 : i32
    return %arg0, %c0_i32 : i32, i32
  }
}

module attributes {stable_mosaic.version = 14 : i64} {
  func.func @_edge_proj_body(%arg0: i32, %arg1: memref<16x1280xf32, #tpu.memory_space<vmem>>, %arg2: memref<16x128xf32, #tpu.memory_space<vmem>>, %arg3: memref<1x128xf32, #tpu.memory_space<vmem>>, %arg4: memref<1280x128xf32, #tpu.memory_space<vmem>>) attributes {dimension_semantics = [#tpu.dimension_semantics<arbitrary>], iteration_bounds = array<i64: 125>, scalar_prefetch = 0 : i64, scratch_operands = 0 : i64, tpu.core_type = #tpu.core_type<tc>, window_params = [{transform_indices = @transform_0, window_bounds = array<i64: 16, 1280>}, {pipeline_mode = #tpu.pipeline_mode<synchronous>, transform_indices = @transform_1, window_bounds = array<i64: 16, 128>}, {pipeline_mode = #tpu.pipeline_mode<synchronous>, transform_indices = @transform_2, window_bounds = array<i64: 1, 128>}, {transform_indices = @transform_3, window_bounds = array<i64: 1280, 128>}]} {
    %get3A = arith.constant 0 : index
    %get3A_0 = arith.constant 0 : index
    %get3A_1 = vector.load %arg1[%get3A, %get3A_0] : memref<16x1280xf32, #tpu.memory_space<vmem>>, vector<16x1280xf32>
    %get3A_2 = arith.constant 0 : index
    %get3A_3 = arith.constant 0 : index
    %get3A_4 = vector.load %arg2[%get3A_2, %get3A_3] : memref<16x128xf32, #tpu.memory_space<vmem>>, vector<16x128xf32>
    %dot_general3A = arith.constant dense<0.000000e+00> : vector<1280x128xf32>
    %dot_general3A_5 = tpu.matmul %get3A_1, %get3A_4, %dot_general3A {dimension_numbers = #tpu.dot_dimension_numbers<[0], [0], [1], [1], [0, 1, 1, 1], [], []>, transpose_lhs_hint = false} : vector<16x1280xf32>, vector<16x128xf32>, vector<1280x128xf32> -> vector<1280x128xf32>
    %get3A_6 = arith.constant 0 : index
    %get3A_7 = arith.constant 0 : index
    %get3A_8 = vector.load %arg3[%get3A_6, %get3A_7] : memref<1x128xf32, #tpu.memory_space<vmem>>, vector<1x128xf32>
    %add3A = vector.broadcast %get3A_8 : vector<1x128xf32> to vector<1280x128xf32>
    %add3A_9 = arith.addf %dot_general3A_5, %add3A : vector<1280x128xf32>
    %swap3A = arith.constant 0 : index
    %swap3A_10 = arith.constant 0 : index
    %swap3A_11 = vector.load %arg4[%swap3A, %swap3A_10] : memref<1280x128xf32, #tpu.memory_space<vmem>>, vector<1280x128xf32>
    tpu.vector_store %arg4[%swap3A, %swap3A_10], %add3A_9 {strides = array<i32>} : memref<1280x128xf32, #tpu.memory_space<vmem>>, vector<1280x128xf32>,
    return
  }
  func.func @transform_0(%arg0: i32) -> (i32, i32) {
    %add3A = arith.constant 0 : i32
    %add3A_0 = arith.addi %arg0, %add3A : i32
    %c0_i32 = arith.constant 0 : i32
    %c0_i32_1 = arith.constant 0 : i32
    return %c0_i32, %add3A_0 : i32, i32
  }
  func.func @transform_1(%arg0: i32) -> (i32, i32) {
    %c0_i32 = arith.constant 0 : i32
    %c0_i32_0 = arith.constant 0 : i32
    %c0_i32_1 = arith.constant 0 : i32
    return %c0_i32, %c0_i32_0 : i32, i32
  }
  func.func @transform_2(%arg0: i32) -> (i32, i32) {
    %c0_i32 = arith.constant 0 : i32
    %c0_i32_0 = arith.constant 0 : i32
    %c0_i32_1 = arith.constant 0 : i32
    return %c0_i32, %c0_i32_0 : i32, i32
  }
  func.func @transform_3(%arg0: i32) -> (i32, i32) {
    %c0_i32 = arith.constant 0 : i32
    %c0_i32_0 = arith.constant 0 : i32
    return %arg0, %c0_i32 : i32, i32
  }
}

module attributes {stable_mosaic.version = 14 : i64} {
  func.func @_tail_body(%arg0: i32, %arg1: memref<2000x128xf32, #tpu.memory_space<vmem>>, %arg2: memref<1x2000x128xf32, #tpu.memory_space<vmem>>, %arg3: memref<1x2000x128xf32, #tpu.memory_space<vmem>>, %arg4: memref<1x2000x128xf32, #tpu.memory_space<vmem>>, %arg5: memref<1x2000x128xf32, #tpu.memory_space<vmem>>, %arg6: memref<2000x1xf32, #tpu.memory_space<vmem>>, %arg7: memref<128x128xf32, #tpu.memory_space<vmem>>, %arg8: memref<1x128xf32, #tpu.memory_space<vmem>>, %arg9: memref<128x128xf32, #tpu.memory_space<vmem>>, %arg10: memref<1x128xf32, #tpu.memory_space<vmem>>, %arg11: memref<1x128xf32, #tpu.memory_space<vmem>>, %arg12: memref<1x128xf32, #tpu.memory_space<vmem>>, %arg13: memref<1x1xf32, #tpu.memory_space<vmem>>, %arg14: memref<2000x128xf32, #tpu.memory_space<vmem>>, %arg15: memref<2000x1xf32, #tpu.memory_space<vmem>>) attributes {dimension_semantics = [#tpu.dimension_semantics<arbitrary>], iteration_bounds = array<i64: 5>, scalar_prefetch = 0 : i64, scratch_operands = 0 : i64, tpu.core_type = #tpu.core_type<tc>, window_params = [{transform_indices = @transform_0, window_bounds = array<i64: 2000, 128>}, {transform_indices = @transform_1, window_bounds = array<i64: 1, 2000, 128>}, {transform_indices = @transform_2, window_bounds = array<i64: 1, 2000, 128>}, {transform_indices = @transform_3, window_bounds = array<i64: 1, 2000, 128>}, {transform_indices = @transform_4, window_bounds = array<i64: 1, 2000, 128>}, {transform_indices = @transform_5, window_bounds = array<i64: 2000, 1>}, {pipeline_mode = #tpu.pipeline_mode<synchronous>, transform_indices = @transform_6, window_bounds = array<i64: 128, 128>}, {pipeline_mode = #tpu.pipeline_mode<synchronous>, transform_indices = @transform_7, window_bounds = array<i64: 1, 128>}, {pipeline_mode = #tpu.pipeline_mode<synchronous>, transform_indices = @transform_8, window_bounds = array<i64: 128, 128>}, {pipeline_mode = #tpu.pipeline_mode<synchronous>, transform_indices = @transform_9, window_bounds = array<i64: 1, 128>}, {pipeline_mode = #tpu.pipeline_mode<synchronous>, transform_indices = @transform_10, window_bounds = array<i64: 1, 128>}, {pipeline_mode = #tpu.pipeline_mode<synchronous>, transform_indices = @transform_11, window_bounds = array<i64: 1, 128>}, {pipeline_mode = #tpu.pipeline_mode<synchronous>, transform_indices = @transform_12, window_bounds = array<i64: 1, 1>}, {transform_indices = @transform_13, window_bounds = array<i64: 2000, 128>}, {transform_indices = @transform_14, window_bounds = array<i64: 2000, 1>}]} {
    %get3A = arith.constant 0 : index
    %get3A_0 = arith.constant 0 : index
    %get3A_1 = vector.load %arg1[%get3A, %get3A_0] : memref<2000x128xf32, #tpu.memory_space<vmem>>, vector<2000x128xf32>
    %get3A_2 = arith.constant 0 : index
    %get3A_3 = arith.constant 0 : index
    %get3A_4 = arith.constant 0 : index
    %get3A_5 = vector.load %arg2[%get3A_2, %get3A_3, %get3A_4] : memref<1x2000x128xf32, #tpu.memory_space<vmem>>, vector<1x2000x128xf32>
    %get3A_6 = vector.shape_cast %get3A_5 : vector<1x2000x128xf32> to vector<2000x128xf32>
    %get3A_7 = arith.constant 0 : index
    %get3A_8 = arith.constant 0 : index
    %get3A_9 = arith.constant 0 : index
    %get3A_10 = vector.load %arg3[%get3A_7, %get3A_8, %get3A_9] : memref<1x2000x128xf32, #tpu.memory_space<vmem>>, vector<1x2000x128xf32>
    %get3A_11 = vector.shape_cast %get3A_10 : vector<1x2000x128xf32> to vector<2000x128xf32>
    %add3A = arith.addf %get3A_6, %get3A_11 : vector<2000x128xf32>
    %add3A_12 = arith.addf %get3A_1, %add3A : vector<2000x128xf32>
    %get3A_13 = arith.constant 0 : index
    %get3A_14 = arith.constant 0 : index
    %get3A_15 = arith.constant 0 : index
    %get3A_16 = vector.load %arg4[%get3A_13, %get3A_14, %get3A_15] : memref<1x2000x128xf32, #tpu.memory_space<vmem>>, vector<1x2000x128xf32>
    %get3A_17 = vector.shape_cast %get3A_16 : vector<1x2000x128xf32> to vector<2000x128xf32>
    %get3A_18 = arith.constant 0 : index
    %get3A_19 = arith.constant 0 : index
    %get3A_20 = arith.constant 0 : index
    %get3A_21 = vector.load %arg5[%get3A_18, %get3A_19, %get3A_20] : memref<1x2000x128xf32, #tpu.memory_space<vmem>>, vector<1x2000x128xf32>
    %get3A_22 = vector.shape_cast %get3A_21 : vector<1x2000x128xf32> to vector<2000x128xf32>
    %add3A_23 = arith.addf %get3A_17, %get3A_22 : vector<2000x128xf32>
    %add3A_24 = arith.addf %add3A_12, %add3A_23 : vector<2000x128xf32>
    %get3A_25 = arith.constant 0 : index
    %get3A_26 = arith.constant 0 : index
    %get3A_27 = vector.load %arg7[%get3A_25, %get3A_26] : memref<128x128xf32, #tpu.memory_space<vmem>>, vector<128x128xf32>
    %dot_general3A = arith.constant dense<0.000000e+00> : vector<2000x128xf32>
    %dot_general3A_28 = tpu.matmul %add3A_24, %get3A_27, %dot_general3A {dimension_numbers = #tpu.dot_dimension_numbers<[1], [0], [0], [1], [0, 0, 1, 1], [], []>, transpose_lhs_hint = false} : vector<2000x128xf32>, vector<128x128xf32>, vector<2000x128xf32> -> vector<2000x128xf32>
    %get3A_29 = arith.constant 0 : index
    %get3A_30 = arith.constant 0 : index
    %get3A_31 = vector.load %arg8[%get3A_29, %get3A_30] : memref<1x128xf32, #tpu.memory_space<vmem>>, vector<1x128xf32>
    %add3A_32 = vector.broadcast %get3A_31 : vector<1x128xf32> to vector<2000x128xf32>
    %add3A_33 = arith.addf %dot_general3A_28, %add3A_32 : vector<2000x128xf32>
    %get3A_34 = arith.constant 0 : index
    %get3A_35 = arith.constant 0 : index
    %get3A_36 = vector.load %arg9[%get3A_34, %get3A_35] : memref<128x128xf32, #tpu.memory_space<vmem>>, vector<128x128xf32>
    %dot_general3A_37 = arith.constant dense<0.000000e+00> : vector<2000x128xf32>
    %dot_general3A_38 = tpu.matmul %add3A_33, %get3A_36, %dot_general3A_37 {dimension_numbers = #tpu.dot_dimension_numbers<[1], [0], [0], [1], [0, 0, 1, 1], [], []>, transpose_lhs_hint = false} : vector<2000x128xf32>, vector<128x128xf32>, vector<2000x128xf32> -> vector<2000x128xf32>
    %get3A_39 = arith.constant 0 : index
    %get3A_40 = arith.constant 0 : index
    %get3A_41 = vector.load %arg6[%get3A_39, %get3A_40] : memref<2000x1xf32, #tpu.memory_space<vmem>>, vector<2000x1xf32>
    %get3A_42 = arith.constant 0 : index
    %get3A_43 = arith.constant 0 : index
    %get3A_44 = vector.load %arg10[%get3A_42, %get3A_43] : memref<1x128xf32, #tpu.memory_space<vmem>>, vector<1x128xf32>
    %mul3A = vector.broadcast %get3A_41 : vector<2000x1xf32> to vector<2000x128xf32>
    %mul3A_45 = vector.broadcast %get3A_44 : vector<1x128xf32> to vector<2000x128xf32>
    %mul3A_46 = arith.mulf %mul3A, %mul3A_45 : vector<2000x128xf32>
    %add3A_47 = arith.addf %dot_general3A_38, %mul3A_46 : vector<2000x128xf32>
    %get3A_48 = arith.constant 0 : index
    %get3A_49 = arith.constant 0 : index
    %get3A_50 = vector.load %arg11[%get3A_48, %get3A_49] : memref<1x128xf32, #tpu.memory_space<vmem>>, vector<1x128xf32>
    %add3A_51 = vector.broadcast %get3A_50 : vector<1x128xf32> to vector<2000x128xf32>
    %add3A_52 = arith.addf %add3A_47, %add3A_51 : vector<2000x128xf32>
    %logistic3A = arith.negf %add3A_52 : vector<2000x128xf32>
    %logistic3A_53 = math.exp %logistic3A : vector<2000x128xf32>
    %logistic3A_54 = arith.constant 1.000000e+00 : f32
    %logistic3A_55 = vector.broadcast %logistic3A_54 : f32 to vector<2000x128xf32>
    %logistic3A_56 = arith.addf %logistic3A_55, %logistic3A_53 : vector<2000x128xf32>
    %logistic3A_57 = arith.divf %logistic3A_55, %logistic3A_56 : vector<2000x128xf32>
    %mul3A_58 = arith.mulf %logistic3A_57, %add3A_33 : vector<2000x128xf32>
    %sub3A = arith.constant 1.000000e+00 : f32
    %sub3A_59 = vector.broadcast %sub3A : f32 to vector<2000x128xf32>
    %sub3A_60 = arith.subf %sub3A_59, %logistic3A_57 : vector<2000x128xf32>
    %mul3A_61 = arith.mulf %sub3A_60, %get3A_1 : vector<2000x128xf32>
    %add3A_62 = arith.addf %mul3A_58, %mul3A_61 : vector<2000x128xf32>
    %swap3A = arith.constant 0 : index
    %swap3A_63 = arith.constant 0 : index
    %swap3A_64 = vector.load %arg14[%swap3A, %swap3A_63] : memref<2000x128xf32, #tpu.memory_space<vmem>>, vector<2000x128xf32>
    tpu.vector_store %arg14[%swap3A, %swap3A_63], %add3A_62 {strides = array<i32>} : memref<2000x128xf32, #tpu.memory_space<vmem>>, vector<2000x128xf32>,
    %get3A_65 = arith.constant 0 : index
    %get3A_66 = arith.constant 0 : index
    %get3A_67 = vector.load %arg12[%get3A_65, %get3A_66] : memref<1x128xf32, #tpu.memory_space<vmem>>, vector<1x128xf32>
    %mul3A_68 = vector.broadcast %get3A_67 : vector<1x128xf32> to vector<2000x128xf32>
    %mul3A_69 = arith.mulf %add3A_62, %mul3A_68 : vector<2000x128xf32>
    %reduce_sum3A = arith.constant dense<0.000000e+00> : vector<2000xf32>
    %reduce_sum3A_70 = vector.multi_reduction <add>, %mul3A_69, %reduce_sum3A [1] : vector<2000x128xf32> to vector<2000xf32>
    %broadcast_in_dim3A = vector.shape_cast %reduce_sum3A_70 : vector<2000xf32> to vector<2000x1xf32>
    %get3A_71 = arith.constant 0 : index
    %get3A_72 = arith.constant 0 : index
    %get3A_73 = vector.load %arg13[%get3A_71, %get3A_72] : memref<1x1xf32, #tpu.memory_space<vmem>>, vector<1x1xf32>
    %add3A_74 = vector.broadcast %get3A_73 : vector<1x1xf32> to vector<2000x1xf32>
    %add3A_75 = arith.addf %broadcast_in_dim3A, %add3A_74 : vector<2000x1xf32>
    %swap3A_76 = arith.constant 0 : index
    %swap3A_77 = arith.constant 0 : index
    %swap3A_78 = vector.load %arg15[%swap3A_76, %swap3A_77] : memref<2000x1xf32, #tpu.memory_space<vmem>>, vector<2000x1xf32>
    tpu.vector_store %arg15[%swap3A_76, %swap3A_77], %add3A_75 {strides = array<i32>} : memref<2000x1xf32, #tpu.memory_space<vmem>>, vector<2000x1xf32>,
    return
  }
  func.func @transform_0(%arg0: i32) -> (i32, i32) {
    %c0_i32 = arith.constant 0 : i32
    %c0_i32_0 = arith.constant 0 : i32
    return %arg0, %c0_i32 : i32, i32
  }
  func.func @transform_1(%arg0: i32) -> (i32, i32, i32) {
    %c0_i32 = arith.constant 0 : i32
    %c0_i32_0 = arith.constant 0 : i32
    %c0_i32_1 = arith.constant 0 : i32
    return %c0_i32, %arg0, %c0_i32_0 : i32, i32, i32
  }
  func.func @transform_2(%arg0: i32) -> (i32, i32, i32) {
    %c1_i32 = arith.constant 1 : i32
    %c0_i32 = arith.constant 0 : i32
    %c0_i32_0 = arith.constant 0 : i32
    return %c1_i32, %arg0, %c0_i32 : i32, i32, i32
  }
  func.func @transform_3(%arg0: i32) -> (i32, i32, i32) {
    %c0_i32 = arith.constant 0 : i32
    %c0_i32_0 = arith.constant 0 : i32
    %c0_i32_1 = arith.constant 0 : i32
    return %c0_i32, %arg0, %c0_i32_0 : i32, i32, i32
  }
  func.func @transform_4(%arg0: i32) -> (i32, i32, i32) {
    %c1_i32 = arith.constant 1 : i32
    %c0_i32 = arith.constant 0 : i32
    %c0_i32_0 = arith.constant 0 : i32
    return %c1_i32, %arg0, %c0_i32 : i32, i32, i32
  }
  func.func @transform_5(%arg0: i32) -> (i32, i32) {
    %c0_i32 = arith.constant 0 : i32
    %c0_i32_0 = arith.constant 0 : i32
    return %arg0, %c0_i32 : i32, i32
  }
  func.func @transform_6(%arg0: i32) -> (i32, i32) {
    %c0_i32 = arith.constant 0 : i32
    %c0_i32_0 = arith.constant 0 : i32
    %c0_i32_1 = arith.constant 0 : i32
    return %c0_i32, %c0_i32_0 : i32, i32
  }
  func.func @transform_7(%arg0: i32) -> (i32, i32) {
    %c0_i32 = arith.constant 0 : i32
    %c0_i32_0 = arith.constant 0 : i32
    %c0_i32_1 = arith.constant 0 : i32
    return %c0_i32, %c0_i32_0 : i32, i32
  }
  func.func @transform_8(%arg0: i32) -> (i32, i32) {
    %c0_i32 = arith.constant 0 : i32
    %c0_i32_0 = arith.constant 0 : i32
    %c0_i32_1 = arith.constant 0 : i32
    return %c0_i32, %c0_i32_0 : i32, i32
  }
  func.func @transform_9(%arg0: i32) -> (i32, i32) {
    %c0_i32 = arith.constant 0 : i32
    %c0_i32_0 = arith.constant 0 : i32
    %c0_i32_1 = arith.constant 0 : i32
    return %c0_i32, %c0_i32_0 : i32, i32
  }
  func.func @transform_10(%arg0: i32) -> (i32, i32) {
    %c0_i32 = arith.constant 0 : i32
    %c0_i32_0 = arith.constant 0 : i32
    %c0_i32_1 = arith.constant 0 : i32
    return %c0_i32, %c0_i32_0 : i32, i32
  }
  func.func @transform_11(%arg0: i32) -> (i32, i32) {
    %c0_i32 = arith.constant 0 : i32
    %c0_i32_0 = arith.constant 0 : i32
    %c0_i32_1 = arith.constant 0 : i32
    return %c0_i32, %c0_i32_0 : i32, i32
  }
  func.func @transform_12(%arg0: i32) -> (i32, i32) {
    %c0_i32 = arith.constant 0 : i32
    %c0_i32_0 = arith.constant 0 : i32
    %c0_i32_1 = arith.constant 0 : i32
    return %c0_i32, %c0_i32_0 : i32, i32
  }
  func.func @transform_13(%arg0: i32) -> (i32, i32) {
    %c0_i32 = arith.constant 0 : i32
    %c0_i32_0 = arith.constant 0 : i32
    return %arg0, %c0_i32 : i32, i32
  }
  func.func @transform_14(%arg0: i32) -> (i32, i32) {
    %c0_i32 = arith.constant 0 : i32
    %c0_i32_0 = arith.constant 0 : i32
    return %arg0, %c0_i32 : i32, i32
  }
}

</mosaic_0001>

<sc_bundles>
// kernel: kernel.10.cloned.1.call-start
scs
__scs_entry_jumppad:
0x0: {  	(pc) =	sbr.rel $0x88, $3  }
0x1: {  	(tag) =	ssettag $0x0;
	lr =	simm.s32 $0x1  }
0x2: {  	[smem:$0x3F95] =	sst lr;
	_ =	strace $0xD0000000  }
0x3: {  	_ = 	snop  }
0x4: {  	_ = 	snop  }
0x5: {  	_ = 	snop  }
0x6: {  	_ = 	snop  }
0x7: {  	_ = 	snop  }
__scs_overlays_trampoline_lowered:
0x8: {  	[smem:$0x3FA4] =	sst s0  }
0x9: {  	[smem:$0x3FA5] =	sst s1  }
0xa: {  	[smem:$0x3FA6] =	sst s2  }
0xb: {  	[smem:$0x3FA7] =	sst s3  }
0xc: {  	[smem:$0x3FA8] =	sst s4  }
0xd: {  	[smem:$0x3FA9] =	sst s5  }
0xe: {  	[smem:$0x3FAA] =	sst s6  }
0xf: {  	[smem:$0x3FAB] =	sst s7  }
0x10: {  	[smem:$0x3FAC] =	sst s8  }
0x11: {  	[smem:$0x3FAD] =	sst s9;
	s0 =	simm.s32 @!p0 $0x0  }
0x12: {  	s1 =	sld [smem:$0x3F93];
	s0 =	simm.s32 @p0 $0x1  }
0x13: {  	[smem:$0x3FAE] =	sst s0;
	s0 =	simm.s32 @!p1 $0x0  }
0x14: {  	s2 =	sld [smem:$0x3F92];
	s0 =	simm.s32 @p1 $0x1  }
0x15: {  	[smem:$0x3FAF] =	sst s0;
	s0 =	simm.s32 @!p2 $0x0  }
0x16: {  	s3 =	sld [smem:$0x3FDB];
	s0 =	simm.s32 @p2 $0x1  }
0x17: {  	s4 =	simm.s32 $0x1BF5;
	[smem:$0x3FB1] =	sst s0  }
0x18: {  	s0 =	sld [smem:$0x3F94];
	_ =	swait.ge [sflag:s4], $0x0  }
0x19: {  	s7 =	sld [smem:$0x3F95]  }
0x1a: {  	s8 =	sadd.s32 $0xFFFFE003, lr  }
0x1b: {  	s9 =	sadd.s32 $0xFFFFFEF7, lr;
	s5 =	simm.s32 $0xFFFFFFFF;
	p2 =	slt.u32 s8, $0xFFFFF086  }
0x1c: {  	p1 =	slt.u32 s9, $0xF7A;
	s5 =	simm.s32 @!p2 $0x0  }
0x1d: {  	s5 =	simm.s32 @p1 $0x1;
	p0 =	seq.s32 s7, s2  }
0x1e: {  	s7 =	smul.u32 @!p0 $0xF7A, s2;
	p2 =	seq.s32 @!p0 s5, $0x0  }
0x1f: {  	s9 =	smul.u32 $0xF7A, s1;
	s8 =	simm.s32 @!p0 $0x1BF5;
	p2 =	por !p2, p0  }
0x20: {  	[sflag:s8] =	ssyncset.s32 @!p0 $0xFFFFF086;
	s6 =	sadd.s32 @!p0 s3, s7;
	s7 =	simm.s32 @!p0 $0x108  }
0x21: {  	s3 =	sadd.s32 s3, s9;
	s6 =	sadd.s32 @!p0 $0x88, s6;
	s7 =	simm.s32 @p2 $0x1082  }
0x22: {  	[simem:s7], [sflag:s8] =	dma.local @!p0 [hbm:s6], $0xF7A  }
0x23: {  	s9 =	sor.u32 $0xD0000000, s2;
	s6 =	simm.s32 $0x108;
	_ =	swait.ge @!p0 [sflag:s8], $0x0  }
0x24: {  	s3 =	sadd.s32 $0x88, s3;
	s6 =	simm.s32 @!p1 $0x1082;
	[sflag:s4] =	ssyncset.s32 $0xFFFFF086  }
0x25: {  	[simem:s6], [sflag:s4] =	dma.local [hbm:s3], $0xF7A  }
0x26: {  	[smem:$0x3F95] =	sst s1;
	(tag) =	ssettag s2;
	_ =	strace s9  }
0x27: {  	s1 =	sld [smem:$0x3FA5]  }
0x28: {  	s2 =	sld [smem:$0x3FA6]  }
0x29: {  	s4 =	sld [smem:$0x3FA8]  }
0x2a: {  	p0 =	seq.s32 s5, $0x0;
	s5 =	sld [smem:$0x3FA9]  }
0x2b: {  	s6 =	sld [smem:$0x3FAA]  }
0x2c: {  	s7 =	sld [smem:$0x3FAB]  }
0x2d: {  	s3 =	simm.s32 $0x108;
	s8 =	sld [smem:$0x3FAC]  }
0x2e: {  	s3 =	simm.s32 @!p0 $0x1082;
	s9 =	sld [smem:$0x3FAD]  }
0x2f: {  	lr =	sadd.s32 s0, s3;
	s0 =	sld [smem:$0x3FA4]  }
0x30: {  	s3 =	sld [smem:$0x3FA7]  }
0x31: {  	[smem:$0x3FB0] =	sst s10  }
0x32: {  	s10 =	sld [smem:$0x3FAE];
	_ =	sdelay $0x3  }
0x33: {  	p0 =	seq.s32 s10, $0x1;
	s10 =	sld [smem:$0x3FB0];
	_ =	sdelay $0x3  }
0x34: {  	[smem:$0x3FB0] =	sst s10  }
0x35: {  	s10 =	sld [smem:$0x3FAF];
	_ =	sdelay $0x3  }
0x36: {  	p1 =	seq.s32 s10, $0x1;
	s10 =	sld [smem:$0x3FB0];
	_ =	sdelay $0x3  }
0x37: {  	[smem:$0x3FB0] =	sst s10  }
0x38: {  	s10 =	sld [smem:$0x3FB1]  }
0x39: {  	_ = 	snop;
	(pc) =	sbr.ind lr, $3  }
0x3a: {  	_ = 	snop  }
0x3b: {  	_ = 	snop  }
0x3c: {  	p2 =	seq.s32 s10, $0x1;
	s10 =	sld [smem:$0x3FB0]  }
0x3d: {  	_ =	shalt  }
0x3e: {  	_ =	shalt  }
0x3f: {  	_ =	shalt  }
0x40: {  	_ =	shalt  }
0x41: {  	_ =	shalt  }
0x42: {  	_ =	shalt  }
0x43: {  	_ =	shalt  }
0x44: {  	_ =	shalt  }
0x45: {  	_ =	shalt  }
0x46: {  	_ =	shalt  }
0x47: {  	_ =	shalt  }
0x48: {  	_ =	shalt  }
0x49: {  	_ =	shalt  }
0x4a: {  	_ =	shalt  }
0x4b: {  	_ =	shalt  }
0x4c: {  	_ =	shalt  }
0x4d: {  	_ =	shalt  }
0x4e: {  	_ =	shalt  }
0x4f: {  	_ =	shalt  }
0x50: {  	_ =	shalt  }
0x51: {  	_ =	shalt  }
0x52: {  	_ =	shalt  }
0x53: {  	_ =	shalt  }
0x54: {  	_ =	shalt  }
0x55: {  	_ =	shalt  }
0x56: {  	_ =	shalt  }
0x57: {  	_ =	shalt  }
0x58: {  	_ =	shalt  }
0x59: {  	_ =	shalt  }
0x5a: {  	_ =	shalt  }
0x5b: {  	_ =	shalt  }
0x5c: {  	_ =	shalt  }
0x5d: {  	_ =	shalt  }
0x5e: {  	_ =	shalt  }
0x5f: {  	_ =	shalt  }
0x60: {  	_ =	shalt  }
0x61: {  	_ =	shalt  }
0x62: {  	_ =	shalt  }
0x63: {  	_ =	shalt  }
0x64: {  	_ =	shalt  }
0x65: {  	_ =	shalt  }
0x66: {  	_ =	shalt  }
0x67: {  	_ =	shalt  }
0x68: {  	_ =	shalt  }
0x69: {  	_ =	shalt  }
0x6a: {  	_ =	shalt  }
0x6b: {  	_ =	shalt  }
0x6c: {  	_ =	shalt  }
0x6d: {  	_ =	shalt  }
0x6e: {  	_ =	shalt  }
0x6f: {  	_ =	shalt  }
0x70: {  	_ =	shalt  }
0x71: {  	_ =	shalt  }
0x72: {  	_ =	shalt  }
0x73: {  	_ =	shalt  }
0x74: {  	_ =	shalt  }
0x75: {  	_ =	shalt  }
0x76: {  	_ =	shalt  }
0x77: {  	_ =	shalt  }
0x78: {  	_ =	shalt  }
0x79: {  	_ =	shalt  }
0x7a: {  	_ =	shalt  }
0x7b: {  	_ =	shalt  }
0x7c: {  	_ =	shalt  }
0x7d: {  	_ =	shalt  }
0x7e: {  	_ =	shalt  }
0x7f: {  	_ =	shalt  }
0x80: {  	_ =	shalt  }
0x81: {  	_ =	shalt  }
0x82: {  	_ =	shalt  }
0x83: {  	_ =	shalt  }
0x84: {  	_ =	shalt  }
0x85: {  	_ =	shalt  }
0x86: {  	_ =	shalt  }
0x87: {  	_ =	shalt  }
.Lfunc_end0:
.L_simem_size_0:
called_computation.1_lowered:
.L_overlay_start_0:
0x88: {  	s2 =	sld [smem:$0x3FD9]  }
0x89: {  	s3 =	sld [smem:$0x3FFE];
	_ =	sdelay $0x1  }
0x8a: {  	s1 =	srdreg.scid  }
0x8b: {  	s0 =	sand.u32 $0x1, s1  }
0x8c: {  	s14 =	sshll.u32 s0, $0xA;
	s2 =	sadd.s32 s3, s2  }
0x8d: {  	s2 =	sadd.s32 s2, s14  }
0x8e: {  	[smem:$0x3FBC] =	sst s2  }
0x8f: {  	_ = 	snop  }
0x90: {  	s2 =	sld [smem:$0x3FD0];
	_ =	sdelay $0x2  }
0x91: {  	s4 =	simm.s32 $0xB;
	s5 =	simm.s32 $0x10;
	s15 =	sld [smem:$0x3FC9]  }
0x92: {  	[smem:s5], [sflag:s4] =	dma.local [hbm:s2], $0x1  }
0x93: {  	_ =	swait.eq [sflag:s4], $0x1  }
0x94: {  	[sflag:s4] =	ssyncset.done $0x0  }
0x95: {  	[sflag:s4] =	ssyncadd.s32 $0xFFFFFFFF  }
0x96: {  	s16 =	sld [smem:$0x10];
	(tm) =	ssettm $0x1  }
0x97: {  	s17 =	sld [smem:$0x3FFB];
	_ =	sdelay $0x3  }
0x98: {  	_ =	strace s17  }
0x99: {  	s4 =	sld [smem:$0x3FFC];
	_ =	sdelay $0x3  }
0x9a: {  	_ =	strace s4  }
0x9b: {  	s4 =	sld [smem:$0x3FFD];
	_ =	sdelay $0x3  }
0x9c: {  	_ =	strace s4  }
0x9d: {  	_ =	strace $0x8FFFFFFF  }
0x9e: {  	s18 =	sld [smem:$0x3FDB];
	_ =	sdelay $0x1  }
0x9f: {  	s19 =	simm.s32 $_scs_section_size  }
0xa0: {  	s6 =	simm.s32 $_size__tile_overlayer_lowered;
	s7 =	simm.s32 $_tile_overlayer_lowered  }
0xa1: {  	s22 =	simm.s32 $0x1BFF;
	s21 =	sshll.u32 s7, $0x1;
	s4 =	sadd.s32 s19, s18  }
0xa2: {  	s8 =	simm.s32 $0x0;
	s20 =	sshll.u32 s6, $0x1;
	s6 =	sadd.s32 s21, s4  }
0xa3: {  	[timem:s8], [sflag:s22] =	dma.local [hbm:s6], s20  }
0xa4: {  	_ =	swait.ge [sflag:s22], s20  }
0xa5: {  	s5 =	ssub.s32 $0x0, s20;
	[sflag:s22] =	ssyncset.done $0x0  }
0xa6: {  	[sflag:s22] =	ssyncadd.s32 s5;
	_ =	sdelay $0x1  }
0xa7: {  	s23 =	simm.s32 $0x1B8B  }
0xa8: {  	_ =	swait.ge [sflag:s23], $0x1  }
0xa9: {  	[sflag:s23] =	ssyncset.done $0x0  }
0xaa: {  	s25 =	simm.s32 $0x1B8E;
	s24 =	sld [smem:$0x3FFE];
	[sflag:s23] =	ssyncadd.s32 $0xFFFFFFFF  }
0xab: {  	s26 =	simm.s32 $execute0_lowered;
	[smem:$0x3FD2] =	sst s25  }
0xac: {  	s6 =	sshll.u32 s26, $0x1;
	_ =	strace $0x80000046;
	[dreg:$0x1] =	wrdreg $0xFFFFFFFF  }
0xad: {  	s28 =	simm.s32 $_size_execute0_lowered;
	s4 =	sadd.s32 s4, s6;
	[dreg:$0x0] =	wrdreg $0x0  }
0xae: {  	s6 =	sshll.u32 s28, $0x1;
	[dreg:$0x2] =	wrdreg s4  }
0xaf: {  	[dreg:$0x3] =	wrdreg s6  }
0xb0: {  	[dreg:$0x4] =	wrdreg $0xC0  }
0xb1: {  	_ =	task [dreg:s8], $0x5FFFF  }
0xb2: {  	[dreg:$0x1] =	wrdreg $0xFFFFFFFF  }
0xb3: {  	[dreg:$0x0] =	wrdreg $0x60  }
0xb4: {  	[dreg:$0x2] =	wrdreg s15  }
0xb5: {  	[dreg:$0x3] =	wrdreg s24  }
0xb6: {  	[dreg:$0x4] =	wrdreg s16  }
0xb7: {  	[dreg:$0x5] =	wrdreg $0xB5000  }
0xb8: {  	[dreg:$0x6] =	wrdreg $0xA  }
0xb9: {  	_ =	task.clear_ibuf [dreg:s8], $0x7FFFF;
	_ =	strace $0x90000046  }
0xba: {  	s29 =	simm.s32 $0xA;
	_ =	strace $0x80000048  }
0xbb: {  	_ =	swait.ge [sflag:s29], $0x1  }
0xbc: {  	[sflag:s29] =	ssyncadd.s32 $0xFFFFFFFF  }
0xbd: {  	_ =	strace $0x90000048  }
0xbe: {  	_ =	sfence  }
0xbf: {  	s30 =	sld [smem:$0x0];
	_ =	sdelay $0x2  }
0xc0: {  	s31 =	sshll.u32 s1, $0xD;
	s1 =	sshrl.u32 s1, $0x2  }
0xc1: {  	s3 =	sand.u32 $0x4000, s31;
	s1 =	sadd.s32 s1, s30  }
0xc2: {  	s0 =	sor.u32 s3, s0;
	s1 =	sshll.u32 s1, $0x11  }
0xc3: {  	s0 =	sor.u32 s1, s0  }
0xc4: {  	s0 =	sadd.s32 $0x8F2B, s0  }
0xc5: {  	[sflag:s0] =	ssyncadd.remote.s32 $0x1  }
0xc6: {  	_ =	sfence.sel $0xFFFF  }
0xc7: {  	[dreg:$0x0] =	wrdreg $0xFFFFFFFF;
	(pc) =	sbr.abs _section_cstart, $3  }
0xc8: {  	[dreg:$0x1] =	wrdreg $0xFFFFFFFF  }
0xc9: {  	_ =	task.clear_ibuf [dreg:s8], $0x2FFFF;
	_ =	strace $0x9FFFFFFF  }
0xca: {  	(tm) =	ssettm $0x7FFFFFFF  }
0xcb: {  	_ =	shalt  }
tec
execute0_lowered:
.L_overlay_start_1:
0x0: {  	(tag) =	ssettag $0x1  }
0x1: {  	s1 =	rddreg [dreg:$0x0]  }
0x2: {  	s9 =	rddreg [dreg:$0x1]  }
0x3: {  	s0 =	srdreg.scid;
	s4 =	rddreg [dreg:$0x2]  }
0x4: {  	s15 =	stileid.u32;
	s5 =	rddreg [dreg:$0x3]  }
0x5: {  	s7 =	simm.s32 $0x0;
	s17 =	simm.s32 $0x10;
	p2 =	por $0x0, $0x0  }
0x6: {  	s30 =	simm.s32 $0x1500;
	s31 =	simm.s32 $0x9;
	s0 =	sand.u32 $0x1, s0  }
0x7: {  	s2 =	sshll.u32 s15, $0x1;
	[smem:$0x7FF] =	sst s7;
	s11 =	smul.u32 $0x4E000, s15  }
0x8: {  	p0 =	sne.s32 s15, $0x0;
	s21 =	smul.u32 $0x13800, s15;
	s2 =	sor.u32 s0, s2  }
0x9: {  	_ =	strace $0x80000047;
	s13 =	ssub.s32 $0x2, s0;
	s0 =	smul.u32 $0x138800, s0  }
0xa: {  	s3 =	smul.u32 $0x1400, s2;
	s14 =	sshrl.u32 s13, $0x1;
	s11 =	sshrl.u32 s11, $0x2  }
0xb: {  	p1 =	seq.s32 s2, $0x1F;
	s13 =	ssub.s32 s13, s14;
	s14 =	sadd.s32 $0x138400, s5  }
0xc: {  	s2 =	smul.u32 $0x14000, s2;
	s16 =	sadd.s32 s11, s5;
	[dreg:$0xa] =	wrdreg s14  }
0xd: {  	s17 =	simm.s32 @!p1 $0x40;
	s11 =	sadd.s32 $0x2800, s16;
	[dreg:$0x5] =	wrdreg s16  }
0xe: {  	p1 =	sgt.u32 s15, $0x1;
	s18 =	sadd.s32 $0x5000, s16;
	[dreg:$0x6] =	wrdreg s11  }
0xf: {  	s6 =	sadd.s32 $0x27100, s3;
	s19 =	sadd.s32 $0x7800, s16;
	[dreg:$0x7] =	wrdreg s18  }
0x10: {  	s20 =	sadd.s32 $0xA000, s16;
	s25 =	smax.u32 s13, $0x1;
	[dreg:$0x8] =	wrdreg s19  }
0x11: {  	p2 =	por @!p1 p0, p0;
	s26 =	sadd.s32 $0xC800, s16;
	[dreg:$0x9] =	wrdreg s20  }
0x12: {  	s28 =	sadd.s32 $0xF000, s16;
	s29 =	sadd.s32 $0x11800, s16;
	[dreg:$0x13] =	wrdreg s25  }
0x13: {  	s13 =	simm.s32 $0x6;
	s10 =	smin.u32 s6, $0x4CE00;
	[dreg:$0x14] =	wrdreg s26  }
0x14: {  	s18 =	sadd.s32 $0x138000, s5;
	s22 =	sshrl.u32 s6, $0x3;
	[dreg:$0x15] =	wrdreg s28  }
0x15: {  	s11 =	sadd.s32 s21, s0;
	s0 =	sshrl.u32 s0, $0x3;
	[dreg:$0x16] =	wrdreg s29  }
0x16: {  	s19 =	simm.s32 $0x6500;
	s21 =	simm.s32 $0x1;
	s8 =	sshrl.u32 s10, $0x3  }
0x17: {  	s10 =	ssub.s32 s6, s10;
	s11 =	sshrl.u32 s11, $0x3;
	[dreg:$0xb] =	wrdreg s18  }
0x18: {  	s18 =	smov.u32 @p0 s14;
	s14 =	simm.s32 $0x7;
	s12 =	sadd.s32 s8, s9  }
0x19: {  	s8 =	sadd.s32 $0xBA00, s9;
	s9 =	sadd.s32 $0x27CA00, s9;
	[dreg:$0x12] =	wrdreg s18  }
0x1a: {  	s18 =	simm.s32 $0x1480;
	s12 =	sadd.s32 $0x1C00, s12;
	s0 =	sadd.s32 s9, s0  }
0x1b: {  	s2 =	sadd.s32 s8, s2;
	s23 =	sadd.s32 s9, s11;
	[dreg:$0xc] =	wrdreg s12  }
.Ltmp0:
0x1c: {  	s11 =	simm.s32 $0x4;
	[dreg:$0xe] =	wrdreg s2;
	(pc) =	sbr.rel .LBB2_1-.Ltmp0, $4  }
0x1d: {  	s12 =	sadd.s32 s4, s22;
	[dreg:$0xf] =	wrdreg s23;
	s24 =	sadd.s32 $0x27000, s0  }
0x1e: {  	s0 =	sadd.s32 $0x27080, s0;
	s2 =	simm.s32 $0x1400;
	[dreg:$0xd] =	wrdreg s12  }
0x1f: {  	s22 =	simm.s32 $0x2;
	s23 =	simm.s32 $0x3;
	[dreg:$0x10] =	wrdreg s24  }
0x20: {  	v0 =	vimm.f32 $0.0e+00;
	[dreg:$0x11] =	wrdreg s0;
	s0 =	simm.s32 $0x50;
	s12 =	simm.s32 $0x5  }
.LBB2_14:
0x21: {  	s9 =	simm.s32 $0x8  }
0x22: {  	_ =	swait.ge [sflag:s9], $0x2800  }
0x23: {  	[sflag:s9] =	ssyncset.done $0x0  }
0x24: {  	[sflag:s9] =	ssyncadd.s32 $0xFFFFD800  }
0x25: {  	s28 =	stileid.u32;
	[bflag:$0x0] =	sbarrier.arrive $0xFFFF  }
0x26: {  	s9 =	sshll.u32 s28, $0x6;
	s16 =	rddreg [dreg:$0x5]  }
0x27: {  	s9 =	sor.u32 $0x1C09, s9;
	s20 =	rddreg [dreg:$0xf];
	s15 =	sshrl.u32 s16, $0x3  }
0x28: {  	[hbm:s20], [sflag:s9] =	dma.local [spmem:s15], $0x2700  }
0x29: {  	_ =	swait.ge [sflag:s31], $0x2700  }
0x2a: {  	[sflag:s31] =	ssyncset.done $0x0;
	s15 =	rddreg [dreg:$0xb]  }
0x2b: {  	s20 =	rddreg [dreg:$0x10];
	[sflag:s31] =	ssyncadd.s32 $0xFFFFD900;
	s15 =	sshrl.u32 @!p0 s15, $0x3  }
0x2c: {  	[hbm:s20], [sflag:s9] =	dma.local @!p0 [spmem:s15], $0x80  }
0x2d: {  	s15 =	simm.s32 @!p0 $0x9  }
0x2e: {  	_ =	swait.ge @!p0 [sflag:s15], $0x80  }
0x2f: {  	[sflag:s15] =	ssyncset.done @!p0 $0x0  }
0x30: {  	[sflag:s15] =	ssyncadd.s32 @!p0 $0xFFFFFF80;
	s15 =	rddreg [dreg:$0xa]  }
0x31: {  	s20 =	rddreg [dreg:$0x11];
	s15 =	sshrl.u32 @p2 s15, $0x3  }
0x32: {  	[hbm:s20], [sflag:s9] =	dma.local @p2 [spmem:s15], $0x80  }
0x33: {  	s9 =	simm.s32 @p2 $0x9  }
0x34: {  	_ =	swait.ge @p2 [sflag:s9], $0x80  }
0x35: {  	s7 =	sadd.s32 $0x1, s7;
	s29 =	rddreg [dreg:$0x13]  }
0x36: {  	p3 =	sne.s32 s7, s29  }
.Ltmp1:
0x37: {  	_ = 	snop;
	(pc) =	sbr.rel @!p3 .LBB2_15-.Ltmp1, $3  }
0x38: {  	_ =	sdelay $0x1  }
0x39: {  	[sflag:s9] =	ssyncset.done @p2 $0x0  }
0x3a: {  	[sflag:s9] =	ssyncadd.s32 @p2 $0xFFFFFF80  }
.LBB2_1:
0x3b: {  	s9 =	simm.s32 $0x0;
	s15 =	simm.s32 $0x200  }
.LBB2_2:
0x3c: {  	p3 =	sne.s32 s15, $0x9E00;
	[tilespmem:s9+$0x1570] =	vst v0  }
0x3d: {  	[tilespmem:s9+$0x1500] =	vst v0  }
0x3e: {  	[tilespmem:s9+$0x1510] =	vst v0  }
.Ltmp2:
0x3f: {  	[tilespmem:s9+$0x1520] =	vst v0;
	(pc) =	sbr.rel @p3 .LBB2_2-.Ltmp2, $4  }
0x40: {  	[tilespmem:s9+$0x1530] =	vst v0  }
0x41: {  	[tilespmem:s9+$0x1540] =	vst v0  }
0x42: {  	[tilespmem:s9+$0x1550] =	vst v0  }
0x43: {  	[tilespmem:s9+$0x1560] =	vst v0;
	s9 =	sshra.s32 s15, $0x2;
	s15 =	sadd.s32 $0x200, s15  }
0x44: {  	[tilespmem:s9+$0x1570] =	vst v0  }
0x45: {  	[tilespmem:s9+$0x1500] =	vst v0  }
0x46: {  	[tilespmem:s9+$0x1510] =	vst v0  }
0x47: {  	[tilespmem:s9+$0x1520] =	vst v0  }
0x48: {  	[tilespmem:s9+$0x1530] =	vst v0  }
0x49: {  	[tilespmem:s9+$0x1540] =	vst v0  }
0x4a: {  	[tilespmem:s9+$0x1550] =	vst v0  }
0x4b: {  	[tilespmem:s9+$0x1560] =	vst v0  }
0x4c: {  	[spmem:s16] =	stream.linear.scatter [tilespmem:s30], [sflag:$0x9], $0x2800, $0x38;
	[tilespmem:$0x1ED80] =	vst v63  }
0x4d: {  	_ =	swait.ge [sflag:s31], $0x2800  }
0x4e: {  	[sflag:s31] =	ssyncset.done $0x0  }
0x4f: {  	s25 =	rddreg [dreg:$0x6];
	[sflag:s31] =	ssyncadd.s32 $0xFFFFD800  }
0x50: {  	[spmem:s25] =	stream.linear.scatter [tilespmem:s30], [sflag:$0x9], $0x2800, $0x38;
	[tilespmem:$0x1ED80] =	vst v63  }
0x51: {  	_ =	swait.ge [sflag:s31], $0x2800  }
0x52: {  	[sflag:s31] =	ssyncset.done $0x0  }
0x53: {  	s26 =	rddreg [dreg:$0x7];
	[sflag:s31] =	ssyncadd.s32 $0xFFFFD800  }
0x54: {  	[spmem:s26] =	stream.linear.scatter [tilespmem:s30], [sflag:$0x9], $0x2800, $0x38;
	[tilespmem:$0x1ED80] =	vst v63  }
0x55: {  	_ =	swait.ge [sflag:s31], $0x2800  }
0x56: {  	[sflag:s31] =	ssyncset.done $0x0  }
0x57: {  	s28 =	rddreg [dreg:$0x8];
	[sflag:s31] =	ssyncadd.s32 $0xFFFFD800  }
0x58: {  	[spmem:s28] =	stream.linear.scatter [tilespmem:s30], [sflag:$0x9], $0x2800, $0x38;
	[tilespmem:$0x1ED80] =	vst v63  }
0x59: {  	_ =	swait.ge [sflag:s31], $0x2800  }
0x5a: {  	[sflag:s31] =	ssyncset.done $0x0  }
0x5b: {  	s29 =	rddreg [dreg:$0x9];
	[sflag:s31] =	ssyncadd.s32 $0xFFFFD800  }
0x5c: {  	[spmem:s29] =	stream.linear.scatter [tilespmem:s30], [sflag:$0x9], $0x2800, $0x38;
	[tilespmem:$0x1ED80] =	vst v63  }
0x5d: {  	_ =	swait.ge [sflag:s31], $0x2800  }
0x5e: {  	[sflag:s31] =	ssyncset.done $0x0  }
0x5f: {  	s15 =	rddreg [dreg:$0x14];
	[sflag:s31] =	ssyncadd.s32 $0xFFFFD800  }
0x60: {  	[spmem:s15] =	stream.linear.scatter [tilespmem:s30], [sflag:$0x9], $0x2800, $0x38;
	[tilespmem:$0x1ED80] =	vst v63  }
0x61: {  	_ =	swait.ge [sflag:s31], $0x2800  }
0x62: {  	[sflag:s31] =	ssyncset.done $0x0  }
0x63: {  	s16 =	rddreg [dreg:$0x15];
	[sflag:s31] =	ssyncadd.s32 $0xFFFFD800  }
0x64: {  	[spmem:s16] =	stream.linear.scatter [tilespmem:s30], [sflag:$0x9], $0x2800, $0x38;
	[tilespmem:$0x1ED80] =	vst v63  }
0x65: {  	_ =	swait.ge [sflag:s31], $0x2800  }
0x66: {  	[sflag:s31] =	ssyncset.done $0x0  }
0x67: {  	s20 =	rddreg [dreg:$0x16];
	[sflag:s31] =	ssyncadd.s32 $0xFFFFD800  }
0x68: {  	[spmem:s20] =	stream.linear.scatter [tilespmem:s30], [sflag:$0x9], $0x2000, $0x38;
	[tilespmem:$0x1ED80] =	vst v63  }
0x69: {  	_ =	swait.ge [sflag:s31], $0x2000  }
0x6a: {  	[sflag:s31] =	ssyncset.done $0x0  }
0x6b: {  	s9 =	simm.s32 @!p1 $0x1500;
	s15 =	rddreg [dreg:$0x12];
	[sflag:s31] =	ssyncadd.s32 $0xFFFFE000  }
0x6c: {  	[spmem:s15] =	stream.linear.scatter @!p1 [tilespmem:s9], [sflag:$0x9], $0x400, $0x38;
	[tilespmem:$0x1ED80] =	vst v63  }
0x6d: {  	s9 =	simm.s32 @!p1 $0x9  }
0x6e: {  	_ =	swait.ge @!p1 [sflag:s9], $0x400  }
0x6f: {  	[sflag:s9] =	ssyncset.done @!p1 $0x0  }
0x70: {  	s25 =	simm.s32 $0x0;
	s24 =	rddreg [dreg:$0xc];
	[sflag:s9] =	ssyncadd.s32 @!p1 $0xFFFFFC00  }
0x71: {  	[tilespmem:s25], [sflag:$0x9] =	stream.linear.gather [hbm4b:s24+s25], $0x1400, $0x38;
	[tilespmem:$0x1ED80] =	vst v63  }
0x72: {  	_ =	swait.ge [sflag:s31], $0x1400  }
0x73: {  	[sflag:s31] =	ssyncset.done $0x0  }
0x74: {  	[sflag:s31] =	ssyncadd.s32 $0xFFFFEC00  }
0x75: {  	[bflag:$0x0] =	sbarrier.arrive $0xFFFF  }
0x76: {  	s26 =	rddreg [dreg:$0xd]  }
0x77: {  	[tilespmem:s2], [sflag:$0x3] =	stream.linear.gather [hbm4b:s26+s25], $0x50, $0x38;
	[tilespmem:$0x1ED80] =	vst v63  }
.Ltmp3:
0x78: {  	_ = 	snop;
	(pc) =	sbr.rel .LBB2_4-.Ltmp3, $4  }
0x79: {  	_ = 	snop  }
0x7a: {  	[tilespmem:s30], [sflag:$0x1] =	stream.indirect.gather [hbm4b:s1+s0], $0x80, s10, s0, $0xb8;
	[tilespmem:$0x1ED80] =	vst v63  }
0x7b: {  	s29 =	simm.s32 $0x3D00;
	s28 =	rddreg [dreg:$0xe]  }
0x7c: {  	[tilespmem:s29], [sflag:$0x2] =	stream.linear.gather [hbm4b:s28+s25], $0x2800, $0x38;
	[tilespmem:$0x1ED80] =	vst v63  }
.LBB2_8:
0x7d: {  	v16 =	vld [tilespmem:s24+$0xFFFFFFB0];
	_ =	sdelay $0x3  }
0x7e: {  	v13 =	vadd.f32 v15, v13  }
0x7f: {  	v7 =	vadd.f32 v16, v7  }
0x80: {  	v13 =	vmax.f32 v13, $0.0e+00  }
0x81: {  	v55 =	vld [tilespmem:s15+$0x40];
	[tilespmem:s15+$0x30] =	vst v13;
	v7 =	vmax.f32 v7, $0.0e+00  }
0x82: {  	v56 =	vld [tilespmem:s24+$0x40];
	[tilespmem:s15+$0xFFFFFFB0] =	vst v7  }
0x83: {  	v7 =	vld [tilespmem:s24+$0xFFFFFFC0];
	_ =	sdelay $0x3  }
0x84: {  	v13 =	vadd.f32 v56, v55  }
0x85: {  	v5 =	vadd.f32 v7, v5  }
0x86: {  	v13 =	vmax.f32 v13, $0.0e+00  }
0x87: {  	v57 =	vld [tilespmem:s15+$0x50];
	[tilespmem:s15+$0x40] =	vst v13;
	v5 =	vmax.f32 v5, $0.0e+00  }
0x88: {  	v13 =	vld [tilespmem:s24+$0x50];
	[tilespmem:s15+$0xFFFFFFC0] =	vst v5  }
0x89: {  	v5 =	vld [tilespmem:s24+$0xFFFFFFD0];
	_ =	sdelay $0x1  }
0x8a: {  	v3 =	vadd.f32 v12, v3;
	_ =	sdelay $0x1  }
0x8b: {  	v3 =	vmax.f32 v3, $0.0e+00;
	v7 =	vadd.f32 v13, v57  }
0x8c: {  	[tilespmem:s28+$0xFFFFFFD0] =	vst v3;
	v5 =	vadd.f32 v5, v8  }
0x8d: {  	v58 =	vld [tilespmem:s29+$0xFFFFFFE0];
	v3 =	vmax.f32 v7, $0.0e+00  }
0x8e: {  	[tilespmem:s15+$0x50] =	vst v3;
	v3 =	vld [tilespmem:s15+$0x60];
	v5 =	vmax.f32 v5, $0.0e+00  }
0x8f: {  	v59 =	vld [tilespmem:s24+$0x60];
	[tilespmem:s15+$0xFFFFFFD0] =	vst v5  }
0x90: {  	v5 =	vld [tilespmem:s24+$0xFFFFFFE0];
	_ =	sdelay $0x2  }
0x91: {  	v4 =	vadd.f32 v58, v4  }
0x92: {  	v3 =	vadd.f32 v59, v3  }
0x93: {  	[tilespmem:s28+$0x60] =	vst v14;
	v61 =	vld [tilespmem:s15+$0x70];
	v4 =	vmax.f32 v4, $0.0e+00;
	v5 =	vadd.f32 v5, v6  }
0x94: {  	v60 =	vld [tilespmem:s29+$0x70];
	[tilespmem:s28+$0xFFFFFFE0] =	vst v4;
	v3 =	vmax.f32 v3, $0.0e+00  }
0x95: {  	v62 =	vld [tilespmem:s29+$0xFFFFFFF0];
	[tilespmem:s15+$0x60] =	vst v3;
	v3 =	vmax.f32 v5, $0.0e+00  }
0x96: {  	v63 =	vld [tilespmem:s24+$0x70];
	[tilespmem:s15+$0xFFFFFFE0] =	vst v3  }
0x97: {  	v3 =	vld [tilespmem:s24+$0xFFFFFFF0]  }
0x98: {  	v1 =	vadd.f32 v11, v1  }
0x99: {  	v7 =	vadd.f32 v60, v10  }
0x9a: {  	v1 =	vmax.f32 v1, $0.0e+00;
	v2 =	vadd.f32 v62, v2  }
0x9b: {  	[tilespmem:s26+$0xFFFFFFF0] =	vst v1;
	v1 =	vmax.f32 v7, $0.0e+00;
	v4 =	vadd.f32 v63, v61  }
0x9c: {  	[tilespmem:s28+$0x70] =	vst v1;
	v1 =	vmax.f32 v2, $0.0e+00;
	v2 =	vadd.f32 v3, v9  }
0x9d: {  	[tilespmem:s28+$0xFFFFFFF0] =	vst v1;
	v1 =	vmax.f32 v4, $0.0e+00  }
0x9e: {  	[tilespmem:s15+$0x70] =	vst v1;
	v1 =	vmax.f32 v2, $0.0e+00  }
0x9f: {  	[tilespmem:s15+$0xFFFFFFF0] =	vst v1  }
0xa0: {  	[spmem:s5] =	stream.indirect.scatter.add.f32 [tilespmem:s30], [sflag:$0x4], $0x80, s2, s0, $0xb8;
	[tilespmem:$0x1ED80] =	vst v63  }
.LBB2_13:
0xa1: {  	s25 =	sadd.s32 $0x1, s25  }
0xa2: {  	p3 =	sne.s32 s25, $0x40  }
.Ltmp4:
0xa3: {  	_ = 	snop;
	(pc) =	sbr.rel @!p3 .LBB2_14-.Ltmp4, $1  }
0xa4: {  	_ =	sdelay $0x3  }
.LBB2_4:
0xa5: {  	s9 =	sand.u32 $0x1, s25  }
0xa6: {  	p4 =	seq.s32 s9, $0x1  }
.Ltmp5:
0xa7: {  	_ = 	snop;
	(pc) =	sbr.rel @!p4 .LBB2_5-.Ltmp5, $2  }
0xa8: {  	_ =	sdelay $0x2  }
0xa9: {  	p3 =	sge.u32 s25, s17  }
.Ltmp6:
0xaa: {  	(pc) =	sbr.rel @p3 .LBB2_13-.Ltmp6, $1  }
0xab: {  	_ =	sdelay $0x3  }
0xac: {  	s9 =	sadd.s32 $0x1, s25  }
0xad: {  	p3 =	sge.u32 s9, s17  }
0xae: {  	s9 =	smul.u32 @!p3 $0x50, s9  }
0xaf: {  	_ =	swait.ge [sflag:s11], $0x2800  }
0xb0: {  	[sflag:s11] =	ssyncset.done $0x0;
	s15 =	sadd.s32 @!p3 s6, s9  }
0xb1: {  	[sflag:s11] =	ssyncadd.s32 $0xFFFFD800;
	s15 =	sshrl.u32 @!p3 s15, $0x3  }
0xb2: {  	s16 =	simm.s32 @!p3 $0x0;
	s20 =	simm.s32 @!p3 $0x1400;
	s15 =	sadd.s32 @!p3 s4, s15  }
0xb3: {  	[tilespmem:s20], [sflag:$0x3] =	stream.linear.gather @!p3 [hbm4b:s15+s16], $0x50, $0x38;
	[tilespmem:$0x1ED80] =	vst v63  }
0xb4: {  	s15 =	sadd.s32 @!p3 s9, s10;
	s9 =	sadd.s32 @!p3 s3, s9  }
0xb5: {  	s24 =	simm.s32 @!p3 $0x1500;
	s20 =	simm.s32 @!p3 $0x50;
	s9 =	sshll.u32 @!p3 s9, $0x4  }
0xb6: {  	[tilespmem:s24], [sflag:$0x1] =	stream.indirect.gather @!p3 [hbm4b:s1+s20], $0x80, s15, s20, $0xb8;
	[tilespmem:$0x1ED80] =	vst v63  }
0xb7: {  	s9 =	sadd.s32 @!p3 s8, s9;
	s15 =	simm.s32 @!p3 $0x3D00  }
0xb8: {  	[tilespmem:s15], [sflag:$0x2] =	stream.linear.gather @!p3 [hbm4b:s9+s16], $0x2800, $0x38;
	[tilespmem:$0x1ED80] =	vst v63  }
0xb9: {  	_ =	swait.ge [sflag:s12], $0x2800  }
0xba: {  	[sflag:s12] =	ssyncset.done $0x0  }
0xbb: {  	[sflag:s12] =	ssyncadd.s32 $0xFFFFD800  }
0xbc: {  	_ =	swait.ge [sflag:s13], $0x2800  }
0xbd: {  	[sflag:s13] =	ssyncset.done $0x0  }
0xbe: {  	[sflag:s13] =	ssyncadd.s32 $0xFFFFD800  }
0xbf: {  	_ =	swait.ge [sflag:s14], $0x50  }
0xc0: {  	[sflag:s14] =	ssyncset.done $0x0  }
0xc1: {  	s26 =	simm.s32 $0x6580;
	[sflag:s14] =	ssyncadd.s32 $0xFFFFFFB0  }
0xc2: {  	s20 =	simm.s32 $0x8D80;
	v1 =	vld [tilespmem:s26+$0x0]  }
0xc3: {  	v2 =	vld [tilespmem:s20+$0x0];
	_ =	sdelay $0x4  }
0xc4: {  	v1 =	vadd.f32 v2, v1;
	_ =	sdelay $0x1  }
0xc5: {  	v1 =	vmax.f32 v1, $0.0e+00  }
0xc6: {  	[tilespmem:s26+$0x0] =	vst v1;
	v1 =	vld [tilespmem:s26+$0x10]  }
0xc7: {  	v2 =	vld [tilespmem:s20+$0x10];
	_ =	sdelay $0x3  }
0xc8: {  	v3 =	vld [tilespmem:s26+$0xFFFFFF80]  }
0xc9: {  	v1 =	vadd.f32 v2, v1;
	v2 =	vld [tilespmem:s20+$0xFFFFFF80];
	_ =	sdelay $0x1  }
0xca: {  	v1 =	vmax.f32 v1, $0.0e+00  }
0xcb: {  	[tilespmem:s26+$0x10] =	vst v1;
	v1 =	vld [tilespmem:s26+$0x20]  }
0xcc: {  	v4 =	vld [tilespmem:s20+$0x20]  }
0xcd: {  	s28 =	simm.s32 $0x6680;
	v5 =	vld [tilespmem:s26+$0xFFFFFFA0];
	v2 =	vadd.f32 v2, v3  }
0xce: {  	v7 =	vld [tilespmem:s28+$0x0]  }
0xcf: {  	v8 =	vld [tilespmem:s26+$0xFFFFFFC0];
	v2 =	vmax.f32 v2, $0.0e+00  }
0xd0: {  	v3 =	vld [tilespmem:s26+$0xFFFFFF90];
	[tilespmem:s26+$0xFFFFFF80] =	vst v2  }
0xd1: {  	v1 =	vadd.f32 v4, v1;
	v2 =	vld [tilespmem:s20+$0xFFFFFF90]  }
0xd2: {  	v9 =	vld [tilespmem:s26+$0xFFFFFFD0]  }
0xd3: {  	v10 =	vld [tilespmem:s26+$0x40];
	v1 =	vmax.f32 v1, $0.0e+00  }
0xd4: {  	[tilespmem:s26+$0x20] =	vst v1;
	v1 =	vld [tilespmem:s26+$0x30]  }
0xd5: {  	v6 =	vld [tilespmem:s20+$0x30]  }
0xd6: {  	s29 =	simm.s32 $0x8E80;
	v11 =	vld [tilespmem:s28+$0x10];
	v2 =	vadd.f32 v2, v3  }
0xd7: {  	v3 =	vld [tilespmem:s29+$0x0]  }
0xd8: {  	s16 =	simm.s32 $0x8F80;
	v13 =	vld [tilespmem:s26+$0xFFFFFFE0];
	v2 =	vmax.f32 v2, $0.0e+00  }
0xd9: {  	v17 =	vld [tilespmem:s16+$0xFFFFFF80];
	[tilespmem:s26+$0xFFFFFF90] =	vst v2  }
0xda: {  	v1 =	vadd.f32 v6, v1;
	v2 =	vld [tilespmem:s20+$0xFFFFFFA0]  }
0xdb: {  	v6 =	vld [tilespmem:s29+$0xFFFFFF80]  }
0xdc: {  	s15 =	simm.s32 $0x6780;
	v3 =	vadd.f32 v3, v7;
	v7 =	vld [tilespmem:s28+$0xFFFFFF80];
	v1 =	vmax.f32 v1, $0.0e+00  }
0xdd: {  	v18 =	vld [tilespmem:s15+$0xFFFFFF80];
	[tilespmem:s26+$0x30] =	vst v1  }
0xde: {  	v1 =	vmax.f32 v3, $0.0e+00;
	v3 =	vld [tilespmem:s20+$0x40]  }
0xdf: {  	v19 =	vld [tilespmem:s15+$0xFFFFFF90];
	[tilespmem:s28+$0x0] =	vst v1  }
0xe0: {  	v12 =	vld [tilespmem:s29+$0x10];
	v2 =	vadd.f32 v2, v5  }
0xe1: {  	v63 =	vld [tilespmem:s28+$0x60];
	v5 =	vadd.f32 v6, v7  }
0xe2: {  	v4 =	vld [tilespmem:s26+$0xFFFFFFB0];
	v2 =	vmax.f32 v2, $0.0e+00  }
0xe3: {  	v6 =	vld [tilespmem:s28+$0xFFFFFF90];
	[tilespmem:s26+$0xFFFFFFA0] =	vst v2;
	v2 =	vmax.f32 v5, $0.0e+00;
	v3 =	vadd.f32 v3, v10  }
0xe4: {  	v5 =	vld [tilespmem:s20+$0xFFFFFFB0];
	[tilespmem:s28+$0xFFFFFF80] =	vst v2  }
0xe5: {  	v10 =	vld [tilespmem:s29+$0xFFFFFF90];
	v2 =	vmax.f32 v3, $0.0e+00;
	v3 =	vadd.f32 v12, v11  }
0xe6: {  	v12 =	vld [tilespmem:s28+$0x20]  }
0xe7: {  	[tilespmem:s26+$0x40] =	vst v2;
	v2 =	vld [tilespmem:s26+$0x50];
	v3 =	vmax.f32 v3, $0.0e+00  }
0xe8: {  	v11 =	vld [tilespmem:s20+$0x50];
	[tilespmem:s28+$0x10] =	vst v3  }
0xe9: {  	v3 =	vadd.f32 v5, v4;
	v14 =	vld [tilespmem:s29+$0x20]  }
0xea: {  	v1 =	vld [tilespmem:s26+$0xFFFFFFF0]  }
0xeb: {  	v7 =	vld [tilespmem:s28+$0xFFFFFFA0];
	v4 =	vadd.f32 v10, v6;
	v10 =	vmax.f32 v3, $0.0e+00  }
0xec: {  	v5 =	vld [tilespmem:s28+$0xFFFFFFB0];
	[tilespmem:s26+$0xFFFFFFB0] =	vst v10  }
0xed: {  	v2 =	vadd.f32 v11, v2;
	v11 =	vld [tilespmem:s20+$0xFFFFFFC0]  }
0xee: {  	v6 =	vld [tilespmem:s28+$0xFFFFFFC0];
	v4 =	vmax.f32 v4, $0.0e+00;
	v10 =	vadd.f32 v14, v12  }
0xef: {  	v3 =	vld [tilespmem:s28+$0xFFFFFFD0];
	[tilespmem:s28+$0xFFFFFF90] =	vst v4;
	v2 =	vmax.f32 v2, $0.0e+00  }
0xf0: {  	v4 =	vld [tilespmem:s28+$0xFFFFFFE0];
	[tilespmem:s26+$0x50] =	vst v2;
	v2 =	vmax.f32 v10, $0.0e+00  }
0xf1: {  	v14 =	vld [tilespmem:s28+$0x30];
	[tilespmem:s28+$0x20] =	vst v2  }
0xf2: {  	v8 =	vadd.f32 v11, v8;
	v15 =	vld [tilespmem:s29+$0x30]  }
0xf3: {  	v12 =	vld [tilespmem:s29+$0xFFFFFFA0]  }
0xf4: {  	v11 =	vld [tilespmem:s15+$0x0];
	v8 =	vmax.f32 v8, $0.0e+00  }
0xf5: {  	[tilespmem:s26+$0xFFFFFFC0] =	vst v8;
	v8 =	vld [tilespmem:s16+$0x0]  }
0xf6: {  	v10 =	vld [tilespmem:s26+$0x60]  }
0xf7: {  	v16 =	vld [tilespmem:s20+$0x60];
	v14 =	vadd.f32 v15, v14  }
0xf8: {  	v2 =	vld [tilespmem:s28+$0xFFFFFFF0]  }
0xf9: {  	v7 =	vadd.f32 v12, v7;
	v12 =	vld [tilespmem:s28+$0x40];
	v14 =	vmax.f32 v14, $0.0e+00  }
0xfa: {  	v15 =	vld [tilespmem:s20+$0xFFFFFFD0];
	v8 =	vadd.f32 v8, v11;
	[tilespmem:s28+$0x30] =	vst v14  }
0xfb: {  	v7 =	vmax.f32 v7, $0.0e+00;
	v14 =	vld [tilespmem:s29+$0x40]  }
0xfc: {  	[tilespmem:s28+$0xFFFFFFA0] =	vst v7;
	v11 =	vld [tilespmem:s26+$0x70];
	v7 =	vmax.f32 v8, $0.0e+00;
	v8 =	vadd.f32 v16, v10  }
0xfd: {  	v10 =	vld [tilespmem:s29+$0xFFFFFFB0]  }
0xfe: {  	v16 =	vld [tilespmem:s15+$0x10];
	[tilespmem:s15+$0x0] =	vst v7;
	v7 =	vadd.f32 v17, v18;
	v8 =	vmax.f32 v8, $0.0e+00  }
0xff: {  	v17 =	vld [tilespmem:s16+$0x10];
	[tilespmem:s26+$0x60] =	vst v8  }
0x100: {  	v7 =	vmax.f32 v7, $0.0e+00;
	v62 =	vld [tilespmem:s20+$0x70];
	v12 =	vadd.f32 v14, v12  }
0x101: {  	[tilespmem:s15+$0xFFFFFF80] =	vst v7;
	v14 =	vld [tilespmem:s15+$0xFFFFFFA0]  }
0x102: {  	v8 =	vld [tilespmem:s16+$0xFFFFFF90];
	v7 =	vmax.f32 v12, $0.0e+00  }
0x103: {  	v5 =	vadd.f32 v10, v5;
	v10 =	vld [tilespmem:s28+$0x50];
	[tilespmem:s28+$0x40] =	vst v7  }
0x104: {  	v16 =	vadd.f32 v17, v16;
	v12 =	vld [tilespmem:s29+$0x50]  }
0x105: {  	v5 =	vmax.f32 v5, $0.0e+00;
	v17 =	vld [tilespmem:s15+$0x20]  }
0x106: {  	v9 =	vadd.f32 v15, v9;
	v7 =	vld [tilespmem:s15+$0xFFFFFFB0];
	[tilespmem:s28+$0xFFFFFFB0] =	vst v5;
	v16 =	vmax.f32 v16, $0.0e+00  }
0x107: {  	v15 =	vld [tilespmem:s29+$0xFFFFFFC0];
	[tilespmem:s15+$0x10] =	vst v16;
	v16 =	vadd.f32 v8, v19  }
0x108: {  	v5 =	vld [tilespmem:s15+$0xFFFFFFC0];
	v8 =	vmax.f32 v9, $0.0e+00  }
0x109: {  	v9 =	vld [tilespmem:s16+$0x20];
	[tilespmem:s26+$0xFFFFFFD0] =	vst v8;
	v10 =	vadd.f32 v12, v10;
	v12 =	vmax.f32 v16, $0.0e+00  }
0x10a: {  	[tilespmem:s15+$0xFFFFFF90] =	vst v12;
	v12 =	vld [tilespmem:s20+$0xFFFFFFE0]  }
0x10b: {  	v8 =	vld [tilespmem:s15+$0xFFFFFFD0];
	v10 =	vmax.f32 v10, $0.0e+00  }
0x10c: {  	v16 =	vld [tilespmem:s16+$0xFFFFFFA0];
	[tilespmem:s28+$0x50] =	vst v10;
	v10 =	vadd.f32 v15, v6  }
0x10d: {  	v20 =	vld [tilespmem:s29+$0x60]  }
0x10e: {  	v15 =	vadd.f32 v9, v17;
	v6 =	vld [tilespmem:s15+$0xFFFFFFE0];
	v9 =	vmax.f32 v10, $0.0e+00  }
0x10f: {  	[tilespmem:s28+$0xFFFFFFC0] =	vst v9;
	v10 =	vadd.f32 v12, v13;
	v9 =	vld [tilespmem:s15+$0xFFFFFFF0]  }
0x110: {  	v11 =	vadd.f32 v62, v11;
	v13 =	vmax.f32 v15, $0.0e+00;
	v12 =	vld [tilespmem:s29+$0xFFFFFFD0]  }
0x111: {  	[tilespmem:s15+$0x20] =	vst v13;
	v14 =	vadd.f32 v16, v14;
	v13 =	vld [tilespmem:s15+$0x30];
	v10 =	vmax.f32 v10, $0.0e+00  }
0x112: {  	v11 =	vmax.f32 v11, $0.0e+00;
	v15 =	vld [tilespmem:s16+$0x30];
	v16 =	vadd.f32 v20, v63;
	[tilespmem:s26+$0xFFFFFFE0] =	vst v10  }
0x113: {  	[tilespmem:s26+$0x70] =	vst v11;
	v10 =	vmax.f32 v14, $0.0e+00;
	v11 =	vld [tilespmem:s20+$0xFFFFFFF0]  }
0x114: {  	s24 =	simm.s32 $0x8F80;
	s9 =	simm.s32 $0x6880;
	s20 =	simm.s32 $0x4;
	[tilespmem:s15+$0xFFFFFFA0] =	vst v10;
	v10 =	vld [tilespmem:s28+$0x70];
	v14 =	vmax.f32 v16, $0.0e+00  }
.LBB2_11:
0x115: {  	v16 =	vld [tilespmem:s9+$0x0];
	v12 =	vadd.f32 v12, v3;
	[tilespmem:s28+$0x60] =	vst v14;
	v3 =	vmov v8  }
0x116: {  	s16 =	sadd.s32 $0x100, s16;
	v8 =	vld [tilespmem:s29+$0x70]  }
0x117: {  	s20 =	sadd.s32 $0x2, s20;
	v14 =	vld [tilespmem:s16+$0x0];
	v13 =	vadd.f32 v15, v13;
	v12 =	vmax.f32 v12, $0.0e+00  }
0x118: {  	p3 =	slt.u32 s20, $0x4E;
	v15 =	vld [tilespmem:s16+$0xFFFFFF80];
	[tilespmem:s28+$0xFFFFFFD0] =	vst v12;
	v11 =	vadd.f32 v11, v1;
	v1 =	vmov v2;
	v2 =	vmov v9  }
0x119: {  	v9 =	vld [tilespmem:s9+$0xFFFFFF80];
	v12 =	vmax.f32 v13, $0.0e+00  }
0x11a: {  	[tilespmem:s15+$0x30] =	vst v12;
	v12 =	vld [tilespmem:s15+$0x40];
	v11 =	vmax.f32 v11, $0.0e+00  }
0x11b: {  	v13 =	vld [tilespmem:s24+$0x40];
	v8 =	vadd.f32 v8, v10;
	[tilespmem:s26+$0xFFFFFFF0] =	vst v11;
	s26 =	smov.u32 s28;
	s28 =	smov.u32 s15;
	s15 =	smov.u32 s9  }
0x11c: {  	v10 =	vld [tilespmem:s9+$0xFFFFFF90];
	v11 =	vadd.f32 v14, v16  }
0x11d: {  	v14 =	vld [tilespmem:s9+$0xFFFFFFA0];
	v8 =	vmax.f32 v8, $0.0e+00  }
0x11e: {  	v9 =	vadd.f32 v15, v9;
	v11 =	vmax.f32 v11, $0.0e+00;
	v15 =	vld [tilespmem:s24+$0xFFFFFFB0];
	[tilespmem:s26+$0x70] =	vst v8  }
0x11f: {  	[tilespmem:s9+$0x0] =	vst v11;
	v8 =	vld [tilespmem:s9+$0x10]  }
0x120: {  	v9 =	vmax.f32 v9, $0.0e+00;
	v11 =	vld [tilespmem:s16+$0x10];
	v12 =	vadd.f32 v13, v12  }
0x121: {  	[tilespmem:s9+$0xFFFFFF80] =	vst v9;
	v9 =	vld [tilespmem:s9+$0xFFFFFFB0]  }
0x122: {  	v13 =	vld [tilespmem:s16+$0xFFFFFF90];
	v12 =	vmax.f32 v12, $0.0e+00  }
0x123: {  	v18 =	vadd.f32 v15, v7;
	[tilespmem:s28+$0x40] =	vst v12;
	v12 =	vld [tilespmem:s28+$0x50]  }
0x124: {  	v15 =	vld [tilespmem:s24+$0x50]  }
0x125: {  	v16 =	vld [tilespmem:s9+$0xFFFFFFC0];
	v11 =	vadd.f32 v11, v8;
	v17 =	vmax.f32 v18, $0.0e+00  }
0x126: {  	v8 =	vld [tilespmem:s9+$0xFFFFFFD0];
	[tilespmem:s28+$0xFFFFFFB0] =	vst v17;
	v7 =	vmov v9  }
0x127: {  	v9 =	vadd.f32 v13, v10;
	v10 =	vmax.f32 v11, $0.0e+00;
	v11 =	vld [tilespmem:s24+$0xFFFFFFC0]  }
0x128: {  	[tilespmem:s9+$0x10] =	vst v10;
	v10 =	vld [tilespmem:s9+$0x20]  }
0x129: {  	v9 =	vmax.f32 v9, $0.0e+00;
	v13 =	vld [tilespmem:s16+$0x20];
	v12 =	vadd.f32 v15, v12  }
0x12a: {  	[tilespmem:s9+$0xFFFFFF90] =	vst v9;
	v15 =	vld [tilespmem:s29+$0xFFFFFFE0]  }
0x12b: {  	v17 =	vld [tilespmem:s16+$0xFFFFFFA0];
	v9 =	vmax.f32 v12, $0.0e+00  }
0x12c: {  	v11 =	vadd.f32 v11, v5;
	[tilespmem:s28+$0x50] =	vst v9;
	v18 =	vld [tilespmem:s28+$0x60];
	v5 =	vmov v16  }
0x12d: {  	v16 =	vld [tilespmem:s24+$0x60]  }
0x12e: {  	v19 =	vld [tilespmem:s9+$0xFFFFFFE0];
	v10 =	vadd.f32 v13, v10;
	v11 =	vmax.f32 v11, $0.0e+00  }
0x12f: {  	v9 =	vld [tilespmem:s9+$0xFFFFFFF0];
	[tilespmem:s28+$0xFFFFFFC0] =	vst v11;
	v11 =	vadd.f32 v15, v4;
	v4 =	vmov v6  }
.Ltmp7:
0x130: {  	v20 =	vadd.f32 v17, v14;
	v10 =	vmax.f32 v10, $0.0e+00;
	v12 =	vld [tilespmem:s24+$0xFFFFFFD0];
	(pc) =	sbr.rel @p3 .LBB2_11-.Ltmp7, $4  }
0x131: {  	[tilespmem:s9+$0x20] =	vst v10;
	v13 =	vld [tilespmem:s9+$0x30];
	v10 =	vmax.f32 v11, $0.0e+00  }
0x132: {  	v17 =	vmax.f32 v20, $0.0e+00;
	v15 =	vld [tilespmem:s16+$0x30];
	v14 =	vadd.f32 v16, v18;
	[tilespmem:s26+$0xFFFFFFE0] =	vst v10  }
0x133: {  	[tilespmem:s9+$0xFFFFFFA0] =	vst v17;
	v11 =	vld [tilespmem:s29+$0xFFFFFFF0];
	v6 =	vmov v19;
	s29 =	smov.u32 s24;
	s24 =	smov.u32 s16  }
0x134: {  	s9 =	sadd.s32 $0x100, s9;
	v14 =	vmax.f32 v14, $0.0e+00;
	v10 =	vld [tilespmem:s28+$0x70]  }
0x135: {  	v16 =	vld [tilespmem:s24+$0xFFFFFFB0];
	_ =	sdelay $0x3  }
0x136: {  	v13 =	vadd.f32 v15, v13  }
0x137: {  	v7 =	vadd.f32 v16, v7  }
0x138: {  	v13 =	vmax.f32 v13, $0.0e+00  }
0x139: {  	v55 =	vld [tilespmem:s15+$0x40];
	[tilespmem:s15+$0x30] =	vst v13;
	v7 =	vmax.f32 v7, $0.0e+00  }
0x13a: {  	v56 =	vld [tilespmem:s24+$0x40];
	[tilespmem:s15+$0xFFFFFFB0] =	vst v7  }
0x13b: {  	v7 =	vld [tilespmem:s24+$0xFFFFFFC0];
	_ =	sdelay $0x3  }
0x13c: {  	v13 =	vadd.f32 v56, v55  }
0x13d: {  	v5 =	vadd.f32 v7, v5  }
0x13e: {  	v13 =	vmax.f32 v13, $0.0e+00  }
0x13f: {  	v57 =	vld [tilespmem:s15+$0x50];
	[tilespmem:s15+$0x40] =	vst v13;
	v5 =	vmax.f32 v5, $0.0e+00  }
0x140: {  	v13 =	vld [tilespmem:s24+$0x50];
	[tilespmem:s15+$0xFFFFFFC0] =	vst v5  }
0x141: {  	v5 =	vld [tilespmem:s24+$0xFFFFFFD0];
	_ =	sdelay $0x1  }
0x142: {  	v3 =	vadd.f32 v12, v3;
	_ =	sdelay $0x1  }
0x143: {  	v3 =	vmax.f32 v3, $0.0e+00;
	v7 =	vadd.f32 v13, v57  }
0x144: {  	[tilespmem:s28+$0xFFFFFFD0] =	vst v3;
	v5 =	vadd.f32 v5, v8  }
0x145: {  	v58 =	vld [tilespmem:s29+$0xFFFFFFE0];
	v3 =	vmax.f32 v7, $0.0e+00  }
0x146: {  	[tilespmem:s15+$0x50] =	vst v3;
	v3 =	vld [tilespmem:s15+$0x60];
	v5 =	vmax.f32 v5, $0.0e+00  }
0x147: {  	v59 =	vld [tilespmem:s24+$0x60];
	[tilespmem:s15+$0xFFFFFFD0] =	vst v5  }
0x148: {  	v5 =	vld [tilespmem:s24+$0xFFFFFFE0];
	_ =	sdelay $0x2  }
0x149: {  	v4 =	vadd.f32 v58, v4  }
0x14a: {  	v3 =	vadd.f32 v59, v3  }
0x14b: {  	[tilespmem:s28+$0x60] =	vst v14;
	v61 =	vld [tilespmem:s15+$0x70];
	v4 =	vmax.f32 v4, $0.0e+00;
	v5 =	vadd.f32 v5, v6  }
0x14c: {  	v60 =	vld [tilespmem:s29+$0x70];
	[tilespmem:s28+$0xFFFFFFE0] =	vst v4;
	v3 =	vmax.f32 v3, $0.0e+00  }
0x14d: {  	v62 =	vld [tilespmem:s29+$0xFFFFFFF0];
	[tilespmem:s15+$0x60] =	vst v3;
	v3 =	vmax.f32 v5, $0.0e+00  }
0x14e: {  	v63 =	vld [tilespmem:s24+$0x70];
	[tilespmem:s15+$0xFFFFFFE0] =	vst v3  }
0x14f: {  	v3 =	vld [tilespmem:s24+$0xFFFFFFF0]  }
0x150: {  	v1 =	vadd.f32 v11, v1  }
0x151: {  	v7 =	vadd.f32 v60, v10  }
0x152: {  	v1 =	vmax.f32 v1, $0.0e+00;
	v2 =	vadd.f32 v62, v2  }
0x153: {  	[tilespmem:s26+$0xFFFFFFF0] =	vst v1;
	v1 =	vmax.f32 v7, $0.0e+00;
	v4 =	vadd.f32 v63, v61  }
.Ltmp8:
0x154: {  	[tilespmem:s28+$0x70] =	vst v1;
	v1 =	vmax.f32 v2, $0.0e+00;
	v2 =	vadd.f32 v3, v9;
	(pc) =	sbr.rel .LBB2_13-.Ltmp8, $4  }
0x155: {  	[tilespmem:s28+$0xFFFFFFF0] =	vst v1;
	v1 =	vmax.f32 v4, $0.0e+00  }
0x156: {  	[tilespmem:s15+$0x70] =	vst v1;
	v1 =	vmax.f32 v2, $0.0e+00  }
0x157: {  	[tilespmem:s15+$0xFFFFFFF0] =	vst v1  }
0x158: {  	[spmem:s5] =	stream.indirect.scatter.add.f32 [tilespmem:s19], [sflag:$0x8], $0x80, s18, s0, $0xb8;
	[tilespmem:$0x1ED80] =	vst v63  }
.LBB2_5:
.Ltmp9:
0x159: {  	(pc) =	sbr.rel @p3 .LBB2_13-.Ltmp9, $1  }
0x15a: {  	_ =	sdelay $0x3  }
0x15b: {  	s9 =	sor.u32 $0x1, s25  }
0x15c: {  	p4 =	seq.s32 s25, $0x0;
	p3 =	sge.u32 s9, s17  }
0x15d: {  	s15 =	simm.s32 @!p4 $0x8;
	s9 =	smul.u32 @!p3 $0x50, s9  }
0x15e: {  	_ =	swait.ge @!p4 [sflag:s15], $0x2800  }
0x15f: {  	[sflag:s15] =	ssyncset.done @!p4 $0x0;
	s16 =	sadd.s32 @!p3 s6, s9  }
0x160: {  	[sflag:s15] =	ssyncadd.s32 @!p4 $0xFFFFD800;
	s15 =	sshrl.u32 @!p3 s16, $0x3  }
0x161: {  	s20 =	simm.s32 @!p3 $0x1480;
	s16 =	simm.s32 @!p3 $0x0;
	s15 =	sadd.s32 @!p3 s4, s15  }
0x162: {  	[tilespmem:s20], [sflag:$0x7] =	stream.linear.gather @!p3 [hbm4b:s15+s16], $0x50, $0x38;
	[tilespmem:$0x1ED80] =	vst v63  }
0x163: {  	s15 =	sadd.s32 @!p3 s9, s10;
	s9 =	sadd.s32 @!p3 s3, s9  }
0x164: {  	s24 =	simm.s32 @!p3 $0x6500;
	s20 =	simm.s32 @!p3 $0x50;
	s9 =	sshll.u32 @!p3 s9, $0x4  }
0x165: {  	[tilespmem:s24], [sflag:$0x5] =	stream.indirect.gather @!p3 [hbm4b:s1+s20], $0x80, s15, s20, $0xb8;
	[tilespmem:$0x1ED80] =	vst v63  }
0x166: {  	s9 =	sadd.s32 @!p3 s8, s9;
	s15 =	simm.s32 @!p3 $0x8D00  }
0x167: {  	[tilespmem:s15], [sflag:$0x6] =	stream.linear.gather @!p3 [hbm4b:s9+s16], $0x2800, $0x38;
	[tilespmem:$0x1ED80] =	vst v63  }
0x168: {  	_ =	swait.ge [sflag:s21], $0x2800  }
0x169: {  	[sflag:s21] =	ssyncset.done $0x0  }
0x16a: {  	[sflag:s21] =	ssyncadd.s32 $0xFFFFD800  }
0x16b: {  	_ =	swait.ge [sflag:s22], $0x2800  }
0x16c: {  	[sflag:s22] =	ssyncset.done $0x0  }
0x16d: {  	[sflag:s22] =	ssyncadd.s32 $0xFFFFD800  }
0x16e: {  	_ =	swait.ge [sflag:s23], $0x50  }
0x16f: {  	[sflag:s23] =	ssyncset.done $0x0  }
0x170: {  	s26 =	simm.s32 $0x1580;
	[sflag:s23] =	ssyncadd.s32 $0xFFFFFFB0  }
0x171: {  	s20 =	simm.s32 $0x3D80;
	v1 =	vld [tilespmem:s26+$0x0]  }
0x172: {  	v2 =	vld [tilespmem:s20+$0x0];
	_ =	sdelay $0x4  }
0x173: {  	v1 =	vadd.f32 v2, v1;
	_ =	sdelay $0x1  }
0x174: {  	v1 =	vmax.f32 v1, $0.0e+00  }
0x175: {  	[tilespmem:s26+$0x0] =	vst v1;
	v1 =	vld [tilespmem:s26+$0x10]  }
0x176: {  	v2 =	vld [tilespmem:s20+$0x10];
	_ =	sdelay $0x3  }
0x177: {  	v3 =	vld [tilespmem:s26+$0xFFFFFF80]  }
0x178: {  	v1 =	vadd.f32 v2, v1;
	v2 =	vld [tilespmem:s20+$0xFFFFFF80];
	_ =	sdelay $0x1  }
0x179: {  	v1 =	vmax.f32 v1, $0.0e+00  }
0x17a: {  	[tilespmem:s26+$0x10] =	vst v1;
	v1 =	vld [tilespmem:s26+$0x20]  }
0x17b: {  	v4 =	vld [tilespmem:s20+$0x20]  }
0x17c: {  	s28 =	simm.s32 $0x1680;
	v5 =	vld [tilespmem:s26+$0xFFFFFFA0];
	v2 =	vadd.f32 v2, v3  }
0x17d: {  	v7 =	vld [tilespmem:s28+$0x0]  }
0x17e: {  	v8 =	vld [tilespmem:s26+$0xFFFFFFC0];
	v2 =	vmax.f32 v2, $0.0e+00  }
0x17f: {  	v3 =	vld [tilespmem:s26+$0xFFFFFF90];
	[tilespmem:s26+$0xFFFFFF80] =	vst v2  }
0x180: {  	v1 =	vadd.f32 v4, v1;
	v2 =	vld [tilespmem:s20+$0xFFFFFF90]  }
0x181: {  	v9 =	vld [tilespmem:s26+$0xFFFFFFD0]  }
0x182: {  	v10 =	vld [tilespmem:s26+$0x40];
	v1 =	vmax.f32 v1, $0.0e+00  }
0x183: {  	[tilespmem:s26+$0x20] =	vst v1;
	v1 =	vld [tilespmem:s26+$0x30]  }
0x184: {  	v6 =	vld [tilespmem:s20+$0x30]  }
0x185: {  	s29 =	simm.s32 $0x3E80;
	v11 =	vld [tilespmem:s28+$0x10];
	v2 =	vadd.f32 v2, v3  }
0x186: {  	v3 =	vld [tilespmem:s29+$0x0]  }
0x187: {  	s16 =	simm.s32 $0x3F80;
	v13 =	vld [tilespmem:s26+$0xFFFFFFE0];
	v2 =	vmax.f32 v2, $0.0e+00  }
0x188: {  	v17 =	vld [tilespmem:s16+$0xFFFFFF80];
	[tilespmem:s26+$0xFFFFFF90] =	vst v2  }
0x189: {  	v1 =	vadd.f32 v6, v1;
	v2 =	vld [tilespmem:s20+$0xFFFFFFA0]  }
0x18a: {  	v6 =	vld [tilespmem:s29+$0xFFFFFF80]  }
0x18b: {  	s15 =	simm.s32 $0x1780;
	v3 =	vadd.f32 v3, v7;
	v7 =	vld [tilespmem:s28+$0xFFFFFF80];
	v1 =	vmax.f32 v1, $0.0e+00  }
0x18c: {  	v18 =	vld [tilespmem:s15+$0xFFFFFF80];
	[tilespmem:s26+$0x30] =	vst v1  }
0x18d: {  	v1 =	vmax.f32 v3, $0.0e+00;
	v3 =	vld [tilespmem:s20+$0x40]  }
0x18e: {  	v19 =	vld [tilespmem:s15+$0xFFFFFF90];
	[tilespmem:s28+$0x0] =	vst v1  }
0x18f: {  	v12 =	vld [tilespmem:s29+$0x10];
	v2 =	vadd.f32 v2, v5  }
0x190: {  	v63 =	vld [tilespmem:s28+$0x60];
	v5 =	vadd.f32 v6, v7  }
0x191: {  	v4 =	vld [tilespmem:s26+$0xFFFFFFB0];
	v2 =	vmax.f32 v2, $0.0e+00  }
0x192: {  	v6 =	vld [tilespmem:s28+$0xFFFFFF90];
	[tilespmem:s26+$0xFFFFFFA0] =	vst v2;
	v2 =	vmax.f32 v5, $0.0e+00;
	v3 =	vadd.f32 v3, v10  }
0x193: {  	v5 =	vld [tilespmem:s20+$0xFFFFFFB0];
	[tilespmem:s28+$0xFFFFFF80] =	vst v2  }
0x194: {  	v10 =	vld [tilespmem:s29+$0xFFFFFF90];
	v2 =	vmax.f32 v3, $0.0e+00;
	v3 =	vadd.f32 v12, v11  }
0x195: {  	v12 =	vld [tilespmem:s28+$0x20]  }
0x196: {  	[tilespmem:s26+$0x40] =	vst v2;
	v2 =	vld [tilespmem:s26+$0x50];
	v3 =	vmax.f32 v3, $0.0e+00  }
0x197: {  	v11 =	vld [tilespmem:s20+$0x50];
	[tilespmem:s28+$0x10] =	vst v3  }
0x198: {  	v3 =	vadd.f32 v5, v4;
	v14 =	vld [tilespmem:s29+$0x20]  }
0x199: {  	v1 =	vld [tilespmem:s26+$0xFFFFFFF0]  }
0x19a: {  	v7 =	vld [tilespmem:s28+$0xFFFFFFA0];
	v4 =	vadd.f32 v10, v6;
	v10 =	vmax.f32 v3, $0.0e+00  }
0x19b: {  	v5 =	vld [tilespmem:s28+$0xFFFFFFB0];
	[tilespmem:s26+$0xFFFFFFB0] =	vst v10  }
0x19c: {  	v2 =	vadd.f32 v11, v2;
	v11 =	vld [tilespmem:s20+$0xFFFFFFC0]  }
0x19d: {  	v6 =	vld [tilespmem:s28+$0xFFFFFFC0];
	v4 =	vmax.f32 v4, $0.0e+00;
	v10 =	vadd.f32 v14, v12  }
0x19e: {  	v3 =	vld [tilespmem:s28+$0xFFFFFFD0];
	[tilespmem:s28+$0xFFFFFF90] =	vst v4;
	v2 =	vmax.f32 v2, $0.0e+00  }
0x19f: {  	v4 =	vld [tilespmem:s28+$0xFFFFFFE0];
	[tilespmem:s26+$0x50] =	vst v2;
	v2 =	vmax.f32 v10, $0.0e+00  }
0x1a0: {  	v14 =	vld [tilespmem:s28+$0x30];
	[tilespmem:s28+$0x20] =	vst v2  }
0x1a1: {  	v8 =	vadd.f32 v11, v8;
	v15 =	vld [tilespmem:s29+$0x30]  }
0x1a2: {  	v12 =	vld [tilespmem:s29+$0xFFFFFFA0]  }
0x1a3: {  	v11 =	vld [tilespmem:s15+$0x0];
	v8 =	vmax.f32 v8, $0.0e+00  }
0x1a4: {  	[tilespmem:s26+$0xFFFFFFC0] =	vst v8;
	v8 =	vld [tilespmem:s16+$0x0]  }
0x1a5: {  	v10 =	vld [tilespmem:s26+$0x60]  }
0x1a6: {  	v16 =	vld [tilespmem:s20+$0x60];
	v14 =	vadd.f32 v15, v14  }
0x1a7: {  	v2 =	vld [tilespmem:s28+$0xFFFFFFF0]  }
0x1a8: {  	v7 =	vadd.f32 v12, v7;
	v12 =	vld [tilespmem:s28+$0x40];
	v14 =	vmax.f32 v14, $0.0e+00  }
0x1a9: {  	v15 =	vld [tilespmem:s20+$0xFFFFFFD0];
	v8 =	vadd.f32 v8, v11;
	[tilespmem:s28+$0x30] =	vst v14  }
0x1aa: {  	v7 =	vmax.f32 v7, $0.0e+00;
	v14 =	vld [tilespmem:s29+$0x40]  }
0x1ab: {  	[tilespmem:s28+$0xFFFFFFA0] =	vst v7;
	v11 =	vld [tilespmem:s26+$0x70];
	v7 =	vmax.f32 v8, $0.0e+00;
	v8 =	vadd.f32 v16, v10  }
0x1ac: {  	v10 =	vld [tilespmem:s29+$0xFFFFFFB0]  }
0x1ad: {  	v16 =	vld [tilespmem:s15+$0x10];
	[tilespmem:s15+$0x0] =	vst v7;
	v7 =	vadd.f32 v17, v18;
	v8 =	vmax.f32 v8, $0.0e+00  }
0x1ae: {  	v17 =	vld [tilespmem:s16+$0x10];
	[tilespmem:s26+$0x60] =	vst v8  }
0x1af: {  	v7 =	vmax.f32 v7, $0.0e+00;
	v62 =	vld [tilespmem:s20+$0x70];
	v12 =	vadd.f32 v14, v12  }
0x1b0: {  	[tilespmem:s15+$0xFFFFFF80] =	vst v7;
	v14 =	vld [tilespmem:s15+$0xFFFFFFA0]  }
0x1b1: {  	v8 =	vld [tilespmem:s16+$0xFFFFFF90];
	v7 =	vmax.f32 v12, $0.0e+00  }
0x1b2: {  	v5 =	vadd.f32 v10, v5;
	v10 =	vld [tilespmem:s28+$0x50];
	[tilespmem:s28+$0x40] =	vst v7  }
0x1b3: {  	v16 =	vadd.f32 v17, v16;
	v12 =	vld [tilespmem:s29+$0x50]  }
0x1b4: {  	v5 =	vmax.f32 v5, $0.0e+00;
	v17 =	vld [tilespmem:s15+$0x20]  }
0x1b5: {  	v9 =	vadd.f32 v15, v9;
	v7 =	vld [tilespmem:s15+$0xFFFFFFB0];
	[tilespmem:s28+$0xFFFFFFB0] =	vst v5;
	v16 =	vmax.f32 v16, $0.0e+00  }
0x1b6: {  	v15 =	vld [tilespmem:s29+$0xFFFFFFC0];
	[tilespmem:s15+$0x10] =	vst v16;
	v16 =	vadd.f32 v8, v19  }
0x1b7: {  	v5 =	vld [tilespmem:s15+$0xFFFFFFC0];
	v8 =	vmax.f32 v9, $0.0e+00  }
0x1b8: {  	v9 =	vld [tilespmem:s16+$0x20];
	[tilespmem:s26+$0xFFFFFFD0] =	vst v8;
	v10 =	vadd.f32 v12, v10;
	v12 =	vmax.f32 v16, $0.0e+00  }
0x1b9: {  	[tilespmem:s15+$0xFFFFFF90] =	vst v12;
	v12 =	vld [tilespmem:s20+$0xFFFFFFE0]  }
0x1ba: {  	v8 =	vld [tilespmem:s15+$0xFFFFFFD0];
	v10 =	vmax.f32 v10, $0.0e+00  }
0x1bb: {  	v16 =	vld [tilespmem:s16+$0xFFFFFFA0];
	[tilespmem:s28+$0x50] =	vst v10;
	v10 =	vadd.f32 v15, v6  }
0x1bc: {  	v20 =	vld [tilespmem:s29+$0x60]  }
0x1bd: {  	v15 =	vadd.f32 v9, v17;
	v6 =	vld [tilespmem:s15+$0xFFFFFFE0];
	v9 =	vmax.f32 v10, $0.0e+00  }
0x1be: {  	[tilespmem:s28+$0xFFFFFFC0] =	vst v9;
	v10 =	vadd.f32 v12, v13;
	v9 =	vld [tilespmem:s15+$0xFFFFFFF0]  }
0x1bf: {  	v11 =	vadd.f32 v62, v11;
	v13 =	vmax.f32 v15, $0.0e+00;
	v12 =	vld [tilespmem:s29+$0xFFFFFFD0]  }
0x1c0: {  	[tilespmem:s15+$0x20] =	vst v13;
	v14 =	vadd.f32 v16, v14;
	v13 =	vld [tilespmem:s15+$0x30];
	v10 =	vmax.f32 v10, $0.0e+00  }
0x1c1: {  	v11 =	vmax.f32 v11, $0.0e+00;
	v15 =	vld [tilespmem:s16+$0x30];
	v16 =	vadd.f32 v20, v63;
	[tilespmem:s26+$0xFFFFFFE0] =	vst v10  }
0x1c2: {  	[tilespmem:s26+$0x70] =	vst v11;
	v10 =	vmax.f32 v14, $0.0e+00;
	v11 =	vld [tilespmem:s20+$0xFFFFFFF0]  }
0x1c3: {  	s24 =	simm.s32 $0x3F80;
	s9 =	simm.s32 $0x1880;
	s20 =	simm.s32 $0x4;
	[tilespmem:s15+$0xFFFFFFA0] =	vst v10;
	v10 =	vld [tilespmem:s28+$0x70];
	v14 =	vmax.f32 v16, $0.0e+00  }
.LBB2_7:
0x1c4: {  	v16 =	vld [tilespmem:s9+$0x0];
	v12 =	vadd.f32 v12, v3;
	[tilespmem:s28+$0x60] =	vst v14;
	v3 =	vmov v8  }
0x1c5: {  	s16 =	sadd.s32 $0x100, s16;
	v8 =	vld [tilespmem:s29+$0x70]  }
0x1c6: {  	s20 =	sadd.s32 $0x2, s20;
	v13 =	vadd.f32 v15, v13;
	v14 =	vld [tilespmem:s16+$0x0];
	v12 =	vmax.f32 v12, $0.0e+00  }
0x1c7: {  	v11 =	vadd.f32 v11, v1;
	v1 =	vmov v2;
	v2 =	vmov v9;
	p3 =	slt.u32 s20, $0x4E;
	v15 =	vld [tilespmem:s16+$0xFFFFFF80];
	[tilespmem:s28+$0xFFFFFFD0] =	vst v12  }
0x1c8: {  	v12 =	vmax.f32 v13, $0.0e+00;
	v9 =	vld [tilespmem:s9+$0xFFFFFF80]  }
0x1c9: {  	v11 =	vmax.f32 v11, $0.0e+00;
	[tilespmem:s15+$0x30] =	vst v12;
	v12 =	vld [tilespmem:s15+$0x40]  }
0x1ca: {  	v13 =	vld [tilespmem:s24+$0x40];
	v8 =	vadd.f32 v8, v10;
	[tilespmem:s26+$0xFFFFFFF0] =	vst v11;
	s26 =	smov.u32 s28;
	s28 =	smov.u32 s15;
	s15 =	smov.u32 s9  }
0x1cb: {  	v10 =	vld [tilespmem:s9+$0xFFFFFF90];
	v11 =	vadd.f32 v14, v16  }
0x1cc: {  	v14 =	vld [tilespmem:s9+$0xFFFFFFA0];
	v8 =	vmax.f32 v8, $0.0e+00  }
0x1cd: {  	v9 =	vadd.f32 v15, v9;
	v11 =	vmax.f32 v11, $0.0e+00;
	v15 =	vld [tilespmem:s24+$0xFFFFFFB0];
	[tilespmem:s26+$0x70] =	vst v8  }
0x1ce: {  	[tilespmem:s9+$0x0] =	vst v11;
	v8 =	vld [tilespmem:s9+$0x10]  }
0x1cf: {  	v9 =	vmax.f32 v9, $0.0e+00;
	v11 =	vld [tilespmem:s16+$0x10];
	v12 =	vadd.f32 v13, v12  }
0x1d0: {  	[tilespmem:s9+$0xFFFFFF80] =	vst v9;
	v9 =	vld [tilespmem:s9+$0xFFFFFFB0]  }
0x1d1: {  	v13 =	vld [tilespmem:s16+$0xFFFFFF90];
	v12 =	vmax.f32 v12, $0.0e+00  }
0x1d2: {  	v18 =	vadd.f32 v15, v7;
	[tilespmem:s28+$0x40] =	vst v12;
	v12 =	vld [tilespmem:s28+$0x50]  }
0x1d3: {  	v15 =	vld [tilespmem:s24+$0x50]  }
0x1d4: {  	v16 =	vld [tilespmem:s9+$0xFFFFFFC0];
	v11 =	vadd.f32 v11, v8;
	v17 =	vmax.f32 v18, $0.0e+00  }
0x1d5: {  	v8 =	vld [tilespmem:s9+$0xFFFFFFD0];
	[tilespmem:s28+$0xFFFFFFB0] =	vst v17;
	v7 =	vmov v9  }
0x1d6: {  	v9 =	vadd.f32 v13, v10;
	v10 =	vmax.f32 v11, $0.0e+00;
	v11 =	vld [tilespmem:s24+$0xFFFFFFC0]  }
0x1d7: {  	[tilespmem:s9+$0x10] =	vst v10;
	v10 =	vld [tilespmem:s9+$0x20]  }
0x1d8: {  	v9 =	vmax.f32 v9, $0.0e+00;
	v13 =	vld [tilespmem:s16+$0x20];
	v12 =	vadd.f32 v15, v12  }
0x1d9: {  	[tilespmem:s9+$0xFFFFFF90] =	vst v9;
	v15 =	vld [tilespmem:s29+$0xFFFFFFE0]  }
0x1da: {  	v17 =	vld [tilespmem:s16+$0xFFFFFFA0];
	v9 =	vmax.f32 v12, $0.0e+00  }
0x1db: {  	v11 =	vadd.f32 v11, v5;
	[tilespmem:s28+$0x50] =	vst v9;
	v18 =	vld [tilespmem:s28+$0x60];
	v5 =	vmov v16  }
0x1dc: {  	v16 =	vld [tilespmem:s24+$0x60]  }
0x1dd: {  	v19 =	vld [tilespmem:s9+$0xFFFFFFE0];
	v10 =	vadd.f32 v13, v10;
	v11 =	vmax.f32 v11, $0.0e+00  }
0x1de: {  	v9 =	vld [tilespmem:s9+$0xFFFFFFF0];
	[tilespmem:s28+$0xFFFFFFC0] =	vst v11;
	v11 =	vadd.f32 v15, v4;
	v4 =	vmov v6  }
.Ltmp10:
0x1df: {  	v20 =	vadd.f32 v17, v14;
	v10 =	vmax.f32 v10, $0.0e+00;
	v12 =	vld [tilespmem:s24+$0xFFFFFFD0];
	(pc) =	sbr.rel @p3 .LBB2_7-.Ltmp10, $4  }
0x1e0: {  	[tilespmem:s9+$0x20] =	vst v10;
	v13 =	vld [tilespmem:s9+$0x30];
	v10 =	vmax.f32 v11, $0.0e+00  }
0x1e1: {  	v17 =	vmax.f32 v20, $0.0e+00;
	v15 =	vld [tilespmem:s16+$0x30];
	v14 =	vadd.f32 v16, v18;
	[tilespmem:s26+$0xFFFFFFE0] =	vst v10  }
0x1e2: {  	[tilespmem:s9+$0xFFFFFFA0] =	vst v17;
	v11 =	vld [tilespmem:s29+$0xFFFFFFF0];
	v6 =	vmov v19;
	s29 =	smov.u32 s24;
	s24 =	smov.u32 s16  }
0x1e3: {  	s9 =	sadd.s32 $0x100, s9;
	v14 =	vmax.f32 v14, $0.0e+00;
	v10 =	vld [tilespmem:s28+$0x70]  }
.Ltmp11:
0x1e4: {  	_ = 	snop;
	(pc) =	sbr.rel .LBB2_8-.Ltmp11, $1  }
0x1e5: {  	_ =	sdelay $0x3  }
.LBB2_15:
0x1e6: {  	_ =	sfence.sel $0x180000  }
0x1e7: {  	[bflag:$0x0] =	sbarrier.arrive $0xFFFF  }
0x1e8: {  	_ =	strace $0x90000047  }
0x1e9: {  	[bflag:$0x2] =	sbarrier.arrive $0xFFFF  }
0x1ea: {  	s0 =	rddreg [dreg:$0x4]  }
0x1eb: {  	s0 =	sadd.s32 @!p0 $0x100000, s0  }
0x1ec: {  	[sflag:s0] =	ssyncadd.tile.s32 @!p0 $0x1;
	_ =	shalt  }
.Lfunc_end2:
_tile_overlayer_lowered:
.L_overlay_start_2:
0x1ed: {  	(tag) =	ssettag $0x2  }
0x1ee: {  	s0 =	rddreg [dreg:$0x0];
	s2 =	stileid.u32  }
0x1ef: {  	s1 =	rddreg [dreg:$0x1];
	p0 =	sne.s32 s2, $0x0  }
0x1f0: {  	s3 =	rddreg [dreg:$0x2];
	[bflag:$0x3] =	sbarrier.arrive $0xFFFF;
	s2 =	simm.s32 @!p0 $0x1C09  }
0x1f1: {  	[timem:s3], [sflag:s2] =	dma.local @!p0 [hbm:s0], s1  }
0x1f2: {  	s0 =	simm.s32 @!p0 $0x9  }
0x1f3: {  	_ =	swait.ge @!p0 [sflag:s0], s1  }
0x1f4: {  	s1 =	ssub.s32 @!p0 $0x0, s1;
	[sflag:s0] =	ssyncset.done @!p0 $0x0  }
0x1f5: {  	[sflag:s0] =	ssyncadd.s32 @!p0 s1  }
0x1f6: {  	[bflag:$0x3] =	sbarrier.arrive $0xFFFF  }
0x1f7: {  	_ =	shalt  }

// kernel: kernel.7.cloned.1.call-start
scs
__scs_entry_jumppad:
0x0: {  	(pc) =	sbr.rel $0x88, $3  }
0x1: {  	(tag) =	ssettag $0x0;
	lr =	simm.s32 $0x1  }
0x2: {  	[smem:$0x3F95] =	sst lr;
	_ =	strace $0xD0000000  }
0x3: {  	_ = 	snop  }
0x4: {  	_ = 	snop  }
0x5: {  	_ = 	snop  }
0x6: {  	_ = 	snop  }
0x7: {  	_ = 	snop  }
__scs_overlays_trampoline_lowered:
0x8: {  	[smem:$0x3FA4] =	sst s0  }
0x9: {  	[smem:$0x3FA5] =	sst s1  }
0xa: {  	[smem:$0x3FA6] =	sst s2  }
0xb: {  	[smem:$0x3FA7] =	sst s3  }
0xc: {  	[smem:$0x3FA8] =	sst s4  }
0xd: {  	[smem:$0x3FA9] =	sst s5  }
0xe: {  	[smem:$0x3FAA] =	sst s6  }
0xf: {  	[smem:$0x3FAB] =	sst s7  }
0x10: {  	[smem:$0x3FAC] =	sst s8  }
0x11: {  	[smem:$0x3FAD] =	sst s9;
	s0 =	simm.s32 @!p0 $0x0  }
0x12: {  	s1 =	sld [smem:$0x3F93];
	s0 =	simm.s32 @p0 $0x1  }
0x13: {  	[smem:$0x3FAE] =	sst s0;
	s0 =	simm.s32 @!p1 $0x0  }
0x14: {  	s2 =	sld [smem:$0x3F92];
	s0 =	simm.s32 @p1 $0x1  }
0x15: {  	[smem:$0x3FAF] =	sst s0;
	s0 =	simm.s32 @!p2 $0x0  }
0x16: {  	s3 =	sld [smem:$0x3FDB];
	s0 =	simm.s32 @p2 $0x1  }
0x17: {  	s4 =	simm.s32 $0x1BF5;
	[smem:$0x3FB1] =	sst s0  }
0x18: {  	s0 =	sld [smem:$0x3F94];
	_ =	swait.ge [sflag:s4], $0x0  }
0x19: {  	s7 =	sld [smem:$0x3F95]  }
0x1a: {  	s8 =	sadd.s32 $0xFFFFE003, lr  }
0x1b: {  	s9 =	sadd.s32 $0xFFFFFEF7, lr;
	s5 =	simm.s32 $0xFFFFFFFF;
	p2 =	slt.u32 s8, $0xFFFFF086  }
0x1c: {  	p1 =	slt.u32 s9, $0xF7A;
	s5 =	simm.s32 @!p2 $0x0  }
0x1d: {  	s5 =	simm.s32 @p1 $0x1;
	p0 =	seq.s32 s7, s2  }
0x1e: {  	s7 =	smul.u32 @!p0 $0xF7A, s2;
	p2 =	seq.s32 @!p0 s5, $0x0  }
0x1f: {  	s9 =	smul.u32 $0xF7A, s1;
	s8 =	simm.s32 @!p0 $0x1BF5;
	p2 =	por !p2, p0  }
0x20: {  	[sflag:s8] =	ssyncset.s32 @!p0 $0xFFFFF086;
	s6 =	sadd.s32 @!p0 s3, s7;
	s7 =	simm.s32 @!p0 $0x108  }
0x21: {  	s3 =	sadd.s32 s3, s9;
	s6 =	sadd.s32 @!p0 $0x88, s6;
	s7 =	simm.s32 @p2 $0x1082  }
0x22: {  	[simem:s7], [sflag:s8] =	dma.local @!p0 [hbm:s6], $0xF7A  }
0x23: {  	s9 =	sor.u32 $0xD0000000, s2;
	s6 =	simm.s32 $0x108;
	_ =	swait.ge @!p0 [sflag:s8], $0x0  }
0x24: {  	s3 =	sadd.s32 $0x88, s3;
	s6 =	simm.s32 @!p1 $0x1082;
	[sflag:s4] =	ssyncset.s32 $0xFFFFF086  }
0x25: {  	[simem:s6], [sflag:s4] =	dma.local [hbm:s3], $0xF7A  }
0x26: {  	[smem:$0x3F95] =	sst s1;
	(tag) =	ssettag s2;
	_ =	strace s9  }
0x27: {  	s1 =	sld [smem:$0x3FA5]  }
0x28: {  	s2 =	sld [smem:$0x3FA6]  }
0x29: {  	s4 =	sld [smem:$0x3FA8]  }
0x2a: {  	p0 =	seq.s32 s5, $0x0;
	s5 =	sld [smem:$0x3FA9]  }
0x2b: {  	s6 =	sld [smem:$0x3FAA]  }
0x2c: {  	s7 =	sld [smem:$0x3FAB]  }
0x2d: {  	s3 =	simm.s32 $0x108;
	s8 =	sld [smem:$0x3FAC]  }
0x2e: {  	s3 =	simm.s32 @!p0 $0x1082;
	s9 =	sld [smem:$0x3FAD]  }
0x2f: {  	lr =	sadd.s32 s0, s3;
	s0 =	sld [smem:$0x3FA4]  }
0x30: {  	s3 =	sld [smem:$0x3FA7]  }
0x31: {  	[smem:$0x3FB0] =	sst s10  }
0x32: {  	s10 =	sld [smem:$0x3FAE];
	_ =	sdelay $0x3  }
0x33: {  	p0 =	seq.s32 s10, $0x1;
	s10 =	sld [smem:$0x3FB0];
	_ =	sdelay $0x3  }
0x34: {  	[smem:$0x3FB0] =	sst s10  }
0x35: {  	s10 =	sld [smem:$0x3FAF];
	_ =	sdelay $0x3  }
0x36: {  	p1 =	seq.s32 s10, $0x1;
	s10 =	sld [smem:$0x3FB0];
	_ =	sdelay $0x3  }
0x37: {  	[smem:$0x3FB0] =	sst s10  }
0x38: {  	s10 =	sld [smem:$0x3FB1]  }
0x39: {  	_ = 	snop;
	(pc) =	sbr.ind lr, $3  }
0x3a: {  	_ = 	snop  }
0x3b: {  	_ = 	snop  }
0x3c: {  	p2 =	seq.s32 s10, $0x1;
	s10 =	sld [smem:$0x3FB0]  }
0x3d: {  	_ =	shalt  }
0x3e: {  	_ =	shalt  }
0x3f: {  	_ =	shalt  }
0x40: {  	_ =	shalt  }
0x41: {  	_ =	shalt  }
0x42: {  	_ =	shalt  }
0x43: {  	_ =	shalt  }
0x44: {  	_ =	shalt  }
0x45: {  	_ =	shalt  }
0x46: {  	_ =	shalt  }
0x47: {  	_ =	shalt  }
0x48: {  	_ =	shalt  }
0x49: {  	_ =	shalt  }
0x4a: {  	_ =	shalt  }
0x4b: {  	_ =	shalt  }
0x4c: {  	_ =	shalt  }
0x4d: {  	_ =	shalt  }
0x4e: {  	_ =	shalt  }
0x4f: {  	_ =	shalt  }
0x50: {  	_ =	shalt  }
0x51: {  	_ =	shalt  }
0x52: {  	_ =	shalt  }
0x53: {  	_ =	shalt  }
0x54: {  	_ =	shalt  }
0x55: {  	_ =	shalt  }
0x56: {  	_ =	shalt  }
0x57: {  	_ =	shalt  }
0x58: {  	_ =	shalt  }
0x59: {  	_ =	shalt  }
0x5a: {  	_ =	shalt  }
0x5b: {  	_ =	shalt  }
0x5c: {  	_ =	shalt  }
0x5d: {  	_ =	shalt  }
0x5e: {  	_ =	shalt  }
0x5f: {  	_ =	shalt  }
0x60: {  	_ =	shalt  }
0x61: {  	_ =	shalt  }
0x62: {  	_ =	shalt  }
0x63: {  	_ =	shalt  }
0x64: {  	_ =	shalt  }
0x65: {  	_ =	shalt  }
0x66: {  	_ =	shalt  }
0x67: {  	_ =	shalt  }
0x68: {  	_ =	shalt  }
0x69: {  	_ =	shalt  }
0x6a: {  	_ =	shalt  }
0x6b: {  	_ =	shalt  }
0x6c: {  	_ =	shalt  }
0x6d: {  	_ =	shalt  }
0x6e: {  	_ =	shalt  }
0x6f: {  	_ =	shalt  }
0x70: {  	_ =	shalt  }
0x71: {  	_ =	shalt  }
0x72: {  	_ =	shalt  }
0x73: {  	_ =	shalt  }
0x74: {  	_ =	shalt  }
0x75: {  	_ =	shalt  }
0x76: {  	_ =	shalt  }
0x77: {  	_ =	shalt  }
0x78: {  	_ =	shalt  }
0x79: {  	_ =	shalt  }
0x7a: {  	_ =	shalt  }
0x7b: {  	_ =	shalt  }
0x7c: {  	_ =	shalt  }
0x7d: {  	_ =	shalt  }
0x7e: {  	_ =	shalt  }
0x7f: {  	_ =	shalt  }
0x80: {  	_ =	shalt  }
0x81: {  	_ =	shalt  }
0x82: {  	_ =	shalt  }
0x83: {  	_ =	shalt  }
0x84: {  	_ =	shalt  }
0x85: {  	_ =	shalt  }
0x86: {  	_ =	shalt  }
0x87: {  	_ =	shalt  }
.Lfunc_end0:
.L_simem_size_0:
called_computation_lowered:
.L_overlay_start_0:
0x88: {  	s2 =	sld [smem:$0x3FD9]  }
0x89: {  	s3 =	sld [smem:$0x3FFE];
	_ =	sdelay $0x1  }
0x8a: {  	s1 =	srdreg.scid  }
0x8b: {  	s0 =	sand.u32 $0x1, s1  }
0x8c: {  	s15 =	sshll.u32 s0, $0xA;
	s2 =	sadd.s32 s3, s2  }
0x8d: {  	s2 =	sadd.s32 s2, s15  }
0x8e: {  	[smem:$0x3FBC] =	sst s2  }
0x8f: {  	_ = 	snop  }
0x90: {  	s2 =	sld [smem:$0x3FD0];
	_ =	sdelay $0x2  }
0x91: {  	s4 =	simm.s32 $0xB;
	s5 =	simm.s32 $0x10;
	s16 =	sld [smem:$0x3FC9]  }
0x92: {  	[smem:s5], [sflag:s4] =	dma.local [hbm:s2], $0x1  }
0x93: {  	_ =	swait.eq [sflag:s4], $0x1  }
0x94: {  	[sflag:s4] =	ssyncset.done $0x0  }
0x95: {  	[sflag:s4] =	ssyncadd.s32 $0xFFFFFFFF  }
0x96: {  	s17 =	sld [smem:$0x10];
	(tm) =	ssettm $0x1  }
0x97: {  	s18 =	sld [smem:$0x3FFB];
	_ =	sdelay $0x3  }
0x98: {  	_ =	strace s18  }
0x99: {  	s2 =	sld [smem:$0x3FFC];
	_ =	sdelay $0x3  }
0x9a: {  	_ =	strace s2  }
0x9b: {  	s2 =	sld [smem:$0x3FFD];
	_ =	sdelay $0x3  }
0x9c: {  	_ =	strace s2  }
0x9d: {  	_ =	strace $0x8FFFFFFF  }
0x9e: {  	s19 =	sld [smem:$0x3FDB];
	_ =	sdelay $0x1  }
0x9f: {  	s20 =	simm.s32 $_scs_section_size  }
0xa0: {  	s6 =	simm.s32 $_size__tile_overlayer_lowered;
	s7 =	simm.s32 $_tile_overlayer_lowered  }
0xa1: {  	s8 =	simm.s32 $0x1BFF;
	s21 =	sshll.u32 s7, $0x1;
	s5 =	sadd.s32 s20, s19  }
0xa2: {  	s22 =	simm.s32 $0x0;
	s6 =	sshll.u32 s6, $0x1;
	s7 =	sadd.s32 s21, s5  }
0xa3: {  	[timem:s22], [sflag:s8] =	dma.local [hbm:s7], s6  }
0xa4: {  	_ =	swait.ge [sflag:s8], s6  }
0xa5: {  	s6 =	ssub.s32 $0x0, s6;
	[sflag:s8] =	ssyncset.done $0x0  }
0xa6: {  	[sflag:s8] =	ssyncadd.s32 s6;
	_ =	sdelay $0x1  }
0xa7: {  	s23 =	simm.s32 $0x1B8B  }
0xa8: {  	_ =	swait.ge [sflag:s23], $0x1  }
0xa9: {  	[sflag:s23] =	ssyncset.done $0x0  }
0xaa: {  	[sflag:s23] =	ssyncadd.s32 $0xFFFFFFFF  }
0xab: {  	s6 =	sld [smem:$0x0]  }
0xac: {  	s7 =	sand.u32 $0xFFFFFFFE, s1  }
0xad: {  	p0 =	sne.s32 s1, s7  }
0xae: {  	s7 =	sshll.u32 @p0 s7, $0xE  }
0xaf: {  	s7 =	sadd.s32 @p0 $0x11B8D, s7;
	s8 =	sshll.u32 @p0 s6, $0x11  }
0xb0: {  	s7 =	sor.u32 @p0 s8, s7  }
0xb1: {  	[sflag:s7] =	ssyncadd.remote.s32 @p0 $0x1;
	_ =	sdelay $0x1  }
0xb2: {  	s7 =	simm.s32 @p0 $0x1B8D  }
0xb3: {  	_ =	swait.eq @p0 [sflag:s7], $0x1  }
0xb4: {  	[sflag:s7] =	ssyncadd.s32 @p0 $0xFFFFFFFF  }
0xb5: {  	s8 =	sshll.u32 @!p0 s1, $0xE  }
0xb6: {  	s8 =	sor.u32 @!p0 $0x4000, s8;
	s7 =	simm.s32 @!p0 $0x1B8D  }
0xb7: {  	s6 =	sshll.u32 @!p0 s6, $0x11;
	s8 =	sadd.s32 @!p0 $0x11B8D, s8;
	_ =	swait.eq @!p0 [sflag:s7], $0x1  }
0xb8: {  	s6 =	sor.u32 @!p0 s6, s8;
	[sflag:s7] =	ssyncadd.s32 @!p0 $0xFFFFFFFF  }
0xb9: {  	s25 =	simm.s32 $0x1B8E;
	s24 =	sld [smem:$0x3FFE];
	[sflag:s6] =	ssyncadd.remote.s32 @!p0 $0x1  }
0xba: {  	s26 =	simm.s32 $execute0_lowered;
	[smem:$0x3FD2] =	sst s25  }
0xbb: {  	s7 =	sshll.u32 s26, $0x1;
	_ =	strace $0x80000049;
	[dreg:$0x1] =	wrdreg $0xFFFFFFFF  }
0xbc: {  	s28 =	simm.s32 $_size_execute0_lowered;
	s5 =	sadd.s32 s5, s7;
	[dreg:$0x0] =	wrdreg $0x0  }
0xbd: {  	s7 =	sshll.u32 s28, $0x1;
	[dreg:$0x2] =	wrdreg s5  }
0xbe: {  	[dreg:$0x3] =	wrdreg s7  }
0xbf: {  	[dreg:$0x4] =	wrdreg $0xC0  }
0xc0: {  	_ =	task [dreg:s22], $0x5FFFF  }
0xc1: {  	[dreg:$0x1] =	wrdreg $0xFFFFFFFF  }
0xc2: {  	[dreg:$0x0] =	wrdreg $0x60  }
0xc3: {  	[dreg:$0x2] =	wrdreg s16  }
0xc4: {  	[dreg:$0x3] =	wrdreg s24  }
0xc5: {  	[dreg:$0x4] =	wrdreg s17  }
0xc6: {  	[dreg:$0x5] =	wrdreg $0xB5000  }
0xc7: {  	[dreg:$0x6] =	wrdreg $0x9  }
0xc8: {  	_ =	task.clear_ibuf [dreg:s22], $0x7FFFF;
	_ =	strace $0x90000049  }
0xc9: {  	s29 =	simm.s32 $0x9;
	_ =	strace $0x8000004B  }
0xca: {  	_ =	swait.ge [sflag:s29], $0x1  }
0xcb: {  	[sflag:s29] =	ssyncadd.s32 $0xFFFFFFFF  }
0xcc: {  	_ =	strace $0x9000004B  }
0xcd: {  	_ =	sfence  }
0xce: {  	s30 =	sld [smem:$0x0];
	_ =	sdelay $0x2  }
0xcf: {  	s31 =	sshll.u32 s1, $0xD;
	s1 =	sshrl.u32 s1, $0x2  }
0xd0: {  	s4 =	sand.u32 $0x4000, s31;
	s1 =	sadd.s32 s1, s30  }
0xd1: {  	s0 =	sor.u32 s4, s0;
	s1 =	sshll.u32 s1, $0x11  }
0xd2: {  	s0 =	sor.u32 s1, s0  }
0xd3: {  	s0 =	sadd.s32 $0x8F2B, s0  }
0xd4: {  	[sflag:s0] =	ssyncadd.remote.s32 $0x1  }
0xd5: {  	_ =	sfence.sel $0xFFFF  }
0xd6: {  	[dreg:$0x0] =	wrdreg $0xFFFFFFFF;
	(pc) =	sbr.abs _section_cstart, $3  }
0xd7: {  	[dreg:$0x1] =	wrdreg $0xFFFFFFFF  }
0xd8: {  	_ =	task.clear_ibuf [dreg:s22], $0x2FFFF;
	_ =	strace $0x9FFFFFFF  }
0xd9: {  	(tm) =	ssettm $0x7FFFFFFF  }
tec
execute0_lowered:
.L_overlay_start_1:
0x0: {  	(tag) =	ssettag $0x1  }
0x1: {  	s0 =	rddreg [dreg:$0x0]  }
0x2: {  	s1 =	rddreg [dreg:$0x1];
	s2 =	srdreg.scid  }
0x3: {  	s14 =	stileid.u32;
	s3 =	rddreg [dreg:$0x2]  }
0x4: {  	s4 =	rddreg [dreg:$0x3];
	p2 =	por $0x0, $0x0;
	s28 =	simm.s32 $0x1500  }
0x5: {  	s29 =	simm.s32 $0x9;
	s30 =	simm.s32 $0x1400;
	s31 =	simm.s32 $0x50  }
0x6: {  	s2 =	sand.u32 $0x1, s2;
	s5 =	sshll.u32 s14, $0x1;
	s7 =	smul.u32 $0x4E000, s14  }
0x7: {  	p0 =	sne.s32 s14, $0x0;
	s20 =	smul.u32 $0x13800, s14;
	s9 =	sor.u32 s2, s5  }
0x8: {  	s5 =	simm.s32 $0x0;
	s12 =	ssub.s32 $0x2, s2;
	s2 =	smul.u32 $0x138800, s2  }
0x9: {  	s6 =	smul.u32 $0x1400, s9;
	[smem:$0x7FF] =	sst s5;
	s8 =	sshrl.u32 s7, $0x2  }
0xa: {  	s7 =	sadd.s32 $0x2CAC00, s1;
	s13 =	sshrl.u32 s12, $0x1;
	p1 =	seq.s32 s9, $0x1F  }
0xb: {  	s9 =	smul.u32 $0x14000, s9;
	_ =	strace $0x8000004A;
	s8 =	sadd.s32 s8, s4  }
0xc: {  	s12 =	ssub.s32 s12, s13;
	s21 =	sadd.s32 s20, s2;
	s2 =	sshrl.u32 s2, $0x3  }
0xd: {  	s13 =	simm.s32 $0x8;
	s10 =	sshrl.u32 s6, $0x3;
	s26 =	sadd.s32 $0x2800, s8  }
0xe: {  	s15 =	sadd.s32 $0x5000, s8;
	s16 =	sadd.s32 $0x7800, s8;
	[dreg:$0x5] =	wrdreg s26  }
0xf: {  	s17 =	sadd.s32 $0xA000, s8;
	s18 =	sadd.s32 $0xC800, s8;
	[dreg:$0x6] =	wrdreg s15  }
0x10: {  	s19 =	sadd.s32 $0xF000, s8;
	s9 =	sadd.s32 s7, s9;
	[dreg:$0x7] =	wrdreg s16  }
0x11: {  	s22 =	sshrl.u32 s21, $0x3;
	s25 =	smax.u32 s12, $0x1;
	[dreg:$0x8] =	wrdreg s17  }
0x12: {  	s12 =	simm.s32 $0x6500;
	s11 =	sadd.s32 s10, s1;
	[dreg:$0x9] =	wrdreg s18  }
0x13: {  	s1 =	sadd.s32 $0x53BC00, s1;
	[dreg:$0xa] =	wrdreg s19;
	s15 =	sadd.s32 $0x138400, s4  }
0x14: {  	s16 =	sadd.s32 $0x138000, s4;
	s17 =	simm.s32 $0x10;
	[dreg:$0xf] =	wrdreg s9  }
0x15: {  	s10 =	sadd.s32 s3, s10;
	[dreg:$0x13] =	wrdreg s25;
	s26 =	sadd.s32 $0x11800, s8  }
0x16: {  	s9 =	simm.s32 $0x6;
	s18 =	simm.s32 $0x2;
	[dreg:$0xe] =	wrdreg s10  }
0x17: {  	s19 =	simm.s32 $0x3;
	s11 =	sadd.s32 $0x1C00, s11;
	[dreg:$0xc] =	wrdreg s16  }
0x18: {  	s17 =	simm.s32 @!p1 $0x40;
	s2 =	sadd.s32 s1, s2;
	[dreg:$0xb] =	wrdreg s15  }
0x19: {  	s1 =	sadd.s32 s1, s22;
	p1 =	sgt.u32 s14, $0x1;
	[dreg:$0x15] =	wrdreg s26  }
.Ltmp0:
0x1a: {  	s16 =	smov.u32 @p0 s15;
	[dreg:$0xd] =	wrdreg s11;
	(pc) =	sbr.rel .LBB2_1-.Ltmp0, $4  }
0x1b: {  	s10 =	simm.s32 $0x7;
	s14 =	simm.s32 $0x1;
	[dreg:$0x10] =	wrdreg s1  }
0x1c: {  	s23 =	sadd.s32 $0x27000, s2;
	s24 =	sadd.s32 $0x27080, s2;
	[dreg:$0x14] =	wrdreg s16  }
0x1d: {  	p2 =	por @!p1 p0, p0;
	s2 =	simm.s32 $0x4;
	[dreg:$0x11] =	wrdreg s23  }
0x1e: {  	v0 =	vimm.f32 $0.0e+00;
	s1 =	simm.s32 $0x5;
	s11 =	simm.s32 $0x1480;
	[dreg:$0x12] =	wrdreg s24  }
.LBB2_14:
0x1f: {  	_ =	swait.ge [sflag:s13], $0x2800  }
0x20: {  	[sflag:s13] =	ssyncset.done $0x0  }
0x21: {  	s15 =	stileid.u32;
	[sflag:s13] =	ssyncadd.s32 $0xFFFFD800  }
0x22: {  	s15 =	sshll.u32 s15, $0x6;
	[bflag:$0x0] =	sbarrier.arrive $0xFFFF  }
0x23: {  	s16 =	sshrl.u32 s8, $0x3;
	s15 =	sor.u32 $0x1C09, s15;
	s20 =	rddreg [dreg:$0x10]  }
0x24: {  	[hbm:s20], [sflag:s15] =	dma.local [spmem:s16], $0x2700  }
0x25: {  	_ =	swait.ge [sflag:s29], $0x2700  }
0x26: {  	[sflag:s29] =	ssyncset.done $0x0;
	s16 =	rddreg [dreg:$0xc]  }
0x27: {  	s20 =	rddreg [dreg:$0x11];
	[sflag:s29] =	ssyncadd.s32 $0xFFFFD900;
	s16 =	sshrl.u32 @!p0 s16, $0x3  }
0x28: {  	[hbm:s20], [sflag:s15] =	dma.local @!p0 [spmem:s16], $0x80  }
0x29: {  	s16 =	simm.s32 @!p0 $0x9  }
0x2a: {  	_ =	swait.ge @!p0 [sflag:s16], $0x80  }
0x2b: {  	[sflag:s16] =	ssyncset.done @!p0 $0x0  }
0x2c: {  	[sflag:s16] =	ssyncadd.s32 @!p0 $0xFFFFFF80;
	s16 =	rddreg [dreg:$0xb]  }
0x2d: {  	s20 =	rddreg [dreg:$0x12];
	s16 =	sshrl.u32 @p2 s16, $0x3  }
0x2e: {  	[hbm:s20], [sflag:s15] =	dma.local @p2 [spmem:s16], $0x80  }
0x2f: {  	s15 =	simm.s32 @p2 $0x9  }
0x30: {  	_ =	swait.ge @p2 [sflag:s15], $0x80  }
0x31: {  	s5 =	sadd.s32 $0x1, s5;
	s26 =	rddreg [dreg:$0x13]  }
0x32: {  	p3 =	sne.s32 s5, s26  }
.Ltmp1:
0x33: {  	_ = 	snop;
	(pc) =	sbr.rel @!p3 .LBB2_15-.Ltmp1, $3  }
0x34: {  	_ =	sdelay $0x1  }
0x35: {  	[sflag:s15] =	ssyncset.done @p2 $0x0  }
0x36: {  	[sflag:s15] =	ssyncadd.s32 @p2 $0xFFFFFF80  }
.LBB2_1:
0x37: {  	s15 =	simm.s32 $0x0;
	s16 =	simm.s32 $0x200  }
.LBB2_2:
0x38: {  	p3 =	sne.s32 s16, $0x9E00;
	[tilespmem:s15+$0x1570] =	vst v0  }
0x39: {  	[tilespmem:s15+$0x1500] =	vst v0  }
0x3a: {  	[tilespmem:s15+$0x1510] =	vst v0  }
.Ltmp2:
0x3b: {  	[tilespmem:s15+$0x1520] =	vst v0;
	(pc) =	sbr.rel @p3 .LBB2_2-.Ltmp2, $4  }
0x3c: {  	[tilespmem:s15+$0x1530] =	vst v0  }
0x3d: {  	[tilespmem:s15+$0x1540] =	vst v0  }
0x3e: {  	[tilespmem:s15+$0x1550] =	vst v0  }
0x3f: {  	[tilespmem:s15+$0x1560] =	vst v0;
	s15 =	sshra.s32 s16, $0x2;
	s16 =	sadd.s32 $0x200, s16  }
0x40: {  	[tilespmem:s15+$0x1570] =	vst v0  }
0x41: {  	[tilespmem:s15+$0x1500] =	vst v0  }
0x42: {  	[tilespmem:s15+$0x1510] =	vst v0  }
0x43: {  	[tilespmem:s15+$0x1520] =	vst v0  }
0x44: {  	[tilespmem:s15+$0x1530] =	vst v0  }
0x45: {  	[tilespmem:s15+$0x1540] =	vst v0  }
0x46: {  	[tilespmem:s15+$0x1550] =	vst v0  }
0x47: {  	[tilespmem:s15+$0x1560] =	vst v0  }
0x48: {  	[spmem:s8] =	stream.linear.scatter [tilespmem:s28], [sflag:$0x9], $0x2800, $0x38;
	[tilespmem:$0x1ED80] =	vst v63  }
0x49: {  	_ =	swait.ge [sflag:s29], $0x2800  }
0x4a: {  	[sflag:s29] =	ssyncset.done $0x0  }
0x4b: {  	s24 =	rddreg [dreg:$0x5];
	[sflag:s29] =	ssyncadd.s32 $0xFFFFD800  }
0x4c: {  	[spmem:s24] =	stream.linear.scatter [tilespmem:s28], [sflag:$0x9], $0x2800, $0x38;
	[tilespmem:$0x1ED80] =	vst v63  }
0x4d: {  	_ =	swait.ge [sflag:s29], $0x2800  }
0x4e: {  	[sflag:s29] =	ssyncset.done $0x0  }
0x4f: {  	s25 =	rddreg [dreg:$0x6];
	[sflag:s29] =	ssyncadd.s32 $0xFFFFD800  }
0x50: {  	[spmem:s25] =	stream.linear.scatter [tilespmem:s28], [sflag:$0x9], $0x2800, $0x38;
	[tilespmem:$0x1ED80] =	vst v63  }
0x51: {  	_ =	swait.ge [sflag:s29], $0x2800  }
0x52: {  	[sflag:s29] =	ssyncset.done $0x0  }
0x53: {  	s26 =	rddreg [dreg:$0x7];
	[sflag:s29] =	ssyncadd.s32 $0xFFFFD800  }
0x54: {  	[spmem:s26] =	stream.linear.scatter [tilespmem:s28], [sflag:$0x9], $0x2800, $0x38;
	[tilespmem:$0x1ED80] =	vst v63  }
0x55: {  	_ =	swait.ge [sflag:s29], $0x2800  }
0x56: {  	[sflag:s29] =	ssyncset.done $0x0  }
0x57: {  	s16 =	rddreg [dreg:$0x8];
	[sflag:s29] =	ssyncadd.s32 $0xFFFFD800  }
0x58: {  	[spmem:s16] =	stream.linear.scatter [tilespmem:s28], [sflag:$0x9], $0x2800, $0x38;
	[tilespmem:$0x1ED80] =	vst v63  }
0x59: {  	_ =	swait.ge [sflag:s29], $0x2800  }
0x5a: {  	[sflag:s29] =	ssyncset.done $0x0  }
0x5b: {  	s20 =	rddreg [dreg:$0x9];
	[sflag:s29] =	ssyncadd.s32 $0xFFFFD800  }
0x5c: {  	[spmem:s20] =	stream.linear.scatter [tilespmem:s28], [sflag:$0x9], $0x2800, $0x38;
	[tilespmem:$0x1ED80] =	vst v63  }
0x5d: {  	_ =	swait.ge [sflag:s29], $0x2800  }
0x5e: {  	[sflag:s29] =	ssyncset.done $0x0  }
0x5f: {  	s21 =	rddreg [dreg:$0xa];
	[sflag:s29] =	ssyncadd.s32 $0xFFFFD800  }
0x60: {  	[spmem:s21] =	stream.linear.scatter [tilespmem:s28], [sflag:$0x9], $0x2800, $0x38;
	[tilespmem:$0x1ED80] =	vst v63  }
0x61: {  	_ =	swait.ge [sflag:s29], $0x2800  }
0x62: {  	[sflag:s29] =	ssyncset.done $0x0  }
0x63: {  	s22 =	rddreg [dreg:$0x15];
	[sflag:s29] =	ssyncadd.s32 $0xFFFFD800  }
0x64: {  	[spmem:s22] =	stream.linear.scatter [tilespmem:s28], [sflag:$0x9], $0x2000, $0x38;
	[tilespmem:$0x1ED80] =	vst v63  }
0x65: {  	_ =	swait.ge [sflag:s29], $0x2000  }
0x66: {  	[sflag:s29] =	ssyncset.done $0x0  }
0x67: {  	s15 =	simm.s32 @!p1 $0x1500;
	s16 =	rddreg [dreg:$0x14];
	[sflag:s29] =	ssyncadd.s32 $0xFFFFE000  }
0x68: {  	[spmem:s16] =	stream.linear.scatter @!p1 [tilespmem:s15], [sflag:$0x9], $0x400, $0x38;
	[tilespmem:$0x1ED80] =	vst v63  }
0x69: {  	s15 =	simm.s32 @!p1 $0x9  }
0x6a: {  	_ =	swait.ge @!p1 [sflag:s15], $0x400  }
0x6b: {  	[sflag:s15] =	ssyncset.done @!p1 $0x0  }
0x6c: {  	s20 =	simm.s32 $0x0;
	s23 =	rddreg [dreg:$0xd];
	[sflag:s15] =	ssyncadd.s32 @!p1 $0xFFFFFC00  }
0x6d: {  	[tilespmem:s20], [sflag:$0x9] =	stream.linear.gather [hbm4b:s23+s20], $0x1400, $0x38;
	[tilespmem:$0x1ED80] =	vst v63  }
0x6e: {  	_ =	swait.ge [sflag:s29], $0x1400  }
0x6f: {  	[sflag:s29] =	ssyncset.done $0x0  }
0x70: {  	[sflag:s29] =	ssyncadd.s32 $0xFFFFEC00  }
0x71: {  	[bflag:$0x0] =	sbarrier.arrive $0xFFFF  }
0x72: {  	s24 =	rddreg [dreg:$0xe]  }
0x73: {  	[tilespmem:s30], [sflag:$0x3] =	stream.linear.gather [hbm4b:s24+s20], $0x50, $0x38;
	[tilespmem:$0x1ED80] =	vst v63  }
.Ltmp3:
0x74: {  	_ = 	snop;
	(pc) =	sbr.rel .LBB2_4-.Ltmp3, $4  }
0x75: {  	_ = 	snop  }
0x76: {  	[tilespmem:s28], [sflag:$0x1] =	stream.indirect.gather [hbm4b:s0+s31], $0x80, s20, s31, $0xb8;
	[tilespmem:$0x1ED80] =	vst v63  }
0x77: {  	s26 =	simm.s32 $0x3D00;
	s25 =	rddreg [dreg:$0xf]  }
0x78: {  	[tilespmem:s26], [sflag:$0x2] =	stream.linear.gather [hbm4b:s25+s20], $0x2800, $0x38;
	[tilespmem:$0x1ED80] =	vst v63  }
.LBB2_8:
0x79: {  	v16 =	vld [tilespmem:s15+$0xFFFFFFB0];
	_ =	sdelay $0x3  }
0x7a: {  	v13 =	vadd.f32 v15, v13  }
0x7b: {  	v7 =	vadd.f32 v16, v7  }
0x7c: {  	v13 =	vmax.f32 v13, $0.0e+00  }
0x7d: {  	v55 =	vld [tilespmem:s24+$0x40];
	[tilespmem:s24+$0x30] =	vst v13;
	v7 =	vmax.f32 v7, $0.0e+00  }
0x7e: {  	v56 =	vld [tilespmem:s15+$0x40];
	[tilespmem:s24+$0xFFFFFFB0] =	vst v7  }
0x7f: {  	v7 =	vld [tilespmem:s15+$0xFFFFFFC0];
	_ =	sdelay $0x3  }
0x80: {  	v13 =	vadd.f32 v56, v55  }
0x81: {  	v5 =	vadd.f32 v7, v5  }
0x82: {  	v13 =	vmax.f32 v13, $0.0e+00  }
0x83: {  	v57 =	vld [tilespmem:s24+$0x50];
	[tilespmem:s24+$0x40] =	vst v13;
	v5 =	vmax.f32 v5, $0.0e+00  }
0x84: {  	v13 =	vld [tilespmem:s15+$0x50];
	[tilespmem:s24+$0xFFFFFFC0] =	vst v5  }
0x85: {  	v5 =	vld [tilespmem:s15+$0xFFFFFFD0];
	_ =	sdelay $0x1  }
0x86: {  	v3 =	vadd.f32 v12, v3;
	_ =	sdelay $0x1  }
0x87: {  	v3 =	vmax.f32 v3, $0.0e+00;
	v7 =	vadd.f32 v13, v57  }
0x88: {  	[tilespmem:s22+$0xFFFFFFD0] =	vst v3;
	v5 =	vadd.f32 v5, v8  }
0x89: {  	v58 =	vld [tilespmem:s23+$0xFFFFFFE0];
	v3 =	vmax.f32 v7, $0.0e+00  }
0x8a: {  	[tilespmem:s24+$0x50] =	vst v3;
	v3 =	vld [tilespmem:s24+$0x60];
	v5 =	vmax.f32 v5, $0.0e+00  }
0x8b: {  	v59 =	vld [tilespmem:s15+$0x60];
	[tilespmem:s24+$0xFFFFFFD0] =	vst v5  }
0x8c: {  	v5 =	vld [tilespmem:s15+$0xFFFFFFE0];
	_ =	sdelay $0x2  }
0x8d: {  	v4 =	vadd.f32 v58, v4  }
0x8e: {  	v3 =	vadd.f32 v59, v3  }
0x8f: {  	[tilespmem:s22+$0x60] =	vst v14;
	v61 =	vld [tilespmem:s24+$0x70];
	v4 =	vmax.f32 v4, $0.0e+00;
	v5 =	vadd.f32 v5, v6  }
0x90: {  	v60 =	vld [tilespmem:s23+$0x70];
	[tilespmem:s22+$0xFFFFFFE0] =	vst v4;
	v3 =	vmax.f32 v3, $0.0e+00  }
0x91: {  	v62 =	vld [tilespmem:s23+$0xFFFFFFF0];
	[tilespmem:s24+$0x60] =	vst v3;
	v3 =	vmax.f32 v5, $0.0e+00  }
0x92: {  	v63 =	vld [tilespmem:s15+$0x70];
	[tilespmem:s24+$0xFFFFFFE0] =	vst v3  }
0x93: {  	v3 =	vld [tilespmem:s15+$0xFFFFFFF0]  }
0x94: {  	v1 =	vadd.f32 v11, v1  }
0x95: {  	v7 =	vadd.f32 v60, v10  }
0x96: {  	v1 =	vmax.f32 v1, $0.0e+00;
	v2 =	vadd.f32 v62, v2  }
0x97: {  	[tilespmem:s21+$0xFFFFFFF0] =	vst v1;
	v1 =	vmax.f32 v7, $0.0e+00;
	v4 =	vadd.f32 v63, v61  }
0x98: {  	[tilespmem:s22+$0x70] =	vst v1;
	v1 =	vmax.f32 v2, $0.0e+00;
	v2 =	vadd.f32 v3, v9  }
0x99: {  	[tilespmem:s22+$0xFFFFFFF0] =	vst v1;
	v1 =	vmax.f32 v4, $0.0e+00  }
0x9a: {  	[tilespmem:s24+$0x70] =	vst v1;
	v1 =	vmax.f32 v2, $0.0e+00  }
0x9b: {  	[tilespmem:s24+$0xFFFFFFF0] =	vst v1  }
0x9c: {  	[spmem:s4] =	stream.indirect.scatter.add.f32 [tilespmem:s28], [sflag:$0x4], $0x80, s30, s31, $0xb8;
	[tilespmem:$0x1ED80] =	vst v63  }
.LBB2_13:
0x9d: {  	s20 =	sadd.s32 $0x1, s20  }
0x9e: {  	p3 =	sne.s32 s20, $0x40  }
.Ltmp4:
0x9f: {  	_ = 	snop;
	(pc) =	sbr.rel @!p3 .LBB2_14-.Ltmp4, $1  }
0xa0: {  	_ =	sdelay $0x3  }
.LBB2_4:
0xa1: {  	s15 =	sand.u32 $0x1, s20  }
0xa2: {  	p4 =	seq.s32 s15, $0x1  }
.Ltmp5:
0xa3: {  	_ = 	snop;
	(pc) =	sbr.rel @!p4 .LBB2_5-.Ltmp5, $2  }
0xa4: {  	_ =	sdelay $0x2  }
0xa5: {  	p3 =	sge.u32 s20, s17  }
.Ltmp6:
0xa6: {  	(pc) =	sbr.rel @p3 .LBB2_13-.Ltmp6, $1  }
0xa7: {  	_ =	sdelay $0x3  }
0xa8: {  	s15 =	sadd.s32 $0x1, s20  }
0xa9: {  	p3 =	sge.u32 s15, s17  }
0xaa: {  	s15 =	smul.u32 @!p3 $0x50, s15  }
0xab: {  	_ =	swait.ge [sflag:s2], $0x2800  }
0xac: {  	[sflag:s2] =	ssyncset.done $0x0;
	s16 =	sadd.s32 @!p3 s6, s15  }
0xad: {  	[sflag:s2] =	ssyncadd.s32 $0xFFFFD800;
	s21 =	sshrl.u32 @!p3 s16, $0x3  }
0xae: {  	s22 =	simm.s32 @!p3 $0x0;
	s23 =	simm.s32 @!p3 $0x1400;
	s21 =	sadd.s32 @!p3 s3, s21  }
0xaf: {  	[tilespmem:s23], [sflag:$0x3] =	stream.linear.gather @!p3 [hbm4b:s21+s22], $0x50, $0x38;
	[tilespmem:$0x1ED80] =	vst v63  }
0xb0: {  	s21 =	simm.s32 @!p3 $0x50;
	s23 =	simm.s32 @!p3 $0x1500  }
0xb1: {  	[tilespmem:s23], [sflag:$0x1] =	stream.indirect.gather @!p3 [hbm4b:s0+s21], $0x80, s15, s21, $0xb8;
	[tilespmem:$0x1ED80] =	vst v63  }
0xb2: {  	s15 =	sshll.u32 @!p3 s16, $0x4  }
0xb3: {  	s16 =	simm.s32 @!p3 $0x3D00;
	s15 =	sadd.s32 @!p3 s7, s15  }
0xb4: {  	[tilespmem:s16], [sflag:$0x2] =	stream.linear.gather @!p3 [hbm4b:s15+s22], $0x2800, $0x38;
	[tilespmem:$0x1ED80] =	vst v63  }
0xb5: {  	_ =	swait.ge [sflag:s1], $0x2800  }
0xb6: {  	[sflag:s1] =	ssyncset.done $0x0  }
0xb7: {  	[sflag:s1] =	ssyncadd.s32 $0xFFFFD800  }
0xb8: {  	_ =	swait.ge [sflag:s9], $0x2800  }
0xb9: {  	[sflag:s9] =	ssyncset.done $0x0  }
0xba: {  	[sflag:s9] =	ssyncadd.s32 $0xFFFFD800  }
0xbb: {  	_ =	swait.ge [sflag:s10], $0x50  }
0xbc: {  	[sflag:s10] =	ssyncset.done $0x0  }
0xbd: {  	s21 =	simm.s32 $0x6580;
	[sflag:s10] =	ssyncadd.s32 $0xFFFFFFB0  }
0xbe: {  	s25 =	simm.s32 $0x8D80;
	v1 =	vld [tilespmem:s21+$0x0]  }
0xbf: {  	v2 =	vld [tilespmem:s25+$0x0];
	_ =	sdelay $0x4  }
0xc0: {  	v1 =	vadd.f32 v2, v1;
	_ =	sdelay $0x1  }
0xc1: {  	v1 =	vmax.f32 v1, $0.0e+00  }
0xc2: {  	[tilespmem:s21+$0x0] =	vst v1;
	v1 =	vld [tilespmem:s21+$0x10]  }
0xc3: {  	v2 =	vld [tilespmem:s25+$0x10];
	_ =	sdelay $0x3  }
0xc4: {  	v3 =	vld [tilespmem:s21+$0xFFFFFF80]  }
0xc5: {  	v1 =	vadd.f32 v2, v1;
	v2 =	vld [tilespmem:s25+$0xFFFFFF80];
	_ =	sdelay $0x1  }
0xc6: {  	v1 =	vmax.f32 v1, $0.0e+00  }
0xc7: {  	[tilespmem:s21+$0x10] =	vst v1;
	v1 =	vld [tilespmem:s21+$0x20]  }
0xc8: {  	v4 =	vld [tilespmem:s25+$0x20]  }
0xc9: {  	s22 =	simm.s32 $0x6680;
	v5 =	vld [tilespmem:s21+$0xFFFFFFA0];
	v2 =	vadd.f32 v2, v3  }
0xca: {  	v7 =	vld [tilespmem:s22+$0x0]  }
0xcb: {  	v8 =	vld [tilespmem:s21+$0xFFFFFFC0];
	v2 =	vmax.f32 v2, $0.0e+00  }
0xcc: {  	v3 =	vld [tilespmem:s21+$0xFFFFFF90];
	[tilespmem:s21+$0xFFFFFF80] =	vst v2  }
0xcd: {  	v1 =	vadd.f32 v4, v1;
	v2 =	vld [tilespmem:s25+$0xFFFFFF90]  }
0xce: {  	v9 =	vld [tilespmem:s21+$0xFFFFFFD0]  }
0xcf: {  	v10 =	vld [tilespmem:s21+$0x40];
	v1 =	vmax.f32 v1, $0.0e+00  }
0xd0: {  	[tilespmem:s21+$0x20] =	vst v1;
	v1 =	vld [tilespmem:s21+$0x30]  }
0xd1: {  	v6 =	vld [tilespmem:s25+$0x30]  }
0xd2: {  	s23 =	simm.s32 $0x8E80;
	v11 =	vld [tilespmem:s22+$0x10];
	v2 =	vadd.f32 v2, v3  }
0xd3: {  	v3 =	vld [tilespmem:s23+$0x0]  }
0xd4: {  	s26 =	simm.s32 $0x8F80;
	v13 =	vld [tilespmem:s21+$0xFFFFFFE0];
	v2 =	vmax.f32 v2, $0.0e+00  }
0xd5: {  	v17 =	vld [tilespmem:s26+$0xFFFFFF80];
	[tilespmem:s21+$0xFFFFFF90] =	vst v2  }
0xd6: {  	v1 =	vadd.f32 v6, v1;
	v2 =	vld [tilespmem:s25+$0xFFFFFFA0]  }
0xd7: {  	v6 =	vld [tilespmem:s23+$0xFFFFFF80]  }
0xd8: {  	s24 =	simm.s32 $0x6780;
	v3 =	vadd.f32 v3, v7;
	v7 =	vld [tilespmem:s22+$0xFFFFFF80];
	v1 =	vmax.f32 v1, $0.0e+00  }
0xd9: {  	v18 =	vld [tilespmem:s24+$0xFFFFFF80];
	[tilespmem:s21+$0x30] =	vst v1  }
0xda: {  	v1 =	vmax.f32 v3, $0.0e+00;
	v3 =	vld [tilespmem:s25+$0x40]  }
0xdb: {  	v19 =	vld [tilespmem:s24+$0xFFFFFF90];
	[tilespmem:s22+$0x0] =	vst v1  }
0xdc: {  	v12 =	vld [tilespmem:s23+$0x10];
	v2 =	vadd.f32 v2, v5  }
0xdd: {  	v63 =	vld [tilespmem:s22+$0x60];
	v5 =	vadd.f32 v6, v7  }
0xde: {  	v4 =	vld [tilespmem:s21+$0xFFFFFFB0];
	v2 =	vmax.f32 v2, $0.0e+00  }
0xdf: {  	v6 =	vld [tilespmem:s22+$0xFFFFFF90];
	[tilespmem:s21+$0xFFFFFFA0] =	vst v2;
	v2 =	vmax.f32 v5, $0.0e+00;
	v3 =	vadd.f32 v3, v10  }
0xe0: {  	v5 =	vld [tilespmem:s25+$0xFFFFFFB0];
	[tilespmem:s22+$0xFFFFFF80] =	vst v2  }
0xe1: {  	v10 =	vld [tilespmem:s23+$0xFFFFFF90];
	v2 =	vmax.f32 v3, $0.0e+00;
	v3 =	vadd.f32 v12, v11  }
0xe2: {  	v12 =	vld [tilespmem:s22+$0x20]  }
0xe3: {  	[tilespmem:s21+$0x40] =	vst v2;
	v2 =	vld [tilespmem:s21+$0x50];
	v3 =	vmax.f32 v3, $0.0e+00  }
0xe4: {  	v11 =	vld [tilespmem:s25+$0x50];
	[tilespmem:s22+$0x10] =	vst v3  }
0xe5: {  	v3 =	vadd.f32 v5, v4;
	v14 =	vld [tilespmem:s23+$0x20]  }
0xe6: {  	v1 =	vld [tilespmem:s21+$0xFFFFFFF0]  }
0xe7: {  	v7 =	vld [tilespmem:s22+$0xFFFFFFA0];
	v4 =	vadd.f32 v10, v6;
	v10 =	vmax.f32 v3, $0.0e+00  }
0xe8: {  	v5 =	vld [tilespmem:s22+$0xFFFFFFB0];
	[tilespmem:s21+$0xFFFFFFB0] =	vst v10  }
0xe9: {  	v2 =	vadd.f32 v11, v2;
	v11 =	vld [tilespmem:s25+$0xFFFFFFC0]  }
0xea: {  	v6 =	vld [tilespmem:s22+$0xFFFFFFC0];
	v4 =	vmax.f32 v4, $0.0e+00;
	v10 =	vadd.f32 v14, v12  }
0xeb: {  	v3 =	vld [tilespmem:s22+$0xFFFFFFD0];
	[tilespmem:s22+$0xFFFFFF90] =	vst v4;
	v2 =	vmax.f32 v2, $0.0e+00  }
0xec: {  	v4 =	vld [tilespmem:s22+$0xFFFFFFE0];
	[tilespmem:s21+$0x50] =	vst v2;
	v2 =	vmax.f32 v10, $0.0e+00  }
0xed: {  	v14 =	vld [tilespmem:s22+$0x30];
	[tilespmem:s22+$0x20] =	vst v2  }
0xee: {  	v8 =	vadd.f32 v11, v8;
	v15 =	vld [tilespmem:s23+$0x30]  }
0xef: {  	v12 =	vld [tilespmem:s23+$0xFFFFFFA0]  }
0xf0: {  	v11 =	vld [tilespmem:s24+$0x0];
	v8 =	vmax.f32 v8, $0.0e+00  }
0xf1: {  	[tilespmem:s21+$0xFFFFFFC0] =	vst v8;
	v8 =	vld [tilespmem:s26+$0x0]  }
0xf2: {  	v10 =	vld [tilespmem:s21+$0x60]  }
0xf3: {  	v16 =	vld [tilespmem:s25+$0x60];
	v14 =	vadd.f32 v15, v14  }
0xf4: {  	v2 =	vld [tilespmem:s22+$0xFFFFFFF0]  }
0xf5: {  	v7 =	vadd.f32 v12, v7;
	v12 =	vld [tilespmem:s22+$0x40];
	v14 =	vmax.f32 v14, $0.0e+00  }
0xf6: {  	v15 =	vld [tilespmem:s25+$0xFFFFFFD0];
	v8 =	vadd.f32 v8, v11;
	[tilespmem:s22+$0x30] =	vst v14  }
0xf7: {  	v7 =	vmax.f32 v7, $0.0e+00;
	v14 =	vld [tilespmem:s23+$0x40]  }
0xf8: {  	[tilespmem:s22+$0xFFFFFFA0] =	vst v7;
	v11 =	vld [tilespmem:s21+$0x70];
	v7 =	vmax.f32 v8, $0.0e+00;
	v8 =	vadd.f32 v16, v10  }
0xf9: {  	v10 =	vld [tilespmem:s23+$0xFFFFFFB0]  }
0xfa: {  	v16 =	vld [tilespmem:s24+$0x10];
	[tilespmem:s24+$0x0] =	vst v7;
	v7 =	vadd.f32 v17, v18;
	v8 =	vmax.f32 v8, $0.0e+00  }
0xfb: {  	v17 =	vld [tilespmem:s26+$0x10];
	[tilespmem:s21+$0x60] =	vst v8  }
0xfc: {  	v7 =	vmax.f32 v7, $0.0e+00;
	v62 =	vld [tilespmem:s25+$0x70];
	v12 =	vadd.f32 v14, v12  }
0xfd: {  	[tilespmem:s24+$0xFFFFFF80] =	vst v7;
	v14 =	vld [tilespmem:s24+$0xFFFFFFA0]  }
0xfe: {  	v8 =	vld [tilespmem:s26+$0xFFFFFF90];
	v7 =	vmax.f32 v12, $0.0e+00  }
0xff: {  	v5 =	vadd.f32 v10, v5;
	v10 =	vld [tilespmem:s22+$0x50];
	[tilespmem:s22+$0x40] =	vst v7  }
0x100: {  	v16 =	vadd.f32 v17, v16;
	v12 =	vld [tilespmem:s23+$0x50]  }
0x101: {  	v5 =	vmax.f32 v5, $0.0e+00;
	v17 =	vld [tilespmem:s24+$0x20]  }
0x102: {  	v9 =	vadd.f32 v15, v9;
	v7 =	vld [tilespmem:s24+$0xFFFFFFB0];
	[tilespmem:s22+$0xFFFFFFB0] =	vst v5;
	v16 =	vmax.f32 v16, $0.0e+00  }
0x103: {  	v15 =	vld [tilespmem:s23+$0xFFFFFFC0];
	[tilespmem:s24+$0x10] =	vst v16;
	v16 =	vadd.f32 v8, v19  }
0x104: {  	v5 =	vld [tilespmem:s24+$0xFFFFFFC0];
	v8 =	vmax.f32 v9, $0.0e+00  }
0x105: {  	v9 =	vld [tilespmem:s26+$0x20];
	[tilespmem:s21+$0xFFFFFFD0] =	vst v8;
	v10 =	vadd.f32 v12, v10;
	v12 =	vmax.f32 v16, $0.0e+00  }
0x106: {  	[tilespmem:s24+$0xFFFFFF90] =	vst v12;
	v12 =	vld [tilespmem:s25+$0xFFFFFFE0]  }
0x107: {  	v8 =	vld [tilespmem:s24+$0xFFFFFFD0];
	v10 =	vmax.f32 v10, $0.0e+00  }
0x108: {  	v16 =	vld [tilespmem:s26+$0xFFFFFFA0];
	[tilespmem:s22+$0x50] =	vst v10;
	v10 =	vadd.f32 v15, v6  }
0x109: {  	v20 =	vld [tilespmem:s23+$0x60]  }
0x10a: {  	v15 =	vadd.f32 v9, v17;
	v6 =	vld [tilespmem:s24+$0xFFFFFFE0];
	v9 =	vmax.f32 v10, $0.0e+00  }
0x10b: {  	[tilespmem:s22+$0xFFFFFFC0] =	vst v9;
	v10 =	vadd.f32 v12, v13;
	v9 =	vld [tilespmem:s24+$0xFFFFFFF0]  }
0x10c: {  	v11 =	vadd.f32 v62, v11;
	v13 =	vmax.f32 v15, $0.0e+00;
	v12 =	vld [tilespmem:s23+$0xFFFFFFD0]  }
0x10d: {  	[tilespmem:s24+$0x20] =	vst v13;
	v14 =	vadd.f32 v16, v14;
	v13 =	vld [tilespmem:s24+$0x30];
	v10 =	vmax.f32 v10, $0.0e+00  }
0x10e: {  	v11 =	vmax.f32 v11, $0.0e+00;
	v15 =	vld [tilespmem:s26+$0x30];
	v16 =	vadd.f32 v20, v63;
	[tilespmem:s21+$0xFFFFFFE0] =	vst v10  }
0x10f: {  	[tilespmem:s21+$0x70] =	vst v11;
	v10 =	vmax.f32 v14, $0.0e+00;
	v11 =	vld [tilespmem:s25+$0xFFFFFFF0]  }
0x110: {  	s16 =	simm.s32 $0x4;
	s15 =	simm.s32 $0x8F80;
	[tilespmem:s24+$0xFFFFFFA0] =	vst v10;
	s25 =	simm.s32 $0x6880;
	v10 =	vld [tilespmem:s22+$0x70];
	v14 =	vmax.f32 v16, $0.0e+00  }
.LBB2_11:
0x111: {  	v16 =	vld [tilespmem:s25+$0x0];
	v12 =	vadd.f32 v12, v3;
	[tilespmem:s22+$0x60] =	vst v14;
	v3 =	vmov v8  }
0x112: {  	s26 =	sadd.s32 $0x100, s26;
	v8 =	vld [tilespmem:s23+$0x70]  }
0x113: {  	s16 =	sadd.s32 $0x2, s16;
	v14 =	vld [tilespmem:s26+$0x0];
	v13 =	vadd.f32 v15, v13;
	v12 =	vmax.f32 v12, $0.0e+00  }
0x114: {  	p3 =	slt.u32 s16, $0x4E;
	v15 =	vld [tilespmem:s26+$0xFFFFFF80];
	[tilespmem:s22+$0xFFFFFFD0] =	vst v12;
	v11 =	vadd.f32 v11, v1;
	v1 =	vmov v2;
	v2 =	vmov v9  }
0x115: {  	v9 =	vld [tilespmem:s25+$0xFFFFFF80];
	v12 =	vmax.f32 v13, $0.0e+00  }
0x116: {  	[tilespmem:s24+$0x30] =	vst v12;
	v12 =	vld [tilespmem:s24+$0x40];
	v11 =	vmax.f32 v11, $0.0e+00  }
0x117: {  	v13 =	vld [tilespmem:s15+$0x40];
	v8 =	vadd.f32 v8, v10;
	[tilespmem:s21+$0xFFFFFFF0] =	vst v11;
	s21 =	smov.u32 s22;
	s22 =	smov.u32 s24;
	s24 =	smov.u32 s25  }
0x118: {  	v10 =	vld [tilespmem:s25+$0xFFFFFF90];
	v11 =	vadd.f32 v14, v16  }
0x119: {  	v14 =	vld [tilespmem:s25+$0xFFFFFFA0];
	v8 =	vmax.f32 v8, $0.0e+00  }
0x11a: {  	v9 =	vadd.f32 v15, v9;
	v11 =	vmax.f32 v11, $0.0e+00;
	v15 =	vld [tilespmem:s15+$0xFFFFFFB0];
	[tilespmem:s21+$0x70] =	vst v8  }
0x11b: {  	[tilespmem:s25+$0x0] =	vst v11;
	v8 =	vld [tilespmem:s25+$0x10]  }
0x11c: {  	v9 =	vmax.f32 v9, $0.0e+00;
	v11 =	vld [tilespmem:s26+$0x10];
	v12 =	vadd.f32 v13, v12  }
0x11d: {  	[tilespmem:s25+$0xFFFFFF80] =	vst v9;
	v9 =	vld [tilespmem:s25+$0xFFFFFFB0]  }
0x11e: {  	v13 =	vld [tilespmem:s26+$0xFFFFFF90];
	v12 =	vmax.f32 v12, $0.0e+00  }
0x11f: {  	v18 =	vadd.f32 v15, v7;
	[tilespmem:s22+$0x40] =	vst v12;
	v12 =	vld [tilespmem:s22+$0x50]  }
0x120: {  	v15 =	vld [tilespmem:s15+$0x50]  }
0x121: {  	v16 =	vld [tilespmem:s25+$0xFFFFFFC0];
	v11 =	vadd.f32 v11, v8;
	v17 =	vmax.f32 v18, $0.0e+00  }
0x122: {  	v8 =	vld [tilespmem:s25+$0xFFFFFFD0];
	[tilespmem:s22+$0xFFFFFFB0] =	vst v17;
	v7 =	vmov v9  }
0x123: {  	v9 =	vadd.f32 v13, v10;
	v10 =	vmax.f32 v11, $0.0e+00;
	v11 =	vld [tilespmem:s15+$0xFFFFFFC0]  }
0x124: {  	[tilespmem:s25+$0x10] =	vst v10;
	v10 =	vld [tilespmem:s25+$0x20]  }
0x125: {  	v9 =	vmax.f32 v9, $0.0e+00;
	v13 =	vld [tilespmem:s26+$0x20];
	v12 =	vadd.f32 v15, v12  }
0x126: {  	[tilespmem:s25+$0xFFFFFF90] =	vst v9;
	v15 =	vld [tilespmem:s23+$0xFFFFFFE0]  }
0x127: {  	v17 =	vld [tilespmem:s26+$0xFFFFFFA0];
	v9 =	vmax.f32 v12, $0.0e+00  }
0x128: {  	v11 =	vadd.f32 v11, v5;
	[tilespmem:s22+$0x50] =	vst v9;
	v18 =	vld [tilespmem:s22+$0x60];
	v5 =	vmov v16  }
0x129: {  	v16 =	vld [tilespmem:s15+$0x60]  }
0x12a: {  	v19 =	vld [tilespmem:s25+$0xFFFFFFE0];
	v10 =	vadd.f32 v13, v10;
	v11 =	vmax.f32 v11, $0.0e+00  }
0x12b: {  	v9 =	vld [tilespmem:s25+$0xFFFFFFF0];
	[tilespmem:s22+$0xFFFFFFC0] =	vst v11;
	v11 =	vadd.f32 v15, v4;
	v4 =	vmov v6  }
.Ltmp7:
0x12c: {  	v20 =	vadd.f32 v17, v14;
	v10 =	vmax.f32 v10, $0.0e+00;
	v12 =	vld [tilespmem:s15+$0xFFFFFFD0];
	(pc) =	sbr.rel @p3 .LBB2_11-.Ltmp7, $4  }
0x12d: {  	[tilespmem:s25+$0x20] =	vst v10;
	v13 =	vld [tilespmem:s25+$0x30];
	v10 =	vmax.f32 v11, $0.0e+00  }
0x12e: {  	v17 =	vmax.f32 v20, $0.0e+00;
	v15 =	vld [tilespmem:s26+$0x30];
	v14 =	vadd.f32 v16, v18;
	[tilespmem:s21+$0xFFFFFFE0] =	vst v10  }
0x12f: {  	[tilespmem:s25+$0xFFFFFFA0] =	vst v17;
	v11 =	vld [tilespmem:s23+$0xFFFFFFF0];
	v6 =	vmov v19;
	s23 =	smov.u32 s15;
	s15 =	smov.u32 s26  }
0x130: {  	s25 =	sadd.s32 $0x100, s25;
	v14 =	vmax.f32 v14, $0.0e+00;
	v10 =	vld [tilespmem:s22+$0x70]  }
0x131: {  	v16 =	vld [tilespmem:s15+$0xFFFFFFB0];
	_ =	sdelay $0x3  }
0x132: {  	v13 =	vadd.f32 v15, v13  }
0x133: {  	v7 =	vadd.f32 v16, v7  }
0x134: {  	v13 =	vmax.f32 v13, $0.0e+00  }
0x135: {  	v55 =	vld [tilespmem:s24+$0x40];
	[tilespmem:s24+$0x30] =	vst v13;
	v7 =	vmax.f32 v7, $0.0e+00  }
0x136: {  	v56 =	vld [tilespmem:s15+$0x40];
	[tilespmem:s24+$0xFFFFFFB0] =	vst v7  }
0x137: {  	v7 =	vld [tilespmem:s15+$0xFFFFFFC0];
	_ =	sdelay $0x3  }
0x138: {  	v13 =	vadd.f32 v56, v55  }
0x139: {  	v5 =	vadd.f32 v7, v5  }
0x13a: {  	v13 =	vmax.f32 v13, $0.0e+00  }
0x13b: {  	v57 =	vld [tilespmem:s24+$0x50];
	[tilespmem:s24+$0x40] =	vst v13;
	v5 =	vmax.f32 v5, $0.0e+00  }
0x13c: {  	v13 =	vld [tilespmem:s15+$0x50];
	[tilespmem:s24+$0xFFFFFFC0] =	vst v5  }
0x13d: {  	v5 =	vld [tilespmem:s15+$0xFFFFFFD0];
	_ =	sdelay $0x1  }
0x13e: {  	v3 =	vadd.f32 v12, v3;
	_ =	sdelay $0x1  }
0x13f: {  	v3 =	vmax.f32 v3, $0.0e+00;
	v7 =	vadd.f32 v13, v57  }
0x140: {  	[tilespmem:s22+$0xFFFFFFD0] =	vst v3;
	v5 =	vadd.f32 v5, v8  }
0x141: {  	v58 =	vld [tilespmem:s23+$0xFFFFFFE0];
	v3 =	vmax.f32 v7, $0.0e+00  }
0x142: {  	[tilespmem:s24+$0x50] =	vst v3;
	v3 =	vld [tilespmem:s24+$0x60];
	v5 =	vmax.f32 v5, $0.0e+00  }
0x143: {  	v59 =	vld [tilespmem:s15+$0x60];
	[tilespmem:s24+$0xFFFFFFD0] =	vst v5  }
0x144: {  	v5 =	vld [tilespmem:s15+$0xFFFFFFE0];
	_ =	sdelay $0x2  }
0x145: {  	v4 =	vadd.f32 v58, v4  }
0x146: {  	v3 =	vadd.f32 v59, v3  }
0x147: {  	[tilespmem:s22+$0x60] =	vst v14;
	v61 =	vld [tilespmem:s24+$0x70];
	v4 =	vmax.f32 v4, $0.0e+00;
	v5 =	vadd.f32 v5, v6  }
0x148: {  	v60 =	vld [tilespmem:s23+$0x70];
	[tilespmem:s22+$0xFFFFFFE0] =	vst v4;
	v3 =	vmax.f32 v3, $0.0e+00  }
0x149: {  	v62 =	vld [tilespmem:s23+$0xFFFFFFF0];
	[tilespmem:s24+$0x60] =	vst v3;
	v3 =	vmax.f32 v5, $0.0e+00  }
0x14a: {  	v63 =	vld [tilespmem:s15+$0x70];
	[tilespmem:s24+$0xFFFFFFE0] =	vst v3  }
0x14b: {  	v3 =	vld [tilespmem:s15+$0xFFFFFFF0]  }
0x14c: {  	v1 =	vadd.f32 v11, v1  }
0x14d: {  	v7 =	vadd.f32 v60, v10  }
0x14e: {  	v1 =	vmax.f32 v1, $0.0e+00;
	v2 =	vadd.f32 v62, v2  }
0x14f: {  	[tilespmem:s21+$0xFFFFFFF0] =	vst v1;
	v1 =	vmax.f32 v7, $0.0e+00;
	v4 =	vadd.f32 v63, v61  }
.Ltmp8:
0x150: {  	[tilespmem:s22+$0x70] =	vst v1;
	v1 =	vmax.f32 v2, $0.0e+00;
	v2 =	vadd.f32 v3, v9;
	(pc) =	sbr.rel .LBB2_13-.Ltmp8, $4  }
0x151: {  	[tilespmem:s22+$0xFFFFFFF0] =	vst v1;
	v1 =	vmax.f32 v4, $0.0e+00  }
0x152: {  	[tilespmem:s24+$0x70] =	vst v1;
	v1 =	vmax.f32 v2, $0.0e+00  }
0x153: {  	[tilespmem:s24+$0xFFFFFFF0] =	vst v1  }
0x154: {  	[spmem:s4] =	stream.indirect.scatter.add.f32 [tilespmem:s12], [sflag:$0x8], $0x80, s11, s31, $0xb8;
	[tilespmem:$0x1ED80] =	vst v63  }
.LBB2_5:
.Ltmp9:
0x155: {  	(pc) =	sbr.rel @p3 .LBB2_13-.Ltmp9, $1  }
0x156: {  	_ =	sdelay $0x3  }
0x157: {  	s15 =	sor.u32 $0x1, s20  }
0x158: {  	p4 =	seq.s32 s20, $0x0;
	p3 =	sge.u32 s15, s17  }
0x159: {  	s16 =	simm.s32 @!p4 $0x8;
	s15 =	smul.u32 @!p3 $0x50, s15  }
0x15a: {  	_ =	swait.ge @!p4 [sflag:s16], $0x2800  }
0x15b: {  	[sflag:s16] =	ssyncset.done @!p4 $0x0;
	s21 =	sadd.s32 @!p3 s6, s15  }
0x15c: {  	[sflag:s16] =	ssyncadd.s32 @!p4 $0xFFFFD800;
	s16 =	sshrl.u32 @!p3 s21, $0x3  }
0x15d: {  	s22 =	simm.s32 @!p3 $0x0;
	s23 =	simm.s32 @!p3 $0x1480;
	s16 =	sadd.s32 @!p3 s3, s16  }
0x15e: {  	[tilespmem:s23], [sflag:$0x7] =	stream.linear.gather @!p3 [hbm4b:s16+s22], $0x50, $0x38;
	[tilespmem:$0x1ED80] =	vst v63  }
0x15f: {  	s16 =	simm.s32 @!p3 $0x50;
	s23 =	simm.s32 @!p3 $0x6500  }
0x160: {  	[tilespmem:s23], [sflag:$0x5] =	stream.indirect.gather @!p3 [hbm4b:s0+s16], $0x80, s15, s16, $0xb8;
	[tilespmem:$0x1ED80] =	vst v63  }
0x161: {  	s15 =	sshll.u32 @!p3 s21, $0x4  }
0x162: {  	s16 =	simm.s32 @!p3 $0x8D00;
	s15 =	sadd.s32 @!p3 s7, s15  }
0x163: {  	[tilespmem:s16], [sflag:$0x6] =	stream.linear.gather @!p3 [hbm4b:s15+s22], $0x2800, $0x38;
	[tilespmem:$0x1ED80] =	vst v63  }
0x164: {  	_ =	swait.ge [sflag:s14], $0x2800  }
0x165: {  	[sflag:s14] =	ssyncset.done $0x0  }
0x166: {  	[sflag:s14] =	ssyncadd.s32 $0xFFFFD800  }
0x167: {  	_ =	swait.ge [sflag:s18], $0x2800  }
0x168: {  	[sflag:s18] =	ssyncset.done $0x0  }
0x169: {  	[sflag:s18] =	ssyncadd.s32 $0xFFFFD800  }
0x16a: {  	_ =	swait.ge [sflag:s19], $0x50  }
0x16b: {  	[sflag:s19] =	ssyncset.done $0x0  }
0x16c: {  	s21 =	simm.s32 $0x1580;
	[sflag:s19] =	ssyncadd.s32 $0xFFFFFFB0  }
0x16d: {  	s25 =	simm.s32 $0x3D80;
	v1 =	vld [tilespmem:s21+$0x0]  }
0x16e: {  	v2 =	vld [tilespmem:s25+$0x0];
	_ =	sdelay $0x4  }
0x16f: {  	v1 =	vadd.f32 v2, v1;
	_ =	sdelay $0x1  }
0x170: {  	v1 =	vmax.f32 v1, $0.0e+00  }
0x171: {  	[tilespmem:s21+$0x0] =	vst v1;
	v1 =	vld [tilespmem:s21+$0x10]  }
0x172: {  	v2 =	vld [tilespmem:s25+$0x10];
	_ =	sdelay $0x3  }
0x173: {  	v3 =	vld [tilespmem:s21+$0xFFFFFF80]  }
0x174: {  	v1 =	vadd.f32 v2, v1;
	v2 =	vld [tilespmem:s25+$0xFFFFFF80];
	_ =	sdelay $0x1  }
0x175: {  	v1 =	vmax.f32 v1, $0.0e+00  }
0x176: {  	[tilespmem:s21+$0x10] =	vst v1;
	v1 =	vld [tilespmem:s21+$0x20]  }
0x177: {  	v4 =	vld [tilespmem:s25+$0x20]  }
0x178: {  	s22 =	simm.s32 $0x1680;
	v5 =	vld [tilespmem:s21+$0xFFFFFFA0];
	v2 =	vadd.f32 v2, v3  }
0x179: {  	v7 =	vld [tilespmem:s22+$0x0]  }
0x17a: {  	v8 =	vld [tilespmem:s21+$0xFFFFFFC0];
	v2 =	vmax.f32 v2, $0.0e+00  }
0x17b: {  	v3 =	vld [tilespmem:s21+$0xFFFFFF90];
	[tilespmem:s21+$0xFFFFFF80] =	vst v2  }
0x17c: {  	v1 =	vadd.f32 v4, v1;
	v2 =	vld [tilespmem:s25+$0xFFFFFF90]  }
0x17d: {  	v9 =	vld [tilespmem:s21+$0xFFFFFFD0]  }
0x17e: {  	v10 =	vld [tilespmem:s21+$0x40];
	v1 =	vmax.f32 v1, $0.0e+00  }
0x17f: {  	[tilespmem:s21+$0x20] =	vst v1;
	v1 =	vld [tilespmem:s21+$0x30]  }
0x180: {  	v6 =	vld [tilespmem:s25+$0x30]  }
0x181: {  	s23 =	simm.s32 $0x3E80;
	v11 =	vld [tilespmem:s22+$0x10];
	v2 =	vadd.f32 v2, v3  }
0x182: {  	v3 =	vld [tilespmem:s23+$0x0]  }
0x183: {  	s26 =	simm.s32 $0x3F80;
	v13 =	vld [tilespmem:s21+$0xFFFFFFE0];
	v2 =	vmax.f32 v2, $0.0e+00  }
0x184: {  	v17 =	vld [tilespmem:s26+$0xFFFFFF80];
	[tilespmem:s21+$0xFFFFFF90] =	vst v2  }
0x185: {  	v1 =	vadd.f32 v6, v1;
	v2 =	vld [tilespmem:s25+$0xFFFFFFA0]  }
0x186: {  	v6 =	vld [tilespmem:s23+$0xFFFFFF80]  }
0x187: {  	s24 =	simm.s32 $0x1780;
	v3 =	vadd.f32 v3, v7;
	v7 =	vld [tilespmem:s22+$0xFFFFFF80];
	v1 =	vmax.f32 v1, $0.0e+00  }
0x188: {  	v18 =	vld [tilespmem:s24+$0xFFFFFF80];
	[tilespmem:s21+$0x30] =	vst v1  }
0x189: {  	v1 =	vmax.f32 v3, $0.0e+00;
	v3 =	vld [tilespmem:s25+$0x40]  }
0x18a: {  	v19 =	vld [tilespmem:s24+$0xFFFFFF90];
	[tilespmem:s22+$0x0] =	vst v1  }
0x18b: {  	v12 =	vld [tilespmem:s23+$0x10];
	v2 =	vadd.f32 v2, v5  }
0x18c: {  	v63 =	vld [tilespmem:s22+$0x60];
	v5 =	vadd.f32 v6, v7  }
0x18d: {  	v4 =	vld [tilespmem:s21+$0xFFFFFFB0];
	v2 =	vmax.f32 v2, $0.0e+00  }
0x18e: {  	v6 =	vld [tilespmem:s22+$0xFFFFFF90];
	[tilespmem:s21+$0xFFFFFFA0] =	vst v2;
	v2 =	vmax.f32 v5, $0.0e+00;
	v3 =	vadd.f32 v3, v10  }
0x18f: {  	v5 =	vld [tilespmem:s25+$0xFFFFFFB0];
	[tilespmem:s22+$0xFFFFFF80] =	vst v2  }
0x190: {  	v10 =	vld [tilespmem:s23+$0xFFFFFF90];
	v2 =	vmax.f32 v3, $0.0e+00;
	v3 =	vadd.f32 v12, v11  }
0x191: {  	v12 =	vld [tilespmem:s22+$0x20]  }
0x192: {  	[tilespmem:s21+$0x40] =	vst v2;
	v2 =	vld [tilespmem:s21+$0x50];
	v3 =	vmax.f32 v3, $0.0e+00  }
0x193: {  	v11 =	vld [tilespmem:s25+$0x50];
	[tilespmem:s22+$0x10] =	vst v3  }
0x194: {  	v3 =	vadd.f32 v5, v4;
	v14 =	vld [tilespmem:s23+$0x20]  }
0x195: {  	v1 =	vld [tilespmem:s21+$0xFFFFFFF0]  }
0x196: {  	v7 =	vld [tilespmem:s22+$0xFFFFFFA0];
	v4 =	vadd.f32 v10, v6;
	v10 =	vmax.f32 v3, $0.0e+00  }
0x197: {  	v5 =	vld [tilespmem:s22+$0xFFFFFFB0];
	[tilespmem:s21+$0xFFFFFFB0] =	vst v10  }
0x198: {  	v2 =	vadd.f32 v11, v2;
	v11 =	vld [tilespmem:s25+$0xFFFFFFC0]  }
0x199: {  	v6 =	vld [tilespmem:s22+$0xFFFFFFC0];
	v4 =	vmax.f32 v4, $0.0e+00;
	v10 =	vadd.f32 v14, v12  }
0x19a: {  	v3 =	vld [tilespmem:s22+$0xFFFFFFD0];
	[tilespmem:s22+$0xFFFFFF90] =	vst v4;
	v2 =	vmax.f32 v2, $0.0e+00  }
0x19b: {  	v4 =	vld [tilespmem:s22+$0xFFFFFFE0];
	[tilespmem:s21+$0x50] =	vst v2;
	v2 =	vmax.f32 v10, $0.0e+00  }
0x19c: {  	v14 =	vld [tilespmem:s22+$0x30];
	[tilespmem:s22+$0x20] =	vst v2  }
0x19d: {  	v8 =	vadd.f32 v11, v8;
	v15 =	vld [tilespmem:s23+$0x30]  }
0x19e: {  	v12 =	vld [tilespmem:s23+$0xFFFFFFA0]  }
0x19f: {  	v11 =	vld [tilespmem:s24+$0x0];
	v8 =	vmax.f32 v8, $0.0e+00  }
0x1a0: {  	[tilespmem:s21+$0xFFFFFFC0] =	vst v8;
	v8 =	vld [tilespmem:s26+$0x0]  }
0x1a1: {  	v10 =	vld [tilespmem:s21+$0x60]  }
0x1a2: {  	v16 =	vld [tilespmem:s25+$0x60];
	v14 =	vadd.f32 v15, v14  }
0x1a3: {  	v2 =	vld [tilespmem:s22+$0xFFFFFFF0]  }
0x1a4: {  	v7 =	vadd.f32 v12, v7;
	v12 =	vld [tilespmem:s22+$0x40];
	v14 =	vmax.f32 v14, $0.0e+00  }
0x1a5: {  	v15 =	vld [tilespmem:s25+$0xFFFFFFD0];
	v8 =	vadd.f32 v8, v11;
	[tilespmem:s22+$0x30] =	vst v14  }
0x1a6: {  	v7 =	vmax.f32 v7, $0.0e+00;
	v14 =	vld [tilespmem:s23+$0x40]  }
0x1a7: {  	[tilespmem:s22+$0xFFFFFFA0] =	vst v7;
	v11 =	vld [tilespmem:s21+$0x70];
	v7 =	vmax.f32 v8, $0.0e+00;
	v8 =	vadd.f32 v16, v10  }
0x1a8: {  	v10 =	vld [tilespmem:s23+$0xFFFFFFB0]  }
0x1a9: {  	v16 =	vld [tilespmem:s24+$0x10];
	[tilespmem:s24+$0x0] =	vst v7;
	v7 =	vadd.f32 v17, v18;
	v8 =	vmax.f32 v8, $0.0e+00  }
0x1aa: {  	v17 =	vld [tilespmem:s26+$0x10];
	[tilespmem:s21+$0x60] =	vst v8  }
0x1ab: {  	v7 =	vmax.f32 v7, $0.0e+00;
	v62 =	vld [tilespmem:s25+$0x70];
	v12 =	vadd.f32 v14, v12  }
0x1ac: {  	[tilespmem:s24+$0xFFFFFF80] =	vst v7;
	v14 =	vld [tilespmem:s24+$0xFFFFFFA0]  }
0x1ad: {  	v8 =	vld [tilespmem:s26+$0xFFFFFF90];
	v7 =	vmax.f32 v12, $0.0e+00  }
0x1ae: {  	v5 =	vadd.f32 v10, v5;
	v10 =	vld [tilespmem:s22+$0x50];
	[tilespmem:s22+$0x40] =	vst v7  }
0x1af: {  	v16 =	vadd.f32 v17, v16;
	v12 =	vld [tilespmem:s23+$0x50]  }
0x1b0: {  	v5 =	vmax.f32 v5, $0.0e+00;
	v17 =	vld [tilespmem:s24+$0x20]  }
0x1b1: {  	v9 =	vadd.f32 v15, v9;
	v7 =	vld [tilespmem:s24+$0xFFFFFFB0];
	[tilespmem:s22+$0xFFFFFFB0] =	vst v5;
	v16 =	vmax.f32 v16, $0.0e+00  }
0x1b2: {  	v15 =	vld [tilespmem:s23+$0xFFFFFFC0];
	[tilespmem:s24+$0x10] =	vst v16;
	v16 =	vadd.f32 v8, v19  }
0x1b3: {  	v5 =	vld [tilespmem:s24+$0xFFFFFFC0];
	v8 =	vmax.f32 v9, $0.0e+00  }
0x1b4: {  	v9 =	vld [tilespmem:s26+$0x20];
	[tilespmem:s21+$0xFFFFFFD0] =	vst v8;
	v10 =	vadd.f32 v12, v10;
	v12 =	vmax.f32 v16, $0.0e+00  }
0x1b5: {  	[tilespmem:s24+$0xFFFFFF90] =	vst v12;
	v12 =	vld [tilespmem:s25+$0xFFFFFFE0]  }
0x1b6: {  	v8 =	vld [tilespmem:s24+$0xFFFFFFD0];
	v10 =	vmax.f32 v10, $0.0e+00  }
0x1b7: {  	v16 =	vld [tilespmem:s26+$0xFFFFFFA0];
	[tilespmem:s22+$0x50] =	vst v10;
	v10 =	vadd.f32 v15, v6  }
0x1b8: {  	v20 =	vld [tilespmem:s23+$0x60]  }
0x1b9: {  	v15 =	vadd.f32 v9, v17;
	v6 =	vld [tilespmem:s24+$0xFFFFFFE0];
	v9 =	vmax.f32 v10, $0.0e+00  }
0x1ba: {  	[tilespmem:s22+$0xFFFFFFC0] =	vst v9;
	v10 =	vadd.f32 v12, v13;
	v9 =	vld [tilespmem:s24+$0xFFFFFFF0]  }
0x1bb: {  	v11 =	vadd.f32 v62, v11;
	v13 =	vmax.f32 v15, $0.0e+00;
	v12 =	vld [tilespmem:s23+$0xFFFFFFD0]  }
0x1bc: {  	[tilespmem:s24+$0x20] =	vst v13;
	v14 =	vadd.f32 v16, v14;
	v13 =	vld [tilespmem:s24+$0x30];
	v10 =	vmax.f32 v10, $0.0e+00  }
0x1bd: {  	v11 =	vmax.f32 v11, $0.0e+00;
	v15 =	vld [tilespmem:s26+$0x30];
	v16 =	vadd.f32 v20, v63;
	[tilespmem:s21+$0xFFFFFFE0] =	vst v10  }
0x1be: {  	[tilespmem:s21+$0x70] =	vst v11;
	v10 =	vmax.f32 v14, $0.0e+00;
	v11 =	vld [tilespmem:s25+$0xFFFFFFF0]  }
0x1bf: {  	s16 =	simm.s32 $0x4;
	s15 =	simm.s32 $0x3F80;
	[tilespmem:s24+$0xFFFFFFA0] =	vst v10;
	s25 =	simm.s32 $0x1880;
	v10 =	vld [tilespmem:s22+$0x70];
	v14 =	vmax.f32 v16, $0.0e+00  }
.LBB2_7:
0x1c0: {  	v16 =	vld [tilespmem:s25+$0x0];
	v12 =	vadd.f32 v12, v3;
	[tilespmem:s22+$0x60] =	vst v14;
	v3 =	vmov v8  }
0x1c1: {  	s26 =	sadd.s32 $0x100, s26;
	v8 =	vld [tilespmem:s23+$0x70]  }
0x1c2: {  	s16 =	sadd.s32 $0x2, s16;
	v13 =	vadd.f32 v15, v13;
	v14 =	vld [tilespmem:s26+$0x0];
	v12 =	vmax.f32 v12, $0.0e+00  }
0x1c3: {  	v11 =	vadd.f32 v11, v1;
	v1 =	vmov v2;
	v2 =	vmov v9;
	p3 =	slt.u32 s16, $0x4E;
	v15 =	vld [tilespmem:s26+$0xFFFFFF80];
	[tilespmem:s22+$0xFFFFFFD0] =	vst v12  }
0x1c4: {  	v12 =	vmax.f32 v13, $0.0e+00;
	v9 =	vld [tilespmem:s25+$0xFFFFFF80]  }
0x1c5: {  	v11 =	vmax.f32 v11, $0.0e+00;
	[tilespmem:s24+$0x30] =	vst v12;
	v12 =	vld [tilespmem:s24+$0x40]  }
0x1c6: {  	v13 =	vld [tilespmem:s15+$0x40];
	v8 =	vadd.f32 v8, v10;
	[tilespmem:s21+$0xFFFFFFF0] =	vst v11;
	s21 =	smov.u32 s22;
	s22 =	smov.u32 s24;
	s24 =	smov.u32 s25  }
0x1c7: {  	v10 =	vld [tilespmem:s25+$0xFFFFFF90];
	v11 =	vadd.f32 v14, v16  }
0x1c8: {  	v14 =	vld [tilespmem:s25+$0xFFFFFFA0];
	v8 =	vmax.f32 v8, $0.0e+00  }
0x1c9: {  	v9 =	vadd.f32 v15, v9;
	v11 =	vmax.f32 v11, $0.0e+00;
	v15 =	vld [tilespmem:s15+$0xFFFFFFB0];
	[tilespmem:s21+$0x70] =	vst v8  }
0x1ca: {  	[tilespmem:s25+$0x0] =	vst v11;
	v8 =	vld [tilespmem:s25+$0x10]  }
0x1cb: {  	v9 =	vmax.f32 v9, $0.0e+00;
	v11 =	vld [tilespmem:s26+$0x10];
	v12 =	vadd.f32 v13, v12  }
0x1cc: {  	[tilespmem:s25+$0xFFFFFF80] =	vst v9;
	v9 =	vld [tilespmem:s25+$0xFFFFFFB0]  }
0x1cd: {  	v13 =	vld [tilespmem:s26+$0xFFFFFF90];
	v12 =	vmax.f32 v12, $0.0e+00  }
0x1ce: {  	v18 =	vadd.f32 v15, v7;
	[tilespmem:s22+$0x40] =	vst v12;
	v12 =	vld [tilespmem:s22+$0x50]  }
0x1cf: {  	v15 =	vld [tilespmem:s15+$0x50]  }
0x1d0: {  	v16 =	vld [tilespmem:s25+$0xFFFFFFC0];
	v11 =	vadd.f32 v11, v8;
	v17 =	vmax.f32 v18, $0.0e+00  }
0x1d1: {  	v8 =	vld [tilespmem:s25+$0xFFFFFFD0];
	[tilespmem:s22+$0xFFFFFFB0] =	vst v17;
	v7 =	vmov v9  }
0x1d2: {  	v9 =	vadd.f32 v13, v10;
	v10 =	vmax.f32 v11, $0.0e+00;
	v11 =	vld [tilespmem:s15+$0xFFFFFFC0]  }
0x1d3: {  	[tilespmem:s25+$0x10] =	vst v10;
	v10 =	vld [tilespmem:s25+$0x20]  }
0x1d4: {  	v9 =	vmax.f32 v9, $0.0e+00;
	v13 =	vld [tilespmem:s26+$0x20];
	v12 =	vadd.f32 v15, v12  }
0x1d5: {  	[tilespmem:s25+$0xFFFFFF90] =	vst v9;
	v15 =	vld [tilespmem:s23+$0xFFFFFFE0]  }
0x1d6: {  	v17 =	vld [tilespmem:s26+$0xFFFFFFA0];
	v9 =	vmax.f32 v12, $0.0e+00  }
0x1d7: {  	v11 =	vadd.f32 v11, v5;
	[tilespmem:s22+$0x50] =	vst v9;
	v18 =	vld [tilespmem:s22+$0x60];
	v5 =	vmov v16  }
0x1d8: {  	v16 =	vld [tilespmem:s15+$0x60]  }
0x1d9: {  	v19 =	vld [tilespmem:s25+$0xFFFFFFE0];
	v10 =	vadd.f32 v13, v10;
	v11 =	vmax.f32 v11, $0.0e+00  }
0x1da: {  	v9 =	vld [tilespmem:s25+$0xFFFFFFF0];
	[tilespmem:s22+$0xFFFFFFC0] =	vst v11;
	v11 =	vadd.f32 v15, v4;
	v4 =	vmov v6  }
.Ltmp10:
0x1db: {  	v20 =	vadd.f32 v17, v14;
	v10 =	vmax.f32 v10, $0.0e+00;
	v12 =	vld [tilespmem:s15+$0xFFFFFFD0];
	(pc) =	sbr.rel @p3 .LBB2_7-.Ltmp10, $4  }
0x1dc: {  	[tilespmem:s25+$0x20] =	vst v10;
	v13 =	vld [tilespmem:s25+$0x30];
	v10 =	vmax.f32 v11, $0.0e+00  }
0x1dd: {  	v17 =	vmax.f32 v20, $0.0e+00;
	v15 =	vld [tilespmem:s26+$0x30];
	v14 =	vadd.f32 v16, v18;
	[tilespmem:s21+$0xFFFFFFE0] =	vst v10  }
0x1de: {  	[tilespmem:s25+$0xFFFFFFA0] =	vst v17;
	v11 =	vld [tilespmem:s23+$0xFFFFFFF0];
	v6 =	vmov v19;
	s23 =	smov.u32 s15;
	s15 =	smov.u32 s26  }
0x1df: {  	s25 =	sadd.s32 $0x100, s25;
	v14 =	vmax.f32 v14, $0.0e+00;
	v10 =	vld [tilespmem:s22+$0x70]  }
.Ltmp11:
0x1e0: {  	_ = 	snop;
	(pc) =	sbr.rel .LBB2_8-.Ltmp11, $1  }
0x1e1: {  	_ =	sdelay $0x3  }
.LBB2_15:
0x1e2: {  	_ =	sfence.sel $0x180000  }
0x1e3: {  	[bflag:$0x0] =	sbarrier.arrive $0xFFFF  }
0x1e4: {  	_ =	strace $0x9000004A  }
0x1e5: {  	[bflag:$0x2] =	sbarrier.arrive $0xFFFF  }
0x1e6: {  	s0 =	rddreg [dreg:$0x4]  }
0x1e7: {  	s0 =	sadd.s32 @!p0 $0x100000, s0  }
0x1e8: {  	[sflag:s0] =	ssyncadd.tile.s32 @!p0 $0x1;
	_ =	shalt  }
.Lfunc_end2:
_tile_overlayer_lowered:
.L_overlay_start_2:
0x1e9: {  	(tag) =	ssettag $0x2  }
0x1ea: {  	s0 =	rddreg [dreg:$0x0];
	s2 =	stileid.u32  }
0x1eb: {  	s1 =	rddreg [dreg:$0x1];
	p0 =	sne.s32 s2, $0x0  }
0x1ec: {  	s3 =	rddreg [dreg:$0x2];
	[bflag:$0x3] =	sbarrier.arrive $0xFFFF;
	s2 =	simm.s32 @!p0 $0x1C09  }
0x1ed: {  	[timem:s3], [sflag:s2] =	dma.local @!p0 [hbm:s0], s1  }
0x1ee: {  	s0 =	simm.s32 @!p0 $0x9  }
0x1ef: {  	_ =	swait.ge @!p0 [sflag:s0], s1  }
0x1f0: {  	s1 =	ssub.s32 @!p0 $0x0, s1;
	[sflag:s0] =	ssyncset.done @!p0 $0x0  }
0x1f1: {  	[sflag:s0] =	ssyncadd.s32 @!p0 s1  }
0x1f2: {  	[bflag:$0x3] =	sbarrier.arrive $0xFFFF  }
0x1f3: {  	_ =	shalt  }

</sc_bundles>
